<compile_context>
chip_gen: v7x
topology: tpu7x:2x2x1
jax: 0.10.2.dev20260603
libtpu: 0.0.44.dev20260713+nightly
codegen_flags: <defaults>
</compile_context>

<pallas_src>
import functools

import jax
import jax.numpy as jnp
from jax import lax
from jax.experimental import pallas as pl
from jax.experimental.pallas import tpu as pltpu
from jax.experimental.pallas import tpu_sc as plsc

BATCH = 16384
EMBED_DIM = 32

_NC = 2
_NS = 16
_NW = _NC * _NS
_BPW = BATCH // _NW
_GRP = 8
_NGRP = _BPW // _GRP


def _body(uid_hbm, mid_hbm, utab_hbm, mtab_hbm, out_hbm,
          uids_v, mids_v, ubuf, mbuf, part_v, out_v, *sems):
    usem = sems[:_GRP]
    msem = sems[_GRP:]
    wid = lax.axis_index("s") * _NC + lax.axis_index("c")
    base = wid * _BPW

    pltpu.sync_copy(uid_hbm.at[pl.ds(base, _BPW)], uids_v.at[pl.ds(0, _BPW)])
    pltpu.sync_copy(mid_hbm.at[pl.ds(base, _BPW)], mids_v.at[pl.ds(0, _BPW)])

    lanes = lax.iota(jnp.int32, 16)
    lanes_hi = lanes + 16

    def group_ids(g):
        off = pl.multiple_of(g * _GRP, _GRP)
        return uids_v[pl.ds(off, 16)], mids_v[pl.ds(off, 16)]

    def fire(g):
        ug, mg = group_ids(g)
        uoff = (ug >> 7) * 128
        moff = (mg >> 7) * 128
        for b in range(_GRP):
            ob_u = pl.multiple_of(uoff[b], 128)
            ob_m = pl.multiple_of(moff[b], 128)
            for t in range(4):
                r0 = pl.multiple_of(t * 8, 8)
                pltpu.make_async_copy(
                    utab_hbm.at[pl.ds(r0, 8), pl.ds(ob_u, 128)],
                    ubuf.at[b, pl.ds(r0, 8)], usem[b]).start()
                pltpu.make_async_copy(
                    mtab_hbm.at[pl.ds(r0, 8), pl.ds(ob_m, 128)],
                    mbuf.at[b, pl.ds(r0, 8)], msem[b]).start()

    fire(0)

    def step(g, carry):
        ug, mg = group_ids(g)
        urc = ug & 127
        mrc = mg & 127
        ug2, mg2 = group_ids(g + 1)
        uoff2 = (ug2 >> 7) * 128
        moff2 = (mg2 >> 7) * 128
        for b in range(_GRP):
            i = g * _GRP + b
            for t in range(4):
                r0 = pl.multiple_of(t * 8, 8)
                pltpu.make_async_copy(
                    utab_hbm.at[pl.ds(0, 8), pl.ds(0, 128)],
                    ubuf.at[b, pl.ds(r0, 8)], usem[b]).wait()
                pltpu.make_async_copy(
                    mtab_hbm.at[pl.ds(0, 8), pl.ds(0, 128)],
                    mbuf.at[b, pl.ds(r0, 8)], msem[b]).wait()
            rcu = jnp.full((16,), urc[b], jnp.int32)
            rcm = jnp.full((16,), mrc[b], jnp.int32)
            u_lo = plsc.load_gather(ubuf.at[b], [lanes, rcu])
            u_hi = plsc.load_gather(ubuf.at[b], [lanes_hi, rcu])
            m_lo = plsc.load_gather(mbuf.at[b], [lanes, rcm])
            m_hi = plsc.load_gather(mbuf.at[b], [lanes_hi, rcm])
            prod = u_lo * m_lo + u_hi * m_hi

            @pl.when(g + 1 < _NGRP)
            def _():
                ob_u = pl.multiple_of(uoff2[b], 128)
                ob_m = pl.multiple_of(moff2[b], 128)
                for t in range(4):
                    r0 = pl.multiple_of(t * 8, 8)
                    pltpu.make_async_copy(
                        utab_hbm.at[pl.ds(r0, 8), pl.ds(ob_u, 128)],
                        ubuf.at[b, pl.ds(r0, 8)], usem[b]).start()
                    pltpu.make_async_copy(
                        mtab_hbm.at[pl.ds(r0, 8), pl.ds(ob_m, 128)],
                        mbuf.at[b, pl.ds(r0, 8)], msem[b]).start()

            part_v[pl.ds(i * 17, 16)] = prod
        return carry

    lax.fori_loop(0, _NGRP, step, 0)

    def reduce_group(t, carry):
        row0 = t * 16
        acc = jnp.zeros((16,), jnp.float32)
        for k in range(16):
            idx = (row0 + lanes) * 17 + k
            acc = acc + plsc.load_gather(part_v, [idx])
        out_v[pl.ds(pl.multiple_of(row0, 16), 16)] = acc
        return carry

    lax.fori_loop(0, _BPW // 16, reduce_group, 0)

    pltpu.sync_copy(out_v, out_hbm.at[pl.ds(base, _BPW)])


@jax.jit
def _run(uids, mids, utab_t, mtab_t):
    mesh = plsc.VectorSubcoreMesh(core_axis_name="c", subcore_axis_name="s")
    k = functools.partial(
        pl.kernel,
        out_type=jax.ShapeDtypeStruct((BATCH,), jnp.float32),
        mesh=mesh,
        scratch_types=[
            pltpu.VMEM((_BPW + 16,), jnp.int32),
            pltpu.VMEM((_BPW + 16,), jnp.int32),
            pltpu.VMEM((_GRP, EMBED_DIM, 128), jnp.float32),
            pltpu.VMEM((_GRP, EMBED_DIM, 128), jnp.float32),
            pltpu.VMEM((_BPW * 17,), jnp.float32),
            pltpu.VMEM((_BPW,), jnp.float32),
        ] + [pltpu.SemaphoreType.DMA] * (2 * _GRP),
        compiler_params=pltpu.CompilerParams(
            needs_layout_passes=False, use_tc_tiling_on_sc=True),
    )(_body)
    return k(uids, mids, utab_t, mtab_t)


def kernel(user_ids, movie_ids, user_table, movie_table):
    out = _run(user_ids.astype(jnp.int32), movie_ids.astype(jnp.int32),
               user_table.T, movie_table.T)
    return out.reshape(BATCH, 1)

# --- scband reference (transcript-rebuilt; emitter-appended) ---
"""Pipeline reference for scband-recommender-net-429496729781 (READ-ONLY COPY).

The authoritative reference and input builder live on the scoring server;
editing this copy changes nothing except your own understanding.
"""

import jax, jax.numpy as jnp
import numpy as np

NUM_USERS = 1000000
NUM_MOVIES = 1000000
EMBED_DIM = 32
BATCH = 16384

def setup_inputs(seed: int = 0) -> dict:
    key = jax.random.key(seed)
    k1, k2, k3, k4 = jax.random.split(key, 4)
    user_ids = jax.random.randint(k1, (BATCH,), 0, NUM_USERS, dtype=jnp.int64 if jax.config.jax_enable_x64 else jnp.int32)
    movie_ids = jax.random.randint(k2, (BATCH,), 0, NUM_MOVIES, dtype=jnp.int64 if jax.config.jax_enable_x64 else jnp.int32)
    # he_normal init: stddev = sqrt(2 / fan_in); for Embedding fan_in = embedding_size
    std = float(np.sqrt(2.0 / EMBED_DIM))
    user_table = jax.random.normal(k3, (NUM_USERS, EMBED_DIM), dtype=jnp.float32) * std
    movie_table = jax.random.normal(k4, (NUM_MOVIES, EMBED_DIM), dtype=jnp.float32) * std
    return {"user_ids": user_ids, "movie_ids": movie_ids, "user_table": user_table, "movie_table": movie_table}

def reference(user_ids, movie_ids, user_table, movie_table):
    # gather embeddings (SparseCore-friendly gather)
    user_vector = jnp.take(user_table, user_ids, axis=0)   # [B, D]
    movie_vector = jnp.take(movie_table, movie_ids, axis=0)  # [B, D]
    # Dot(axes=1): batched inner product -> [B, 1]
    dot_user_movie = jnp.sum(user_vector * movie_vector, axis=1, keepdims=True)
    return dot_user_movie

if __name__ == "__main__":
    import jax
    _d = setup_inputs()
    print(jax.jit(kernel)(*tuple(_d.values())))

</pallas_src>

<mosaic_0001>
#map = affine_map<(d0, d1) -> (0)>
#map1 = affine_map<(d0, d1) -> (0, 0)>
module attributes {stable_mosaic.version = 14 : i64} {
  func.func @_body(%arg0: i32, %arg1: i32, %arg2: memref<16384xi32, #tpu.memory_space<hbm>>, %arg3: memref<16384xi32, #tpu.memory_space<hbm>>, %arg4: memref<32x1000000xf32, #tpu.memory_space<hbm>>, %arg5: memref<32x1000000xf32, #tpu.memory_space<hbm>>, %arg6: memref<16384xf32, #tpu.memory_space<hbm>>, %arg7: memref<528xi32, #tpu.memory_space<vmem>>, %arg8: memref<528xi32, #tpu.memory_space<vmem>>, %arg9: memref<8x32x128xf32, #tpu.memory_space<vmem>>, %arg10: memref<8x32x128xf32, #tpu.memory_space<vmem>>, %arg11: memref<8704xf32, #tpu.memory_space<vmem>>, %arg12: memref<512xf32, #tpu.memory_space<vmem>>, %arg13: memref<!tpu.dma_semaphore, #tpu.memory_space<semaphore_mem>>, %arg14: memref<!tpu.dma_semaphore, #tpu.memory_space<semaphore_mem>>, %arg15: memref<!tpu.dma_semaphore, #tpu.memory_space<semaphore_mem>>, %arg16: memref<!tpu.dma_semaphore, #tpu.memory_space<semaphore_mem>>, %arg17: memref<!tpu.dma_semaphore, #tpu.memory_space<semaphore_mem>>, %arg18: memref<!tpu.dma_semaphore, #tpu.memory_space<semaphore_mem>>, %arg19: memref<!tpu.dma_semaphore, #tpu.memory_space<semaphore_mem>>, %arg20: memref<!tpu.dma_semaphore, #tpu.memory_space<semaphore_mem>>, %arg21: memref<!tpu.dma_semaphore, #tpu.memory_space<semaphore_mem>>, %arg22: memref<!tpu.dma_semaphore, #tpu.memory_space<semaphore_mem>>, %arg23: memref<!tpu.dma_semaphore, #tpu.memory_space<semaphore_mem>>, %arg24: memref<!tpu.dma_semaphore, #tpu.memory_space<semaphore_mem>>, %arg25: memref<!tpu.dma_semaphore, #tpu.memory_space<semaphore_mem>>, %arg26: memref<!tpu.dma_semaphore, #tpu.memory_space<semaphore_mem>>, %arg27: memref<!tpu.dma_semaphore, #tpu.memory_space<semaphore_mem>>, %arg28: memref<!tpu.dma_semaphore, #tpu.memory_space<semaphore_mem>>) attributes {dimension_semantics = [#tpu.dimension_semantics<core_parallel>, #tpu.dimension_semantics<subcore_parallel>], iteration_bounds = array<i64: 2, 16>, scalar_prefetch = 0 : i64, scratch_operands = 22 : i64, tpu.core_type = #tpu.core_type<sc_vector_subcore>, window_params = [{transform_indices = #map}, {transform_indices = #map}, {transform_indices = #map1}, {transform_indices = #map1}, {transform_indices = #map}]} {
    %mul3A = arith.constant 2 : i32
    %mul3A_0 = arith.muli %arg1, %mul3A : i32
    %add3A = arith.addi %mul3A_0, %arg0 : i32
    %mul3A_1 = arith.constant 512 : i32
    %mul3A_2 = arith.muli %add3A, %mul3A_1 : i32
    "tpu.region"() ({
      %run_scoped3A = tpu.sem_alloc : memref<!tpu.dma_semaphore, #tpu.memory_space<semaphore_mem>>
      %dma_start3A_717 = arith.constant 0 : i32
      %dma_start3A_718 = tpu.memref_slice %arg7[%dma_start3A_717] : memref<528xi32, #tpu.memory_space<vmem>> -> memref<512xi32, #tpu.memory_space<vmem>>
      %dma_start3A_719 = tpu.memref_slice %arg2[%mul3A_2] : memref<16384xi32, #tpu.memory_space<hbm>> -> memref<512xi32, #tpu.memory_space<hbm>>
      %dma_start3A_720 = arith.constant 0 : i32
      %dma_start3A_721 = tpu.memref_slice %arg7[%dma_start3A_720] : memref<528xi32, #tpu.memory_space<vmem>> -> memref<512xi32, #tpu.memory_space<vmem>>
      %dma_start3A_722 = tpu.memref_slice %arg2[%mul3A_2] : memref<16384xi32, #tpu.memory_space<hbm>> -> memref<512xi32, #tpu.memory_space<hbm>>
      tpu.enqueue_dma source(%dma_start3A_722 : memref<512xi32, #tpu.memory_space<hbm>>) target(%dma_start3A_721 : memref<512xi32, #tpu.memory_space<vmem>>) target_semaphore(%run_scoped3A : memref<!tpu.dma_semaphore, #tpu.memory_space<semaphore_mem>>)
      %dma_wait3A = arith.constant 0 : i32
      %dma_wait3A_723 = tpu.memref_slice %arg7[%dma_wait3A] : memref<528xi32, #tpu.memory_space<vmem>> -> memref<512xi32, #tpu.memory_space<vmem>>
      %dma_wait3A_724 = tpu.memref_slice %arg2[%mul3A_2] : memref<16384xi32, #tpu.memory_space<hbm>> -> memref<512xi32, #tpu.memory_space<hbm>>
      %dma_wait3A_725 = arith.constant 0 : i32
      %dma_wait3A_726 = tpu.memref_slice %arg7[%dma_wait3A_725] : memref<528xi32, #tpu.memory_space<vmem>> -> memref<512xi32, #tpu.memory_space<vmem>>
      %dma_wait3A_727 = tpu.memref_slice %arg2[%mul3A_2] : memref<16384xi32, #tpu.memory_space<hbm>> -> memref<512xi32, #tpu.memory_space<hbm>>
      tpu.wait_dma2 semaphore(%run_scoped3A : memref<!tpu.dma_semaphore, #tpu.memory_space<semaphore_mem>>) src(%dma_wait3A_727 : memref<512xi32, #tpu.memory_space<hbm>>) dst(%dma_wait3A_726 : memref<512xi32, #tpu.memory_space<vmem>>)
      tpu.yield
    }) : () -> ()
    "tpu.region"() ({
      %run_scoped3A = tpu.sem_alloc : memref<!tpu.dma_semaphore, #tpu.memory_space<semaphore_mem>>
      %dma_start3A_717 = arith.constant 0 : i32
      %dma_start3A_718 = tpu.memref_slice %arg8[%dma_start3A_717] : memref<528xi32, #tpu.memory_space<vmem>> -> memref<512xi32, #tpu.memory_space<vmem>>
      %dma_start3A_719 = tpu.memref_slice %arg3[%mul3A_2] : memref<16384xi32, #tpu.memory_space<hbm>> -> memref<512xi32, #tpu.memory_space<hbm>>
      %dma_start3A_720 = arith.constant 0 : i32
      %dma_start3A_721 = tpu.memref_slice %arg8[%dma_start3A_720] : memref<528xi32, #tpu.memory_space<vmem>> -> memref<512xi32, #tpu.memory_space<vmem>>
      %dma_start3A_722 = tpu.memref_slice %arg3[%mul3A_2] : memref<16384xi32, #tpu.memory_space<hbm>> -> memref<512xi32, #tpu.memory_space<hbm>>
      tpu.enqueue_dma source(%dma_start3A_722 : memref<512xi32, #tpu.memory_space<hbm>>) target(%dma_start3A_721 : memref<512xi32, #tpu.memory_space<vmem>>) target_semaphore(%run_scoped3A : memref<!tpu.dma_semaphore, #tpu.memory_space<semaphore_mem>>)
      %dma_wait3A = arith.constant 0 : i32
      %dma_wait3A_723 = tpu.memref_slice %arg8[%dma_wait3A] : memref<528xi32, #tpu.memory_space<vmem>> -> memref<512xi32, #tpu.memory_space<vmem>>
      %dma_wait3A_724 = tpu.memref_slice %arg3[%mul3A_2] : memref<16384xi32, #tpu.memory_space<hbm>> -> memref<512xi32, #tpu.memory_space<hbm>>
      %dma_wait3A_725 = arith.constant 0 : i32
      %dma_wait3A_726 = tpu.memref_slice %arg8[%dma_wait3A_725] : memref<528xi32, #tpu.memory_space<vmem>> -> memref<512xi32, #tpu.memory_space<vmem>>
      %dma_wait3A_727 = tpu.memref_slice %arg3[%mul3A_2] : memref<16384xi32, #tpu.memory_space<hbm>> -> memref<512xi32, #tpu.memory_space<hbm>>
      tpu.wait_dma2 semaphore(%run_scoped3A : memref<!tpu.dma_semaphore, #tpu.memory_space<semaphore_mem>>) src(%dma_wait3A_727 : memref<512xi32, #tpu.memory_space<hbm>>) dst(%dma_wait3A_726 : memref<512xi32, #tpu.memory_space<vmem>>)
      tpu.yield
    }) : () -> ()
    %iota3A = tpu.iota {dimensions = array<i32: 0>} : vector<16xi32>
    %add3A_3 = arith.constant 16 : i32
    %add3A_4 = vector.broadcast %add3A_3 : i32 to vector<16xi32>
    %add3A_5 = arith.addi %iota3A, %add3A_4 : vector<16xi32>
    %multiple_of3A = arith.constant 0 : i32
    %multiple_of3A_6 = tpu.assume_multiple %multiple_of3A, 8 : i32
    %get3A = arith.index_cast %multiple_of3A_6 : i32 to index
    %get3A_7 = tpu.vector_load %arg7[%get3A] {strides = array<i32>} : memref<528xi32, #tpu.memory_space<vmem>>, vector<16xi32>,
    %get3A_8 = arith.index_cast %multiple_of3A_6 : i32 to index
    %get3A_9 = tpu.vector_load %arg8[%get3A_8] {strides = array<i32>} : memref<528xi32, #tpu.memory_space<vmem>>, vector<16xi32>,
    %shift_right_arithmetic3A = arith.constant 7 : i32
    %shift_right_arithmetic3A_10 = vector.broadcast %shift_right_arithmetic3A : i32 to vector<16xi32>
    %shift_right_arithmetic3A_11 = arith.shrsi %get3A_7, %shift_right_arithmetic3A_10 : vector<16xi32>
    %mul3A_12 = arith.constant 128 : i32
    %mul3A_13 = vector.broadcast %mul3A_12 : i32 to vector<16xi32>
    %mul3A_14 = arith.muli %shift_right_arithmetic3A_11, %mul3A_13 : vector<16xi32>
    %shift_right_arithmetic3A_15 = arith.constant 7 : i32
    %shift_right_arithmetic3A_16 = vector.broadcast %shift_right_arithmetic3A_15 : i32 to vector<16xi32>
    %shift_right_arithmetic3A_17 = arith.shrsi %get3A_9, %shift_right_arithmetic3A_16 : vector<16xi32>
    %mul3A_18 = arith.constant 128 : i32
    %mul3A_19 = vector.broadcast %mul3A_18 : i32 to vector<16xi32>
    %mul3A_20 = arith.muli %shift_right_arithmetic3A_17, %mul3A_19 : vector<16xi32>
    %slice3A = vector.extract_strided_slice %mul3A_14 {offsets = [0], sizes = [1], strides = [1]} : vector<16xi32> to vector<1xi32>
    %squeeze3A = vector.extract %slice3A[0] : i32 from vector<1xi32>
    %multiple_of3A_21 = tpu.assume_multiple %squeeze3A, 128 : i32
    %slice3A_22 = vector.extract_strided_slice %mul3A_20 {offsets = [0], sizes = [1], strides = [1]} : vector<16xi32> to vector<1xi32>
    %squeeze3A_23 = vector.extract %slice3A_22[0] : i32 from vector<1xi32>
    %multiple_of3A_24 = tpu.assume_multiple %squeeze3A_23, 128 : i32
    %multiple_of3A_25 = arith.constant 0 : i32
    %multiple_of3A_26 = tpu.assume_multiple %multiple_of3A_25, 8 : i32
    %dma_start3A = arith.constant 0 : i32
    %dma_start3A_27 = arith.constant 0 : i32
    %dma_start3A_28 = tpu.memref_slice %arg9[%dma_start3A, %multiple_of3A_26, %dma_start3A_27] : memref<8x32x128xf32, #tpu.memory_space<vmem>> -> memref<1x8x128xf32, #tpu.memory_space<vmem>>
    %dma_start3A_29 = tpu.memref_squeeze %dma_start3A_28 : memref<1x8x128xf32, #tpu.memory_space<vmem>> -> memref<8x128xf32, #tpu.memory_space<vmem>>
    %dma_start3A_30 = tpu.memref_slice %arg4[%multiple_of3A_26, %multiple_of3A_21] : memref<32x1000000xf32, #tpu.memory_space<hbm>> -> memref<8x128xf32, #tpu.memory_space<hbm>>
    %dma_start3A_31 = arith.constant 0 : i32
    %dma_start3A_32 = tpu.memref_slice %arg9[%dma_start3A, %multiple_of3A_26, %dma_start3A_31] : memref<8x32x128xf32, #tpu.memory_space<vmem>> -> memref<1x8x128xf32, #tpu.memory_space<vmem>>
    %dma_start3A_33 = tpu.memref_squeeze %dma_start3A_32 : memref<1x8x128xf32, #tpu.memory_space<vmem>> -> memref<8x128xf32, #tpu.memory_space<vmem>>
    %dma_start3A_34 = tpu.memref_slice %arg4[%multiple_of3A_26, %multiple_of3A_21] : memref<32x1000000xf32, #tpu.memory_space<hbm>> -> memref<8x128xf32, #tpu.memory_space<hbm>>
    tpu.enqueue_dma source(%dma_start3A_34 : memref<8x128xf32, #tpu.memory_space<hbm>>) target(%dma_start3A_33 : memref<8x128xf32, #tpu.memory_space<vmem>>) target_semaphore(%arg13 : memref<!tpu.dma_semaphore, #tpu.memory_space<semaphore_mem>>)
    %dma_start3A_35 = arith.constant 0 : i32
    %dma_start3A_36 = arith.constant 0 : i32
    %dma_start3A_37 = tpu.memref_slice %arg10[%dma_start3A_35, %multiple_of3A_26, %dma_start3A_36] : memref<8x32x128xf32, #tpu.memory_space<vmem>> -> memref<1x8x128xf32, #tpu.memory_space<vmem>>
    %dma_start3A_38 = tpu.memref_squeeze %dma_start3A_37 : memref<1x8x128xf32, #tpu.memory_space<vmem>> -> memref<8x128xf32, #tpu.memory_space<vmem>>
    %dma_start3A_39 = tpu.memref_slice %arg5[%multiple_of3A_26, %multiple_of3A_24] : memref<32x1000000xf32, #tpu.memory_space<hbm>> -> memref<8x128xf32, #tpu.memory_space<hbm>>
    %dma_start3A_40 = arith.constant 0 : i32
    %dma_start3A_41 = tpu.memref_slice %arg10[%dma_start3A_35, %multiple_of3A_26, %dma_start3A_40] : memref<8x32x128xf32, #tpu.memory_space<vmem>> -> memref<1x8x128xf32, #tpu.memory_space<vmem>>
    %dma_start3A_42 = tpu.memref_squeeze %dma_start3A_41 : memref<1x8x128xf32, #tpu.memory_space<vmem>> -> memref<8x128xf32, #tpu.memory_space<vmem>>
    %dma_start3A_43 = tpu.memref_slice %arg5[%multiple_of3A_26, %multiple_of3A_24] : memref<32x1000000xf32, #tpu.memory_space<hbm>> -> memref<8x128xf32, #tpu.memory_space<hbm>>
    tpu.enqueue_dma source(%dma_start3A_43 : memref<8x128xf32, #tpu.memory_space<hbm>>) target(%dma_start3A_42 : memref<8x128xf32, #tpu.memory_space<vmem>>) target_semaphore(%arg21 : memref<!tpu.dma_semaphore, #tpu.memory_space<semaphore_mem>>)
    %multiple_of3A_44 = arith.constant 8 : i32
    %multiple_of3A_45 = tpu.assume_multiple %multiple_of3A_44, 8 : i32
    %dma_start3A_46 = arith.constant 0 : i32
    %dma_start3A_47 = arith.constant 0 : i32
    %dma_start3A_48 = tpu.memref_slice %arg9[%dma_start3A_46, %multiple_of3A_45, %dma_start3A_47] : memref<8x32x128xf32, #tpu.memory_space<vmem>> -> memref<1x8x128xf32, #tpu.memory_space<vmem>>
    %dma_start3A_49 = tpu.memref_squeeze %dma_start3A_48 : memref<1x8x128xf32, #tpu.memory_space<vmem>> -> memref<8x128xf32, #tpu.memory_space<vmem>>
    %dma_start3A_50 = tpu.memref_slice %arg4[%multiple_of3A_45, %multiple_of3A_21] : memref<32x1000000xf32, #tpu.memory_space<hbm>> -> memref<8x128xf32, #tpu.memory_space<hbm>>
    %dma_start3A_51 = arith.constant 0 : i32
    %dma_start3A_52 = tpu.memref_slice %arg9[%dma_start3A_46, %multiple_of3A_45, %dma_start3A_51] : memref<8x32x128xf32, #tpu.memory_space<vmem>> -> memref<1x8x128xf32, #tpu.memory_space<vmem>>
    %dma_start3A_53 = tpu.memref_squeeze %dma_start3A_52 : memref<1x8x128xf32, #tpu.memory_space<vmem>> -> memref<8x128xf32, #tpu.memory_space<vmem>>
    %dma_start3A_54 = tpu.memref_slice %arg4[%multiple_of3A_45, %multiple_of3A_21] : memref<32x1000000xf32, #tpu.memory_space<hbm>> -> memref<8x128xf32, #tpu.memory_space<hbm>>
    tpu.enqueue_dma source(%dma_start3A_54 : memref<8x128xf32, #tpu.memory_space<hbm>>) target(%dma_start3A_53 : memref<8x128xf32, #tpu.memory_space<vmem>>) target_semaphore(%arg13 : memref<!tpu.dma_semaphore, #tpu.memory_space<semaphore_mem>>)
    %dma_start3A_55 = arith.constant 0 : i32
    %dma_start3A_56 = arith.constant 0 : i32
    %dma_start3A_57 = tpu.memref_slice %arg10[%dma_start3A_55, %multiple_of3A_45, %dma_start3A_56] : memref<8x32x128xf32, #tpu.memory_space<vmem>> -> memref<1x8x128xf32, #tpu.memory_space<vmem>>
    %dma_start3A_58 = tpu.memref_squeeze %dma_start3A_57 : memref<1x8x128xf32, #tpu.memory_space<vmem>> -> memref<8x128xf32, #tpu.memory_space<vmem>>
    %dma_start3A_59 = tpu.memref_slice %arg5[%multiple_of3A_45, %multiple_of3A_24] : memref<32x1000000xf32, #tpu.memory_space<hbm>> -> memref<8x128xf32, #tpu.memory_space<hbm>>
    %dma_start3A_60 = arith.constant 0 : i32
    %dma_start3A_61 = tpu.memref_slice %arg10[%dma_start3A_55, %multiple_of3A_45, %dma_start3A_60] : memref<8x32x128xf32, #tpu.memory_space<vmem>> -> memref<1x8x128xf32, #tpu.memory_space<vmem>>
    %dma_start3A_62 = tpu.memref_squeeze %dma_start3A_61 : memref<1x8x128xf32, #tpu.memory_space<vmem>> -> memref<8x128xf32, #tpu.memory_space<vmem>>
    %dma_start3A_63 = tpu.memref_slice %arg5[%multiple_of3A_45, %multiple_of3A_24] : memref<32x1000000xf32, #tpu.memory_space<hbm>> -> memref<8x128xf32, #tpu.memory_space<hbm>>
    tpu.enqueue_dma source(%dma_start3A_63 : memref<8x128xf32, #tpu.memory_space<hbm>>) target(%dma_start3A_62 : memref<8x128xf32, #tpu.memory_space<vmem>>) target_semaphore(%arg21 : memref<!tpu.dma_semaphore, #tpu.memory_space<semaphore_mem>>)
    %multiple_of3A_64 = arith.constant 16 : i32
    %multiple_of3A_65 = tpu.assume_multiple %multiple_of3A_64, 8 : i32
    %dma_start3A_66 = arith.constant 0 : i32
    %dma_start3A_67 = arith.constant 0 : i32
    %dma_start3A_68 = tpu.memref_slice %arg9[%dma_start3A_66, %multiple_of3A_65, %dma_start3A_67] : memref<8x32x128xf32, #tpu.memory_space<vmem>> -> memref<1x8x128xf32, #tpu.memory_space<vmem>>
    %dma_start3A_69 = tpu.memref_squeeze %dma_start3A_68 : memref<1x8x128xf32, #tpu.memory_space<vmem>> -> memref<8x128xf32, #tpu.memory_space<vmem>>
    %dma_start3A_70 = tpu.memref_slice %arg4[%multiple_of3A_65, %multiple_of3A_21] : memref<32x1000000xf32, #tpu.memory_space<hbm>> -> memref<8x128xf32, #tpu.memory_space<hbm>>
    %dma_start3A_71 = arith.constant 0 : i32
    %dma_start3A_72 = tpu.memref_slice %arg9[%dma_start3A_66, %multiple_of3A_65, %dma_start3A_71] : memref<8x32x128xf32, #tpu.memory_space<vmem>> -> memref<1x8x128xf32, #tpu.memory_space<vmem>>
    %dma_start3A_73 = tpu.memref_squeeze %dma_start3A_72 : memref<1x8x128xf32, #tpu.memory_space<vmem>> -> memref<8x128xf32, #tpu.memory_space<vmem>>
    %dma_start3A_74 = tpu.memref_slice %arg4[%multiple_of3A_65, %multiple_of3A_21] : memref<32x1000000xf32, #tpu.memory_space<hbm>> -> memref<8x128xf32, #tpu.memory_space<hbm>>
    tpu.enqueue_dma source(%dma_start3A_74 : memref<8x128xf32, #tpu.memory_space<hbm>>) target(%dma_start3A_73 : memref<8x128xf32, #tpu.memory_space<vmem>>) target_semaphore(%arg13 : memref<!tpu.dma_semaphore, #tpu.memory_space<semaphore_mem>>)
    %dma_start3A_75 = arith.constant 0 : i32
    %dma_start3A_76 = arith.constant 0 : i32
    %dma_start3A_77 = tpu.memref_slice %arg10[%dma_start3A_75, %multiple_of3A_65, %dma_start3A_76] : memref<8x32x128xf32, #tpu.memory_space<vmem>> -> memref<1x8x128xf32, #tpu.memory_space<vmem>>
    %dma_start3A_78 = tpu.memref_squeeze %dma_start3A_77 : memref<1x8x128xf32, #tpu.memory_space<vmem>> -> memref<8x128xf32, #tpu.memory_space<vmem>>
    %dma_start3A_79 = tpu.memref_slice %arg5[%multiple_of3A_65, %multiple_of3A_24] : memref<32x1000000xf32, #tpu.memory_space<hbm>> -> memref<8x128xf32, #tpu.memory_space<hbm>>
    %dma_start3A_80 = arith.constant 0 : i32
    %dma_start3A_81 = tpu.memref_slice %arg10[%dma_start3A_75, %multiple_of3A_65, %dma_start3A_80] : memref<8x32x128xf32, #tpu.memory_space<vmem>> -> memref<1x8x128xf32, #tpu.memory_space<vmem>>
    %dma_start3A_82 = tpu.memref_squeeze %dma_start3A_81 : memref<1x8x128xf32, #tpu.memory_space<vmem>> -> memref<8x128xf32, #tpu.memory_space<vmem>>
    %dma_start3A_83 = tpu.memref_slice %arg5[%multiple_of3A_65, %multiple_of3A_24] : memref<32x1000000xf32, #tpu.memory_space<hbm>> -> memref<8x128xf32, #tpu.memory_space<hbm>>
    tpu.enqueue_dma source(%dma_start3A_83 : memref<8x128xf32, #tpu.memory_space<hbm>>) target(%dma_start3A_82 : memref<8x128xf32, #tpu.memory_space<vmem>>) target_semaphore(%arg21 : memref<!tpu.dma_semaphore, #tpu.memory_space<semaphore_mem>>)
    %multiple_of3A_84 = arith.constant 24 : i32
    %multiple_of3A_85 = tpu.assume_multiple %multiple_of3A_84, 8 : i32
    %dma_start3A_86 = arith.constant 0 : i32
    %dma_start3A_87 = arith.constant 0 : i32
    %dma_start3A_88 = tpu.memref_slice %arg9[%dma_start3A_86, %multiple_of3A_85, %dma_start3A_87] : memref<8x32x128xf32, #tpu.memory_space<vmem>> -> memref<1x8x128xf32, #tpu.memory_space<vmem>>
    %dma_start3A_89 = tpu.memref_squeeze %dma_start3A_88 : memref<1x8x128xf32, #tpu.memory_space<vmem>> -> memref<8x128xf32, #tpu.memory_space<vmem>>
    %dma_start3A_90 = tpu.memref_slice %arg4[%multiple_of3A_85, %multiple_of3A_21] : memref<32x1000000xf32, #tpu.memory_space<hbm>> -> memref<8x128xf32, #tpu.memory_space<hbm>>
    %dma_start3A_91 = arith.constant 0 : i32
    %dma_start3A_92 = tpu.memref_slice %arg9[%dma_start3A_86, %multiple_of3A_85, %dma_start3A_91] : memref<8x32x128xf32, #tpu.memory_space<vmem>> -> memref<1x8x128xf32, #tpu.memory_space<vmem>>
    %dma_start3A_93 = tpu.memref_squeeze %dma_start3A_92 : memref<1x8x128xf32, #tpu.memory_space<vmem>> -> memref<8x128xf32, #tpu.memory_space<vmem>>
    %dma_start3A_94 = tpu.memref_slice %arg4[%multiple_of3A_85, %multiple_of3A_21] : memref<32x1000000xf32, #tpu.memory_space<hbm>> -> memref<8x128xf32, #tpu.memory_space<hbm>>
    tpu.enqueue_dma source(%dma_start3A_94 : memref<8x128xf32, #tpu.memory_space<hbm>>) target(%dma_start3A_93 : memref<8x128xf32, #tpu.memory_space<vmem>>) target_semaphore(%arg13 : memref<!tpu.dma_semaphore, #tpu.memory_space<semaphore_mem>>)
    %dma_start3A_95 = arith.constant 0 : i32
    %dma_start3A_96 = arith.constant 0 : i32
    %dma_start3A_97 = tpu.memref_slice %arg10[%dma_start3A_95, %multiple_of3A_85, %dma_start3A_96] : memref<8x32x128xf32, #tpu.memory_space<vmem>> -> memref<1x8x128xf32, #tpu.memory_space<vmem>>
    %dma_start3A_98 = tpu.memref_squeeze %dma_start3A_97 : memref<1x8x128xf32, #tpu.memory_space<vmem>> -> memref<8x128xf32, #tpu.memory_space<vmem>>
    %dma_start3A_99 = tpu.memref_slice %arg5[%multiple_of3A_85, %multiple_of3A_24] : memref<32x1000000xf32, #tpu.memory_space<hbm>> -> memref<8x128xf32, #tpu.memory_space<hbm>>
    %dma_start3A_100 = arith.constant 0 : i32
    %dma_start3A_101 = tpu.memref_slice %arg10[%dma_start3A_95, %multiple_of3A_85, %dma_start3A_100] : memref<8x32x128xf32, #tpu.memory_space<vmem>> -> memref<1x8x128xf32, #tpu.memory_space<vmem>>
    %dma_start3A_102 = tpu.memref_squeeze %dma_start3A_101 : memref<1x8x128xf32, #tpu.memory_space<vmem>> -> memref<8x128xf32, #tpu.memory_space<vmem>>
    %dma_start3A_103 = tpu.memref_slice %arg5[%multiple_of3A_85, %multiple_of3A_24] : memref<32x1000000xf32, #tpu.memory_space<hbm>> -> memref<8x128xf32, #tpu.memory_space<hbm>>
    tpu.enqueue_dma source(%dma_start3A_103 : memref<8x128xf32, #tpu.memory_space<hbm>>) target(%dma_start3A_102 : memref<8x128xf32, #tpu.memory_space<vmem>>) target_semaphore(%arg21 : memref<!tpu.dma_semaphore, #tpu.memory_space<semaphore_mem>>)
    %slice3A_104 = vector.extract_strided_slice %mul3A_14 {offsets = [1], sizes = [1], strides = [1]} : vector<16xi32> to vector<1xi32>
    %squeeze3A_105 = vector.extract %slice3A_104[0] : i32 from vector<1xi32>
    %multiple_of3A_106 = tpu.assume_multiple %squeeze3A_105, 128 : i32
    %slice3A_107 = vector.extract_strided_slice %mul3A_20 {offsets = [1], sizes = [1], strides = [1]} : vector<16xi32> to vector<1xi32>
    %squeeze3A_108 = vector.extract %slice3A_107[0] : i32 from vector<1xi32>
    %multiple_of3A_109 = tpu.assume_multiple %squeeze3A_108, 128 : i32
    %multiple_of3A_110 = arith.constant 0 : i32
    %multiple_of3A_111 = tpu.assume_multiple %multiple_of3A_110, 8 : i32
    %dma_start3A_112 = arith.constant 1 : i32
    %dma_start3A_113 = arith.constant 0 : i32
    %dma_start3A_114 = tpu.memref_slice %arg9[%dma_start3A_112, %multiple_of3A_111, %dma_start3A_113] : memref<8x32x128xf32, #tpu.memory_space<vmem>> -> memref<1x8x128xf32, #tpu.memory_space<vmem>>
    %dma_start3A_115 = tpu.memref_squeeze %dma_start3A_114 : memref<1x8x128xf32, #tpu.memory_space<vmem>> -> memref<8x128xf32, #tpu.memory_space<vmem>>
    %dma_start3A_116 = tpu.memref_slice %arg4[%multiple_of3A_111, %multiple_of3A_106] : memref<32x1000000xf32, #tpu.memory_space<hbm>> -> memref<8x128xf32, #tpu.memory_space<hbm>>
    %dma_start3A_117 = arith.constant 0 : i32
    %dma_start3A_118 = tpu.memref_slice %arg9[%dma_start3A_112, %multiple_of3A_111, %dma_start3A_117] : memref<8x32x128xf32, #tpu.memory_space<vmem>> -> memref<1x8x128xf32, #tpu.memory_space<vmem>>
    %dma_start3A_119 = tpu.memref_squeeze %dma_start3A_118 : memref<1x8x128xf32, #tpu.memory_space<vmem>> -> memref<8x128xf32, #tpu.memory_space<vmem>>
    %dma_start3A_120 = tpu.memref_slice %arg4[%multiple_of3A_111, %multiple_of3A_106] : memref<32x1000000xf32, #tpu.memory_space<hbm>> -> memref<8x128xf32, #tpu.memory_space<hbm>>
    tpu.enqueue_dma source(%dma_start3A_120 : memref<8x128xf32, #tpu.memory_space<hbm>>) target(%dma_start3A_119 : memref<8x128xf32, #tpu.memory_space<vmem>>) target_semaphore(%arg14 : memref<!tpu.dma_semaphore, #tpu.memory_space<semaphore_mem>>)
    %dma_start3A_121 = arith.constant 1 : i32
    %dma_start3A_122 = arith.constant 0 : i32
    %dma_start3A_123 = tpu.memref_slice %arg10[%dma_start3A_121, %multiple_of3A_111, %dma_start3A_122] : memref<8x32x128xf32, #tpu.memory_space<vmem>> -> memref<1x8x128xf32, #tpu.memory_space<vmem>>
    %dma_start3A_124 = tpu.memref_squeeze %dma_start3A_123 : memref<1x8x128xf32, #tpu.memory_space<vmem>> -> memref<8x128xf32, #tpu.memory_space<vmem>>
    %dma_start3A_125 = tpu.memref_slice %arg5[%multiple_of3A_111, %multiple_of3A_109] : memref<32x1000000xf32, #tpu.memory_space<hbm>> -> memref<8x128xf32, #tpu.memory_space<hbm>>
    %dma_start3A_126 = arith.constant 0 : i32
    %dma_start3A_127 = tpu.memref_slice %arg10[%dma_start3A_121, %multiple_of3A_111, %dma_start3A_126] : memref<8x32x128xf32, #tpu.memory_space<vmem>> -> memref<1x8x128xf32, #tpu.memory_space<vmem>>
    %dma_start3A_128 = tpu.memref_squeeze %dma_start3A_127 : memref<1x8x128xf32, #tpu.memory_space<vmem>> -> memref<8x128xf32, #tpu.memory_space<vmem>>
    %dma_start3A_129 = tpu.memref_slice %arg5[%multiple_of3A_111, %multiple_of3A_109] : memref<32x1000000xf32, #tpu.memory_space<hbm>> -> memref<8x128xf32, #tpu.memory_space<hbm>>
    tpu.enqueue_dma source(%dma_start3A_129 : memref<8x128xf32, #tpu.memory_space<hbm>>) target(%dma_start3A_128 : memref<8x128xf32, #tpu.memory_space<vmem>>) target_semaphore(%arg22 : memref<!tpu.dma_semaphore, #tpu.memory_space<semaphore_mem>>)
    %multiple_of3A_130 = arith.constant 8 : i32
    %multiple_of3A_131 = tpu.assume_multiple %multiple_of3A_130, 8 : i32
    %dma_start3A_132 = arith.constant 1 : i32
    %dma_start3A_133 = arith.constant 0 : i32
    %dma_start3A_134 = tpu.memref_slice %arg9[%dma_start3A_132, %multiple_of3A_131, %dma_start3A_133] : memref<8x32x128xf32, #tpu.memory_space<vmem>> -> memref<1x8x128xf32, #tpu.memory_space<vmem>>
    %dma_start3A_135 = tpu.memref_squeeze %dma_start3A_134 : memref<1x8x128xf32, #tpu.memory_space<vmem>> -> memref<8x128xf32, #tpu.memory_space<vmem>>
    %dma_start3A_136 = tpu.memref_slice %arg4[%multiple_of3A_131, %multiple_of3A_106] : memref<32x1000000xf32, #tpu.memory_space<hbm>> -> memref<8x128xf32, #tpu.memory_space<hbm>>
    %dma_start3A_137 = arith.constant 0 : i32
    %dma_start3A_138 = tpu.memref_slice %arg9[%dma_start3A_132, %multiple_of3A_131, %dma_start3A_137] : memref<8x32x128xf32, #tpu.memory_space<vmem>> -> memref<1x8x128xf32, #tpu.memory_space<vmem>>
    %dma_start3A_139 = tpu.memref_squeeze %dma_start3A_138 : memref<1x8x128xf32, #tpu.memory_space<vmem>> -> memref<8x128xf32, #tpu.memory_space<vmem>>
    %dma_start3A_140 = tpu.memref_slice %arg4[%multiple_of3A_131, %multiple_of3A_106] : memref<32x1000000xf32, #tpu.memory_space<hbm>> -> memref<8x128xf32, #tpu.memory_space<hbm>>
    tpu.enqueue_dma source(%dma_start3A_140 : memref<8x128xf32, #tpu.memory_space<hbm>>) target(%dma_start3A_139 : memref<8x128xf32, #tpu.memory_space<vmem>>) target_semaphore(%arg14 : memref<!tpu.dma_semaphore, #tpu.memory_space<semaphore_mem>>)
    %dma_start3A_141 = arith.constant 1 : i32
    %dma_start3A_142 = arith.constant 0 : i32
    %dma_start3A_143 = tpu.memref_slice %arg10[%dma_start3A_141, %multiple_of3A_131, %dma_start3A_142] : memref<8x32x128xf32, #tpu.memory_space<vmem>> -> memref<1x8x128xf32, #tpu.memory_space<vmem>>
    %dma_start3A_144 = tpu.memref_squeeze %dma_start3A_143 : memref<1x8x128xf32, #tpu.memory_space<vmem>> -> memref<8x128xf32, #tpu.memory_space<vmem>>
    %dma_start3A_145 = tpu.memref_slice %arg5[%multiple_of3A_131, %multiple_of3A_109] : memref<32x1000000xf32, #tpu.memory_space<hbm>> -> memref<8x128xf32, #tpu.memory_space<hbm>>
    %dma_start3A_146 = arith.constant 0 : i32
    %dma_start3A_147 = tpu.memref_slice %arg10[%dma_start3A_141, %multiple_of3A_131, %dma_start3A_146] : memref<8x32x128xf32, #tpu.memory_space<vmem>> -> memref<1x8x128xf32, #tpu.memory_space<vmem>>
    %dma_start3A_148 = tpu.memref_squeeze %dma_start3A_147 : memref<1x8x128xf32, #tpu.memory_space<vmem>> -> memref<8x128xf32, #tpu.memory_space<vmem>>
    %dma_start3A_149 = tpu.memref_slice %arg5[%multiple_of3A_131, %multiple_of3A_109] : memref<32x1000000xf32, #tpu.memory_space<hbm>> -> memref<8x128xf32, #tpu.memory_space<hbm>>
    tpu.enqueue_dma source(%dma_start3A_149 : memref<8x128xf32, #tpu.memory_space<hbm>>) target(%dma_start3A_148 : memref<8x128xf32, #tpu.memory_space<vmem>>) target_semaphore(%arg22 : memref<!tpu.dma_semaphore, #tpu.memory_space<semaphore_mem>>)
    %multiple_of3A_150 = arith.constant 16 : i32
    %multiple_of3A_151 = tpu.assume_multiple %multiple_of3A_150, 8 : i32
    %dma_start3A_152 = arith.constant 1 : i32
    %dma_start3A_153 = arith.constant 0 : i32
    %dma_start3A_154 = tpu.memref_slice %arg9[%dma_start3A_152, %multiple_of3A_151, %dma_start3A_153] : memref<8x32x128xf32, #tpu.memory_space<vmem>> -> memref<1x8x128xf32, #tpu.memory_space<vmem>>
    %dma_start3A_155 = tpu.memref_squeeze %dma_start3A_154 : memref<1x8x128xf32, #tpu.memory_space<vmem>> -> memref<8x128xf32, #tpu.memory_space<vmem>>
    %dma_start3A_156 = tpu.memref_slice %arg4[%multiple_of3A_151, %multiple_of3A_106] : memref<32x1000000xf32, #tpu.memory_space<hbm>> -> memref<8x128xf32, #tpu.memory_space<hbm>>
    %dma_start3A_157 = arith.constant 0 : i32
    %dma_start3A_158 = tpu.memref_slice %arg9[%dma_start3A_152, %multiple_of3A_151, %dma_start3A_157] : memref<8x32x128xf32, #tpu.memory_space<vmem>> -> memref<1x8x128xf32, #tpu.memory_space<vmem>>
    %dma_start3A_159 = tpu.memref_squeeze %dma_start3A_158 : memref<1x8x128xf32, #tpu.memory_space<vmem>> -> memref<8x128xf32, #tpu.memory_space<vmem>>
    %dma_start3A_160 = tpu.memref_slice %arg4[%multiple_of3A_151, %multiple_of3A_106] : memref<32x1000000xf32, #tpu.memory_space<hbm>> -> memref<8x128xf32, #tpu.memory_space<hbm>>
    tpu.enqueue_dma source(%dma_start3A_160 : memref<8x128xf32, #tpu.memory_space<hbm>>) target(%dma_start3A_159 : memref<8x128xf32, #tpu.memory_space<vmem>>) target_semaphore(%arg14 : memref<!tpu.dma_semaphore, #tpu.memory_space<semaphore_mem>>)
    %dma_start3A_161 = arith.constant 1 : i32
    %dma_start3A_162 = arith.constant 0 : i32
    %dma_start3A_163 = tpu.memref_slice %arg10[%dma_start3A_161, %multiple_of3A_151, %dma_start3A_162] : memref<8x32x128xf32, #tpu.memory_space<vmem>> -> memref<1x8x128xf32, #tpu.memory_space<vmem>>
    %dma_start3A_164 = tpu.memref_squeeze %dma_start3A_163 : memref<1x8x128xf32, #tpu.memory_space<vmem>> -> memref<8x128xf32, #tpu.memory_space<vmem>>
    %dma_start3A_165 = tpu.memref_slice %arg5[%multiple_of3A_151, %multiple_of3A_109] : memref<32x1000000xf32, #tpu.memory_space<hbm>> -> memref<8x128xf32, #tpu.memory_space<hbm>>
    %dma_start3A_166 = arith.constant 0 : i32
    %dma_start3A_167 = tpu.memref_slice %arg10[%dma_start3A_161, %multiple_of3A_151, %dma_start3A_166] : memref<8x32x128xf32, #tpu.memory_space<vmem>> -> memref<1x8x128xf32, #tpu.memory_space<vmem>>
    %dma_start3A_168 = tpu.memref_squeeze %dma_start3A_167 : memref<1x8x128xf32, #tpu.memory_space<vmem>> -> memref<8x128xf32, #tpu.memory_space<vmem>>
    %dma_start3A_169 = tpu.memref_slice %arg5[%multiple_of3A_151, %multiple_of3A_109] : memref<32x1000000xf32, #tpu.memory_space<hbm>> -> memref<8x128xf32, #tpu.memory_space<hbm>>
    tpu.enqueue_dma source(%dma_start3A_169 : memref<8x128xf32, #tpu.memory_space<hbm>>) target(%dma_start3A_168 : memref<8x128xf32, #tpu.memory_space<vmem>>) target_semaphore(%arg22 : memref<!tpu.dma_semaphore, #tpu.memory_space<semaphore_mem>>)
    %multiple_of3A_170 = arith.constant 24 : i32
    %multiple_of3A_171 = tpu.assume_multiple %multiple_of3A_170, 8 : i32
    %dma_start3A_172 = arith.constant 1 : i32
    %dma_start3A_173 = arith.constant 0 : i32
    %dma_start3A_174 = tpu.memref_slice %arg9[%dma_start3A_172, %multiple_of3A_171, %dma_start3A_173] : memref<8x32x128xf32, #tpu.memory_space<vmem>> -> memref<1x8x128xf32, #tpu.memory_space<vmem>>
    %dma_start3A_175 = tpu.memref_squeeze %dma_start3A_174 : memref<1x8x128xf32, #tpu.memory_space<vmem>> -> memref<8x128xf32, #tpu.memory_space<vmem>>
    %dma_start3A_176 = tpu.memref_slice %arg4[%multiple_of3A_171, %multiple_of3A_106] : memref<32x1000000xf32, #tpu.memory_space<hbm>> -> memref<8x128xf32, #tpu.memory_space<hbm>>
    %dma_start3A_177 = arith.constant 0 : i32
    %dma_start3A_178 = tpu.memref_slice %arg9[%dma_start3A_172, %multiple_of3A_171, %dma_start3A_177] : memref<8x32x128xf32, #tpu.memory_space<vmem>> -> memref<1x8x128xf32, #tpu.memory_space<vmem>>
    %dma_start3A_179 = tpu.memref_squeeze %dma_start3A_178 : memref<1x8x128xf32, #tpu.memory_space<vmem>> -> memref<8x128xf32, #tpu.memory_space<vmem>>
    %dma_start3A_180 = tpu.memref_slice %arg4[%multiple_of3A_171, %multiple_of3A_106] : memref<32x1000000xf32, #tpu.memory_space<hbm>> -> memref<8x128xf32, #tpu.memory_space<hbm>>
    tpu.enqueue_dma source(%dma_start3A_180 : memref<8x128xf32, #tpu.memory_space<hbm>>) target(%dma_start3A_179 : memref<8x128xf32, #tpu.memory_space<vmem>>) target_semaphore(%arg14 : memref<!tpu.dma_semaphore, #tpu.memory_space<semaphore_mem>>)
    %dma_start3A_181 = arith.constant 1 : i32
    %dma_start3A_182 = arith.constant 0 : i32
    %dma_start3A_183 = tpu.memref_slice %arg10[%dma_start3A_181, %multiple_of3A_171, %dma_start3A_182] : memref<8x32x128xf32, #tpu.memory_space<vmem>> -> memref<1x8x128xf32, #tpu.memory_space<vmem>>
    %dma_start3A_184 = tpu.memref_squeeze %dma_start3A_183 : memref<1x8x128xf32, #tpu.memory_space<vmem>> -> memref<8x128xf32, #tpu.memory_space<vmem>>
    %dma_start3A_185 = tpu.memref_slice %arg5[%multiple_of3A_171, %multiple_of3A_109] : memref<32x1000000xf32, #tpu.memory_space<hbm>> -> memref<8x128xf32, #tpu.memory_space<hbm>>
    %dma_start3A_186 = arith.constant 0 : i32
    %dma_start3A_187 = tpu.memref_slice %arg10[%dma_start3A_181, %multiple_of3A_171, %dma_start3A_186] : memref<8x32x128xf32, #tpu.memory_space<vmem>> -> memref<1x8x128xf32, #tpu.memory_space<vmem>>
    %dma_start3A_188 = tpu.memref_squeeze %dma_start3A_187 : memref<1x8x128xf32, #tpu.memory_space<vmem>> -> memref<8x128xf32, #tpu.memory_space<vmem>>
    %dma_start3A_189 = tpu.memref_slice %arg5[%multiple_of3A_171, %multiple_of3A_109] : memref<32x1000000xf32, #tpu.memory_space<hbm>> -> memref<8x128xf32, #tpu.memory_space<hbm>>
    tpu.enqueue_dma source(%dma_start3A_189 : memref<8x128xf32, #tpu.memory_space<hbm>>) target(%dma_start3A_188 : memref<8x128xf32, #tpu.memory_space<vmem>>) target_semaphore(%arg22 : memref<!tpu.dma_semaphore, #tpu.memory_space<semaphore_mem>>)
    %slice3A_190 = vector.extract_strided_slice %mul3A_14 {offsets = [2], sizes = [1], strides = [1]} : vector<16xi32> to vector<1xi32>
    %squeeze3A_191 = vector.extract %slice3A_190[0] : i32 from vector<1xi32>
    %multiple_of3A_192 = tpu.assume_multiple %squeeze3A_191, 128 : i32
    %slice3A_193 = vector.extract_strided_slice %mul3A_20 {offsets = [2], sizes = [1], strides = [1]} : vector<16xi32> to vector<1xi32>
    %squeeze3A_194 = vector.extract %slice3A_193[0] : i32 from vector<1xi32>
    %multiple_of3A_195 = tpu.assume_multiple %squeeze3A_194, 128 : i32
    %multiple_of3A_196 = arith.constant 0 : i32
    %multiple_of3A_197 = tpu.assume_multiple %multiple_of3A_196, 8 : i32
    %dma_start3A_198 = arith.constant 2 : i32
    %dma_start3A_199 = arith.constant 0 : i32
    %dma_start3A_200 = tpu.memref_slice %arg9[%dma_start3A_198, %multiple_of3A_197, %dma_start3A_199] : memref<8x32x128xf32, #tpu.memory_space<vmem>> -> memref<1x8x128xf32, #tpu.memory_space<vmem>>
    %dma_start3A_201 = tpu.memref_squeeze %dma_start3A_200 : memref<1x8x128xf32, #tpu.memory_space<vmem>> -> memref<8x128xf32, #tpu.memory_space<vmem>>
    %dma_start3A_202 = tpu.memref_slice %arg4[%multiple_of3A_197, %multiple_of3A_192] : memref<32x1000000xf32, #tpu.memory_space<hbm>> -> memref<8x128xf32, #tpu.memory_space<hbm>>
    %dma_start3A_203 = arith.constant 0 : i32
    %dma_start3A_204 = tpu.memref_slice %arg9[%dma_start3A_198, %multiple_of3A_197, %dma_start3A_203] : memref<8x32x128xf32, #tpu.memory_space<vmem>> -> memref<1x8x128xf32, #tpu.memory_space<vmem>>
    %dma_start3A_205 = tpu.memref_squeeze %dma_start3A_204 : memref<1x8x128xf32, #tpu.memory_space<vmem>> -> memref<8x128xf32, #tpu.memory_space<vmem>>
    %dma_start3A_206 = tpu.memref_slice %arg4[%multiple_of3A_197, %multiple_of3A_192] : memref<32x1000000xf32, #tpu.memory_space<hbm>> -> memref<8x128xf32, #tpu.memory_space<hbm>>
    tpu.enqueue_dma source(%dma_start3A_206 : memref<8x128xf32, #tpu.memory_space<hbm>>) target(%dma_start3A_205 : memref<8x128xf32, #tpu.memory_space<vmem>>) target_semaphore(%arg15 : memref<!tpu.dma_semaphore, #tpu.memory_space<semaphore_mem>>)
    %dma_start3A_207 = arith.constant 2 : i32
    %dma_start3A_208 = arith.constant 0 : i32
    %dma_start3A_209 = tpu.memref_slice %arg10[%dma_start3A_207, %multiple_of3A_197, %dma_start3A_208] : memref<8x32x128xf32, #tpu.memory_space<vmem>> -> memref<1x8x128xf32, #tpu.memory_space<vmem>>
    %dma_start3A_210 = tpu.memref_squeeze %dma_start3A_209 : memref<1x8x128xf32, #tpu.memory_space<vmem>> -> memref<8x128xf32, #tpu.memory_space<vmem>>
    %dma_start3A_211 = tpu.memref_slice %arg5[%multiple_of3A_197, %multiple_of3A_195] : memref<32x1000000xf32, #tpu.memory_space<hbm>> -> memref<8x128xf32, #tpu.memory_space<hbm>>
    %dma_start3A_212 = arith.constant 0 : i32
    %dma_start3A_213 = tpu.memref_slice %arg10[%dma_start3A_207, %multiple_of3A_197, %dma_start3A_212] : memref<8x32x128xf32, #tpu.memory_space<vmem>> -> memref<1x8x128xf32, #tpu.memory_space<vmem>>
    %dma_start3A_214 = tpu.memref_squeeze %dma_start3A_213 : memref<1x8x128xf32, #tpu.memory_space<vmem>> -> memref<8x128xf32, #tpu.memory_space<vmem>>
    %dma_start3A_215 = tpu.memref_slice %arg5[%multiple_of3A_197, %multiple_of3A_195] : memref<32x1000000xf32, #tpu.memory_space<hbm>> -> memref<8x128xf32, #tpu.memory_space<hbm>>
    tpu.enqueue_dma source(%dma_start3A_215 : memref<8x128xf32, #tpu.memory_space<hbm>>) target(%dma_start3A_214 : memref<8x128xf32, #tpu.memory_space<vmem>>) target_semaphore(%arg23 : memref<!tpu.dma_semaphore, #tpu.memory_space<semaphore_mem>>)
    %multiple_of3A_216 = arith.constant 8 : i32
    %multiple_of3A_217 = tpu.assume_multiple %multiple_of3A_216, 8 : i32
    %dma_start3A_218 = arith.constant 2 : i32
    %dma_start3A_219 = arith.constant 0 : i32
    %dma_start3A_220 = tpu.memref_slice %arg9[%dma_start3A_218, %multiple_of3A_217, %dma_start3A_219] : memref<8x32x128xf32, #tpu.memory_space<vmem>> -> memref<1x8x128xf32, #tpu.memory_space<vmem>>
    %dma_start3A_221 = tpu.memref_squeeze %dma_start3A_220 : memref<1x8x128xf32, #tpu.memory_space<vmem>> -> memref<8x128xf32, #tpu.memory_space<vmem>>
    %dma_start3A_222 = tpu.memref_slice %arg4[%multiple_of3A_217, %multiple_of3A_192] : memref<32x1000000xf32, #tpu.memory_space<hbm>> -> memref<8x128xf32, #tpu.memory_space<hbm>>
    %dma_start3A_223 = arith.constant 0 : i32
    %dma_start3A_224 = tpu.memref_slice %arg9[%dma_start3A_218, %multiple_of3A_217, %dma_start3A_223] : memref<8x32x128xf32, #tpu.memory_space<vmem>> -> memref<1x8x128xf32, #tpu.memory_space<vmem>>
    %dma_start3A_225 = tpu.memref_squeeze %dma_start3A_224 : memref<1x8x128xf32, #tpu.memory_space<vmem>> -> memref<8x128xf32, #tpu.memory_space<vmem>>
    %dma_start3A_226 = tpu.memref_slice %arg4[%multiple_of3A_217, %multiple_of3A_192] : memref<32x1000000xf32, #tpu.memory_space<hbm>> -> memref<8x128xf32, #tpu.memory_space<hbm>>
    tpu.enqueue_dma source(%dma_start3A_226 : memref<8x128xf32, #tpu.memory_space<hbm>>) target(%dma_start3A_225 : memref<8x128xf32, #tpu.memory_space<vmem>>) target_semaphore(%arg15 : memref<!tpu.dma_semaphore, #tpu.memory_space<semaphore_mem>>)
    %dma_start3A_227 = arith.constant 2 : i32
    %dma_start3A_228 = arith.constant 0 : i32
    %dma_start3A_229 = tpu.memref_slice %arg10[%dma_start3A_227, %multiple_of3A_217, %dma_start3A_228] : memref<8x32x128xf32, #tpu.memory_space<vmem>> -> memref<1x8x128xf32, #tpu.memory_space<vmem>>
    %dma_start3A_230 = tpu.memref_squeeze %dma_start3A_229 : memref<1x8x128xf32, #tpu.memory_space<vmem>> -> memref<8x128xf32, #tpu.memory_space<vmem>>
    %dma_start3A_231 = tpu.memref_slice %arg5[%multiple_of3A_217, %multiple_of3A_195] : memref<32x1000000xf32, #tpu.memory_space<hbm>> -> memref<8x128xf32, #tpu.memory_space<hbm>>
    %dma_start3A_232 = arith.constant 0 : i32
    %dma_start3A_233 = tpu.memref_slice %arg10[%dma_start3A_227, %multiple_of3A_217, %dma_start3A_232] : memref<8x32x128xf32, #tpu.memory_space<vmem>> -> memref<1x8x128xf32, #tpu.memory_space<vmem>>
    %dma_start3A_234 = tpu.memref_squeeze %dma_start3A_233 : memref<1x8x128xf32, #tpu.memory_space<vmem>> -> memref<8x128xf32, #tpu.memory_space<vmem>>
    %dma_start3A_235 = tpu.memref_slice %arg5[%multiple_of3A_217, %multiple_of3A_195] : memref<32x1000000xf32, #tpu.memory_space<hbm>> -> memref<8x128xf32, #tpu.memory_space<hbm>>
    tpu.enqueue_dma source(%dma_start3A_235 : memref<8x128xf32, #tpu.memory_space<hbm>>) target(%dma_start3A_234 : memref<8x128xf32, #tpu.memory_space<vmem>>) target_semaphore(%arg23 : memref<!tpu.dma_semaphore, #tpu.memory_space<semaphore_mem>>)
    %multiple_of3A_236 = arith.constant 16 : i32
    %multiple_of3A_237 = tpu.assume_multiple %multiple_of3A_236, 8 : i32
    %dma_start3A_238 = arith.constant 2 : i32
    %dma_start3A_239 = arith.constant 0 : i32
    %dma_start3A_240 = tpu.memref_slice %arg9[%dma_start3A_238, %multiple_of3A_237, %dma_start3A_239] : memref<8x32x128xf32, #tpu.memory_space<vmem>> -> memref<1x8x128xf32, #tpu.memory_space<vmem>>
    %dma_start3A_241 = tpu.memref_squeeze %dma_start3A_240 : memref<1x8x128xf32, #tpu.memory_space<vmem>> -> memref<8x128xf32, #tpu.memory_space<vmem>>
    %dma_start3A_242 = tpu.memref_slice %arg4[%multiple_of3A_237, %multiple_of3A_192] : memref<32x1000000xf32, #tpu.memory_space<hbm>> -> memref<8x128xf32, #tpu.memory_space<hbm>>
    %dma_start3A_243 = arith.constant 0 : i32
    %dma_start3A_244 = tpu.memref_slice %arg9[%dma_start3A_238, %multiple_of3A_237, %dma_start3A_243] : memref<8x32x128xf32, #tpu.memory_space<vmem>> -> memref<1x8x128xf32, #tpu.memory_space<vmem>>
    %dma_start3A_245 = tpu.memref_squeeze %dma_start3A_244 : memref<1x8x128xf32, #tpu.memory_space<vmem>> -> memref<8x128xf32, #tpu.memory_space<vmem>>
    %dma_start3A_246 = tpu.memref_slice %arg4[%multiple_of3A_237, %multiple_of3A_192] : memref<32x1000000xf32, #tpu.memory_space<hbm>> -> memref<8x128xf32, #tpu.memory_space<hbm>>
    tpu.enqueue_dma source(%dma_start3A_246 : memref<8x128xf32, #tpu.memory_space<hbm>>) target(%dma_start3A_245 : memref<8x128xf32, #tpu.memory_space<vmem>>) target_semaphore(%arg15 : memref<!tpu.dma_semaphore, #tpu.memory_space<semaphore_mem>>)
    %dma_start3A_247 = arith.constant 2 : i32
    %dma_start3A_248 = arith.constant 0 : i32
    %dma_start3A_249 = tpu.memref_slice %arg10[%dma_start3A_247, %multiple_of3A_237, %dma_start3A_248] : memref<8x32x128xf32, #tpu.memory_space<vmem>> -> memref<1x8x128xf32, #tpu.memory_space<vmem>>
    %dma_start3A_250 = tpu.memref_squeeze %dma_start3A_249 : memref<1x8x128xf32, #tpu.memory_space<vmem>> -> memref<8x128xf32, #tpu.memory_space<vmem>>
    %dma_start3A_251 = tpu.memref_slice %arg5[%multiple_of3A_237, %multiple_of3A_195] : memref<32x1000000xf32, #tpu.memory_space<hbm>> -> memref<8x128xf32, #tpu.memory_space<hbm>>
    %dma_start3A_252 = arith.constant 0 : i32
    %dma_start3A_253 = tpu.memref_slice %arg10[%dma_start3A_247, %multiple_of3A_237, %dma_start3A_252] : memref<8x32x128xf32, #tpu.memory_space<vmem>> -> memref<1x8x128xf32, #tpu.memory_space<vmem>>
    %dma_start3A_254 = tpu.memref_squeeze %dma_start3A_253 : memref<1x8x128xf32, #tpu.memory_space<vmem>> -> memref<8x128xf32, #tpu.memory_space<vmem>>
    %dma_start3A_255 = tpu.memref_slice %arg5[%multiple_of3A_237, %multiple_of3A_195] : memref<32x1000000xf32, #tpu.memory_space<hbm>> -> memref<8x128xf32, #tpu.memory_space<hbm>>
    tpu.enqueue_dma source(%dma_start3A_255 : memref<8x128xf32, #tpu.memory_space<hbm>>) target(%dma_start3A_254 : memref<8x128xf32, #tpu.memory_space<vmem>>) target_semaphore(%arg23 : memref<!tpu.dma_semaphore, #tpu.memory_space<semaphore_mem>>)
    %multiple_of3A_256 = arith.constant 24 : i32
    %multiple_of3A_257 = tpu.assume_multiple %multiple_of3A_256, 8 : i32
    %dma_start3A_258 = arith.constant 2 : i32
    %dma_start3A_259 = arith.constant 0 : i32
    %dma_start3A_260 = tpu.memref_slice %arg9[%dma_start3A_258, %multiple_of3A_257, %dma_start3A_259] : memref<8x32x128xf32, #tpu.memory_space<vmem>> -> memref<1x8x128xf32, #tpu.memory_space<vmem>>
    %dma_start3A_261 = tpu.memref_squeeze %dma_start3A_260 : memref<1x8x128xf32, #tpu.memory_space<vmem>> -> memref<8x128xf32, #tpu.memory_space<vmem>>
    %dma_start3A_262 = tpu.memref_slice %arg4[%multiple_of3A_257, %multiple_of3A_192] : memref<32x1000000xf32, #tpu.memory_space<hbm>> -> memref<8x128xf32, #tpu.memory_space<hbm>>
    %dma_start3A_263 = arith.constant 0 : i32
    %dma_start3A_264 = tpu.memref_slice %arg9[%dma_start3A_258, %multiple_of3A_257, %dma_start3A_263] : memref<8x32x128xf32, #tpu.memory_space<vmem>> -> memref<1x8x128xf32, #tpu.memory_space<vmem>>
    %dma_start3A_265 = tpu.memref_squeeze %dma_start3A_264 : memref<1x8x128xf32, #tpu.memory_space<vmem>> -> memref<8x128xf32, #tpu.memory_space<vmem>>
    %dma_start3A_266 = tpu.memref_slice %arg4[%multiple_of3A_257, %multiple_of3A_192] : memref<32x1000000xf32, #tpu.memory_space<hbm>> -> memref<8x128xf32, #tpu.memory_space<hbm>>
    tpu.enqueue_dma source(%dma_start3A_266 : memref<8x128xf32, #tpu.memory_space<hbm>>) target(%dma_start3A_265 : memref<8x128xf32, #tpu.memory_space<vmem>>) target_semaphore(%arg15 : memref<!tpu.dma_semaphore, #tpu.memory_space<semaphore_mem>>)
    %dma_start3A_267 = arith.constant 2 : i32
    %dma_start3A_268 = arith.constant 0 : i32
    %dma_start3A_269 = tpu.memref_slice %arg10[%dma_start3A_267, %multiple_of3A_257, %dma_start3A_268] : memref<8x32x128xf32, #tpu.memory_space<vmem>> -> memref<1x8x128xf32, #tpu.memory_space<vmem>>
    %dma_start3A_270 = tpu.memref_squeeze %dma_start3A_269 : memref<1x8x128xf32, #tpu.memory_space<vmem>> -> memref<8x128xf32, #tpu.memory_space<vmem>>
    %dma_start3A_271 = tpu.memref_slice %arg5[%multiple_of3A_257, %multiple_of3A_195] : memref<32x1000000xf32, #tpu.memory_space<hbm>> -> memref<8x128xf32, #tpu.memory_space<hbm>>
    %dma_start3A_272 = arith.constant 0 : i32
    %dma_start3A_273 = tpu.memref_slice %arg10[%dma_start3A_267, %multiple_of3A_257, %dma_start3A_272] : memref<8x32x128xf32, #tpu.memory_space<vmem>> -> memref<1x8x128xf32, #tpu.memory_space<vmem>>
    %dma_start3A_274 = tpu.memref_squeeze %dma_start3A_273 : memref<1x8x128xf32, #tpu.memory_space<vmem>> -> memref<8x128xf32, #tpu.memory_space<vmem>>
    %dma_start3A_275 = tpu.memref_slice %arg5[%multiple_of3A_257, %multiple_of3A_195] : memref<32x1000000xf32, #tpu.memory_space<hbm>> -> memref<8x128xf32, #tpu.memory_space<hbm>>
    tpu.enqueue_dma source(%dma_start3A_275 : memref<8x128xf32, #tpu.memory_space<hbm>>) target(%dma_start3A_274 : memref<8x128xf32, #tpu.memory_space<vmem>>) target_semaphore(%arg23 : memref<!tpu.dma_semaphore, #tpu.memory_space<semaphore_mem>>)
    %slice3A_276 = vector.extract_strided_slice %mul3A_14 {offsets = [3], sizes = [1], strides = [1]} : vector<16xi32> to vector<1xi32>
    %squeeze3A_277 = vector.extract %slice3A_276[0] : i32 from vector<1xi32>
    %multiple_of3A_278 = tpu.assume_multiple %squeeze3A_277, 128 : i32
    %slice3A_279 = vector.extract_strided_slice %mul3A_20 {offsets = [3], sizes = [1], strides = [1]} : vector<16xi32> to vector<1xi32>
    %squeeze3A_280 = vector.extract %slice3A_279[0] : i32 from vector<1xi32>
    %multiple_of3A_281 = tpu.assume_multiple %squeeze3A_280, 128 : i32
    %multiple_of3A_282 = arith.constant 0 : i32
    %multiple_of3A_283 = tpu.assume_multiple %multiple_of3A_282, 8 : i32
    %dma_start3A_284 = arith.constant 3 : i32
    %dma_start3A_285 = arith.constant 0 : i32
    %dma_start3A_286 = tpu.memref_slice %arg9[%dma_start3A_284, %multiple_of3A_283, %dma_start3A_285] : memref<8x32x128xf32, #tpu.memory_space<vmem>> -> memref<1x8x128xf32, #tpu.memory_space<vmem>>
    %dma_start3A_287 = tpu.memref_squeeze %dma_start3A_286 : memref<1x8x128xf32, #tpu.memory_space<vmem>> -> memref<8x128xf32, #tpu.memory_space<vmem>>
    %dma_start3A_288 = tpu.memref_slice %arg4[%multiple_of3A_283, %multiple_of3A_278] : memref<32x1000000xf32, #tpu.memory_space<hbm>> -> memref<8x128xf32, #tpu.memory_space<hbm>>
    %dma_start3A_289 = arith.constant 0 : i32
    %dma_start3A_290 = tpu.memref_slice %arg9[%dma_start3A_284, %multiple_of3A_283, %dma_start3A_289] : memref<8x32x128xf32, #tpu.memory_space<vmem>> -> memref<1x8x128xf32, #tpu.memory_space<vmem>>
    %dma_start3A_291 = tpu.memref_squeeze %dma_start3A_290 : memref<1x8x128xf32, #tpu.memory_space<vmem>> -> memref<8x128xf32, #tpu.memory_space<vmem>>
    %dma_start3A_292 = tpu.memref_slice %arg4[%multiple_of3A_283, %multiple_of3A_278] : memref<32x1000000xf32, #tpu.memory_space<hbm>> -> memref<8x128xf32, #tpu.memory_space<hbm>>
    tpu.enqueue_dma source(%dma_start3A_292 : memref<8x128xf32, #tpu.memory_space<hbm>>) target(%dma_start3A_291 : memref<8x128xf32, #tpu.memory_space<vmem>>) target_semaphore(%arg16 : memref<!tpu.dma_semaphore, #tpu.memory_space<semaphore_mem>>)
    %dma_start3A_293 = arith.constant 3 : i32
    %dma_start3A_294 = arith.constant 0 : i32
    %dma_start3A_295 = tpu.memref_slice %arg10[%dma_start3A_293, %multiple_of3A_283, %dma_start3A_294] : memref<8x32x128xf32, #tpu.memory_space<vmem>> -> memref<1x8x128xf32, #tpu.memory_space<vmem>>
    %dma_start3A_296 = tpu.memref_squeeze %dma_start3A_295 : memref<1x8x128xf32, #tpu.memory_space<vmem>> -> memref<8x128xf32, #tpu.memory_space<vmem>>
    %dma_start3A_297 = tpu.memref_slice %arg5[%multiple_of3A_283, %multiple_of3A_281] : memref<32x1000000xf32, #tpu.memory_space<hbm>> -> memref<8x128xf32, #tpu.memory_space<hbm>>
    %dma_start3A_298 = arith.constant 0 : i32
    %dma_start3A_299 = tpu.memref_slice %arg10[%dma_start3A_293, %multiple_of3A_283, %dma_start3A_298] : memref<8x32x128xf32, #tpu.memory_space<vmem>> -> memref<1x8x128xf32, #tpu.memory_space<vmem>>
    %dma_start3A_300 = tpu.memref_squeeze %dma_start3A_299 : memref<1x8x128xf32, #tpu.memory_space<vmem>> -> memref<8x128xf32, #tpu.memory_space<vmem>>
    %dma_start3A_301 = tpu.memref_slice %arg5[%multiple_of3A_283, %multiple_of3A_281] : memref<32x1000000xf32, #tpu.memory_space<hbm>> -> memref<8x128xf32, #tpu.memory_space<hbm>>
    tpu.enqueue_dma source(%dma_start3A_301 : memref<8x128xf32, #tpu.memory_space<hbm>>) target(%dma_start3A_300 : memref<8x128xf32, #tpu.memory_space<vmem>>) target_semaphore(%arg24 : memref<!tpu.dma_semaphore, #tpu.memory_space<semaphore_mem>>)
    %multiple_of3A_302 = arith.constant 8 : i32
    %multiple_of3A_303 = tpu.assume_multiple %multiple_of3A_302, 8 : i32
    %dma_start3A_304 = arith.constant 3 : i32
    %dma_start3A_305 = arith.constant 0 : i32
    %dma_start3A_306 = tpu.memref_slice %arg9[%dma_start3A_304, %multiple_of3A_303, %dma_start3A_305] : memref<8x32x128xf32, #tpu.memory_space<vmem>> -> memref<1x8x128xf32, #tpu.memory_space<vmem>>
    %dma_start3A_307 = tpu.memref_squeeze %dma_start3A_306 : memref<1x8x128xf32, #tpu.memory_space<vmem>> -> memref<8x128xf32, #tpu.memory_space<vmem>>
    %dma_start3A_308 = tpu.memref_slice %arg4[%multiple_of3A_303, %multiple_of3A_278] : memref<32x1000000xf32, #tpu.memory_space<hbm>> -> memref<8x128xf32, #tpu.memory_space<hbm>>
    %dma_start3A_309 = arith.constant 0 : i32
    %dma_start3A_310 = tpu.memref_slice %arg9[%dma_start3A_304, %multiple_of3A_303, %dma_start3A_309] : memref<8x32x128xf32, #tpu.memory_space<vmem>> -> memref<1x8x128xf32, #tpu.memory_space<vmem>>
    %dma_start3A_311 = tpu.memref_squeeze %dma_start3A_310 : memref<1x8x128xf32, #tpu.memory_space<vmem>> -> memref<8x128xf32, #tpu.memory_space<vmem>>
    %dma_start3A_312 = tpu.memref_slice %arg4[%multiple_of3A_303, %multiple_of3A_278] : memref<32x1000000xf32, #tpu.memory_space<hbm>> -> memref<8x128xf32, #tpu.memory_space<hbm>>
    tpu.enqueue_dma source(%dma_start3A_312 : memref<8x128xf32, #tpu.memory_space<hbm>>) target(%dma_start3A_311 : memref<8x128xf32, #tpu.memory_space<vmem>>) target_semaphore(%arg16 : memref<!tpu.dma_semaphore, #tpu.memory_space<semaphore_mem>>)
    %dma_start3A_313 = arith.constant 3 : i32
    %dma_start3A_314 = arith.constant 0 : i32
    %dma_start3A_315 = tpu.memref_slice %arg10[%dma_start3A_313, %multiple_of3A_303, %dma_start3A_314] : memref<8x32x128xf32, #tpu.memory_space<vmem>> -> memref<1x8x128xf32, #tpu.memory_space<vmem>>
    %dma_start3A_316 = tpu.memref_squeeze %dma_start3A_315 : memref<1x8x128xf32, #tpu.memory_space<vmem>> -> memref<8x128xf32, #tpu.memory_space<vmem>>
    %dma_start3A_317 = tpu.memref_slice %arg5[%multiple_of3A_303, %multiple_of3A_281] : memref<32x1000000xf32, #tpu.memory_space<hbm>> -> memref<8x128xf32, #tpu.memory_space<hbm>>
    %dma_start3A_318 = arith.constant 0 : i32
    %dma_start3A_319 = tpu.memref_slice %arg10[%dma_start3A_313, %multiple_of3A_303, %dma_start3A_318] : memref<8x32x128xf32, #tpu.memory_space<vmem>> -> memref<1x8x128xf32, #tpu.memory_space<vmem>>
    %dma_start3A_320 = tpu.memref_squeeze %dma_start3A_319 : memref<1x8x128xf32, #tpu.memory_space<vmem>> -> memref<8x128xf32, #tpu.memory_space<vmem>>
    %dma_start3A_321 = tpu.memref_slice %arg5[%multiple_of3A_303, %multiple_of3A_281] : memref<32x1000000xf32, #tpu.memory_space<hbm>> -> memref<8x128xf32, #tpu.memory_space<hbm>>
    tpu.enqueue_dma source(%dma_start3A_321 : memref<8x128xf32, #tpu.memory_space<hbm>>) target(%dma_start3A_320 : memref<8x128xf32, #tpu.memory_space<vmem>>) target_semaphore(%arg24 : memref<!tpu.dma_semaphore, #tpu.memory_space<semaphore_mem>>)
    %multiple_of3A_322 = arith.constant 16 : i32
    %multiple_of3A_323 = tpu.assume_multiple %multiple_of3A_322, 8 : i32
    %dma_start3A_324 = arith.constant 3 : i32
    %dma_start3A_325 = arith.constant 0 : i32
    %dma_start3A_326 = tpu.memref_slice %arg9[%dma_start3A_324, %multiple_of3A_323, %dma_start3A_325] : memref<8x32x128xf32, #tpu.memory_space<vmem>> -> memref<1x8x128xf32, #tpu.memory_space<vmem>>
    %dma_start3A_327 = tpu.memref_squeeze %dma_start3A_326 : memref<1x8x128xf32, #tpu.memory_space<vmem>> -> memref<8x128xf32, #tpu.memory_space<vmem>>
    %dma_start3A_328 = tpu.memref_slice %arg4[%multiple_of3A_323, %multiple_of3A_278] : memref<32x1000000xf32, #tpu.memory_space<hbm>> -> memref<8x128xf32, #tpu.memory_space<hbm>>
    %dma_start3A_329 = arith.constant 0 : i32
    %dma_start3A_330 = tpu.memref_slice %arg9[%dma_start3A_324, %multiple_of3A_323, %dma_start3A_329] : memref<8x32x128xf32, #tpu.memory_space<vmem>> -> memref<1x8x128xf32, #tpu.memory_space<vmem>>
    %dma_start3A_331 = tpu.memref_squeeze %dma_start3A_330 : memref<1x8x128xf32, #tpu.memory_space<vmem>> -> memref<8x128xf32, #tpu.memory_space<vmem>>
    %dma_start3A_332 = tpu.memref_slice %arg4[%multiple_of3A_323, %multiple_of3A_278] : memref<32x1000000xf32, #tpu.memory_space<hbm>> -> memref<8x128xf32, #tpu.memory_space<hbm>>
    tpu.enqueue_dma source(%dma_start3A_332 : memref<8x128xf32, #tpu.memory_space<hbm>>) target(%dma_start3A_331 : memref<8x128xf32, #tpu.memory_space<vmem>>) target_semaphore(%arg16 : memref<!tpu.dma_semaphore, #tpu.memory_space<semaphore_mem>>)
    %dma_start3A_333 = arith.constant 3 : i32
    %dma_start3A_334 = arith.constant 0 : i32
    %dma_start3A_335 = tpu.memref_slice %arg10[%dma_start3A_333, %multiple_of3A_323, %dma_start3A_334] : memref<8x32x128xf32, #tpu.memory_space<vmem>> -> memref<1x8x128xf32, #tpu.memory_space<vmem>>
    %dma_start3A_336 = tpu.memref_squeeze %dma_start3A_335 : memref<1x8x128xf32, #tpu.memory_space<vmem>> -> memref<8x128xf32, #tpu.memory_space<vmem>>
    %dma_start3A_337 = tpu.memref_slice %arg5[%multiple_of3A_323, %multiple_of3A_281] : memref<32x1000000xf32, #tpu.memory_space<hbm>> -> memref<8x128xf32, #tpu.memory_space<hbm>>
    %dma_start3A_338 = arith.constant 0 : i32
    %dma_start3A_339 = tpu.memref_slice %arg10[%dma_start3A_333, %multiple_of3A_323, %dma_start3A_338] : memref<8x32x128xf32, #tpu.memory_space<vmem>> -> memref<1x8x128xf32, #tpu.memory_space<vmem>>
    %dma_start3A_340 = tpu.memref_squeeze %dma_start3A_339 : memref<1x8x128xf32, #tpu.memory_space<vmem>> -> memref<8x128xf32, #tpu.memory_space<vmem>>
    %dma_start3A_341 = tpu.memref_slice %arg5[%multiple_of3A_323, %multiple_of3A_281] : memref<32x1000000xf32, #tpu.memory_space<hbm>> -> memref<8x128xf32, #tpu.memory_space<hbm>>
    tpu.enqueue_dma source(%dma_start3A_341 : memref<8x128xf32, #tpu.memory_space<hbm>>) target(%dma_start3A_340 : memref<8x128xf32, #tpu.memory_space<vmem>>) target_semaphore(%arg24 : memref<!tpu.dma_semaphore, #tpu.memory_space<semaphore_mem>>)
    %multiple_of3A_342 = arith.constant 24 : i32
    %multiple_of3A_343 = tpu.assume_multiple %multiple_of3A_342, 8 : i32
    %dma_start3A_344 = arith.constant 3 : i32
    %dma_start3A_345 = arith.constant 0 : i32
    %dma_start3A_346 = tpu.memref_slice %arg9[%dma_start3A_344, %multiple_of3A_343, %dma_start3A_345] : memref<8x32x128xf32, #tpu.memory_space<vmem>> -> memref<1x8x128xf32, #tpu.memory_space<vmem>>
    %dma_start3A_347 = tpu.memref_squeeze %dma_start3A_346 : memref<1x8x128xf32, #tpu.memory_space<vmem>> -> memref<8x128xf32, #tpu.memory_space<vmem>>
    %dma_start3A_348 = tpu.memref_slice %arg4[%multiple_of3A_343, %multiple_of3A_278] : memref<32x1000000xf32, #tpu.memory_space<hbm>> -> memref<8x128xf32, #tpu.memory_space<hbm>>
    %dma_start3A_349 = arith.constant 0 : i32
    %dma_start3A_350 = tpu.memref_slice %arg9[%dma_start3A_344, %multiple_of3A_343, %dma_start3A_349] : memref<8x32x128xf32, #tpu.memory_space<vmem>> -> memref<1x8x128xf32, #tpu.memory_space<vmem>>
    %dma_start3A_351 = tpu.memref_squeeze %dma_start3A_350 : memref<1x8x128xf32, #tpu.memory_space<vmem>> -> memref<8x128xf32, #tpu.memory_space<vmem>>
    %dma_start3A_352 = tpu.memref_slice %arg4[%multiple_of3A_343, %multiple_of3A_278] : memref<32x1000000xf32, #tpu.memory_space<hbm>> -> memref<8x128xf32, #tpu.memory_space<hbm>>
    tpu.enqueue_dma source(%dma_start3A_352 : memref<8x128xf32, #tpu.memory_space<hbm>>) target(%dma_start3A_351 : memref<8x128xf32, #tpu.memory_space<vmem>>) target_semaphore(%arg16 : memref<!tpu.dma_semaphore, #tpu.memory_space<semaphore_mem>>)
    %dma_start3A_353 = arith.constant 3 : i32
    %dma_start3A_354 = arith.constant 0 : i32
    %dma_start3A_355 = tpu.memref_slice %arg10[%dma_start3A_353, %multiple_of3A_343, %dma_start3A_354] : memref<8x32x128xf32, #tpu.memory_space<vmem>> -> memref<1x8x128xf32, #tpu.memory_space<vmem>>
    %dma_start3A_356 = tpu.memref_squeeze %dma_start3A_355 : memref<1x8x128xf32, #tpu.memory_space<vmem>> -> memref<8x128xf32, #tpu.memory_space<vmem>>
    %dma_start3A_357 = tpu.memref_slice %arg5[%multiple_of3A_343, %multiple_of3A_281] : memref<32x1000000xf32, #tpu.memory_space<hbm>> -> memref<8x128xf32, #tpu.memory_space<hbm>>
    %dma_start3A_358 = arith.constant 0 : i32
    %dma_start3A_359 = tpu.memref_slice %arg10[%dma_start3A_353, %multiple_of3A_343, %dma_start3A_358] : memref<8x32x128xf32, #tpu.memory_space<vmem>> -> memref<1x8x128xf32, #tpu.memory_space<vmem>>
    %dma_start3A_360 = tpu.memref_squeeze %dma_start3A_359 : memref<1x8x128xf32, #tpu.memory_space<vmem>> -> memref<8x128xf32, #tpu.memory_space<vmem>>
    %dma_start3A_361 = tpu.memref_slice %arg5[%multiple_of3A_343, %multiple_of3A_281] : memref<32x1000000xf32, #tpu.memory_space<hbm>> -> memref<8x128xf32, #tpu.memory_space<hbm>>
    tpu.enqueue_dma source(%dma_start3A_361 : memref<8x128xf32, #tpu.memory_space<hbm>>) target(%dma_start3A_360 : memref<8x128xf32, #tpu.memory_space<vmem>>) target_semaphore(%arg24 : memref<!tpu.dma_semaphore, #tpu.memory_space<semaphore_mem>>)
    %slice3A_362 = vector.extract_strided_slice %mul3A_14 {offsets = [4], sizes = [1], strides = [1]} : vector<16xi32> to vector<1xi32>
    %squeeze3A_363 = vector.extract %slice3A_362[0] : i32 from vector<1xi32>
    %multiple_of3A_364 = tpu.assume_multiple %squeeze3A_363, 128 : i32
    %slice3A_365 = vector.extract_strided_slice %mul3A_20 {offsets = [4], sizes = [1], strides = [1]} : vector<16xi32> to vector<1xi32>
    %squeeze3A_366 = vector.extract %slice3A_365[0] : i32 from vector<1xi32>
    %multiple_of3A_367 = tpu.assume_multiple %squeeze3A_366, 128 : i32
    %multiple_of3A_368 = arith.constant 0 : i32
    %multiple_of3A_369 = tpu.assume_multiple %multiple_of3A_368, 8 : i32
    %dma_start3A_370 = arith.constant 4 : i32
    %dma_start3A_371 = arith.constant 0 : i32
    %dma_start3A_372 = tpu.memref_slice %arg9[%dma_start3A_370, %multiple_of3A_369, %dma_start3A_371] : memref<8x32x128xf32, #tpu.memory_space<vmem>> -> memref<1x8x128xf32, #tpu.memory_space<vmem>>
    %dma_start3A_373 = tpu.memref_squeeze %dma_start3A_372 : memref<1x8x128xf32, #tpu.memory_space<vmem>> -> memref<8x128xf32, #tpu.memory_space<vmem>>
    %dma_start3A_374 = tpu.memref_slice %arg4[%multiple_of3A_369, %multiple_of3A_364] : memref<32x1000000xf32, #tpu.memory_space<hbm>> -> memref<8x128xf32, #tpu.memory_space<hbm>>
    %dma_start3A_375 = arith.constant 0 : i32
    %dma_start3A_376 = tpu.memref_slice %arg9[%dma_start3A_370, %multiple_of3A_369, %dma_start3A_375] : memref<8x32x128xf32, #tpu.memory_space<vmem>> -> memref<1x8x128xf32, #tpu.memory_space<vmem>>
    %dma_start3A_377 = tpu.memref_squeeze %dma_start3A_376 : memref<1x8x128xf32, #tpu.memory_space<vmem>> -> memref<8x128xf32, #tpu.memory_space<vmem>>
    %dma_start3A_378 = tpu.memref_slice %arg4[%multiple_of3A_369, %multiple_of3A_364] : memref<32x1000000xf32, #tpu.memory_space<hbm>> -> memref<8x128xf32, #tpu.memory_space<hbm>>
    tpu.enqueue_dma source(%dma_start3A_378 : memref<8x128xf32, #tpu.memory_space<hbm>>) target(%dma_start3A_377 : memref<8x128xf32, #tpu.memory_space<vmem>>) target_semaphore(%arg17 : memref<!tpu.dma_semaphore, #tpu.memory_space<semaphore_mem>>)
    %dma_start3A_379 = arith.constant 4 : i32
    %dma_start3A_380 = arith.constant 0 : i32
    %dma_start3A_381 = tpu.memref_slice %arg10[%dma_start3A_379, %multiple_of3A_369, %dma_start3A_380] : memref<8x32x128xf32, #tpu.memory_space<vmem>> -> memref<1x8x128xf32, #tpu.memory_space<vmem>>
    %dma_start3A_382 = tpu.memref_squeeze %dma_start3A_381 : memref<1x8x128xf32, #tpu.memory_space<vmem>> -> memref<8x128xf32, #tpu.memory_space<vmem>>
    %dma_start3A_383 = tpu.memref_slice %arg5[%multiple_of3A_369, %multiple_of3A_367] : memref<32x1000000xf32, #tpu.memory_space<hbm>> -> memref<8x128xf32, #tpu.memory_space<hbm>>
    %dma_start3A_384 = arith.constant 0 : i32
    %dma_start3A_385 = tpu.memref_slice %arg10[%dma_start3A_379, %multiple_of3A_369, %dma_start3A_384] : memref<8x32x128xf32, #tpu.memory_space<vmem>> -> memref<1x8x128xf32, #tpu.memory_space<vmem>>
    %dma_start3A_386 = tpu.memref_squeeze %dma_start3A_385 : memref<1x8x128xf32, #tpu.memory_space<vmem>> -> memref<8x128xf32, #tpu.memory_space<vmem>>
    %dma_start3A_387 = tpu.memref_slice %arg5[%multiple_of3A_369, %multiple_of3A_367] : memref<32x1000000xf32, #tpu.memory_space<hbm>> -> memref<8x128xf32, #tpu.memory_space<hbm>>
    tpu.enqueue_dma source(%dma_start3A_387 : memref<8x128xf32, #tpu.memory_space<hbm>>) target(%dma_start3A_386 : memref<8x128xf32, #tpu.memory_space<vmem>>) target_semaphore(%arg25 : memref<!tpu.dma_semaphore, #tpu.memory_space<semaphore_mem>>)
    %multiple_of3A_388 = arith.constant 8 : i32
    %multiple_of3A_389 = tpu.assume_multiple %multiple_of3A_388, 8 : i32
    %dma_start3A_390 = arith.constant 4 : i32
    %dma_start3A_391 = arith.constant 0 : i32
    %dma_start3A_392 = tpu.memref_slice %arg9[%dma_start3A_390, %multiple_of3A_389, %dma_start3A_391] : memref<8x32x128xf32, #tpu.memory_space<vmem>> -> memref<1x8x128xf32, #tpu.memory_space<vmem>>
    %dma_start3A_393 = tpu.memref_squeeze %dma_start3A_392 : memref<1x8x128xf32, #tpu.memory_space<vmem>> -> memref<8x128xf32, #tpu.memory_space<vmem>>
    %dma_start3A_394 = tpu.memref_slice %arg4[%multiple_of3A_389, %multiple_of3A_364] : memref<32x1000000xf32, #tpu.memory_space<hbm>> -> memref<8x128xf32, #tpu.memory_space<hbm>>
    %dma_start3A_395 = arith.constant 0 : i32
    %dma_start3A_396 = tpu.memref_slice %arg9[%dma_start3A_390, %multiple_of3A_389, %dma_start3A_395] : memref<8x32x128xf32, #tpu.memory_space<vmem>> -> memref<1x8x128xf32, #tpu.memory_space<vmem>>
    %dma_start3A_397 = tpu.memref_squeeze %dma_start3A_396 : memref<1x8x128xf32, #tpu.memory_space<vmem>> -> memref<8x128xf32, #tpu.memory_space<vmem>>
    %dma_start3A_398 = tpu.memref_slice %arg4[%multiple_of3A_389, %multiple_of3A_364] : memref<32x1000000xf32, #tpu.memory_space<hbm>> -> memref<8x128xf32, #tpu.memory_space<hbm>>
    tpu.enqueue_dma source(%dma_start3A_398 : memref<8x128xf32, #tpu.memory_space<hbm>>) target(%dma_start3A_397 : memref<8x128xf32, #tpu.memory_space<vmem>>) target_semaphore(%arg17 : memref<!tpu.dma_semaphore, #tpu.memory_space<semaphore_mem>>)
    %dma_start3A_399 = arith.constant 4 : i32
    %dma_start3A_400 = arith.constant 0 : i32
    %dma_start3A_401 = tpu.memref_slice %arg10[%dma_start3A_399, %multiple_of3A_389, %dma_start3A_400] : memref<8x32x128xf32, #tpu.memory_space<vmem>> -> memref<1x8x128xf32, #tpu.memory_space<vmem>>
    %dma_start3A_402 = tpu.memref_squeeze %dma_start3A_401 : memref<1x8x128xf32, #tpu.memory_space<vmem>> -> memref<8x128xf32, #tpu.memory_space<vmem>>
    %dma_start3A_403 = tpu.memref_slice %arg5[%multiple_of3A_389, %multiple_of3A_367] : memref<32x1000000xf32, #tpu.memory_space<hbm>> -> memref<8x128xf32, #tpu.memory_space<hbm>>
    %dma_start3A_404 = arith.constant 0 : i32
    %dma_start3A_405 = tpu.memref_slice %arg10[%dma_start3A_399, %multiple_of3A_389, %dma_start3A_404] : memref<8x32x128xf32, #tpu.memory_space<vmem>> -> memref<1x8x128xf32, #tpu.memory_space<vmem>>
    %dma_start3A_406 = tpu.memref_squeeze %dma_start3A_405 : memref<1x8x128xf32, #tpu.memory_space<vmem>> -> memref<8x128xf32, #tpu.memory_space<vmem>>
    %dma_start3A_407 = tpu.memref_slice %arg5[%multiple_of3A_389, %multiple_of3A_367] : memref<32x1000000xf32, #tpu.memory_space<hbm>> -> memref<8x128xf32, #tpu.memory_space<hbm>>
    tpu.enqueue_dma source(%dma_start3A_407 : memref<8x128xf32, #tpu.memory_space<hbm>>) target(%dma_start3A_406 : memref<8x128xf32, #tpu.memory_space<vmem>>) target_semaphore(%arg25 : memref<!tpu.dma_semaphore, #tpu.memory_space<semaphore_mem>>)
    %multiple_of3A_408 = arith.constant 16 : i32
    %multiple_of3A_409 = tpu.assume_multiple %multiple_of3A_408, 8 : i32
    %dma_start3A_410 = arith.constant 4 : i32
    %dma_start3A_411 = arith.constant 0 : i32
    %dma_start3A_412 = tpu.memref_slice %arg9[%dma_start3A_410, %multiple_of3A_409, %dma_start3A_411] : memref<8x32x128xf32, #tpu.memory_space<vmem>> -> memref<1x8x128xf32, #tpu.memory_space<vmem>>
    %dma_start3A_413 = tpu.memref_squeeze %dma_start3A_412 : memref<1x8x128xf32, #tpu.memory_space<vmem>> -> memref<8x128xf32, #tpu.memory_space<vmem>>
    %dma_start3A_414 = tpu.memref_slice %arg4[%multiple_of3A_409, %multiple_of3A_364] : memref<32x1000000xf32, #tpu.memory_space<hbm>> -> memref<8x128xf32, #tpu.memory_space<hbm>>
    %dma_start3A_415 = arith.constant 0 : i32
    %dma_start3A_416 = tpu.memref_slice %arg9[%dma_start3A_410, %multiple_of3A_409, %dma_start3A_415] : memref<8x32x128xf32, #tpu.memory_space<vmem>> -> memref<1x8x128xf32, #tpu.memory_space<vmem>>
    %dma_start3A_417 = tpu.memref_squeeze %dma_start3A_416 : memref<1x8x128xf32, #tpu.memory_space<vmem>> -> memref<8x128xf32, #tpu.memory_space<vmem>>
    %dma_start3A_418 = tpu.memref_slice %arg4[%multiple_of3A_409, %multiple_of3A_364] : memref<32x1000000xf32, #tpu.memory_space<hbm>> -> memref<8x128xf32, #tpu.memory_space<hbm>>
    tpu.enqueue_dma source(%dma_start3A_418 : memref<8x128xf32, #tpu.memory_space<hbm>>) target(%dma_start3A_417 : memref<8x128xf32, #tpu.memory_space<vmem>>) target_semaphore(%arg17 : memref<!tpu.dma_semaphore, #tpu.memory_space<semaphore_mem>>)
    %dma_start3A_419 = arith.constant 4 : i32
    %dma_start3A_420 = arith.constant 0 : i32
    %dma_start3A_421 = tpu.memref_slice %arg10[%dma_start3A_419, %multiple_of3A_409, %dma_start3A_420] : memref<8x32x128xf32, #tpu.memory_space<vmem>> -> memref<1x8x128xf32, #tpu.memory_space<vmem>>
    %dma_start3A_422 = tpu.memref_squeeze %dma_start3A_421 : memref<1x8x128xf32, #tpu.memory_space<vmem>> -> memref<8x128xf32, #tpu.memory_space<vmem>>
    %dma_start3A_423 = tpu.memref_slice %arg5[%multiple_of3A_409, %multiple_of3A_367] : memref<32x1000000xf32, #tpu.memory_space<hbm>> -> memref<8x128xf32, #tpu.memory_space<hbm>>
    %dma_start3A_424 = arith.constant 0 : i32
    %dma_start3A_425 = tpu.memref_slice %arg10[%dma_start3A_419, %multiple_of3A_409, %dma_start3A_424] : memref<8x32x128xf32, #tpu.memory_space<vmem>> -> memref<1x8x128xf32, #tpu.memory_space<vmem>>
    %dma_start3A_426 = tpu.memref_squeeze %dma_start3A_425 : memref<1x8x128xf32, #tpu.memory_space<vmem>> -> memref<8x128xf32, #tpu.memory_space<vmem>>
    %dma_start3A_427 = tpu.memref_slice %arg5[%multiple_of3A_409, %multiple_of3A_367] : memref<32x1000000xf32, #tpu.memory_space<hbm>> -> memref<8x128xf32, #tpu.memory_space<hbm>>
    tpu.enqueue_dma source(%dma_start3A_427 : memref<8x128xf32, #tpu.memory_space<hbm>>) target(%dma_start3A_426 : memref<8x128xf32, #tpu.memory_space<vmem>>) target_semaphore(%arg25 : memref<!tpu.dma_semaphore, #tpu.memory_space<semaphore_mem>>)
    %multiple_of3A_428 = arith.constant 24 : i32
    %multiple_of3A_429 = tpu.assume_multiple %multiple_of3A_428, 8 : i32
    %dma_start3A_430 = arith.constant 4 : i32
    %dma_start3A_431 = arith.constant 0 : i32
    %dma_start3A_432 = tpu.memref_slice %arg9[%dma_start3A_430, %multiple_of3A_429, %dma_start3A_431] : memref<8x32x128xf32, #tpu.memory_space<vmem>> -> memref<1x8x128xf32, #tpu.memory_space<vmem>>
    %dma_start3A_433 = tpu.memref_squeeze %dma_start3A_432 : memref<1x8x128xf32, #tpu.memory_space<vmem>> -> memref<8x128xf32, #tpu.memory_space<vmem>>
    %dma_start3A_434 = tpu.memref_slice %arg4[%multiple_of3A_429, %multiple_of3A_364] : memref<32x1000000xf32, #tpu.memory_space<hbm>> -> memref<8x128xf32, #tpu.memory_space<hbm>>
    %dma_start3A_435 = arith.constant 0 : i32
    %dma_start3A_436 = tpu.memref_slice %arg9[%dma_start3A_430, %multiple_of3A_429, %dma_start3A_435] : memref<8x32x128xf32, #tpu.memory_space<vmem>> -> memref<1x8x128xf32, #tpu.memory_space<vmem>>
    %dma_start3A_437 = tpu.memref_squeeze %dma_start3A_436 : memref<1x8x128xf32, #tpu.memory_space<vmem>> -> memref<8x128xf32, #tpu.memory_space<vmem>>
    %dma_start3A_438 = tpu.memref_slice %arg4[%multiple_of3A_429, %multiple_of3A_364] : memref<32x1000000xf32, #tpu.memory_space<hbm>> -> memref<8x128xf32, #tpu.memory_space<hbm>>
    tpu.enqueue_dma source(%dma_start3A_438 : memref<8x128xf32, #tpu.memory_space<hbm>>) target(%dma_start3A_437 : memref<8x128xf32, #tpu.memory_space<vmem>>) target_semaphore(%arg17 : memref<!tpu.dma_semaphore, #tpu.memory_space<semaphore_mem>>)
    %dma_start3A_439 = arith.constant 4 : i32
    %dma_start3A_440 = arith.constant 0 : i32
    %dma_start3A_441 = tpu.memref_slice %arg10[%dma_start3A_439, %multiple_of3A_429, %dma_start3A_440] : memref<8x32x128xf32, #tpu.memory_space<vmem>> -> memref<1x8x128xf32, #tpu.memory_space<vmem>>
    %dma_start3A_442 = tpu.memref_squeeze %dma_start3A_441 : memref<1x8x128xf32, #tpu.memory_space<vmem>> -> memref<8x128xf32, #tpu.memory_space<vmem>>
    %dma_start3A_443 = tpu.memref_slice %arg5[%multiple_of3A_429, %multiple_of3A_367] : memref<32x1000000xf32, #tpu.memory_space<hbm>> -> memref<8x128xf32, #tpu.memory_space<hbm>>
    %dma_start3A_444 = arith.constant 0 : i32
    %dma_start3A_445 = tpu.memref_slice %arg10[%dma_start3A_439, %multiple_of3A_429, %dma_start3A_444] : memref<8x32x128xf32, #tpu.memory_space<vmem>> -> memref<1x8x128xf32, #tpu.memory_space<vmem>>
    %dma_start3A_446 = tpu.memref_squeeze %dma_start3A_445 : memref<1x8x128xf32, #tpu.memory_space<vmem>> -> memref<8x128xf32, #tpu.memory_space<vmem>>
    %dma_start3A_447 = tpu.memref_slice %arg5[%multiple_of3A_429, %multiple_of3A_367] : memref<32x1000000xf32, #tpu.memory_space<hbm>> -> memref<8x128xf32, #tpu.memory_space<hbm>>
    tpu.enqueue_dma source(%dma_start3A_447 : memref<8x128xf32, #tpu.memory_space<hbm>>) target(%dma_start3A_446 : memref<8x128xf32, #tpu.memory_space<vmem>>) target_semaphore(%arg25 : memref<!tpu.dma_semaphore, #tpu.memory_space<semaphore_mem>>)
    %slice3A_448 = vector.extract_strided_slice %mul3A_14 {offsets = [5], sizes = [1], strides = [1]} : vector<16xi32> to vector<1xi32>
    %squeeze3A_449 = vector.extract %slice3A_448[0] : i32 from vector<1xi32>
    %multiple_of3A_450 = tpu.assume_multiple %squeeze3A_449, 128 : i32
    %slice3A_451 = vector.extract_strided_slice %mul3A_20 {offsets = [5], sizes = [1], strides = [1]} : vector<16xi32> to vector<1xi32>
    %squeeze3A_452 = vector.extract %slice3A_451[0] : i32 from vector<1xi32>
    %multiple_of3A_453 = tpu.assume_multiple %squeeze3A_452, 128 : i32
    %multiple_of3A_454 = arith.constant 0 : i32
    %multiple_of3A_455 = tpu.assume_multiple %multiple_of3A_454, 8 : i32
    %dma_start3A_456 = arith.constant 5 : i32
    %dma_start3A_457 = arith.constant 0 : i32
    %dma_start3A_458 = tpu.memref_slice %arg9[%dma_start3A_456, %multiple_of3A_455, %dma_start3A_457] : memref<8x32x128xf32, #tpu.memory_space<vmem>> -> memref<1x8x128xf32, #tpu.memory_space<vmem>>
    %dma_start3A_459 = tpu.memref_squeeze %dma_start3A_458 : memref<1x8x128xf32, #tpu.memory_space<vmem>> -> memref<8x128xf32, #tpu.memory_space<vmem>>
    %dma_start3A_460 = tpu.memref_slice %arg4[%multiple_of3A_455, %multiple_of3A_450] : memref<32x1000000xf32, #tpu.memory_space<hbm>> -> memref<8x128xf32, #tpu.memory_space<hbm>>
    %dma_start3A_461 = arith.constant 0 : i32
    %dma_start3A_462 = tpu.memref_slice %arg9[%dma_start3A_456, %multiple_of3A_455, %dma_start3A_461] : memref<8x32x128xf32, #tpu.memory_space<vmem>> -> memref<1x8x128xf32, #tpu.memory_space<vmem>>
    %dma_start3A_463 = tpu.memref_squeeze %dma_start3A_462 : memref<1x8x128xf32, #tpu.memory_space<vmem>> -> memref<8x128xf32, #tpu.memory_space<vmem>>
    %dma_start3A_464 = tpu.memref_slice %arg4[%multiple_of3A_455, %multiple_of3A_450] : memref<32x1000000xf32, #tpu.memory_space<hbm>> -> memref<8x128xf32, #tpu.memory_space<hbm>>
    tpu.enqueue_dma source(%dma_start3A_464 : memref<8x128xf32, #tpu.memory_space<hbm>>) target(%dma_start3A_463 : memref<8x128xf32, #tpu.memory_space<vmem>>) target_semaphore(%arg18 : memref<!tpu.dma_semaphore, #tpu.memory_space<semaphore_mem>>)
    %dma_start3A_465 = arith.constant 5 : i32
    %dma_start3A_466 = arith.constant 0 : i32
    %dma_start3A_467 = tpu.memref_slice %arg10[%dma_start3A_465, %multiple_of3A_455, %dma_start3A_466] : memref<8x32x128xf32, #tpu.memory_space<vmem>> -> memref<1x8x128xf32, #tpu.memory_space<vmem>>
    %dma_start3A_468 = tpu.memref_squeeze %dma_start3A_467 : memref<1x8x128xf32, #tpu.memory_space<vmem>> -> memref<8x128xf32, #tpu.memory_space<vmem>>
    %dma_start3A_469 = tpu.memref_slice %arg5[%multiple_of3A_455, %multiple_of3A_453] : memref<32x1000000xf32, #tpu.memory_space<hbm>> -> memref<8x128xf32, #tpu.memory_space<hbm>>
    %dma_start3A_470 = arith.constant 0 : i32
    %dma_start3A_471 = tpu.memref_slice %arg10[%dma_start3A_465, %multiple_of3A_455, %dma_start3A_470] : memref<8x32x128xf32, #tpu.memory_space<vmem>> -> memref<1x8x128xf32, #tpu.memory_space<vmem>>
    %dma_start3A_472 = tpu.memref_squeeze %dma_start3A_471 : memref<1x8x128xf32, #tpu.memory_space<vmem>> -> memref<8x128xf32, #tpu.memory_space<vmem>>
    %dma_start3A_473 = tpu.memref_slice %arg5[%multiple_of3A_455, %multiple_of3A_453] : memref<32x1000000xf32, #tpu.memory_space<hbm>> -> memref<8x128xf32, #tpu.memory_space<hbm>>
    tpu.enqueue_dma source(%dma_start3A_473 : memref<8x128xf32, #tpu.memory_space<hbm>>) target(%dma_start3A_472 : memref<8x128xf32, #tpu.memory_space<vmem>>) target_semaphore(%arg26 : memref<!tpu.dma_semaphore, #tpu.memory_space<semaphore_mem>>)
    %multiple_of3A_474 = arith.constant 8 : i32
    %multiple_of3A_475 = tpu.assume_multiple %multiple_of3A_474, 8 : i32
    %dma_start3A_476 = arith.constant 5 : i32
    %dma_start3A_477 = arith.constant 0 : i32
    %dma_start3A_478 = tpu.memref_slice %arg9[%dma_start3A_476, %multiple_of3A_475, %dma_start3A_477] : memref<8x32x128xf32, #tpu.memory_space<vmem>> -> memref<1x8x128xf32, #tpu.memory_space<vmem>>
    %dma_start3A_479 = tpu.memref_squeeze %dma_start3A_478 : memref<1x8x128xf32, #tpu.memory_space<vmem>> -> memref<8x128xf32, #tpu.memory_space<vmem>>
    %dma_start3A_480 = tpu.memref_slice %arg4[%multiple_of3A_475, %multiple_of3A_450] : memref<32x1000000xf32, #tpu.memory_space<hbm>> -> memref<8x128xf32, #tpu.memory_space<hbm>>
    %dma_start3A_481 = arith.constant 0 : i32
    %dma_start3A_482 = tpu.memref_slice %arg9[%dma_start3A_476, %multiple_of3A_475, %dma_start3A_481] : memref<8x32x128xf32, #tpu.memory_space<vmem>> -> memref<1x8x128xf32, #tpu.memory_space<vmem>>
    %dma_start3A_483 = tpu.memref_squeeze %dma_start3A_482 : memref<1x8x128xf32, #tpu.memory_space<vmem>> -> memref<8x128xf32, #tpu.memory_space<vmem>>
    %dma_start3A_484 = tpu.memref_slice %arg4[%multiple_of3A_475, %multiple_of3A_450] : memref<32x1000000xf32, #tpu.memory_space<hbm>> -> memref<8x128xf32, #tpu.memory_space<hbm>>
    tpu.enqueue_dma source(%dma_start3A_484 : memref<8x128xf32, #tpu.memory_space<hbm>>) target(%dma_start3A_483 : memref<8x128xf32, #tpu.memory_space<vmem>>) target_semaphore(%arg18 : memref<!tpu.dma_semaphore, #tpu.memory_space<semaphore_mem>>)
    %dma_start3A_485 = arith.constant 5 : i32
    %dma_start3A_486 = arith.constant 0 : i32
    %dma_start3A_487 = tpu.memref_slice %arg10[%dma_start3A_485, %multiple_of3A_475, %dma_start3A_486] : memref<8x32x128xf32, #tpu.memory_space<vmem>> -> memref<1x8x128xf32, #tpu.memory_space<vmem>>
    %dma_start3A_488 = tpu.memref_squeeze %dma_start3A_487 : memref<1x8x128xf32, #tpu.memory_space<vmem>> -> memref<8x128xf32, #tpu.memory_space<vmem>>
    %dma_start3A_489 = tpu.memref_slice %arg5[%multiple_of3A_475, %multiple_of3A_453] : memref<32x1000000xf32, #tpu.memory_space<hbm>> -> memref<8x128xf32, #tpu.memory_space<hbm>>
    %dma_start3A_490 = arith.constant 0 : i32
    %dma_start3A_491 = tpu.memref_slice %arg10[%dma_start3A_485, %multiple_of3A_475, %dma_start3A_490] : memref<8x32x128xf32, #tpu.memory_space<vmem>> -> memref<1x8x128xf32, #tpu.memory_space<vmem>>
    %dma_start3A_492 = tpu.memref_squeeze %dma_start3A_491 : memref<1x8x128xf32, #tpu.memory_space<vmem>> -> memref<8x128xf32, #tpu.memory_space<vmem>>
    %dma_start3A_493 = tpu.memref_slice %arg5[%multiple_of3A_475, %multiple_of3A_453] : memref<32x1000000xf32, #tpu.memory_space<hbm>> -> memref<8x128xf32, #tpu.memory_space<hbm>>
    tpu.enqueue_dma source(%dma_start3A_493 : memref<8x128xf32, #tpu.memory_space<hbm>>) target(%dma_start3A_492 : memref<8x128xf32, #tpu.memory_space<vmem>>) target_semaphore(%arg26 : memref<!tpu.dma_semaphore, #tpu.memory_space<semaphore_mem>>)
    %multiple_of3A_494 = arith.constant 16 : i32
    %multiple_of3A_495 = tpu.assume_multiple %multiple_of3A_494, 8 : i32
    %dma_start3A_496 = arith.constant 5 : i32
    %dma_start3A_497 = arith.constant 0 : i32
    %dma_start3A_498 = tpu.memref_slice %arg9[%dma_start3A_496, %multiple_of3A_495, %dma_start3A_497] : memref<8x32x128xf32, #tpu.memory_space<vmem>> -> memref<1x8x128xf32, #tpu.memory_space<vmem>>
    %dma_start3A_499 = tpu.memref_squeeze %dma_start3A_498 : memref<1x8x128xf32, #tpu.memory_space<vmem>> -> memref<8x128xf32, #tpu.memory_space<vmem>>
    %dma_start3A_500 = tpu.memref_slice %arg4[%multiple_of3A_495, %multiple_of3A_450] : memref<32x1000000xf32, #tpu.memory_space<hbm>> -> memref<8x128xf32, #tpu.memory_space<hbm>>
    %dma_start3A_501 = arith.constant 0 : i32
    %dma_start3A_502 = tpu.memref_slice %arg9[%dma_start3A_496, %multiple_of3A_495, %dma_start3A_501] : memref<8x32x128xf32, #tpu.memory_space<vmem>> -> memref<1x8x128xf32, #tpu.memory_space<vmem>>
    %dma_start3A_503 = tpu.memref_squeeze %dma_start3A_502 : memref<1x8x128xf32, #tpu.memory_space<vmem>> -> memref<8x128xf32, #tpu.memory_space<vmem>>
    %dma_start3A_504 = tpu.memref_slice %arg4[%multiple_of3A_495, %multiple_of3A_450] : memref<32x1000000xf32, #tpu.memory_space<hbm>> -> memref<8x128xf32, #tpu.memory_space<hbm>>
    tpu.enqueue_dma source(%dma_start3A_504 : memref<8x128xf32, #tpu.memory_space<hbm>>) target(%dma_start3A_503 : memref<8x128xf32, #tpu.memory_space<vmem>>) target_semaphore(%arg18 : memref<!tpu.dma_semaphore, #tpu.memory_space<semaphore_mem>>)
    %dma_start3A_505 = arith.constant 5 : i32
    %dma_start3A_506 = arith.constant 0 : i32
    %dma_start3A_507 = tpu.memref_slice %arg10[%dma_start3A_505, %multiple_of3A_495, %dma_start3A_506] : memref<8x32x128xf32, #tpu.memory_space<vmem>> -> memref<1x8x128xf32, #tpu.memory_space<vmem>>
    %dma_start3A_508 = tpu.memref_squeeze %dma_start3A_507 : memref<1x8x128xf32, #tpu.memory_space<vmem>> -> memref<8x128xf32, #tpu.memory_space<vmem>>
    %dma_start3A_509 = tpu.memref_slice %arg5[%multiple_of3A_495, %multiple_of3A_453] : memref<32x1000000xf32, #tpu.memory_space<hbm>> -> memref<8x128xf32, #tpu.memory_space<hbm>>
    %dma_start3A_510 = arith.constant 0 : i32
    %dma_start3A_511 = tpu.memref_slice %arg10[%dma_start3A_505, %multiple_of3A_495, %dma_start3A_510] : memref<8x32x128xf32, #tpu.memory_space<vmem>> -> memref<1x8x128xf32, #tpu.memory_space<vmem>>
    %dma_start3A_512 = tpu.memref_squeeze %dma_start3A_511 : memref<1x8x128xf32, #tpu.memory_space<vmem>> -> memref<8x128xf32, #tpu.memory_space<vmem>>
    %dma_start3A_513 = tpu.memref_slice %arg5[%multiple_of3A_495, %multiple_of3A_453] : memref<32x1000000xf32, #tpu.memory_space<hbm>> -> memref<8x128xf32, #tpu.memory_space<hbm>>
    tpu.enqueue_dma source(%dma_start3A_513 : memref<8x128xf32, #tpu.memory_space<hbm>>) target(%dma_start3A_512 : memref<8x128xf32, #tpu.memory_space<vmem>>) target_semaphore(%arg26 : memref<!tpu.dma_semaphore, #tpu.memory_space<semaphore_mem>>)
    %multiple_of3A_514 = arith.constant 24 : i32
    %multiple_of3A_515 = tpu.assume_multiple %multiple_of3A_514, 8 : i32
    %dma_start3A_516 = arith.constant 5 : i32
    %dma_start3A_517 = arith.constant 0 : i32
    %dma_start3A_518 = tpu.memref_slice %arg9[%dma_start3A_516, %multiple_of3A_515, %dma_start3A_517] : memref<8x32x128xf32, #tpu.memory_space<vmem>> -> memref<1x8x128xf32, #tpu.memory_space<vmem>>
    %dma_start3A_519 = tpu.memref_squeeze %dma_start3A_518 : memref<1x8x128xf32, #tpu.memory_space<vmem>> -> memref<8x128xf32, #tpu.memory_space<vmem>>
    %dma_start3A_520 = tpu.memref_slice %arg4[%multiple_of3A_515, %multiple_of3A_450] : memref<32x1000000xf32, #tpu.memory_space<hbm>> -> memref<8x128xf32, #tpu.memory_space<hbm>>
    %dma_start3A_521 = arith.constant 0 : i32
    %dma_start3A_522 = tpu.memref_slice %arg9[%dma_start3A_516, %multiple_of3A_515, %dma_start3A_521] : memref<8x32x128xf32, #tpu.memory_space<vmem>> -> memref<1x8x128xf32, #tpu.memory_space<vmem>>
    %dma_start3A_523 = tpu.memref_squeeze %dma_start3A_522 : memref<1x8x128xf32, #tpu.memory_space<vmem>> -> memref<8x128xf32, #tpu.memory_space<vmem>>
    %dma_start3A_524 = tpu.memref_slice %arg4[%multiple_of3A_515, %multiple_of3A_450] : memref<32x1000000xf32, #tpu.memory_space<hbm>> -> memref<8x128xf32, #tpu.memory_space<hbm>>
    tpu.enqueue_dma source(%dma_start3A_524 : memref<8x128xf32, #tpu.memory_space<hbm>>) target(%dma_start3A_523 : memref<8x128xf32, #tpu.memory_space<vmem>>) target_semaphore(%arg18 : memref<!tpu.dma_semaphore, #tpu.memory_space<semaphore_mem>>)
    %dma_start3A_525 = arith.constant 5 : i32
    %dma_start3A_526 = arith.constant 0 : i32
    %dma_start3A_527 = tpu.memref_slice %arg10[%dma_start3A_525, %multiple_of3A_515, %dma_start3A_526] : memref<8x32x128xf32, #tpu.memory_space<vmem>> -> memref<1x8x128xf32, #tpu.memory_space<vmem>>
    %dma_start3A_528 = tpu.memref_squeeze %dma_start3A_527 : memref<1x8x128xf32, #tpu.memory_space<vmem>> -> memref<8x128xf32, #tpu.memory_space<vmem>>
    %dma_start3A_529 = tpu.memref_slice %arg5[%multiple_of3A_515, %multiple_of3A_453] : memref<32x1000000xf32, #tpu.memory_space<hbm>> -> memref<8x128xf32, #tpu.memory_space<hbm>>
    %dma_start3A_530 = arith.constant 0 : i32
    %dma_start3A_531 = tpu.memref_slice %arg10[%dma_start3A_525, %multiple_of3A_515, %dma_start3A_530] : memref<8x32x128xf32, #tpu.memory_space<vmem>> -> memref<1x8x128xf32, #tpu.memory_space<vmem>>
    %dma_start3A_532 = tpu.memref_squeeze %dma_start3A_531 : memref<1x8x128xf32, #tpu.memory_space<vmem>> -> memref<8x128xf32, #tpu.memory_space<vmem>>
    %dma_start3A_533 = tpu.memref_slice %arg5[%multiple_of3A_515, %multiple_of3A_453] : memref<32x1000000xf32, #tpu.memory_space<hbm>> -> memref<8x128xf32, #tpu.memory_space<hbm>>
    tpu.enqueue_dma source(%dma_start3A_533 : memref<8x128xf32, #tpu.memory_space<hbm>>) target(%dma_start3A_532 : memref<8x128xf32, #tpu.memory_space<vmem>>) target_semaphore(%arg26 : memref<!tpu.dma_semaphore, #tpu.memory_space<semaphore_mem>>)
    %slice3A_534 = vector.extract_strided_slice %mul3A_14 {offsets = [6], sizes = [1], strides = [1]} : vector<16xi32> to vector<1xi32>
    %squeeze3A_535 = vector.extract %slice3A_534[0] : i32 from vector<1xi32>
    %multiple_of3A_536 = tpu.assume_multiple %squeeze3A_535, 128 : i32
    %slice3A_537 = vector.extract_strided_slice %mul3A_20 {offsets = [6], sizes = [1], strides = [1]} : vector<16xi32> to vector<1xi32>
    %squeeze3A_538 = vector.extract %slice3A_537[0] : i32 from vector<1xi32>
    %multiple_of3A_539 = tpu.assume_multiple %squeeze3A_538, 128 : i32
    %multiple_of3A_540 = arith.constant 0 : i32
    %multiple_of3A_541 = tpu.assume_multiple %multiple_of3A_540, 8 : i32
    %dma_start3A_542 = arith.constant 6 : i32
    %dma_start3A_543 = arith.constant 0 : i32
    %dma_start3A_544 = tpu.memref_slice %arg9[%dma_start3A_542, %multiple_of3A_541, %dma_start3A_543] : memref<8x32x128xf32, #tpu.memory_space<vmem>> -> memref<1x8x128xf32, #tpu.memory_space<vmem>>
    %dma_start3A_545 = tpu.memref_squeeze %dma_start3A_544 : memref<1x8x128xf32, #tpu.memory_space<vmem>> -> memref<8x128xf32, #tpu.memory_space<vmem>>
    %dma_start3A_546 = tpu.memref_slice %arg4[%multiple_of3A_541, %multiple_of3A_536] : memref<32x1000000xf32, #tpu.memory_space<hbm>> -> memref<8x128xf32, #tpu.memory_space<hbm>>
    %dma_start3A_547 = arith.constant 0 : i32
    %dma_start3A_548 = tpu.memref_slice %arg9[%dma_start3A_542, %multiple_of3A_541, %dma_start3A_547] : memref<8x32x128xf32, #tpu.memory_space<vmem>> -> memref<1x8x128xf32, #tpu.memory_space<vmem>>
    %dma_start3A_549 = tpu.memref_squeeze %dma_start3A_548 : memref<1x8x128xf32, #tpu.memory_space<vmem>> -> memref<8x128xf32, #tpu.memory_space<vmem>>
    %dma_start3A_550 = tpu.memref_slice %arg4[%multiple_of3A_541, %multiple_of3A_536] : memref<32x1000000xf32, #tpu.memory_space<hbm>> -> memref<8x128xf32, #tpu.memory_space<hbm>>
    tpu.enqueue_dma source(%dma_start3A_550 : memref<8x128xf32, #tpu.memory_space<hbm>>) target(%dma_start3A_549 : memref<8x128xf32, #tpu.memory_space<vmem>>) target_semaphore(%arg19 : memref<!tpu.dma_semaphore, #tpu.memory_space<semaphore_mem>>)
    %dma_start3A_551 = arith.constant 6 : i32
    %dma_start3A_552 = arith.constant 0 : i32
    %dma_start3A_553 = tpu.memref_slice %arg10[%dma_start3A_551, %multiple_of3A_541, %dma_start3A_552] : memref<8x32x128xf32, #tpu.memory_space<vmem>> -> memref<1x8x128xf32, #tpu.memory_space<vmem>>
    %dma_start3A_554 = tpu.memref_squeeze %dma_start3A_553 : memref<1x8x128xf32, #tpu.memory_space<vmem>> -> memref<8x128xf32, #tpu.memory_space<vmem>>
    %dma_start3A_555 = tpu.memref_slice %arg5[%multiple_of3A_541, %multiple_of3A_539] : memref<32x1000000xf32, #tpu.memory_space<hbm>> -> memref<8x128xf32, #tpu.memory_space<hbm>>
    %dma_start3A_556 = arith.constant 0 : i32
    %dma_start3A_557 = tpu.memref_slice %arg10[%dma_start3A_551, %multiple_of3A_541, %dma_start3A_556] : memref<8x32x128xf32, #tpu.memory_space<vmem>> -> memref<1x8x128xf32, #tpu.memory_space<vmem>>
    %dma_start3A_558 = tpu.memref_squeeze %dma_start3A_557 : memref<1x8x128xf32, #tpu.memory_space<vmem>> -> memref<8x128xf32, #tpu.memory_space<vmem>>
    %dma_start3A_559 = tpu.memref_slice %arg5[%multiple_of3A_541, %multiple_of3A_539] : memref<32x1000000xf32, #tpu.memory_space<hbm>> -> memref<8x128xf32, #tpu.memory_space<hbm>>
    tpu.enqueue_dma source(%dma_start3A_559 : memref<8x128xf32, #tpu.memory_space<hbm>>) target(%dma_start3A_558 : memref<8x128xf32, #tpu.memory_space<vmem>>) target_semaphore(%arg27 : memref<!tpu.dma_semaphore, #tpu.memory_space<semaphore_mem>>)
    %multiple_of3A_560 = arith.constant 8 : i32
    %multiple_of3A_561 = tpu.assume_multiple %multiple_of3A_560, 8 : i32
    %dma_start3A_562 = arith.constant 6 : i32
    %dma_start3A_563 = arith.constant 0 : i32
    %dma_start3A_564 = tpu.memref_slice %arg9[%dma_start3A_562, %multiple_of3A_561, %dma_start3A_563] : memref<8x32x128xf32, #tpu.memory_space<vmem>> -> memref<1x8x128xf32, #tpu.memory_space<vmem>>
    %dma_start3A_565 = tpu.memref_squeeze %dma_start3A_564 : memref<1x8x128xf32, #tpu.memory_space<vmem>> -> memref<8x128xf32, #tpu.memory_space<vmem>>
    %dma_start3A_566 = tpu.memref_slice %arg4[%multiple_of3A_561, %multiple_of3A_536] : memref<32x1000000xf32, #tpu.memory_space<hbm>> -> memref<8x128xf32, #tpu.memory_space<hbm>>
    %dma_start3A_567 = arith.constant 0 : i32
    %dma_start3A_568 = tpu.memref_slice %arg9[%dma_start3A_562, %multiple_of3A_561, %dma_start3A_567] : memref<8x32x128xf32, #tpu.memory_space<vmem>> -> memref<1x8x128xf32, #tpu.memory_space<vmem>>
    %dma_start3A_569 = tpu.memref_squeeze %dma_start3A_568 : memref<1x8x128xf32, #tpu.memory_space<vmem>> -> memref<8x128xf32, #tpu.memory_space<vmem>>
    %dma_start3A_570 = tpu.memref_slice %arg4[%multiple_of3A_561, %multiple_of3A_536] : memref<32x1000000xf32, #tpu.memory_space<hbm>> -> memref<8x128xf32, #tpu.memory_space<hbm>>
    tpu.enqueue_dma source(%dma_start3A_570 : memref<8x128xf32, #tpu.memory_space<hbm>>) target(%dma_start3A_569 : memref<8x128xf32, #tpu.memory_space<vmem>>) target_semaphore(%arg19 : memref<!tpu.dma_semaphore, #tpu.memory_space<semaphore_mem>>)
    %dma_start3A_571 = arith.constant 6 : i32
    %dma_start3A_572 = arith.constant 0 : i32
    %dma_start3A_573 = tpu.memref_slice %arg10[%dma_start3A_571, %multiple_of3A_561, %dma_start3A_572] : memref<8x32x128xf32, #tpu.memory_space<vmem>> -> memref<1x8x128xf32, #tpu.memory_space<vmem>>
    %dma_start3A_574 = tpu.memref_squeeze %dma_start3A_573 : memref<1x8x128xf32, #tpu.memory_space<vmem>> -> memref<8x128xf32, #tpu.memory_space<vmem>>
    %dma_start3A_575 = tpu.memref_slice %arg5[%multiple_of3A_561, %multiple_of3A_539] : memref<32x1000000xf32, #tpu.memory_space<hbm>> -> memref<8x128xf32, #tpu.memory_space<hbm>>
    %dma_start3A_576 = arith.constant 0 : i32
    %dma_start3A_577 = tpu.memref_slice %arg10[%dma_start3A_571, %multiple_of3A_561, %dma_start3A_576] : memref<8x32x128xf32, #tpu.memory_space<vmem>> -> memref<1x8x128xf32, #tpu.memory_space<vmem>>
    %dma_start3A_578 = tpu.memref_squeeze %dma_start3A_577 : memref<1x8x128xf32, #tpu.memory_space<vmem>> -> memref<8x128xf32, #tpu.memory_space<vmem>>
    %dma_start3A_579 = tpu.memref_slice %arg5[%multiple_of3A_561, %multiple_of3A_539] : memref<32x1000000xf32, #tpu.memory_space<hbm>> -> memref<8x128xf32, #tpu.memory_space<hbm>>
    tpu.enqueue_dma source(%dma_start3A_579 : memref<8x128xf32, #tpu.memory_space<hbm>>) target(%dma_start3A_578 : memref<8x128xf32, #tpu.memory_space<vmem>>) target_semaphore(%arg27 : memref<!tpu.dma_semaphore, #tpu.memory_space<semaphore_mem>>)
    %multiple_of3A_580 = arith.constant 16 : i32
    %multiple_of3A_581 = tpu.assume_multiple %multiple_of3A_580, 8 : i32
    %dma_start3A_582 = arith.constant 6 : i32
    %dma_start3A_583 = arith.constant 0 : i32
    %dma_start3A_584 = tpu.memref_slice %arg9[%dma_start3A_582, %multiple_of3A_581, %dma_start3A_583] : memref<8x32x128xf32, #tpu.memory_space<vmem>> -> memref<1x8x128xf32, #tpu.memory_space<vmem>>
    %dma_start3A_585 = tpu.memref_squeeze %dma_start3A_584 : memref<1x8x128xf32, #tpu.memory_space<vmem>> -> memref<8x128xf32, #tpu.memory_space<vmem>>
    %dma_start3A_586 = tpu.memref_slice %arg4[%multiple_of3A_581, %multiple_of3A_536] : memref<32x1000000xf32, #tpu.memory_space<hbm>> -> memref<8x128xf32, #tpu.memory_space<hbm>>
    %dma_start3A_587 = arith.constant 0 : i32
    %dma_start3A_588 = tpu.memref_slice %arg9[%dma_start3A_582, %multiple_of3A_581, %dma_start3A_587] : memref<8x32x128xf32, #tpu.memory_space<vmem>> -> memref<1x8x128xf32, #tpu.memory_space<vmem>>
    %dma_start3A_589 = tpu.memref_squeeze %dma_start3A_588 : memref<1x8x128xf32, #tpu.memory_space<vmem>> -> memref<8x128xf32, #tpu.memory_space<vmem>>
    %dma_start3A_590 = tpu.memref_slice %arg4[%multiple_of3A_581, %multiple_of3A_536] : memref<32x1000000xf32, #tpu.memory_space<hbm>> -> memref<8x128xf32, #tpu.memory_space<hbm>>
    tpu.enqueue_dma source(%dma_start3A_590 : memref<8x128xf32, #tpu.memory_space<hbm>>) target(%dma_start3A_589 : memref<8x128xf32, #tpu.memory_space<vmem>>) target_semaphore(%arg19 : memref<!tpu.dma_semaphore, #tpu.memory_space<semaphore_mem>>)
    %dma_start3A_591 = arith.constant 6 : i32
    %dma_start3A_592 = arith.constant 0 : i32
    %dma_start3A_593 = tpu.memref_slice %arg10[%dma_start3A_591, %multiple_of3A_581, %dma_start3A_592] : memref<8x32x128xf32, #tpu.memory_space<vmem>> -> memref<1x8x128xf32, #tpu.memory_space<vmem>>
    %dma_start3A_594 = tpu.memref_squeeze %dma_start3A_593 : memref<1x8x128xf32, #tpu.memory_space<vmem>> -> memref<8x128xf32, #tpu.memory_space<vmem>>
    %dma_start3A_595 = tpu.memref_slice %arg5[%multiple_of3A_581, %multiple_of3A_539] : memref<32x1000000xf32, #tpu.memory_space<hbm>> -> memref<8x128xf32, #tpu.memory_space<hbm>>
    %dma_start3A_596 = arith.constant 0 : i32
    %dma_start3A_597 = tpu.memref_slice %arg10[%dma_start3A_591, %multiple_of3A_581, %dma_start3A_596] : memref<8x32x128xf32, #tpu.memory_space<vmem>> -> memref<1x8x128xf32, #tpu.memory_space<vmem>>
    %dma_start3A_598 = tpu.memref_squeeze %dma_start3A_597 : memref<1x8x128xf32, #tpu.memory_space<vmem>> -> memref<8x128xf32, #tpu.memory_space<vmem>>
    %dma_start3A_599 = tpu.memref_slice %arg5[%multiple_of3A_581, %multiple_of3A_539] : memref<32x1000000xf32, #tpu.memory_space<hbm>> -> memref<8x128xf32, #tpu.memory_space<hbm>>
    tpu.enqueue_dma source(%dma_start3A_599 : memref<8x128xf32, #tpu.memory_space<hbm>>) target(%dma_start3A_598 : memref<8x128xf32, #tpu.memory_space<vmem>>) target_semaphore(%arg27 : memref<!tpu.dma_semaphore, #tpu.memory_space<semaphore_mem>>)
    %multiple_of3A_600 = arith.constant 24 : i32
    %multiple_of3A_601 = tpu.assume_multiple %multiple_of3A_600, 8 : i32
    %dma_start3A_602 = arith.constant 6 : i32
    %dma_start3A_603 = arith.constant 0 : i32
    %dma_start3A_604 = tpu.memref_slice %arg9[%dma_start3A_602, %multiple_of3A_601, %dma_start3A_603] : memref<8x32x128xf32, #tpu.memory_space<vmem>> -> memref<1x8x128xf32, #tpu.memory_space<vmem>>
    %dma_start3A_605 = tpu.memref_squeeze %dma_start3A_604 : memref<1x8x128xf32, #tpu.memory_space<vmem>> -> memref<8x128xf32, #tpu.memory_space<vmem>>
    %dma_start3A_606 = tpu.memref_slice %arg4[%multiple_of3A_601, %multiple_of3A_536] : memref<32x1000000xf32, #tpu.memory_space<hbm>> -> memref<8x128xf32, #tpu.memory_space<hbm>>
    %dma_start3A_607 = arith.constant 0 : i32
    %dma_start3A_608 = tpu.memref_slice %arg9[%dma_start3A_602, %multiple_of3A_601, %dma_start3A_607] : memref<8x32x128xf32, #tpu.memory_space<vmem>> -> memref<1x8x128xf32, #tpu.memory_space<vmem>>
    %dma_start3A_609 = tpu.memref_squeeze %dma_start3A_608 : memref<1x8x128xf32, #tpu.memory_space<vmem>> -> memref<8x128xf32, #tpu.memory_space<vmem>>
    %dma_start3A_610 = tpu.memref_slice %arg4[%multiple_of3A_601, %multiple_of3A_536] : memref<32x1000000xf32, #tpu.memory_space<hbm>> -> memref<8x128xf32, #tpu.memory_space<hbm>>
    tpu.enqueue_dma source(%dma_start3A_610 : memref<8x128xf32, #tpu.memory_space<hbm>>) target(%dma_start3A_609 : memref<8x128xf32, #tpu.memory_space<vmem>>) target_semaphore(%arg19 : memref<!tpu.dma_semaphore, #tpu.memory_space<semaphore_mem>>)
    %dma_start3A_611 = arith.constant 6 : i32
    %dma_start3A_612 = arith.constant 0 : i32
    %dma_start3A_613 = tpu.memref_slice %arg10[%dma_start3A_611, %multiple_of3A_601, %dma_start3A_612] : memref<8x32x128xf32, #tpu.memory_space<vmem>> -> memref<1x8x128xf32, #tpu.memory_space<vmem>>
    %dma_start3A_614 = tpu.memref_squeeze %dma_start3A_613 : memref<1x8x128xf32, #tpu.memory_space<vmem>> -> memref<8x128xf32, #tpu.memory_space<vmem>>
    %dma_start3A_615 = tpu.memref_slice %arg5[%multiple_of3A_601, %multiple_of3A_539] : memref<32x1000000xf32, #tpu.memory_space<hbm>> -> memref<8x128xf32, #tpu.memory_space<hbm>>
    %dma_start3A_616 = arith.constant 0 : i32
    %dma_start3A_617 = tpu.memref_slice %arg10[%dma_start3A_611, %multiple_of3A_601, %dma_start3A_616] : memref<8x32x128xf32, #tpu.memory_space<vmem>> -> memref<1x8x128xf32, #tpu.memory_space<vmem>>
    %dma_start3A_618 = tpu.memref_squeeze %dma_start3A_617 : memref<1x8x128xf32, #tpu.memory_space<vmem>> -> memref<8x128xf32, #tpu.memory_space<vmem>>
    %dma_start3A_619 = tpu.memref_slice %arg5[%multiple_of3A_601, %multiple_of3A_539] : memref<32x1000000xf32, #tpu.memory_space<hbm>> -> memref<8x128xf32, #tpu.memory_space<hbm>>
    tpu.enqueue_dma source(%dma_start3A_619 : memref<8x128xf32, #tpu.memory_space<hbm>>) target(%dma_start3A_618 : memref<8x128xf32, #tpu.memory_space<vmem>>) target_semaphore(%arg27 : memref<!tpu.dma_semaphore, #tpu.memory_space<semaphore_mem>>)
    %slice3A_620 = vector.extract_strided_slice %mul3A_14 {offsets = [7], sizes = [1], strides = [1]} : vector<16xi32> to vector<1xi32>
    %squeeze3A_621 = vector.extract %slice3A_620[0] : i32 from vector<1xi32>
    %multiple_of3A_622 = tpu.assume_multiple %squeeze3A_621, 128 : i32
    %slice3A_623 = vector.extract_strided_slice %mul3A_20 {offsets = [7], sizes = [1], strides = [1]} : vector<16xi32> to vector<1xi32>
    %squeeze3A_624 = vector.extract %slice3A_623[0] : i32 from vector<1xi32>
    %multiple_of3A_625 = tpu.assume_multiple %squeeze3A_624, 128 : i32
    %multiple_of3A_626 = arith.constant 0 : i32
    %multiple_of3A_627 = tpu.assume_multiple %multiple_of3A_626, 8 : i32
    %dma_start3A_628 = arith.constant 7 : i32
    %dma_start3A_629 = arith.constant 0 : i32
    %dma_start3A_630 = tpu.memref_slice %arg9[%dma_start3A_628, %multiple_of3A_627, %dma_start3A_629] : memref<8x32x128xf32, #tpu.memory_space<vmem>> -> memref<1x8x128xf32, #tpu.memory_space<vmem>>
    %dma_start3A_631 = tpu.memref_squeeze %dma_start3A_630 : memref<1x8x128xf32, #tpu.memory_space<vmem>> -> memref<8x128xf32, #tpu.memory_space<vmem>>
    %dma_start3A_632 = tpu.memref_slice %arg4[%multiple_of3A_627, %multiple_of3A_622] : memref<32x1000000xf32, #tpu.memory_space<hbm>> -> memref<8x128xf32, #tpu.memory_space<hbm>>
    %dma_start3A_633 = arith.constant 0 : i32
    %dma_start3A_634 = tpu.memref_slice %arg9[%dma_start3A_628, %multiple_of3A_627, %dma_start3A_633] : memref<8x32x128xf32, #tpu.memory_space<vmem>> -> memref<1x8x128xf32, #tpu.memory_space<vmem>>
    %dma_start3A_635 = tpu.memref_squeeze %dma_start3A_634 : memref<1x8x128xf32, #tpu.memory_space<vmem>> -> memref<8x128xf32, #tpu.memory_space<vmem>>
    %dma_start3A_636 = tpu.memref_slice %arg4[%multiple_of3A_627, %multiple_of3A_622] : memref<32x1000000xf32, #tpu.memory_space<hbm>> -> memref<8x128xf32, #tpu.memory_space<hbm>>
    tpu.enqueue_dma source(%dma_start3A_636 : memref<8x128xf32, #tpu.memory_space<hbm>>) target(%dma_start3A_635 : memref<8x128xf32, #tpu.memory_space<vmem>>) target_semaphore(%arg20 : memref<!tpu.dma_semaphore, #tpu.memory_space<semaphore_mem>>)
    %dma_start3A_637 = arith.constant 7 : i32
    %dma_start3A_638 = arith.constant 0 : i32
    %dma_start3A_639 = tpu.memref_slice %arg10[%dma_start3A_637, %multiple_of3A_627, %dma_start3A_638] : memref<8x32x128xf32, #tpu.memory_space<vmem>> -> memref<1x8x128xf32, #tpu.memory_space<vmem>>
    %dma_start3A_640 = tpu.memref_squeeze %dma_start3A_639 : memref<1x8x128xf32, #tpu.memory_space<vmem>> -> memref<8x128xf32, #tpu.memory_space<vmem>>
    %dma_start3A_641 = tpu.memref_slice %arg5[%multiple_of3A_627, %multiple_of3A_625] : memref<32x1000000xf32, #tpu.memory_space<hbm>> -> memref<8x128xf32, #tpu.memory_space<hbm>>
    %dma_start3A_642 = arith.constant 0 : i32
    %dma_start3A_643 = tpu.memref_slice %arg10[%dma_start3A_637, %multiple_of3A_627, %dma_start3A_642] : memref<8x32x128xf32, #tpu.memory_space<vmem>> -> memref<1x8x128xf32, #tpu.memory_space<vmem>>
    %dma_start3A_644 = tpu.memref_squeeze %dma_start3A_643 : memref<1x8x128xf32, #tpu.memory_space<vmem>> -> memref<8x128xf32, #tpu.memory_space<vmem>>
    %dma_start3A_645 = tpu.memref_slice %arg5[%multiple_of3A_627, %multiple_of3A_625] : memref<32x1000000xf32, #tpu.memory_space<hbm>> -> memref<8x128xf32, #tpu.memory_space<hbm>>
    tpu.enqueue_dma source(%dma_start3A_645 : memref<8x128xf32, #tpu.memory_space<hbm>>) target(%dma_start3A_644 : memref<8x128xf32, #tpu.memory_space<vmem>>) target_semaphore(%arg28 : memref<!tpu.dma_semaphore, #tpu.memory_space<semaphore_mem>>)
    %multiple_of3A_646 = arith.constant 8 : i32
    %multiple_of3A_647 = tpu.assume_multiple %multiple_of3A_646, 8 : i32
    %dma_start3A_648 = arith.constant 7 : i32
    %dma_start3A_649 = arith.constant 0 : i32
    %dma_start3A_650 = tpu.memref_slice %arg9[%dma_start3A_648, %multiple_of3A_647, %dma_start3A_649] : memref<8x32x128xf32, #tpu.memory_space<vmem>> -> memref<1x8x128xf32, #tpu.memory_space<vmem>>
    %dma_start3A_651 = tpu.memref_squeeze %dma_start3A_650 : memref<1x8x128xf32, #tpu.memory_space<vmem>> -> memref<8x128xf32, #tpu.memory_space<vmem>>
    %dma_start3A_652 = tpu.memref_slice %arg4[%multiple_of3A_647, %multiple_of3A_622] : memref<32x1000000xf32, #tpu.memory_space<hbm>> -> memref<8x128xf32, #tpu.memory_space<hbm>>
    %dma_start3A_653 = arith.constant 0 : i32
    %dma_start3A_654 = tpu.memref_slice %arg9[%dma_start3A_648, %multiple_of3A_647, %dma_start3A_653] : memref<8x32x128xf32, #tpu.memory_space<vmem>> -> memref<1x8x128xf32, #tpu.memory_space<vmem>>
    %dma_start3A_655 = tpu.memref_squeeze %dma_start3A_654 : memref<1x8x128xf32, #tpu.memory_space<vmem>> -> memref<8x128xf32, #tpu.memory_space<vmem>>
    %dma_start3A_656 = tpu.memref_slice %arg4[%multiple_of3A_647, %multiple_of3A_622] : memref<32x1000000xf32, #tpu.memory_space<hbm>> -> memref<8x128xf32, #tpu.memory_space<hbm>>
    tpu.enqueue_dma source(%dma_start3A_656 : memref<8x128xf32, #tpu.memory_space<hbm>>) target(%dma_start3A_655 : memref<8x128xf32, #tpu.memory_space<vmem>>) target_semaphore(%arg20 : memref<!tpu.dma_semaphore, #tpu.memory_space<semaphore_mem>>)
    %dma_start3A_657 = arith.constant 7 : i32
    %dma_start3A_658 = arith.constant 0 : i32
    %dma_start3A_659 = tpu.memref_slice %arg10[%dma_start3A_657, %multiple_of3A_647, %dma_start3A_658] : memref<8x32x128xf32, #tpu.memory_space<vmem>> -> memref<1x8x128xf32, #tpu.memory_space<vmem>>
    %dma_start3A_660 = tpu.memref_squeeze %dma_start3A_659 : memref<1x8x128xf32, #tpu.memory_space<vmem>> -> memref<8x128xf32, #tpu.memory_space<vmem>>
    %dma_start3A_661 = tpu.memref_slice %arg5[%multiple_of3A_647, %multiple_of3A_625] : memref<32x1000000xf32, #tpu.memory_space<hbm>> -> memref<8x128xf32, #tpu.memory_space<hbm>>
    %dma_start3A_662 = arith.constant 0 : i32
    %dma_start3A_663 = tpu.memref_slice %arg10[%dma_start3A_657, %multiple_of3A_647, %dma_start3A_662] : memref<8x32x128xf32, #tpu.memory_space<vmem>> -> memref<1x8x128xf32, #tpu.memory_space<vmem>>
    %dma_start3A_664 = tpu.memref_squeeze %dma_start3A_663 : memref<1x8x128xf32, #tpu.memory_space<vmem>> -> memref<8x128xf32, #tpu.memory_space<vmem>>
    %dma_start3A_665 = tpu.memref_slice %arg5[%multiple_of3A_647, %multiple_of3A_625] : memref<32x1000000xf32, #tpu.memory_space<hbm>> -> memref<8x128xf32, #tpu.memory_space<hbm>>
    tpu.enqueue_dma source(%dma_start3A_665 : memref<8x128xf32, #tpu.memory_space<hbm>>) target(%dma_start3A_664 : memref<8x128xf32, #tpu.memory_space<vmem>>) target_semaphore(%arg28 : memref<!tpu.dma_semaphore, #tpu.memory_space<semaphore_mem>>)
    %multiple_of3A_666 = arith.constant 16 : i32
    %multiple_of3A_667 = tpu.assume_multiple %multiple_of3A_666, 8 : i32
    %dma_start3A_668 = arith.constant 7 : i32
    %dma_start3A_669 = arith.constant 0 : i32
    %dma_start3A_670 = tpu.memref_slice %arg9[%dma_start3A_668, %multiple_of3A_667, %dma_start3A_669] : memref<8x32x128xf32, #tpu.memory_space<vmem>> -> memref<1x8x128xf32, #tpu.memory_space<vmem>>
    %dma_start3A_671 = tpu.memref_squeeze %dma_start3A_670 : memref<1x8x128xf32, #tpu.memory_space<vmem>> -> memref<8x128xf32, #tpu.memory_space<vmem>>
    %dma_start3A_672 = tpu.memref_slice %arg4[%multiple_of3A_667, %multiple_of3A_622] : memref<32x1000000xf32, #tpu.memory_space<hbm>> -> memref<8x128xf32, #tpu.memory_space<hbm>>
    %dma_start3A_673 = arith.constant 0 : i32
    %dma_start3A_674 = tpu.memref_slice %arg9[%dma_start3A_668, %multiple_of3A_667, %dma_start3A_673] : memref<8x32x128xf32, #tpu.memory_space<vmem>> -> memref<1x8x128xf32, #tpu.memory_space<vmem>>
    %dma_start3A_675 = tpu.memref_squeeze %dma_start3A_674 : memref<1x8x128xf32, #tpu.memory_space<vmem>> -> memref<8x128xf32, #tpu.memory_space<vmem>>
    %dma_start3A_676 = tpu.memref_slice %arg4[%multiple_of3A_667, %multiple_of3A_622] : memref<32x1000000xf32, #tpu.memory_space<hbm>> -> memref<8x128xf32, #tpu.memory_space<hbm>>
    tpu.enqueue_dma source(%dma_start3A_676 : memref<8x128xf32, #tpu.memory_space<hbm>>) target(%dma_start3A_675 : memref<8x128xf32, #tpu.memory_space<vmem>>) target_semaphore(%arg20 : memref<!tpu.dma_semaphore, #tpu.memory_space<semaphore_mem>>)
    %dma_start3A_677 = arith.constant 7 : i32
    %dma_start3A_678 = arith.constant 0 : i32
    %dma_start3A_679 = tpu.memref_slice %arg10[%dma_start3A_677, %multiple_of3A_667, %dma_start3A_678] : memref<8x32x128xf32, #tpu.memory_space<vmem>> -> memref<1x8x128xf32, #tpu.memory_space<vmem>>
    %dma_start3A_680 = tpu.memref_squeeze %dma_start3A_679 : memref<1x8x128xf32, #tpu.memory_space<vmem>> -> memref<8x128xf32, #tpu.memory_space<vmem>>
    %dma_start3A_681 = tpu.memref_slice %arg5[%multiple_of3A_667, %multiple_of3A_625] : memref<32x1000000xf32, #tpu.memory_space<hbm>> -> memref<8x128xf32, #tpu.memory_space<hbm>>
    %dma_start3A_682 = arith.constant 0 : i32
    %dma_start3A_683 = tpu.memref_slice %arg10[%dma_start3A_677, %multiple_of3A_667, %dma_start3A_682] : memref<8x32x128xf32, #tpu.memory_space<vmem>> -> memref<1x8x128xf32, #tpu.memory_space<vmem>>
    %dma_start3A_684 = tpu.memref_squeeze %dma_start3A_683 : memref<1x8x128xf32, #tpu.memory_space<vmem>> -> memref<8x128xf32, #tpu.memory_space<vmem>>
    %dma_start3A_685 = tpu.memref_slice %arg5[%multiple_of3A_667, %multiple_of3A_625] : memref<32x1000000xf32, #tpu.memory_space<hbm>> -> memref<8x128xf32, #tpu.memory_space<hbm>>
    tpu.enqueue_dma source(%dma_start3A_685 : memref<8x128xf32, #tpu.memory_space<hbm>>) target(%dma_start3A_684 : memref<8x128xf32, #tpu.memory_space<vmem>>) target_semaphore(%arg28 : memref<!tpu.dma_semaphore, #tpu.memory_space<semaphore_mem>>)
    %multiple_of3A_686 = arith.constant 24 : i32
    %multiple_of3A_687 = tpu.assume_multiple %multiple_of3A_686, 8 : i32
    %dma_start3A_688 = arith.constant 7 : i32
    %dma_start3A_689 = arith.constant 0 : i32
    %dma_start3A_690 = tpu.memref_slice %arg9[%dma_start3A_688, %multiple_of3A_687, %dma_start3A_689] : memref<8x32x128xf32, #tpu.memory_space<vmem>> -> memref<1x8x128xf32, #tpu.memory_space<vmem>>
    %dma_start3A_691 = tpu.memref_squeeze %dma_start3A_690 : memref<1x8x128xf32, #tpu.memory_space<vmem>> -> memref<8x128xf32, #tpu.memory_space<vmem>>
    %dma_start3A_692 = tpu.memref_slice %arg4[%multiple_of3A_687, %multiple_of3A_622] : memref<32x1000000xf32, #tpu.memory_space<hbm>> -> memref<8x128xf32, #tpu.memory_space<hbm>>
    %dma_start3A_693 = arith.constant 0 : i32
    %dma_start3A_694 = tpu.memref_slice %arg9[%dma_start3A_688, %multiple_of3A_687, %dma_start3A_693] : memref<8x32x128xf32, #tpu.memory_space<vmem>> -> memref<1x8x128xf32, #tpu.memory_space<vmem>>
    %dma_start3A_695 = tpu.memref_squeeze %dma_start3A_694 : memref<1x8x128xf32, #tpu.memory_space<vmem>> -> memref<8x128xf32, #tpu.memory_space<vmem>>
    %dma_start3A_696 = tpu.memref_slice %arg4[%multiple_of3A_687, %multiple_of3A_622] : memref<32x1000000xf32, #tpu.memory_space<hbm>> -> memref<8x128xf32, #tpu.memory_space<hbm>>
    tpu.enqueue_dma source(%dma_start3A_696 : memref<8x128xf32, #tpu.memory_space<hbm>>) target(%dma_start3A_695 : memref<8x128xf32, #tpu.memory_space<vmem>>) target_semaphore(%arg20 : memref<!tpu.dma_semaphore, #tpu.memory_space<semaphore_mem>>)
    %dma_start3A_697 = arith.constant 7 : i32
    %dma_start3A_698 = arith.constant 0 : i32
    %dma_start3A_699 = tpu.memref_slice %arg10[%dma_start3A_697, %multiple_of3A_687, %dma_start3A_698] : memref<8x32x128xf32, #tpu.memory_space<vmem>> -> memref<1x8x128xf32, #tpu.memory_space<vmem>>
    %dma_start3A_700 = tpu.memref_squeeze %dma_start3A_699 : memref<1x8x128xf32, #tpu.memory_space<vmem>> -> memref<8x128xf32, #tpu.memory_space<vmem>>
    %dma_start3A_701 = tpu.memref_slice %arg5[%multiple_of3A_687, %multiple_of3A_625] : memref<32x1000000xf32, #tpu.memory_space<hbm>> -> memref<8x128xf32, #tpu.memory_space<hbm>>
    %dma_start3A_702 = arith.constant 0 : i32
    %dma_start3A_703 = tpu.memref_slice %arg10[%dma_start3A_697, %multiple_of3A_687, %dma_start3A_702] : memref<8x32x128xf32, #tpu.memory_space<vmem>> -> memref<1x8x128xf32, #tpu.memory_space<vmem>>
    %dma_start3A_704 = tpu.memref_squeeze %dma_start3A_703 : memref<1x8x128xf32, #tpu.memory_space<vmem>> -> memref<8x128xf32, #tpu.memory_space<vmem>>
    %dma_start3A_705 = tpu.memref_slice %arg5[%multiple_of3A_687, %multiple_of3A_625] : memref<32x1000000xf32, #tpu.memory_space<hbm>> -> memref<8x128xf32, #tpu.memory_space<hbm>>
    tpu.enqueue_dma source(%dma_start3A_705 : memref<8x128xf32, #tpu.memory_space<hbm>>) target(%dma_start3A_704 : memref<8x128xf32, #tpu.memory_space<vmem>>) target_semaphore(%arg28 : memref<!tpu.dma_semaphore, #tpu.memory_space<semaphore_mem>>)
    %scan3A = arith.constant 0 : i32
    %scan3A_706 = arith.constant 0 : i32
    %scan3A_707 = arith.constant 64 : i32
    %scan3A_708 = arith.addi %scan3A_706, %scan3A_707 : i32
    %scan3A_709 = arith.constant 1 : i32
    scf.for %scan3A_717 = %scan3A_706 to %scan3A_708 step %scan3A_709  : i32 {
      %mul3A_718 = arith.constant 8 : i32
      %mul3A_719 = arith.muli %scan3A_717, %mul3A_718 : i32
      %multiple_of3A_720 = tpu.assume_multiple %mul3A_719, 8 : i32
      %get3A_721 = arith.index_cast %multiple_of3A_720 : i32 to index
      %get3A_722 = tpu.vector_load %arg7[%get3A_721] {strides = array<i32>} : memref<528xi32, #tpu.memory_space<vmem>>, vector<16xi32>,
      %get3A_723 = arith.index_cast %multiple_of3A_720 : i32 to index
      %get3A_724 = tpu.vector_load %arg8[%get3A_723] {strides = array<i32>} : memref<528xi32, #tpu.memory_space<vmem>>, vector<16xi32>,
      %and3A = arith.constant 127 : i32
      %and3A_725 = vector.broadcast %and3A : i32 to vector<16xi32>
      %and3A_726 = arith.andi %get3A_722, %and3A_725 : vector<16xi32>
      %and3A_727 = arith.constant 127 : i32
      %and3A_728 = vector.broadcast %and3A_727 : i32 to vector<16xi32>
      %and3A_729 = arith.andi %get3A_724, %and3A_728 : vector<16xi32>
      %add3A_730 = arith.constant 1 : i32
      %add3A_731 = arith.addi %scan3A_717, %add3A_730 : i32
      %mul3A_732 = arith.constant 8 : i32
      %mul3A_733 = arith.muli %add3A_731, %mul3A_732 : i32
      %multiple_of3A_734 = tpu.assume_multiple %mul3A_733, 8 : i32
      %get3A_735 = arith.index_cast %multiple_of3A_734 : i32 to index
      %get3A_736 = tpu.vector_load %arg7[%get3A_735] {strides = array<i32>} : memref<528xi32, #tpu.memory_space<vmem>>, vector<16xi32>,
      %get3A_737 = arith.index_cast %multiple_of3A_734 : i32 to index
      %get3A_738 = tpu.vector_load %arg8[%get3A_737] {strides = array<i32>} : memref<528xi32, #tpu.memory_space<vmem>>, vector<16xi32>,
      %shift_right_arithmetic3A_739 = arith.constant 7 : i32
      %shift_right_arithmetic3A_740 = vector.broadcast %shift_right_arithmetic3A_739 : i32 to vector<16xi32>
      %shift_right_arithmetic3A_741 = arith.shrsi %get3A_736, %shift_right_arithmetic3A_740 : vector<16xi32>
      %mul3A_742 = arith.constant 128 : i32
      %mul3A_743 = vector.broadcast %mul3A_742 : i32 to vector<16xi32>
      %mul3A_744 = arith.muli %shift_right_arithmetic3A_741, %mul3A_743 : vector<16xi32>
      %shift_right_arithmetic3A_745 = arith.constant 7 : i32
      %shift_right_arithmetic3A_746 = vector.broadcast %shift_right_arithmetic3A_745 : i32 to vector<16xi32>
      %shift_right_arithmetic3A_747 = arith.shrsi %get3A_738, %shift_right_arithmetic3A_746 : vector<16xi32>
      %mul3A_748 = arith.constant 128 : i32
      %mul3A_749 = vector.broadcast %mul3A_748 : i32 to vector<16xi32>
      %mul3A_750 = arith.muli %shift_right_arithmetic3A_747, %mul3A_749 : vector<16xi32>
      %mul3A_751 = arith.constant 8 : i32
      %mul3A_752 = arith.muli %scan3A_717, %mul3A_751 : i32
      %add3A_753 = arith.constant 0 : i32
      %add3A_754 = arith.addi %mul3A_752, %add3A_753 : i32
      %multiple_of3A_755 = arith.constant 0 : i32
      %multiple_of3A_756 = tpu.assume_multiple %multiple_of3A_755, 8 : i32
      %dma_wait3A = arith.constant 0 : i32
      %dma_wait3A_757 = arith.constant 0 : i32
      %dma_wait3A_758 = tpu.memref_slice %arg9[%dma_wait3A, %multiple_of3A_756, %dma_wait3A_757] : memref<8x32x128xf32, #tpu.memory_space<vmem>> -> memref<1x8x128xf32, #tpu.memory_space<vmem>>
      %dma_wait3A_759 = tpu.memref_squeeze %dma_wait3A_758 : memref<1x8x128xf32, #tpu.memory_space<vmem>> -> memref<8x128xf32, #tpu.memory_space<vmem>>
      %dma_wait3A_760 = arith.constant 0 : i32
      %dma_wait3A_761 = arith.constant 0 : i32
      %dma_wait3A_762 = tpu.memref_slice %arg4[%dma_wait3A_760, %dma_wait3A_761] : memref<32x1000000xf32, #tpu.memory_space<hbm>> -> memref<8x128xf32, #tpu.memory_space<hbm>>
      %dma_wait3A_763 = arith.constant 0 : i32
      %dma_wait3A_764 = tpu.memref_slice %arg9[%dma_wait3A, %multiple_of3A_756, %dma_wait3A_763] : memref<8x32x128xf32, #tpu.memory_space<vmem>> -> memref<1x8x128xf32, #tpu.memory_space<vmem>>
      %dma_wait3A_765 = tpu.memref_squeeze %dma_wait3A_764 : memref<1x8x128xf32, #tpu.memory_space<vmem>> -> memref<8x128xf32, #tpu.memory_space<vmem>>
      %dma_wait3A_766 = arith.constant 0 : i32
      %dma_wait3A_767 = arith.constant 0 : i32
      %dma_wait3A_768 = tpu.memref_slice %arg4[%dma_wait3A_766, %dma_wait3A_767] : memref<32x1000000xf32, #tpu.memory_space<hbm>> -> memref<8x128xf32, #tpu.memory_space<hbm>>
      tpu.wait_dma2 semaphore(%arg13 : memref<!tpu.dma_semaphore, #tpu.memory_space<semaphore_mem>>) src(%dma_wait3A_768 : memref<8x128xf32, #tpu.memory_space<hbm>>) dst(%dma_wait3A_765 : memref<8x128xf32, #tpu.memory_space<vmem>>)
      %dma_wait3A_769 = arith.constant 0 : i32
      %dma_wait3A_770 = arith.constant 0 : i32
      %dma_wait3A_771 = tpu.memref_slice %arg10[%dma_wait3A_769, %multiple_of3A_756, %dma_wait3A_770] : memref<8x32x128xf32, #tpu.memory_space<vmem>> -> memref<1x8x128xf32, #tpu.memory_space<vmem>>
      %dma_wait3A_772 = tpu.memref_squeeze %dma_wait3A_771 : memref<1x8x128xf32, #tpu.memory_space<vmem>> -> memref<8x128xf32, #tpu.memory_space<vmem>>
      %dma_wait3A_773 = arith.constant 0 : i32
      %dma_wait3A_774 = arith.constant 0 : i32
      %dma_wait3A_775 = tpu.memref_slice %arg5[%dma_wait3A_773, %dma_wait3A_774] : memref<32x1000000xf32, #tpu.memory_space<hbm>> -> memref<8x128xf32, #tpu.memory_space<hbm>>
      %dma_wait3A_776 = arith.constant 0 : i32
      %dma_wait3A_777 = tpu.memref_slice %arg10[%dma_wait3A_769, %multiple_of3A_756, %dma_wait3A_776] : memref<8x32x128xf32, #tpu.memory_space<vmem>> -> memref<1x8x128xf32, #tpu.memory_space<vmem>>
      %dma_wait3A_778 = tpu.memref_squeeze %dma_wait3A_777 : memref<1x8x128xf32, #tpu.memory_space<vmem>> -> memref<8x128xf32, #tpu.memory_space<vmem>>
      %dma_wait3A_779 = arith.constant 0 : i32
      %dma_wait3A_780 = arith.constant 0 : i32
      %dma_wait3A_781 = tpu.memref_slice %arg5[%dma_wait3A_779, %dma_wait3A_780] : memref<32x1000000xf32, #tpu.memory_space<hbm>> -> memref<8x128xf32, #tpu.memory_space<hbm>>
      tpu.wait_dma2 semaphore(%arg21 : memref<!tpu.dma_semaphore, #tpu.memory_space<semaphore_mem>>) src(%dma_wait3A_781 : memref<8x128xf32, #tpu.memory_space<hbm>>) dst(%dma_wait3A_778 : memref<8x128xf32, #tpu.memory_space<vmem>>)
      %multiple_of3A_782 = arith.constant 8 : i32
      %multiple_of3A_783 = tpu.assume_multiple %multiple_of3A_782, 8 : i32
      %dma_wait3A_784 = arith.constant 0 : i32
      %dma_wait3A_785 = arith.constant 0 : i32
      %dma_wait3A_786 = tpu.memref_slice %arg9[%dma_wait3A_784, %multiple_of3A_783, %dma_wait3A_785] : memref<8x32x128xf32, #tpu.memory_space<vmem>> -> memref<1x8x128xf32, #tpu.memory_space<vmem>>
      %dma_wait3A_787 = tpu.memref_squeeze %dma_wait3A_786 : memref<1x8x128xf32, #tpu.memory_space<vmem>> -> memref<8x128xf32, #tpu.memory_space<vmem>>
      %dma_wait3A_788 = arith.constant 0 : i32
      %dma_wait3A_789 = arith.constant 0 : i32
      %dma_wait3A_790 = tpu.memref_slice %arg4[%dma_wait3A_788, %dma_wait3A_789] : memref<32x1000000xf32, #tpu.memory_space<hbm>> -> memref<8x128xf32, #tpu.memory_space<hbm>>
      %dma_wait3A_791 = arith.constant 0 : i32
      %dma_wait3A_792 = tpu.memref_slice %arg9[%dma_wait3A_784, %multiple_of3A_783, %dma_wait3A_791] : memref<8x32x128xf32, #tpu.memory_space<vmem>> -> memref<1x8x128xf32, #tpu.memory_space<vmem>>
      %dma_wait3A_793 = tpu.memref_squeeze %dma_wait3A_792 : memref<1x8x128xf32, #tpu.memory_space<vmem>> -> memref<8x128xf32, #tpu.memory_space<vmem>>
      %dma_wait3A_794 = arith.constant 0 : i32
      %dma_wait3A_795 = arith.constant 0 : i32
      %dma_wait3A_796 = tpu.memref_slice %arg4[%dma_wait3A_794, %dma_wait3A_795] : memref<32x1000000xf32, #tpu.memory_space<hbm>> -> memref<8x128xf32, #tpu.memory_space<hbm>>
      tpu.wait_dma2 semaphore(%arg13 : memref<!tpu.dma_semaphore, #tpu.memory_space<semaphore_mem>>) src(%dma_wait3A_796 : memref<8x128xf32, #tpu.memory_space<hbm>>) dst(%dma_wait3A_793 : memref<8x128xf32, #tpu.memory_space<vmem>>)
      %dma_wait3A_797 = arith.constant 0 : i32
      %dma_wait3A_798 = arith.constant 0 : i32
      %dma_wait3A_799 = tpu.memref_slice %arg10[%dma_wait3A_797, %multiple_of3A_783, %dma_wait3A_798] : memref<8x32x128xf32, #tpu.memory_space<vmem>> -> memref<1x8x128xf32, #tpu.memory_space<vmem>>
      %dma_wait3A_800 = tpu.memref_squeeze %dma_wait3A_799 : memref<1x8x128xf32, #tpu.memory_space<vmem>> -> memref<8x128xf32, #tpu.memory_space<vmem>>
      %dma_wait3A_801 = arith.constant 0 : i32
      %dma_wait3A_802 = arith.constant 0 : i32
      %dma_wait3A_803 = tpu.memref_slice %arg5[%dma_wait3A_801, %dma_wait3A_802] : memref<32x1000000xf32, #tpu.memory_space<hbm>> -> memref<8x128xf32, #tpu.memory_space<hbm>>
      %dma_wait3A_804 = arith.constant 0 : i32
      %dma_wait3A_805 = tpu.memref_slice %arg10[%dma_wait3A_797, %multiple_of3A_783, %dma_wait3A_804] : memref<8x32x128xf32, #tpu.memory_space<vmem>> -> memref<1x8x128xf32, #tpu.memory_space<vmem>>
      %dma_wait3A_806 = tpu.memref_squeeze %dma_wait3A_805 : memref<1x8x128xf32, #tpu.memory_space<vmem>> -> memref<8x128xf32, #tpu.memory_space<vmem>>
      %dma_wait3A_807 = arith.constant 0 : i32
      %dma_wait3A_808 = arith.constant 0 : i32
      %dma_wait3A_809 = tpu.memref_slice %arg5[%dma_wait3A_807, %dma_wait3A_808] : memref<32x1000000xf32, #tpu.memory_space<hbm>> -> memref<8x128xf32, #tpu.memory_space<hbm>>
      tpu.wait_dma2 semaphore(%arg21 : memref<!tpu.dma_semaphore, #tpu.memory_space<semaphore_mem>>) src(%dma_wait3A_809 : memref<8x128xf32, #tpu.memory_space<hbm>>) dst(%dma_wait3A_806 : memref<8x128xf32, #tpu.memory_space<vmem>>)
      %multiple_of3A_810 = arith.constant 16 : i32
      %multiple_of3A_811 = tpu.assume_multiple %multiple_of3A_810, 8 : i32
      %dma_wait3A_812 = arith.constant 0 : i32
      %dma_wait3A_813 = arith.constant 0 : i32
      %dma_wait3A_814 = tpu.memref_slice %arg9[%dma_wait3A_812, %multiple_of3A_811, %dma_wait3A_813] : memref<8x32x128xf32, #tpu.memory_space<vmem>> -> memref<1x8x128xf32, #tpu.memory_space<vmem>>
      %dma_wait3A_815 = tpu.memref_squeeze %dma_wait3A_814 : memref<1x8x128xf32, #tpu.memory_space<vmem>> -> memref<8x128xf32, #tpu.memory_space<vmem>>
      %dma_wait3A_816 = arith.constant 0 : i32
      %dma_wait3A_817 = arith.constant 0 : i32
      %dma_wait3A_818 = tpu.memref_slice %arg4[%dma_wait3A_816, %dma_wait3A_817] : memref<32x1000000xf32, #tpu.memory_space<hbm>> -> memref<8x128xf32, #tpu.memory_space<hbm>>
      %dma_wait3A_819 = arith.constant 0 : i32
      %dma_wait3A_820 = tpu.memref_slice %arg9[%dma_wait3A_812, %multiple_of3A_811, %dma_wait3A_819] : memref<8x32x128xf32, #tpu.memory_space<vmem>> -> memref<1x8x128xf32, #tpu.memory_space<vmem>>
      %dma_wait3A_821 = tpu.memref_squeeze %dma_wait3A_820 : memref<1x8x128xf32, #tpu.memory_space<vmem>> -> memref<8x128xf32, #tpu.memory_space<vmem>>
      %dma_wait3A_822 = arith.constant 0 : i32
      %dma_wait3A_823 = arith.constant 0 : i32
      %dma_wait3A_824 = tpu.memref_slice %arg4[%dma_wait3A_822, %dma_wait3A_823] : memref<32x1000000xf32, #tpu.memory_space<hbm>> -> memref<8x128xf32, #tpu.memory_space<hbm>>
      tpu.wait_dma2 semaphore(%arg13 : memref<!tpu.dma_semaphore, #tpu.memory_space<semaphore_mem>>) src(%dma_wait3A_824 : memref<8x128xf32, #tpu.memory_space<hbm>>) dst(%dma_wait3A_821 : memref<8x128xf32, #tpu.memory_space<vmem>>)
      %dma_wait3A_825 = arith.constant 0 : i32
      %dma_wait3A_826 = arith.constant 0 : i32
      %dma_wait3A_827 = tpu.memref_slice %arg10[%dma_wait3A_825, %multiple_of3A_811, %dma_wait3A_826] : memref<8x32x128xf32, #tpu.memory_space<vmem>> -> memref<1x8x128xf32, #tpu.memory_space<vmem>>
      %dma_wait3A_828 = tpu.memref_squeeze %dma_wait3A_827 : memref<1x8x128xf32, #tpu.memory_space<vmem>> -> memref<8x128xf32, #tpu.memory_space<vmem>>
      %dma_wait3A_829 = arith.constant 0 : i32
      %dma_wait3A_830 = arith.constant 0 : i32
      %dma_wait3A_831 = tpu.memref_slice %arg5[%dma_wait3A_829, %dma_wait3A_830] : memref<32x1000000xf32, #tpu.memory_space<hbm>> -> memref<8x128xf32, #tpu.memory_space<hbm>>
      %dma_wait3A_832 = arith.constant 0 : i32
      %dma_wait3A_833 = tpu.memref_slice %arg10[%dma_wait3A_825, %multiple_of3A_811, %dma_wait3A_832] : memref<8x32x128xf32, #tpu.memory_space<vmem>> -> memref<1x8x128xf32, #tpu.memory_space<vmem>>
      %dma_wait3A_834 = tpu.memref_squeeze %dma_wait3A_833 : memref<1x8x128xf32, #tpu.memory_space<vmem>> -> memref<8x128xf32, #tpu.memory_space<vmem>>
      %dma_wait3A_835 = arith.constant 0 : i32
      %dma_wait3A_836 = arith.constant 0 : i32
      %dma_wait3A_837 = tpu.memref_slice %arg5[%dma_wait3A_835, %dma_wait3A_836] : memref<32x1000000xf32, #tpu.memory_space<hbm>> -> memref<8x128xf32, #tpu.memory_space<hbm>>
      tpu.wait_dma2 semaphore(%arg21 : memref<!tpu.dma_semaphore, #tpu.memory_space<semaphore_mem>>) src(%dma_wait3A_837 : memref<8x128xf32, #tpu.memory_space<hbm>>) dst(%dma_wait3A_834 : memref<8x128xf32, #tpu.memory_space<vmem>>)
      %multiple_of3A_838 = arith.constant 24 : i32
      %multiple_of3A_839 = tpu.assume_multiple %multiple_of3A_838, 8 : i32
      %dma_wait3A_840 = arith.constant 0 : i32
      %dma_wait3A_841 = arith.constant 0 : i32
      %dma_wait3A_842 = tpu.memref_slice %arg9[%dma_wait3A_840, %multiple_of3A_839, %dma_wait3A_841] : memref<8x32x128xf32, #tpu.memory_space<vmem>> -> memref<1x8x128xf32, #tpu.memory_space<vmem>>
      %dma_wait3A_843 = tpu.memref_squeeze %dma_wait3A_842 : memref<1x8x128xf32, #tpu.memory_space<vmem>> -> memref<8x128xf32, #tpu.memory_space<vmem>>
      %dma_wait3A_844 = arith.constant 0 : i32
      %dma_wait3A_845 = arith.constant 0 : i32
      %dma_wait3A_846 = tpu.memref_slice %arg4[%dma_wait3A_844, %dma_wait3A_845] : memref<32x1000000xf32, #tpu.memory_space<hbm>> -> memref<8x128xf32, #tpu.memory_space<hbm>>
      %dma_wait3A_847 = arith.constant 0 : i32
      %dma_wait3A_848 = tpu.memref_slice %arg9[%dma_wait3A_840, %multiple_of3A_839, %dma_wait3A_847] : memref<8x32x128xf32, #tpu.memory_space<vmem>> -> memref<1x8x128xf32, #tpu.memory_space<vmem>>
      %dma_wait3A_849 = tpu.memref_squeeze %dma_wait3A_848 : memref<1x8x128xf32, #tpu.memory_space<vmem>> -> memref<8x128xf32, #tpu.memory_space<vmem>>
      %dma_wait3A_850 = arith.constant 0 : i32
      %dma_wait3A_851 = arith.constant 0 : i32
      %dma_wait3A_852 = tpu.memref_slice %arg4[%dma_wait3A_850, %dma_wait3A_851] : memref<32x1000000xf32, #tpu.memory_space<hbm>> -> memref<8x128xf32, #tpu.memory_space<hbm>>
      tpu.wait_dma2 semaphore(%arg13 : memref<!tpu.dma_semaphore, #tpu.memory_space<semaphore_mem>>) src(%dma_wait3A_852 : memref<8x128xf32, #tpu.memory_space<hbm>>) dst(%dma_wait3A_849 : memref<8x128xf32, #tpu.memory_space<vmem>>)
      %dma_wait3A_853 = arith.constant 0 : i32
      %dma_wait3A_854 = arith.constant 0 : i32
      %dma_wait3A_855 = tpu.memref_slice %arg10[%dma_wait3A_853, %multiple_of3A_839, %dma_wait3A_854] : memref<8x32x128xf32, #tpu.memory_space<vmem>> -> memref<1x8x128xf32, #tpu.memory_space<vmem>>
      %dma_wait3A_856 = tpu.memref_squeeze %dma_wait3A_855 : memref<1x8x128xf32, #tpu.memory_space<vmem>> -> memref<8x128xf32, #tpu.memory_space<vmem>>
      %dma_wait3A_857 = arith.constant 0 : i32
      %dma_wait3A_858 = arith.constant 0 : i32
      %dma_wait3A_859 = tpu.memref_slice %arg5[%dma_wait3A_857, %dma_wait3A_858] : memref<32x1000000xf32, #tpu.memory_space<hbm>> -> memref<8x128xf32, #tpu.memory_space<hbm>>
      %dma_wait3A_860 = arith.constant 0 : i32
      %dma_wait3A_861 = tpu.memref_slice %arg10[%dma_wait3A_853, %multiple_of3A_839, %dma_wait3A_860] : memref<8x32x128xf32, #tpu.memory_space<vmem>> -> memref<1x8x128xf32, #tpu.memory_space<vmem>>
      %dma_wait3A_862 = tpu.memref_squeeze %dma_wait3A_861 : memref<1x8x128xf32, #tpu.memory_space<vmem>> -> memref<8x128xf32, #tpu.memory_space<vmem>>
      %dma_wait3A_863 = arith.constant 0 : i32
      %dma_wait3A_864 = arith.constant 0 : i32
      %dma_wait3A_865 = tpu.memref_slice %arg5[%dma_wait3A_863, %dma_wait3A_864] : memref<32x1000000xf32, #tpu.memory_space<hbm>> -> memref<8x128xf32, #tpu.memory_space<hbm>>
      tpu.wait_dma2 semaphore(%arg21 : memref<!tpu.dma_semaphore, #tpu.memory_space<semaphore_mem>>) src(%dma_wait3A_865 : memref<8x128xf32, #tpu.memory_space<hbm>>) dst(%dma_wait3A_862 : memref<8x128xf32, #tpu.memory_space<vmem>>)
      %slice3A_866 = vector.extract_strided_slice %and3A_726 {offsets = [0], sizes = [1], strides = [1]} : vector<16xi32> to vector<1xi32>
      %squeeze3A_867 = vector.extract %slice3A_866[0] : i32 from vector<1xi32>
      %broadcast_in_dim3A = vector.broadcast %squeeze3A_867 : i32 to vector<16xi32>
      %slice3A_868 = vector.extract_strided_slice %and3A_729 {offsets = [0], sizes = [1], strides = [1]} : vector<16xi32> to vector<1xi32>
      %squeeze3A_869 = vector.extract %slice3A_868[0] : i32 from vector<1xi32>
      %broadcast_in_dim3A_870 = vector.broadcast %squeeze3A_869 : i32 to vector<16xi32>
      %gather3A = arith.constant 0 : i32
      %gather3A_871 = arith.constant 0 : i32
      %gather3A_872 = arith.constant 0 : i32
      %gather3A_873 = tpu.memref_slice %arg9[%gather3A, %gather3A_871, %gather3A_872] : memref<8x32x128xf32, #tpu.memory_space<vmem>> -> memref<1x32x128xf32, #tpu.memory_space<vmem>>
      %gather3A_874 = tpu.memref_squeeze %gather3A_873 : memref<1x32x128xf32, #tpu.memory_space<vmem>> -> memref<32x128xf32, #tpu.memory_space<vmem>>
      %gather3A_875 = tpu.vector_load_idx %gather3A_874[%iota3A, %broadcast_in_dim3A] : memref<32x128xf32, #tpu.memory_space<vmem>>[vector<16xi32>, vector<16xi32>], vector<16xf32>,
      %gather3A_876 = arith.constant 0 : i32
      %gather3A_877 = arith.constant 0 : i32
      %gather3A_878 = arith.constant 0 : i32
      %gather3A_879 = tpu.memref_slice %arg9[%gather3A_876, %gather3A_877, %gather3A_878] : memref<8x32x128xf32, #tpu.memory_space<vmem>> -> memref<1x32x128xf32, #tpu.memory_space<vmem>>
      %gather3A_880 = tpu.memref_squeeze %gather3A_879 : memref<1x32x128xf32, #tpu.memory_space<vmem>> -> memref<32x128xf32, #tpu.memory_space<vmem>>
      %gather3A_881 = tpu.vector_load_idx %gather3A_880[%add3A_5, %broadcast_in_dim3A] : memref<32x128xf32, #tpu.memory_space<vmem>>[vector<16xi32>, vector<16xi32>], vector<16xf32>,
      %gather3A_882 = arith.constant 0 : i32
      %gather3A_883 = arith.constant 0 : i32
      %gather3A_884 = arith.constant 0 : i32
      %gather3A_885 = tpu.memref_slice %arg10[%gather3A_882, %gather3A_883, %gather3A_884] : memref<8x32x128xf32, #tpu.memory_space<vmem>> -> memref<1x32x128xf32, #tpu.memory_space<vmem>>
      %gather3A_886 = tpu.memref_squeeze %gather3A_885 : memref<1x32x128xf32, #tpu.memory_space<vmem>> -> memref<32x128xf32, #tpu.memory_space<vmem>>
      %gather3A_887 = tpu.vector_load_idx %gather3A_886[%iota3A, %broadcast_in_dim3A_870] : memref<32x128xf32, #tpu.memory_space<vmem>>[vector<16xi32>, vector<16xi32>], vector<16xf32>,
      %gather3A_888 = arith.constant 0 : i32
      %gather3A_889 = arith.constant 0 : i32
      %gather3A_890 = arith.constant 0 : i32
      %gather3A_891 = tpu.memref_slice %arg10[%gather3A_888, %gather3A_889, %gather3A_890] : memref<8x32x128xf32, #tpu.memory_space<vmem>> -> memref<1x32x128xf32, #tpu.memory_space<vmem>>
      %gather3A_892 = tpu.memref_squeeze %gather3A_891 : memref<1x32x128xf32, #tpu.memory_space<vmem>> -> memref<32x128xf32, #tpu.memory_space<vmem>>
      %gather3A_893 = tpu.vector_load_idx %gather3A_892[%add3A_5, %broadcast_in_dim3A_870] : memref<32x128xf32, #tpu.memory_space<vmem>>[vector<16xi32>, vector<16xi32>], vector<16xf32>,
      %mul3A_894 = arith.mulf %gather3A_875, %gather3A_887 : vector<16xf32>
      %mul3A_895 = arith.mulf %gather3A_881, %gather3A_893 : vector<16xf32>
      %add3A_896 = arith.addf %mul3A_894, %mul3A_895 : vector<16xf32>
      %add3A_897 = arith.constant 1 : i32
      %add3A_898 = arith.addi %scan3A_717, %add3A_897 : i32
      %lt3A = arith.constant 64 : i32
      %lt3A_899 = arith.cmpi slt, %add3A_898, %lt3A : i32
      %convert_element_type3A = arith.extui %lt3A_899 : i1 to i32
      %cond3A = arith.constant 0 : i32
      %cond3A_900 = arith.cmpi ne, %convert_element_type3A, %cond3A : i32
      scf.if %cond3A_900 {
        %slice3A_2024 = vector.extract_strided_slice %mul3A_744 {offsets = [0], sizes = [1], strides = [1]} : vector<16xi32> to vector<1xi32>
        %squeeze3A_2025 = vector.extract %slice3A_2024[0] : i32 from vector<1xi32>
        %multiple_of3A_2026 = tpu.assume_multiple %squeeze3A_2025, 128 : i32
        %slice3A_2027 = vector.extract_strided_slice %mul3A_750 {offsets = [0], sizes = [1], strides = [1]} : vector<16xi32> to vector<1xi32>
        %squeeze3A_2028 = vector.extract %slice3A_2027[0] : i32 from vector<1xi32>
        %multiple_of3A_2029 = tpu.assume_multiple %squeeze3A_2028, 128 : i32
        %multiple_of3A_2030 = arith.constant 0 : i32
        %multiple_of3A_2031 = tpu.assume_multiple %multiple_of3A_2030, 8 : i32
        %dma_start3A_2032 = arith.constant 0 : i32
        %dma_start3A_2033 = arith.constant 0 : i32
        %dma_start3A_2034 = tpu.memref_slice %arg9[%dma_start3A_2032, %multiple_of3A_2031, %dma_start3A_2033] : memref<8x32x128xf32, #tpu.memory_space<vmem>> -> memref<1x8x128xf32, #tpu.memory_space<vmem>>
        %dma_start3A_2035 = tpu.memref_squeeze %dma_start3A_2034 : memref<1x8x128xf32, #tpu.memory_space<vmem>> -> memref<8x128xf32, #tpu.memory_space<vmem>>
        %dma_start3A_2036 = tpu.memref_slice %arg4[%multiple_of3A_2031, %multiple_of3A_2026] : memref<32x1000000xf32, #tpu.memory_space<hbm>> -> memref<8x128xf32, #tpu.memory_space<hbm>>
        %dma_start3A_2037 = arith.constant 0 : i32
        %dma_start3A_2038 = tpu.memref_slice %arg9[%dma_start3A_2032, %multiple_of3A_2031, %dma_start3A_2037] : memref<8x32x128xf32, #tpu.memory_space<vmem>> -> memref<1x8x128xf32, #tpu.memory_space<vmem>>
        %dma_start3A_2039 = tpu.memref_squeeze %dma_start3A_2038 : memref<1x8x128xf32, #tpu.memory_space<vmem>> -> memref<8x128xf32, #tpu.memory_space<vmem>>
        %dma_start3A_2040 = tpu.memref_slice %arg4[%multiple_of3A_2031, %multiple_of3A_2026] : memref<32x1000000xf32, #tpu.memory_space<hbm>> -> memref<8x128xf32, #tpu.memory_space<hbm>>
        tpu.enqueue_dma source(%dma_start3A_2040 : memref<8x128xf32, #tpu.memory_space<hbm>>) target(%dma_start3A_2039 : memref<8x128xf32, #tpu.memory_space<vmem>>) target_semaphore(%arg13 : memref<!tpu.dma_semaphore, #tpu.memory_space<semaphore_mem>>)
        %dma_start3A_2041 = arith.constant 0 : i32
        %dma_start3A_2042 = arith.constant 0 : i32
        %dma_start3A_2043 = tpu.memref_slice %arg10[%dma_start3A_2041, %multiple_of3A_2031, %dma_start3A_2042] : memref<8x32x128xf32, #tpu.memory_space<vmem>> -> memref<1x8x128xf32, #tpu.memory_space<vmem>>
        %dma_start3A_2044 = tpu.memref_squeeze %dma_start3A_2043 : memref<1x8x128xf32, #tpu.memory_space<vmem>> -> memref<8x128xf32, #tpu.memory_space<vmem>>
        %dma_start3A_2045 = tpu.memref_slice %arg5[%multiple_of3A_2031, %multiple_of3A_2029] : memref<32x1000000xf32, #tpu.memory_space<hbm>> -> memref<8x128xf32, #tpu.memory_space<hbm>>
        %dma_start3A_2046 = arith.constant 0 : i32
        %dma_start3A_2047 = tpu.memref_slice %arg10[%dma_start3A_2041, %multiple_of3A_2031, %dma_start3A_2046] : memref<8x32x128xf32, #tpu.memory_space<vmem>> -> memref<1x8x128xf32, #tpu.memory_space<vmem>>
        %dma_start3A_2048 = tpu.memref_squeeze %dma_start3A_2047 : memref<1x8x128xf32, #tpu.memory_space<vmem>> -> memref<8x128xf32, #tpu.memory_space<vmem>>
        %dma_start3A_2049 = tpu.memref_slice %arg5[%multiple_of3A_2031, %multiple_of3A_2029] : memref<32x1000000xf32, #tpu.memory_space<hbm>> -> memref<8x128xf32, #tpu.memory_space<hbm>>
        tpu.enqueue_dma source(%dma_start3A_2049 : memref<8x128xf32, #tpu.memory_space<hbm>>) target(%dma_start3A_2048 : memref<8x128xf32, #tpu.memory_space<vmem>>) target_semaphore(%arg21 : memref<!tpu.dma_semaphore, #tpu.memory_space<semaphore_mem>>)
        %multiple_of3A_2050 = arith.constant 8 : i32
        %multiple_of3A_2051 = tpu.assume_multiple %multiple_of3A_2050, 8 : i32
        %dma_start3A_2052 = arith.constant 0 : i32
        %dma_start3A_2053 = arith.constant 0 : i32
        %dma_start3A_2054 = tpu.memref_slice %arg9[%dma_start3A_2052, %multiple_of3A_2051, %dma_start3A_2053] : memref<8x32x128xf32, #tpu.memory_space<vmem>> -> memref<1x8x128xf32, #tpu.memory_space<vmem>>
        %dma_start3A_2055 = tpu.memref_squeeze %dma_start3A_2054 : memref<1x8x128xf32, #tpu.memory_space<vmem>> -> memref<8x128xf32, #tpu.memory_space<vmem>>
        %dma_start3A_2056 = tpu.memref_slice %arg4[%multiple_of3A_2051, %multiple_of3A_2026] : memref<32x1000000xf32, #tpu.memory_space<hbm>> -> memref<8x128xf32, #tpu.memory_space<hbm>>
        %dma_start3A_2057 = arith.constant 0 : i32
        %dma_start3A_2058 = tpu.memref_slice %arg9[%dma_start3A_2052, %multiple_of3A_2051, %dma_start3A_2057] : memref<8x32x128xf32, #tpu.memory_space<vmem>> -> memref<1x8x128xf32, #tpu.memory_space<vmem>>
        %dma_start3A_2059 = tpu.memref_squeeze %dma_start3A_2058 : memref<1x8x128xf32, #tpu.memory_space<vmem>> -> memref<8x128xf32, #tpu.memory_space<vmem>>
        %dma_start3A_2060 = tpu.memref_slice %arg4[%multiple_of3A_2051, %multiple_of3A_2026] : memref<32x1000000xf32, #tpu.memory_space<hbm>> -> memref<8x128xf32, #tpu.memory_space<hbm>>
        tpu.enqueue_dma source(%dma_start3A_2060 : memref<8x128xf32, #tpu.memory_space<hbm>>) target(%dma_start3A_2059 : memref<8x128xf32, #tpu.memory_space<vmem>>) target_semaphore(%arg13 : memref<!tpu.dma_semaphore, #tpu.memory_space<semaphore_mem>>)
        %dma_start3A_2061 = arith.constant 0 : i32
        %dma_start3A_2062 = arith.constant 0 : i32
        %dma_start3A_2063 = tpu.memref_slice %arg10[%dma_start3A_2061, %multiple_of3A_2051, %dma_start3A_2062] : memref<8x32x128xf32, #tpu.memory_space<vmem>> -> memref<1x8x128xf32, #tpu.memory_space<vmem>>
        %dma_start3A_2064 = tpu.memref_squeeze %dma_start3A_2063 : memref<1x8x128xf32, #tpu.memory_space<vmem>> -> memref<8x128xf32, #tpu.memory_space<vmem>>
        %dma_start3A_2065 = tpu.memref_slice %arg5[%multiple_of3A_2051, %multiple_of3A_2029] : memref<32x1000000xf32, #tpu.memory_space<hbm>> -> memref<8x128xf32, #tpu.memory_space<hbm>>
        %dma_start3A_2066 = arith.constant 0 : i32
        %dma_start3A_2067 = tpu.memref_slice %arg10[%dma_start3A_2061, %multiple_of3A_2051, %dma_start3A_2066] : memref<8x32x128xf32, #tpu.memory_space<vmem>> -> memref<1x8x128xf32, #tpu.memory_space<vmem>>
        %dma_start3A_2068 = tpu.memref_squeeze %dma_start3A_2067 : memref<1x8x128xf32, #tpu.memory_space<vmem>> -> memref<8x128xf32, #tpu.memory_space<vmem>>
        %dma_start3A_2069 = tpu.memref_slice %arg5[%multiple_of3A_2051, %multiple_of3A_2029] : memref<32x1000000xf32, #tpu.memory_space<hbm>> -> memref<8x128xf32, #tpu.memory_space<hbm>>
        tpu.enqueue_dma source(%dma_start3A_2069 : memref<8x128xf32, #tpu.memory_space<hbm>>) target(%dma_start3A_2068 : memref<8x128xf32, #tpu.memory_space<vmem>>) target_semaphore(%arg21 : memref<!tpu.dma_semaphore, #tpu.memory_space<semaphore_mem>>)
        %multiple_of3A_2070 = arith.constant 16 : i32
        %multiple_of3A_2071 = tpu.assume_multiple %multiple_of3A_2070, 8 : i32
        %dma_start3A_2072 = arith.constant 0 : i32
        %dma_start3A_2073 = arith.constant 0 : i32
        %dma_start3A_2074 = tpu.memref_slice %arg9[%dma_start3A_2072, %multiple_of3A_2071, %dma_start3A_2073] : memref<8x32x128xf32, #tpu.memory_space<vmem>> -> memref<1x8x128xf32, #tpu.memory_space<vmem>>
        %dma_start3A_2075 = tpu.memref_squeeze %dma_start3A_2074 : memref<1x8x128xf32, #tpu.memory_space<vmem>> -> memref<8x128xf32, #tpu.memory_space<vmem>>
        %dma_start3A_2076 = tpu.memref_slice %arg4[%multiple_of3A_2071, %multiple_of3A_2026] : memref<32x1000000xf32, #tpu.memory_space<hbm>> -> memref<8x128xf32, #tpu.memory_space<hbm>>
        %dma_start3A_2077 = arith.constant 0 : i32
        %dma_start3A_2078 = tpu.memref_slice %arg9[%dma_start3A_2072, %multiple_of3A_2071, %dma_start3A_2077] : memref<8x32x128xf32, #tpu.memory_space<vmem>> -> memref<1x8x128xf32, #tpu.memory_space<vmem>>
        %dma_start3A_2079 = tpu.memref_squeeze %dma_start3A_2078 : memref<1x8x128xf32, #tpu.memory_space<vmem>> -> memref<8x128xf32, #tpu.memory_space<vmem>>
        %dma_start3A_2080 = tpu.memref_slice %arg4[%multiple_of3A_2071, %multiple_of3A_2026] : memref<32x1000000xf32, #tpu.memory_space<hbm>> -> memref<8x128xf32, #tpu.memory_space<hbm>>
        tpu.enqueue_dma source(%dma_start3A_2080 : memref<8x128xf32, #tpu.memory_space<hbm>>) target(%dma_start3A_2079 : memref<8x128xf32, #tpu.memory_space<vmem>>) target_semaphore(%arg13 : memref<!tpu.dma_semaphore, #tpu.memory_space<semaphore_mem>>)
        %dma_start3A_2081 = arith.constant 0 : i32
        %dma_start3A_2082 = arith.constant 0 : i32
        %dma_start3A_2083 = tpu.memref_slice %arg10[%dma_start3A_2081, %multiple_of3A_2071, %dma_start3A_2082] : memref<8x32x128xf32, #tpu.memory_space<vmem>> -> memref<1x8x128xf32, #tpu.memory_space<vmem>>
        %dma_start3A_2084 = tpu.memref_squeeze %dma_start3A_2083 : memref<1x8x128xf32, #tpu.memory_space<vmem>> -> memref<8x128xf32, #tpu.memory_space<vmem>>
        %dma_start3A_2085 = tpu.memref_slice %arg5[%multiple_of3A_2071, %multiple_of3A_2029] : memref<32x1000000xf32, #tpu.memory_space<hbm>> -> memref<8x128xf32, #tpu.memory_space<hbm>>
        %dma_start3A_2086 = arith.constant 0 : i32
        %dma_start3A_2087 = tpu.memref_slice %arg10[%dma_start3A_2081, %multiple_of3A_2071, %dma_start3A_2086] : memref<8x32x128xf32, #tpu.memory_space<vmem>> -> memref<1x8x128xf32, #tpu.memory_space<vmem>>
        %dma_start3A_2088 = tpu.memref_squeeze %dma_start3A_2087 : memref<1x8x128xf32, #tpu.memory_space<vmem>> -> memref<8x128xf32, #tpu.memory_space<vmem>>
        %dma_start3A_2089 = tpu.memref_slice %arg5[%multiple_of3A_2071, %multiple_of3A_2029] : memref<32x1000000xf32, #tpu.memory_space<hbm>> -> memref<8x128xf32, #tpu.memory_space<hbm>>
        tpu.enqueue_dma source(%dma_start3A_2089 : memref<8x128xf32, #tpu.memory_space<hbm>>) target(%dma_start3A_2088 : memref<8x128xf32, #tpu.memory_space<vmem>>) target_semaphore(%arg21 : memref<!tpu.dma_semaphore, #tpu.memory_space<semaphore_mem>>)
        %multiple_of3A_2090 = arith.constant 24 : i32
        %multiple_of3A_2091 = tpu.assume_multiple %multiple_of3A_2090, 8 : i32
        %dma_start3A_2092 = arith.constant 0 : i32
        %dma_start3A_2093 = arith.constant 0 : i32
        %dma_start3A_2094 = tpu.memref_slice %arg9[%dma_start3A_2092, %multiple_of3A_2091, %dma_start3A_2093] : memref<8x32x128xf32, #tpu.memory_space<vmem>> -> memref<1x8x128xf32, #tpu.memory_space<vmem>>
        %dma_start3A_2095 = tpu.memref_squeeze %dma_start3A_2094 : memref<1x8x128xf32, #tpu.memory_space<vmem>> -> memref<8x128xf32, #tpu.memory_space<vmem>>
        %dma_start3A_2096 = tpu.memref_slice %arg4[%multiple_of3A_2091, %multiple_of3A_2026] : memref<32x1000000xf32, #tpu.memory_space<hbm>> -> memref<8x128xf32, #tpu.memory_space<hbm>>
        %dma_start3A_2097 = arith.constant 0 : i32
        %dma_start3A_2098 = tpu.memref_slice %arg9[%dma_start3A_2092, %multiple_of3A_2091, %dma_start3A_2097] : memref<8x32x128xf32, #tpu.memory_space<vmem>> -> memref<1x8x128xf32, #tpu.memory_space<vmem>>
        %dma_start3A_2099 = tpu.memref_squeeze %dma_start3A_2098 : memref<1x8x128xf32, #tpu.memory_space<vmem>> -> memref<8x128xf32, #tpu.memory_space<vmem>>
        %dma_start3A_2100 = tpu.memref_slice %arg4[%multiple_of3A_2091, %multiple_of3A_2026] : memref<32x1000000xf32, #tpu.memory_space<hbm>> -> memref<8x128xf32, #tpu.memory_space<hbm>>
        tpu.enqueue_dma source(%dma_start3A_2100 : memref<8x128xf32, #tpu.memory_space<hbm>>) target(%dma_start3A_2099 : memref<8x128xf32, #tpu.memory_space<vmem>>) target_semaphore(%arg13 : memref<!tpu.dma_semaphore, #tpu.memory_space<semaphore_mem>>)
        %dma_start3A_2101 = arith.constant 0 : i32
        %dma_start3A_2102 = arith.constant 0 : i32
        %dma_start3A_2103 = tpu.memref_slice %arg10[%dma_start3A_2101, %multiple_of3A_2091, %dma_start3A_2102] : memref<8x32x128xf32, #tpu.memory_space<vmem>> -> memref<1x8x128xf32, #tpu.memory_space<vmem>>
        %dma_start3A_2104 = tpu.memref_squeeze %dma_start3A_2103 : memref<1x8x128xf32, #tpu.memory_space<vmem>> -> memref<8x128xf32, #tpu.memory_space<vmem>>
        %dma_start3A_2105 = tpu.memref_slice %arg5[%multiple_of3A_2091, %multiple_of3A_2029] : memref<32x1000000xf32, #tpu.memory_space<hbm>> -> memref<8x128xf32, #tpu.memory_space<hbm>>
        %dma_start3A_2106 = arith.constant 0 : i32
        %dma_start3A_2107 = tpu.memref_slice %arg10[%dma_start3A_2101, %multiple_of3A_2091, %dma_start3A_2106] : memref<8x32x128xf32, #tpu.memory_space<vmem>> -> memref<1x8x128xf32, #tpu.memory_space<vmem>>
        %dma_start3A_2108 = tpu.memref_squeeze %dma_start3A_2107 : memref<1x8x128xf32, #tpu.memory_space<vmem>> -> memref<8x128xf32, #tpu.memory_space<vmem>>
        %dma_start3A_2109 = tpu.memref_slice %arg5[%multiple_of3A_2091, %multiple_of3A_2029] : memref<32x1000000xf32, #tpu.memory_space<hbm>> -> memref<8x128xf32, #tpu.memory_space<hbm>>
        tpu.enqueue_dma source(%dma_start3A_2109 : memref<8x128xf32, #tpu.memory_space<hbm>>) target(%dma_start3A_2108 : memref<8x128xf32, #tpu.memory_space<vmem>>) target_semaphore(%arg21 : memref<!tpu.dma_semaphore, #tpu.memory_space<semaphore_mem>>)
      } else {
      }
      %mul3A_901 = arith.constant 17 : i32
      %mul3A_902 = arith.muli %add3A_754, %mul3A_901 : i32
      %swap3A = arith.index_cast %mul3A_902 : i32 to index
      %swap3A_903 = tpu.vector_load %arg11[%swap3A] {strides = array<i32>} : memref<8704xf32, #tpu.memory_space<vmem>>, vector<16xf32>,
      tpu.vector_store %arg11[%swap3A], %add3A_896 {strides = array<i32>} : memref<8704xf32, #tpu.memory_space<vmem>>, vector<16xf32>,
      %mul3A_904 = arith.constant 8 : i32
      %mul3A_905 = arith.muli %scan3A_717, %mul3A_904 : i32
      %add3A_906 = arith.constant 1 : i32
      %add3A_907 = arith.addi %mul3A_905, %add3A_906 : i32
      %multiple_of3A_908 = arith.constant 0 : i32
      %multiple_of3A_909 = tpu.assume_multiple %multiple_of3A_908, 8 : i32
      %dma_wait3A_910 = arith.constant 1 : i32
      %dma_wait3A_911 = arith.constant 0 : i32
      %dma_wait3A_912 = tpu.memref_slice %arg9[%dma_wait3A_910, %multiple_of3A_909, %dma_wait3A_911] : memref<8x32x128xf32, #tpu.memory_space<vmem>> -> memref<1x8x128xf32, #tpu.memory_space<vmem>>
      %dma_wait3A_913 = tpu.memref_squeeze %dma_wait3A_912 : memref<1x8x128xf32, #tpu.memory_space<vmem>> -> memref<8x128xf32, #tpu.memory_space<vmem>>
      %dma_wait3A_914 = arith.constant 0 : i32
      %dma_wait3A_915 = arith.constant 0 : i32
      %dma_wait3A_916 = tpu.memref_slice %arg4[%dma_wait3A_914, %dma_wait3A_915] : memref<32x1000000xf32, #tpu.memory_space<hbm>> -> memref<8x128xf32, #tpu.memory_space<hbm>>
      %dma_wait3A_917 = arith.constant 0 : i32
      %dma_wait3A_918 = tpu.memref_slice %arg9[%dma_wait3A_910, %multiple_of3A_909, %dma_wait3A_917] : memref<8x32x128xf32, #tpu.memory_space<vmem>> -> memref<1x8x128xf32, #tpu.memory_space<vmem>>
      %dma_wait3A_919 = tpu.memref_squeeze %dma_wait3A_918 : memref<1x8x128xf32, #tpu.memory_space<vmem>> -> memref<8x128xf32, #tpu.memory_space<vmem>>
      %dma_wait3A_920 = arith.constant 0 : i32
      %dma_wait3A_921 = arith.constant 0 : i32
      %dma_wait3A_922 = tpu.memref_slice %arg4[%dma_wait3A_920, %dma_wait3A_921] : memref<32x1000000xf32, #tpu.memory_space<hbm>> -> memref<8x128xf32, #tpu.memory_space<hbm>>
      tpu.wait_dma2 semaphore(%arg14 : memref<!tpu.dma_semaphore, #tpu.memory_space<semaphore_mem>>) src(%dma_wait3A_922 : memref<8x128xf32, #tpu.memory_space<hbm>>) dst(%dma_wait3A_919 : memref<8x128xf32, #tpu.memory_space<vmem>>)
      %dma_wait3A_923 = arith.constant 1 : i32
      %dma_wait3A_924 = arith.constant 0 : i32
      %dma_wait3A_925 = tpu.memref_slice %arg10[%dma_wait3A_923, %multiple_of3A_909, %dma_wait3A_924] : memref<8x32x128xf32, #tpu.memory_space<vmem>> -> memref<1x8x128xf32, #tpu.memory_space<vmem>>
      %dma_wait3A_926 = tpu.memref_squeeze %dma_wait3A_925 : memref<1x8x128xf32, #tpu.memory_space<vmem>> -> memref<8x128xf32, #tpu.memory_space<vmem>>
      %dma_wait3A_927 = arith.constant 0 : i32
      %dma_wait3A_928 = arith.constant 0 : i32
      %dma_wait3A_929 = tpu.memref_slice %arg5[%dma_wait3A_927, %dma_wait3A_928] : memref<32x1000000xf32, #tpu.memory_space<hbm>> -> memref<8x128xf32, #tpu.memory_space<hbm>>
      %dma_wait3A_930 = arith.constant 0 : i32
      %dma_wait3A_931 = tpu.memref_slice %arg10[%dma_wait3A_923, %multiple_of3A_909, %dma_wait3A_930] : memref<8x32x128xf32, #tpu.memory_space<vmem>> -> memref<1x8x128xf32, #tpu.memory_space<vmem>>
      %dma_wait3A_932 = tpu.memref_squeeze %dma_wait3A_931 : memref<1x8x128xf32, #tpu.memory_space<vmem>> -> memref<8x128xf32, #tpu.memory_space<vmem>>
      %dma_wait3A_933 = arith.constant 0 : i32
      %dma_wait3A_934 = arith.constant 0 : i32
      %dma_wait3A_935 = tpu.memref_slice %arg5[%dma_wait3A_933, %dma_wait3A_934] : memref<32x1000000xf32, #tpu.memory_space<hbm>> -> memref<8x128xf32, #tpu.memory_space<hbm>>
      tpu.wait_dma2 semaphore(%arg22 : memref<!tpu.dma_semaphore, #tpu.memory_space<semaphore_mem>>) src(%dma_wait3A_935 : memref<8x128xf32, #tpu.memory_space<hbm>>) dst(%dma_wait3A_932 : memref<8x128xf32, #tpu.memory_space<vmem>>)
      %multiple_of3A_936 = arith.constant 8 : i32
      %multiple_of3A_937 = tpu.assume_multiple %multiple_of3A_936, 8 : i32
      %dma_wait3A_938 = arith.constant 1 : i32
      %dma_wait3A_939 = arith.constant 0 : i32
      %dma_wait3A_940 = tpu.memref_slice %arg9[%dma_wait3A_938, %multiple_of3A_937, %dma_wait3A_939] : memref<8x32x128xf32, #tpu.memory_space<vmem>> -> memref<1x8x128xf32, #tpu.memory_space<vmem>>
      %dma_wait3A_941 = tpu.memref_squeeze %dma_wait3A_940 : memref<1x8x128xf32, #tpu.memory_space<vmem>> -> memref<8x128xf32, #tpu.memory_space<vmem>>
      %dma_wait3A_942 = arith.constant 0 : i32
      %dma_wait3A_943 = arith.constant 0 : i32
      %dma_wait3A_944 = tpu.memref_slice %arg4[%dma_wait3A_942, %dma_wait3A_943] : memref<32x1000000xf32, #tpu.memory_space<hbm>> -> memref<8x128xf32, #tpu.memory_space<hbm>>
      %dma_wait3A_945 = arith.constant 0 : i32
      %dma_wait3A_946 = tpu.memref_slice %arg9[%dma_wait3A_938, %multiple_of3A_937, %dma_wait3A_945] : memref<8x32x128xf32, #tpu.memory_space<vmem>> -> memref<1x8x128xf32, #tpu.memory_space<vmem>>
      %dma_wait3A_947 = tpu.memref_squeeze %dma_wait3A_946 : memref<1x8x128xf32, #tpu.memory_space<vmem>> -> memref<8x128xf32, #tpu.memory_space<vmem>>
      %dma_wait3A_948 = arith.constant 0 : i32
      %dma_wait3A_949 = arith.constant 0 : i32
      %dma_wait3A_950 = tpu.memref_slice %arg4[%dma_wait3A_948, %dma_wait3A_949] : memref<32x1000000xf32, #tpu.memory_space<hbm>> -> memref<8x128xf32, #tpu.memory_space<hbm>>
      tpu.wait_dma2 semaphore(%arg14 : memref<!tpu.dma_semaphore, #tpu.memory_space<semaphore_mem>>) src(%dma_wait3A_950 : memref<8x128xf32, #tpu.memory_space<hbm>>) dst(%dma_wait3A_947 : memref<8x128xf32, #tpu.memory_space<vmem>>)
      %dma_wait3A_951 = arith.constant 1 : i32
      %dma_wait3A_952 = arith.constant 0 : i32
      %dma_wait3A_953 = tpu.memref_slice %arg10[%dma_wait3A_951, %multiple_of3A_937, %dma_wait3A_952] : memref<8x32x128xf32, #tpu.memory_space<vmem>> -> memref<1x8x128xf32, #tpu.memory_space<vmem>>
      %dma_wait3A_954 = tpu.memref_squeeze %dma_wait3A_953 : memref<1x8x128xf32, #tpu.memory_space<vmem>> -> memref<8x128xf32, #tpu.memory_space<vmem>>
      %dma_wait3A_955 = arith.constant 0 : i32
      %dma_wait3A_956 = arith.constant 0 : i32
      %dma_wait3A_957 = tpu.memref_slice %arg5[%dma_wait3A_955, %dma_wait3A_956] : memref<32x1000000xf32, #tpu.memory_space<hbm>> -> memref<8x128xf32, #tpu.memory_space<hbm>>
      %dma_wait3A_958 = arith.constant 0 : i32
      %dma_wait3A_959 = tpu.memref_slice %arg10[%dma_wait3A_951, %multiple_of3A_937, %dma_wait3A_958] : memref<8x32x128xf32, #tpu.memory_space<vmem>> -> memref<1x8x128xf32, #tpu.memory_space<vmem>>
      %dma_wait3A_960 = tpu.memref_squeeze %dma_wait3A_959 : memref<1x8x128xf32, #tpu.memory_space<vmem>> -> memref<8x128xf32, #tpu.memory_space<vmem>>
      %dma_wait3A_961 = arith.constant 0 : i32
      %dma_wait3A_962 = arith.constant 0 : i32
      %dma_wait3A_963 = tpu.memref_slice %arg5[%dma_wait3A_961, %dma_wait3A_962] : memref<32x1000000xf32, #tpu.memory_space<hbm>> -> memref<8x128xf32, #tpu.memory_space<hbm>>
      tpu.wait_dma2 semaphore(%arg22 : memref<!tpu.dma_semaphore, #tpu.memory_space<semaphore_mem>>) src(%dma_wait3A_963 : memref<8x128xf32, #tpu.memory_space<hbm>>) dst(%dma_wait3A_960 : memref<8x128xf32, #tpu.memory_space<vmem>>)
      %multiple_of3A_964 = arith.constant 16 : i32
      %multiple_of3A_965 = tpu.assume_multiple %multiple_of3A_964, 8 : i32
      %dma_wait3A_966 = arith.constant 1 : i32
      %dma_wait3A_967 = arith.constant 0 : i32
      %dma_wait3A_968 = tpu.memref_slice %arg9[%dma_wait3A_966, %multiple_of3A_965, %dma_wait3A_967] : memref<8x32x128xf32, #tpu.memory_space<vmem>> -> memref<1x8x128xf32, #tpu.memory_space<vmem>>
      %dma_wait3A_969 = tpu.memref_squeeze %dma_wait3A_968 : memref<1x8x128xf32, #tpu.memory_space<vmem>> -> memref<8x128xf32, #tpu.memory_space<vmem>>
      %dma_wait3A_970 = arith.constant 0 : i32
      %dma_wait3A_971 = arith.constant 0 : i32
      %dma_wait3A_972 = tpu.memref_slice %arg4[%dma_wait3A_970, %dma_wait3A_971] : memref<32x1000000xf32, #tpu.memory_space<hbm>> -> memref<8x128xf32, #tpu.memory_space<hbm>>
      %dma_wait3A_973 = arith.constant 0 : i32
      %dma_wait3A_974 = tpu.memref_slice %arg9[%dma_wait3A_966, %multiple_of3A_965, %dma_wait3A_973] : memref<8x32x128xf32, #tpu.memory_space<vmem>> -> memref<1x8x128xf32, #tpu.memory_space<vmem>>
      %dma_wait3A_975 = tpu.memref_squeeze %dma_wait3A_974 : memref<1x8x128xf32, #tpu.memory_space<vmem>> -> memref<8x128xf32, #tpu.memory_space<vmem>>
      %dma_wait3A_976 = arith.constant 0 : i32
      %dma_wait3A_977 = arith.constant 0 : i32
      %dma_wait3A_978 = tpu.memref_slice %arg4[%dma_wait3A_976, %dma_wait3A_977] : memref<32x1000000xf32, #tpu.memory_space<hbm>> -> memref<8x128xf32, #tpu.memory_space<hbm>>
      tpu.wait_dma2 semaphore(%arg14 : memref<!tpu.dma_semaphore, #tpu.memory_space<semaphore_mem>>) src(%dma_wait3A_978 : memref<8x128xf32, #tpu.memory_space<hbm>>) dst(%dma_wait3A_975 : memref<8x128xf32, #tpu.memory_space<vmem>>)
      %dma_wait3A_979 = arith.constant 1 : i32
      %dma_wait3A_980 = arith.constant 0 : i32
      %dma_wait3A_981 = tpu.memref_slice %arg10[%dma_wait3A_979, %multiple_of3A_965, %dma_wait3A_980] : memref<8x32x128xf32, #tpu.memory_space<vmem>> -> memref<1x8x128xf32, #tpu.memory_space<vmem>>
      %dma_wait3A_982 = tpu.memref_squeeze %dma_wait3A_981 : memref<1x8x128xf32, #tpu.memory_space<vmem>> -> memref<8x128xf32, #tpu.memory_space<vmem>>
      %dma_wait3A_983 = arith.constant 0 : i32
      %dma_wait3A_984 = arith.constant 0 : i32
      %dma_wait3A_985 = tpu.memref_slice %arg5[%dma_wait3A_983, %dma_wait3A_984] : memref<32x1000000xf32, #tpu.memory_space<hbm>> -> memref<8x128xf32, #tpu.memory_space<hbm>>
      %dma_wait3A_986 = arith.constant 0 : i32
      %dma_wait3A_987 = tpu.memref_slice %arg10[%dma_wait3A_979, %multiple_of3A_965, %dma_wait3A_986] : memref<8x32x128xf32, #tpu.memory_space<vmem>> -> memref<1x8x128xf32, #tpu.memory_space<vmem>>
      %dma_wait3A_988 = tpu.memref_squeeze %dma_wait3A_987 : memref<1x8x128xf32, #tpu.memory_space<vmem>> -> memref<8x128xf32, #tpu.memory_space<vmem>>
      %dma_wait3A_989 = arith.constant 0 : i32
      %dma_wait3A_990 = arith.constant 0 : i32
      %dma_wait3A_991 = tpu.memref_slice %arg5[%dma_wait3A_989, %dma_wait3A_990] : memref<32x1000000xf32, #tpu.memory_space<hbm>> -> memref<8x128xf32, #tpu.memory_space<hbm>>
      tpu.wait_dma2 semaphore(%arg22 : memref<!tpu.dma_semaphore, #tpu.memory_space<semaphore_mem>>) src(%dma_wait3A_991 : memref<8x128xf32, #tpu.memory_space<hbm>>) dst(%dma_wait3A_988 : memref<8x128xf32, #tpu.memory_space<vmem>>)
      %multiple_of3A_992 = arith.constant 24 : i32
      %multiple_of3A_993 = tpu.assume_multiple %multiple_of3A_992, 8 : i32
      %dma_wait3A_994 = arith.constant 1 : i32
      %dma_wait3A_995 = arith.constant 0 : i32
      %dma_wait3A_996 = tpu.memref_slice %arg9[%dma_wait3A_994, %multiple_of3A_993, %dma_wait3A_995] : memref<8x32x128xf32, #tpu.memory_space<vmem>> -> memref<1x8x128xf32, #tpu.memory_space<vmem>>
      %dma_wait3A_997 = tpu.memref_squeeze %dma_wait3A_996 : memref<1x8x128xf32, #tpu.memory_space<vmem>> -> memref<8x128xf32, #tpu.memory_space<vmem>>
      %dma_wait3A_998 = arith.constant 0 : i32
      %dma_wait3A_999 = arith.constant 0 : i32
      %dma_wait3A_1000 = tpu.memref_slice %arg4[%dma_wait3A_998, %dma_wait3A_999] : memref<32x1000000xf32, #tpu.memory_space<hbm>> -> memref<8x128xf32, #tpu.memory_space<hbm>>
      %dma_wait3A_1001 = arith.constant 0 : i32
      %dma_wait3A_1002 = tpu.memref_slice %arg9[%dma_wait3A_994, %multiple_of3A_993, %dma_wait3A_1001] : memref<8x32x128xf32, #tpu.memory_space<vmem>> -> memref<1x8x128xf32, #tpu.memory_space<vmem>>
      %dma_wait3A_1003 = tpu.memref_squeeze %dma_wait3A_1002 : memref<1x8x128xf32, #tpu.memory_space<vmem>> -> memref<8x128xf32, #tpu.memory_space<vmem>>
      %dma_wait3A_1004 = arith.constant 0 : i32
      %dma_wait3A_1005 = arith.constant 0 : i32
      %dma_wait3A_1006 = tpu.memref_slice %arg4[%dma_wait3A_1004, %dma_wait3A_1005] : memref<32x1000000xf32, #tpu.memory_space<hbm>> -> memref<8x128xf32, #tpu.memory_space<hbm>>
      tpu.wait_dma2 semaphore(%arg14 : memref<!tpu.dma_semaphore, #tpu.memory_space<semaphore_mem>>) src(%dma_wait3A_1006 : memref<8x128xf32, #tpu.memory_space<hbm>>) dst(%dma_wait3A_1003 : memref<8x128xf32, #tpu.memory_space<vmem>>)
      %dma_wait3A_1007 = arith.constant 1 : i32
      %dma_wait3A_1008 = arith.constant 0 : i32
      %dma_wait3A_1009 = tpu.memref_slice %arg10[%dma_wait3A_1007, %multiple_of3A_993, %dma_wait3A_1008] : memref<8x32x128xf32, #tpu.memory_space<vmem>> -> memref<1x8x128xf32, #tpu.memory_space<vmem>>
      %dma_wait3A_1010 = tpu.memref_squeeze %dma_wait3A_1009 : memref<1x8x128xf32, #tpu.memory_space<vmem>> -> memref<8x128xf32, #tpu.memory_space<vmem>>
      %dma_wait3A_1011 = arith.constant 0 : i32
      %dma_wait3A_1012 = arith.constant 0 : i32
      %dma_wait3A_1013 = tpu.memref_slice %arg5[%dma_wait3A_1011, %dma_wait3A_1012] : memref<32x1000000xf32, #tpu.memory_space<hbm>> -> memref<8x128xf32, #tpu.memory_space<hbm>>
      %dma_wait3A_1014 = arith.constant 0 : i32
      %dma_wait3A_1015 = tpu.memref_slice %arg10[%dma_wait3A_1007, %multiple_of3A_993, %dma_wait3A_1014] : memref<8x32x128xf32, #tpu.memory_space<vmem>> -> memref<1x8x128xf32, #tpu.memory_space<vmem>>
      %dma_wait3A_1016 = tpu.memref_squeeze %dma_wait3A_1015 : memref<1x8x128xf32, #tpu.memory_space<vmem>> -> memref<8x128xf32, #tpu.memory_space<vmem>>
      %dma_wait3A_1017 = arith.constant 0 : i32
      %dma_wait3A_1018 = arith.constant 0 : i32
      %dma_wait3A_1019 = tpu.memref_slice %arg5[%dma_wait3A_1017, %dma_wait3A_1018] : memref<32x1000000xf32, #tpu.memory_space<hbm>> -> memref<8x128xf32, #tpu.memory_space<hbm>>
      tpu.wait_dma2 semaphore(%arg22 : memref<!tpu.dma_semaphore, #tpu.memory_space<semaphore_mem>>) src(%dma_wait3A_1019 : memref<8x128xf32, #tpu.memory_space<hbm>>) dst(%dma_wait3A_1016 : memref<8x128xf32, #tpu.memory_space<vmem>>)
      %slice3A_1020 = vector.extract_strided_slice %and3A_726 {offsets = [1], sizes = [1], strides = [1]} : vector<16xi32> to vector<1xi32>
      %squeeze3A_1021 = vector.extract %slice3A_1020[0] : i32 from vector<1xi32>
      %broadcast_in_dim3A_1022 = vector.broadcast %squeeze3A_1021 : i32 to vector<16xi32>
      %slice3A_1023 = vector.extract_strided_slice %and3A_729 {offsets = [1], sizes = [1], strides = [1]} : vector<16xi32> to vector<1xi32>
      %squeeze3A_1024 = vector.extract %slice3A_1023[0] : i32 from vector<1xi32>
      %broadcast_in_dim3A_1025 = vector.broadcast %squeeze3A_1024 : i32 to vector<16xi32>
      %gather3A_1026 = arith.constant 1 : i32
      %gather3A_1027 = arith.constant 0 : i32
      %gather3A_1028 = arith.constant 0 : i32
      %gather3A_1029 = tpu.memref_slice %arg9[%gather3A_1026, %gather3A_1027, %gather3A_1028] : memref<8x32x128xf32, #tpu.memory_space<vmem>> -> memref<1x32x128xf32, #tpu.memory_space<vmem>>
      %gather3A_1030 = tpu.memref_squeeze %gather3A_1029 : memref<1x32x128xf32, #tpu.memory_space<vmem>> -> memref<32x128xf32, #tpu.memory_space<vmem>>
      %gather3A_1031 = tpu.vector_load_idx %gather3A_1030[%iota3A, %broadcast_in_dim3A_1022] : memref<32x128xf32, #tpu.memory_space<vmem>>[vector<16xi32>, vector<16xi32>], vector<16xf32>,
      %gather3A_1032 = arith.constant 1 : i32
      %gather3A_1033 = arith.constant 0 : i32
      %gather3A_1034 = arith.constant 0 : i32
      %gather3A_1035 = tpu.memref_slice %arg9[%gather3A_1032, %gather3A_1033, %gather3A_1034] : memref<8x32x128xf32, #tpu.memory_space<vmem>> -> memref<1x32x128xf32, #tpu.memory_space<vmem>>
      %gather3A_1036 = tpu.memref_squeeze %gather3A_1035 : memref<1x32x128xf32, #tpu.memory_space<vmem>> -> memref<32x128xf32, #tpu.memory_space<vmem>>
      %gather3A_1037 = tpu.vector_load_idx %gather3A_1036[%add3A_5, %broadcast_in_dim3A_1022] : memref<32x128xf32, #tpu.memory_space<vmem>>[vector<16xi32>, vector<16xi32>], vector<16xf32>,
      %gather3A_1038 = arith.constant 1 : i32
      %gather3A_1039 = arith.constant 0 : i32
      %gather3A_1040 = arith.constant 0 : i32
      %gather3A_1041 = tpu.memref_slice %arg10[%gather3A_1038, %gather3A_1039, %gather3A_1040] : memref<8x32x128xf32, #tpu.memory_space<vmem>> -> memref<1x32x128xf32, #tpu.memory_space<vmem>>
      %gather3A_1042 = tpu.memref_squeeze %gather3A_1041 : memref<1x32x128xf32, #tpu.memory_space<vmem>> -> memref<32x128xf32, #tpu.memory_space<vmem>>
      %gather3A_1043 = tpu.vector_load_idx %gather3A_1042[%iota3A, %broadcast_in_dim3A_1025] : memref<32x128xf32, #tpu.memory_space<vmem>>[vector<16xi32>, vector<16xi32>], vector<16xf32>,
      %gather3A_1044 = arith.constant 1 : i32
      %gather3A_1045 = arith.constant 0 : i32
      %gather3A_1046 = arith.constant 0 : i32
      %gather3A_1047 = tpu.memref_slice %arg10[%gather3A_1044, %gather3A_1045, %gather3A_1046] : memref<8x32x128xf32, #tpu.memory_space<vmem>> -> memref<1x32x128xf32, #tpu.memory_space<vmem>>
      %gather3A_1048 = tpu.memref_squeeze %gather3A_1047 : memref<1x32x128xf32, #tpu.memory_space<vmem>> -> memref<32x128xf32, #tpu.memory_space<vmem>>
      %gather3A_1049 = tpu.vector_load_idx %gather3A_1048[%add3A_5, %broadcast_in_dim3A_1025] : memref<32x128xf32, #tpu.memory_space<vmem>>[vector<16xi32>, vector<16xi32>], vector<16xf32>,
      %mul3A_1050 = arith.mulf %gather3A_1031, %gather3A_1043 : vector<16xf32>
      %mul3A_1051 = arith.mulf %gather3A_1037, %gather3A_1049 : vector<16xf32>
      %add3A_1052 = arith.addf %mul3A_1050, %mul3A_1051 : vector<16xf32>
      %add3A_1053 = arith.constant 1 : i32
      %add3A_1054 = arith.addi %scan3A_717, %add3A_1053 : i32
      %lt3A_1055 = arith.constant 64 : i32
      %lt3A_1056 = arith.cmpi slt, %add3A_1054, %lt3A_1055 : i32
      %convert_element_type3A_1057 = arith.extui %lt3A_1056 : i1 to i32
      %cond3A_1058 = arith.constant 0 : i32
      %cond3A_1059 = arith.cmpi ne, %convert_element_type3A_1057, %cond3A_1058 : i32
      scf.if %cond3A_1059 {
        %slice3A_2024 = vector.extract_strided_slice %mul3A_744 {offsets = [1], sizes = [1], strides = [1]} : vector<16xi32> to vector<1xi32>
        %squeeze3A_2025 = vector.extract %slice3A_2024[0] : i32 from vector<1xi32>
        %multiple_of3A_2026 = tpu.assume_multiple %squeeze3A_2025, 128 : i32
        %slice3A_2027 = vector.extract_strided_slice %mul3A_750 {offsets = [1], sizes = [1], strides = [1]} : vector<16xi32> to vector<1xi32>
        %squeeze3A_2028 = vector.extract %slice3A_2027[0] : i32 from vector<1xi32>
        %multiple_of3A_2029 = tpu.assume_multiple %squeeze3A_2028, 128 : i32
        %multiple_of3A_2030 = arith.constant 0 : i32
        %multiple_of3A_2031 = tpu.assume_multiple %multiple_of3A_2030, 8 : i32
        %dma_start3A_2032 = arith.constant 1 : i32
        %dma_start3A_2033 = arith.constant 0 : i32
        %dma_start3A_2034 = tpu.memref_slice %arg9[%dma_start3A_2032, %multiple_of3A_2031, %dma_start3A_2033] : memref<8x32x128xf32, #tpu.memory_space<vmem>> -> memref<1x8x128xf32, #tpu.memory_space<vmem>>
        %dma_start3A_2035 = tpu.memref_squeeze %dma_start3A_2034 : memref<1x8x128xf32, #tpu.memory_space<vmem>> -> memref<8x128xf32, #tpu.memory_space<vmem>>
        %dma_start3A_2036 = tpu.memref_slice %arg4[%multiple_of3A_2031, %multiple_of3A_2026] : memref<32x1000000xf32, #tpu.memory_space<hbm>> -> memref<8x128xf32, #tpu.memory_space<hbm>>
        %dma_start3A_2037 = arith.constant 0 : i32
        %dma_start3A_2038 = tpu.memref_slice %arg9[%dma_start3A_2032, %multiple_of3A_2031, %dma_start3A_2037] : memref<8x32x128xf32, #tpu.memory_space<vmem>> -> memref<1x8x128xf32, #tpu.memory_space<vmem>>
        %dma_start3A_2039 = tpu.memref_squeeze %dma_start3A_2038 : memref<1x8x128xf32, #tpu.memory_space<vmem>> -> memref<8x128xf32, #tpu.memory_space<vmem>>
        %dma_start3A_2040 = tpu.memref_slice %arg4[%multiple_of3A_2031, %multiple_of3A_2026] : memref<32x1000000xf32, #tpu.memory_space<hbm>> -> memref<8x128xf32, #tpu.memory_space<hbm>>
        tpu.enqueue_dma source(%dma_start3A_2040 : memref<8x128xf32, #tpu.memory_space<hbm>>) target(%dma_start3A_2039 : memref<8x128xf32, #tpu.memory_space<vmem>>) target_semaphore(%arg14 : memref<!tpu.dma_semaphore, #tpu.memory_space<semaphore_mem>>)
        %dma_start3A_2041 = arith.constant 1 : i32
        %dma_start3A_2042 = arith.constant 0 : i32
        %dma_start3A_2043 = tpu.memref_slice %arg10[%dma_start3A_2041, %multiple_of3A_2031, %dma_start3A_2042] : memref<8x32x128xf32, #tpu.memory_space<vmem>> -> memref<1x8x128xf32, #tpu.memory_space<vmem>>
        %dma_start3A_2044 = tpu.memref_squeeze %dma_start3A_2043 : memref<1x8x128xf32, #tpu.memory_space<vmem>> -> memref<8x128xf32, #tpu.memory_space<vmem>>
        %dma_start3A_2045 = tpu.memref_slice %arg5[%multiple_of3A_2031, %multiple_of3A_2029] : memref<32x1000000xf32, #tpu.memory_space<hbm>> -> memref<8x128xf32, #tpu.memory_space<hbm>>
        %dma_start3A_2046 = arith.constant 0 : i32
        %dma_start3A_2047 = tpu.memref_slice %arg10[%dma_start3A_2041, %multiple_of3A_2031, %dma_start3A_2046] : memref<8x32x128xf32, #tpu.memory_space<vmem>> -> memref<1x8x128xf32, #tpu.memory_space<vmem>>
        %dma_start3A_2048 = tpu.memref_squeeze %dma_start3A_2047 : memref<1x8x128xf32, #tpu.memory_space<vmem>> -> memref<8x128xf32, #tpu.memory_space<vmem>>
        %dma_start3A_2049 = tpu.memref_slice %arg5[%multiple_of3A_2031, %multiple_of3A_2029] : memref<32x1000000xf32, #tpu.memory_space<hbm>> -> memref<8x128xf32, #tpu.memory_space<hbm>>
        tpu.enqueue_dma source(%dma_start3A_2049 : memref<8x128xf32, #tpu.memory_space<hbm>>) target(%dma_start3A_2048 : memref<8x128xf32, #tpu.memory_space<vmem>>) target_semaphore(%arg22 : memref<!tpu.dma_semaphore, #tpu.memory_space<semaphore_mem>>)
        %multiple_of3A_2050 = arith.constant 8 : i32
        %multiple_of3A_2051 = tpu.assume_multiple %multiple_of3A_2050, 8 : i32
        %dma_start3A_2052 = arith.constant 1 : i32
        %dma_start3A_2053 = arith.constant 0 : i32
        %dma_start3A_2054 = tpu.memref_slice %arg9[%dma_start3A_2052, %multiple_of3A_2051, %dma_start3A_2053] : memref<8x32x128xf32, #tpu.memory_space<vmem>> -> memref<1x8x128xf32, #tpu.memory_space<vmem>>
        %dma_start3A_2055 = tpu.memref_squeeze %dma_start3A_2054 : memref<1x8x128xf32, #tpu.memory_space<vmem>> -> memref<8x128xf32, #tpu.memory_space<vmem>>
        %dma_start3A_2056 = tpu.memref_slice %arg4[%multiple_of3A_2051, %multiple_of3A_2026] : memref<32x1000000xf32, #tpu.memory_space<hbm>> -> memref<8x128xf32, #tpu.memory_space<hbm>>
        %dma_start3A_2057 = arith.constant 0 : i32
        %dma_start3A_2058 = tpu.memref_slice %arg9[%dma_start3A_2052, %multiple_of3A_2051, %dma_start3A_2057] : memref<8x32x128xf32, #tpu.memory_space<vmem>> -> memref<1x8x128xf32, #tpu.memory_space<vmem>>
        %dma_start3A_2059 = tpu.memref_squeeze %dma_start3A_2058 : memref<1x8x128xf32, #tpu.memory_space<vmem>> -> memref<8x128xf32, #tpu.memory_space<vmem>>
        %dma_start3A_2060 = tpu.memref_slice %arg4[%multiple_of3A_2051, %multiple_of3A_2026] : memref<32x1000000xf32, #tpu.memory_space<hbm>> -> memref<8x128xf32, #tpu.memory_space<hbm>>
        tpu.enqueue_dma source(%dma_start3A_2060 : memref<8x128xf32, #tpu.memory_space<hbm>>) target(%dma_start3A_2059 : memref<8x128xf32, #tpu.memory_space<vmem>>) target_semaphore(%arg14 : memref<!tpu.dma_semaphore, #tpu.memory_space<semaphore_mem>>)
        %dma_start3A_2061 = arith.constant 1 : i32
        %dma_start3A_2062 = arith.constant 0 : i32
        %dma_start3A_2063 = tpu.memref_slice %arg10[%dma_start3A_2061, %multiple_of3A_2051, %dma_start3A_2062] : memref<8x32x128xf32, #tpu.memory_space<vmem>> -> memref<1x8x128xf32, #tpu.memory_space<vmem>>
        %dma_start3A_2064 = tpu.memref_squeeze %dma_start3A_2063 : memref<1x8x128xf32, #tpu.memory_space<vmem>> -> memref<8x128xf32, #tpu.memory_space<vmem>>
        %dma_start3A_2065 = tpu.memref_slice %arg5[%multiple_of3A_2051, %multiple_of3A_2029] : memref<32x1000000xf32, #tpu.memory_space<hbm>> -> memref<8x128xf32, #tpu.memory_space<hbm>>
        %dma_start3A_2066 = arith.constant 0 : i32
        %dma_start3A_2067 = tpu.memref_slice %arg10[%dma_start3A_2061, %multiple_of3A_2051, %dma_start3A_2066] : memref<8x32x128xf32, #tpu.memory_space<vmem>> -> memref<1x8x128xf32, #tpu.memory_space<vmem>>
        %dma_start3A_2068 = tpu.memref_squeeze %dma_start3A_2067 : memref<1x8x128xf32, #tpu.memory_space<vmem>> -> memref<8x128xf32, #tpu.memory_space<vmem>>
        %dma_start3A_2069 = tpu.memref_slice %arg5[%multiple_of3A_2051, %multiple_of3A_2029] : memref<32x1000000xf32, #tpu.memory_space<hbm>> -> memref<8x128xf32, #tpu.memory_space<hbm>>
        tpu.enqueue_dma source(%dma_start3A_2069 : memref<8x128xf32, #tpu.memory_space<hbm>>) target(%dma_start3A_2068 : memref<8x128xf32, #tpu.memory_space<vmem>>) target_semaphore(%arg22 : memref<!tpu.dma_semaphore, #tpu.memory_space<semaphore_mem>>)
        %multiple_of3A_2070 = arith.constant 16 : i32
        %multiple_of3A_2071 = tpu.assume_multiple %multiple_of3A_2070, 8 : i32
        %dma_start3A_2072 = arith.constant 1 : i32
        %dma_start3A_2073 = arith.constant 0 : i32
        %dma_start3A_2074 = tpu.memref_slice %arg9[%dma_start3A_2072, %multiple_of3A_2071, %dma_start3A_2073] : memref<8x32x128xf32, #tpu.memory_space<vmem>> -> memref<1x8x128xf32, #tpu.memory_space<vmem>>
        %dma_start3A_2075 = tpu.memref_squeeze %dma_start3A_2074 : memref<1x8x128xf32, #tpu.memory_space<vmem>> -> memref<8x128xf32, #tpu.memory_space<vmem>>
        %dma_start3A_2076 = tpu.memref_slice %arg4[%multiple_of3A_2071, %multiple_of3A_2026] : memref<32x1000000xf32, #tpu.memory_space<hbm>> -> memref<8x128xf32, #tpu.memory_space<hbm>>
        %dma_start3A_2077 = arith.constant 0 : i32
        %dma_start3A_2078 = tpu.memref_slice %arg9[%dma_start3A_2072, %multiple_of3A_2071, %dma_start3A_2077] : memref<8x32x128xf32, #tpu.memory_space<vmem>> -> memref<1x8x128xf32, #tpu.memory_space<vmem>>
        %dma_start3A_2079 = tpu.memref_squeeze %dma_start3A_2078 : memref<1x8x128xf32, #tpu.memory_space<vmem>> -> memref<8x128xf32, #tpu.memory_space<vmem>>
        %dma_start3A_2080 = tpu.memref_slice %arg4[%multiple_of3A_2071, %multiple_of3A_2026] : memref<32x1000000xf32, #tpu.memory_space<hbm>> -> memref<8x128xf32, #tpu.memory_space<hbm>>
        tpu.enqueue_dma source(%dma_start3A_2080 : memref<8x128xf32, #tpu.memory_space<hbm>>) target(%dma_start3A_2079 : memref<8x128xf32, #tpu.memory_space<vmem>>) target_semaphore(%arg14 : memref<!tpu.dma_semaphore, #tpu.memory_space<semaphore_mem>>)
        %dma_start3A_2081 = arith.constant 1 : i32
        %dma_start3A_2082 = arith.constant 0 : i32
        %dma_start3A_2083 = tpu.memref_slice %arg10[%dma_start3A_2081, %multiple_of3A_2071, %dma_start3A_2082] : memref<8x32x128xf32, #tpu.memory_space<vmem>> -> memref<1x8x128xf32, #tpu.memory_space<vmem>>
        %dma_start3A_2084 = tpu.memref_squeeze %dma_start3A_2083 : memref<1x8x128xf32, #tpu.memory_space<vmem>> -> memref<8x128xf32, #tpu.memory_space<vmem>>
        %dma_start3A_2085 = tpu.memref_slice %arg5[%multiple_of3A_2071, %multiple_of3A_2029] : memref<32x1000000xf32, #tpu.memory_space<hbm>> -> memref<8x128xf32, #tpu.memory_space<hbm>>
        %dma_start3A_2086 = arith.constant 0 : i32
        %dma_start3A_2087 = tpu.memref_slice %arg10[%dma_start3A_2081, %multiple_of3A_2071, %dma_start3A_2086] : memref<8x32x128xf32, #tpu.memory_space<vmem>> -> memref<1x8x128xf32, #tpu.memory_space<vmem>>
        %dma_start3A_2088 = tpu.memref_squeeze %dma_start3A_2087 : memref<1x8x128xf32, #tpu.memory_space<vmem>> -> memref<8x128xf32, #tpu.memory_space<vmem>>
        %dma_start3A_2089 = tpu.memref_slice %arg5[%multiple_of3A_2071, %multiple_of3A_2029] : memref<32x1000000xf32, #tpu.memory_space<hbm>> -> memref<8x128xf32, #tpu.memory_space<hbm>>
        tpu.enqueue_dma source(%dma_start3A_2089 : memref<8x128xf32, #tpu.memory_space<hbm>>) target(%dma_start3A_2088 : memref<8x128xf32, #tpu.memory_space<vmem>>) target_semaphore(%arg22 : memref<!tpu.dma_semaphore, #tpu.memory_space<semaphore_mem>>)
        %multiple_of3A_2090 = arith.constant 24 : i32
        %multiple_of3A_2091 = tpu.assume_multiple %multiple_of3A_2090, 8 : i32
        %dma_start3A_2092 = arith.constant 1 : i32
        %dma_start3A_2093 = arith.constant 0 : i32
        %dma_start3A_2094 = tpu.memref_slice %arg9[%dma_start3A_2092, %multiple_of3A_2091, %dma_start3A_2093] : memref<8x32x128xf32, #tpu.memory_space<vmem>> -> memref<1x8x128xf32, #tpu.memory_space<vmem>>
        %dma_start3A_2095 = tpu.memref_squeeze %dma_start3A_2094 : memref<1x8x128xf32, #tpu.memory_space<vmem>> -> memref<8x128xf32, #tpu.memory_space<vmem>>
        %dma_start3A_2096 = tpu.memref_slice %arg4[%multiple_of3A_2091, %multiple_of3A_2026] : memref<32x1000000xf32, #tpu.memory_space<hbm>> -> memref<8x128xf32, #tpu.memory_space<hbm>>
        %dma_start3A_2097 = arith.constant 0 : i32
        %dma_start3A_2098 = tpu.memref_slice %arg9[%dma_start3A_2092, %multiple_of3A_2091, %dma_start3A_2097] : memref<8x32x128xf32, #tpu.memory_space<vmem>> -> memref<1x8x128xf32, #tpu.memory_space<vmem>>
        %dma_start3A_2099 = tpu.memref_squeeze %dma_start3A_2098 : memref<1x8x128xf32, #tpu.memory_space<vmem>> -> memref<8x128xf32, #tpu.memory_space<vmem>>
        %dma_start3A_2100 = tpu.memref_slice %arg4[%multiple_of3A_2091, %multiple_of3A_2026] : memref<32x1000000xf32, #tpu.memory_space<hbm>> -> memref<8x128xf32, #tpu.memory_space<hbm>>
        tpu.enqueue_dma source(%dma_start3A_2100 : memref<8x128xf32, #tpu.memory_space<hbm>>) target(%dma_start3A_2099 : memref<8x128xf32, #tpu.memory_space<vmem>>) target_semaphore(%arg14 : memref<!tpu.dma_semaphore, #tpu.memory_space<semaphore_mem>>)
        %dma_start3A_2101 = arith.constant 1 : i32
        %dma_start3A_2102 = arith.constant 0 : i32
        %dma_start3A_2103 = tpu.memref_slice %arg10[%dma_start3A_2101, %multiple_of3A_2091, %dma_start3A_2102] : memref<8x32x128xf32, #tpu.memory_space<vmem>> -> memref<1x8x128xf32, #tpu.memory_space<vmem>>
        %dma_start3A_2104 = tpu.memref_squeeze %dma_start3A_2103 : memref<1x8x128xf32, #tpu.memory_space<vmem>> -> memref<8x128xf32, #tpu.memory_space<vmem>>
        %dma_start3A_2105 = tpu.memref_slice %arg5[%multiple_of3A_2091, %multiple_of3A_2029] : memref<32x1000000xf32, #tpu.memory_space<hbm>> -> memref<8x128xf32, #tpu.memory_space<hbm>>
        %dma_start3A_2106 = arith.constant 0 : i32
        %dma_start3A_2107 = tpu.memref_slice %arg10[%dma_start3A_2101, %multiple_of3A_2091, %dma_start3A_2106] : memref<8x32x128xf32, #tpu.memory_space<vmem>> -> memref<1x8x128xf32, #tpu.memory_space<vmem>>
        %dma_start3A_2108 = tpu.memref_squeeze %dma_start3A_2107 : memref<1x8x128xf32, #tpu.memory_space<vmem>> -> memref<8x128xf32, #tpu.memory_space<vmem>>
        %dma_start3A_2109 = tpu.memref_slice %arg5[%multiple_of3A_2091, %multiple_of3A_2029] : memref<32x1000000xf32, #tpu.memory_space<hbm>> -> memref<8x128xf32, #tpu.memory_space<hbm>>
        tpu.enqueue_dma source(%dma_start3A_2109 : memref<8x128xf32, #tpu.memory_space<hbm>>) target(%dma_start3A_2108 : memref<8x128xf32, #tpu.memory_space<vmem>>) target_semaphore(%arg22 : memref<!tpu.dma_semaphore, #tpu.memory_space<semaphore_mem>>)
      } else {
      }
      %mul3A_1060 = arith.constant 17 : i32
      %mul3A_1061 = arith.muli %add3A_907, %mul3A_1060 : i32
      %swap3A_1062 = arith.index_cast %mul3A_1061 : i32 to index
      %swap3A_1063 = tpu.vector_load %arg11[%swap3A_1062] {strides = array<i32>} : memref<8704xf32, #tpu.memory_space<vmem>>, vector<16xf32>,
      tpu.vector_store %arg11[%swap3A_1062], %add3A_1052 {strides = array<i32>} : memref<8704xf32, #tpu.memory_space<vmem>>, vector<16xf32>,
      %mul3A_1064 = arith.constant 8 : i32
      %mul3A_1065 = arith.muli %scan3A_717, %mul3A_1064 : i32
      %add3A_1066 = arith.constant 2 : i32
      %add3A_1067 = arith.addi %mul3A_1065, %add3A_1066 : i32
      %multiple_of3A_1068 = arith.constant 0 : i32
      %multiple_of3A_1069 = tpu.assume_multiple %multiple_of3A_1068, 8 : i32
      %dma_wait3A_1070 = arith.constant 2 : i32
      %dma_wait3A_1071 = arith.constant 0 : i32
      %dma_wait3A_1072 = tpu.memref_slice %arg9[%dma_wait3A_1070, %multiple_of3A_1069, %dma_wait3A_1071] : memref<8x32x128xf32, #tpu.memory_space<vmem>> -> memref<1x8x128xf32, #tpu.memory_space<vmem>>
      %dma_wait3A_1073 = tpu.memref_squeeze %dma_wait3A_1072 : memref<1x8x128xf32, #tpu.memory_space<vmem>> -> memref<8x128xf32, #tpu.memory_space<vmem>>
      %dma_wait3A_1074 = arith.constant 0 : i32
      %dma_wait3A_1075 = arith.constant 0 : i32
      %dma_wait3A_1076 = tpu.memref_slice %arg4[%dma_wait3A_1074, %dma_wait3A_1075] : memref<32x1000000xf32, #tpu.memory_space<hbm>> -> memref<8x128xf32, #tpu.memory_space<hbm>>
      %dma_wait3A_1077 = arith.constant 0 : i32
      %dma_wait3A_1078 = tpu.memref_slice %arg9[%dma_wait3A_1070, %multiple_of3A_1069, %dma_wait3A_1077] : memref<8x32x128xf32, #tpu.memory_space<vmem>> -> memref<1x8x128xf32, #tpu.memory_space<vmem>>
      %dma_wait3A_1079 = tpu.memref_squeeze %dma_wait3A_1078 : memref<1x8x128xf32, #tpu.memory_space<vmem>> -> memref<8x128xf32, #tpu.memory_space<vmem>>
      %dma_wait3A_1080 = arith.constant 0 : i32
      %dma_wait3A_1081 = arith.constant 0 : i32
      %dma_wait3A_1082 = tpu.memref_slice %arg4[%dma_wait3A_1080, %dma_wait3A_1081] : memref<32x1000000xf32, #tpu.memory_space<hbm>> -> memref<8x128xf32, #tpu.memory_space<hbm>>
      tpu.wait_dma2 semaphore(%arg15 : memref<!tpu.dma_semaphore, #tpu.memory_space<semaphore_mem>>) src(%dma_wait3A_1082 : memref<8x128xf32, #tpu.memory_space<hbm>>) dst(%dma_wait3A_1079 : memref<8x128xf32, #tpu.memory_space<vmem>>)
      %dma_wait3A_1083 = arith.constant 2 : i32
      %dma_wait3A_1084 = arith.constant 0 : i32
      %dma_wait3A_1085 = tpu.memref_slice %arg10[%dma_wait3A_1083, %multiple_of3A_1069, %dma_wait3A_1084] : memref<8x32x128xf32, #tpu.memory_space<vmem>> -> memref<1x8x128xf32, #tpu.memory_space<vmem>>
      %dma_wait3A_1086 = tpu.memref_squeeze %dma_wait3A_1085 : memref<1x8x128xf32, #tpu.memory_space<vmem>> -> memref<8x128xf32, #tpu.memory_space<vmem>>
      %dma_wait3A_1087 = arith.constant 0 : i32
      %dma_wait3A_1088 = arith.constant 0 : i32
      %dma_wait3A_1089 = tpu.memref_slice %arg5[%dma_wait3A_1087, %dma_wait3A_1088] : memref<32x1000000xf32, #tpu.memory_space<hbm>> -> memref<8x128xf32, #tpu.memory_space<hbm>>
      %dma_wait3A_1090 = arith.constant 0 : i32
      %dma_wait3A_1091 = tpu.memref_slice %arg10[%dma_wait3A_1083, %multiple_of3A_1069, %dma_wait3A_1090] : memref<8x32x128xf32, #tpu.memory_space<vmem>> -> memref<1x8x128xf32, #tpu.memory_space<vmem>>
      %dma_wait3A_1092 = tpu.memref_squeeze %dma_wait3A_1091 : memref<1x8x128xf32, #tpu.memory_space<vmem>> -> memref<8x128xf32, #tpu.memory_space<vmem>>
      %dma_wait3A_1093 = arith.constant 0 : i32
      %dma_wait3A_1094 = arith.constant 0 : i32
      %dma_wait3A_1095 = tpu.memref_slice %arg5[%dma_wait3A_1093, %dma_wait3A_1094] : memref<32x1000000xf32, #tpu.memory_space<hbm>> -> memref<8x128xf32, #tpu.memory_space<hbm>>
      tpu.wait_dma2 semaphore(%arg23 : memref<!tpu.dma_semaphore, #tpu.memory_space<semaphore_mem>>) src(%dma_wait3A_1095 : memref<8x128xf32, #tpu.memory_space<hbm>>) dst(%dma_wait3A_1092 : memref<8x128xf32, #tpu.memory_space<vmem>>)
      %multiple_of3A_1096 = arith.constant 8 : i32
      %multiple_of3A_1097 = tpu.assume_multiple %multiple_of3A_1096, 8 : i32
      %dma_wait3A_1098 = arith.constant 2 : i32
      %dma_wait3A_1099 = arith.constant 0 : i32
      %dma_wait3A_1100 = tpu.memref_slice %arg9[%dma_wait3A_1098, %multiple_of3A_1097, %dma_wait3A_1099] : memref<8x32x128xf32, #tpu.memory_space<vmem>> -> memref<1x8x128xf32, #tpu.memory_space<vmem>>
      %dma_wait3A_1101 = tpu.memref_squeeze %dma_wait3A_1100 : memref<1x8x128xf32, #tpu.memory_space<vmem>> -> memref<8x128xf32, #tpu.memory_space<vmem>>
      %dma_wait3A_1102 = arith.constant 0 : i32
      %dma_wait3A_1103 = arith.constant 0 : i32
      %dma_wait3A_1104 = tpu.memref_slice %arg4[%dma_wait3A_1102, %dma_wait3A_1103] : memref<32x1000000xf32, #tpu.memory_space<hbm>> -> memref<8x128xf32, #tpu.memory_space<hbm>>
      %dma_wait3A_1105 = arith.constant 0 : i32
      %dma_wait3A_1106 = tpu.memref_slice %arg9[%dma_wait3A_1098, %multiple_of3A_1097, %dma_wait3A_1105] : memref<8x32x128xf32, #tpu.memory_space<vmem>> -> memref<1x8x128xf32, #tpu.memory_space<vmem>>
      %dma_wait3A_1107 = tpu.memref_squeeze %dma_wait3A_1106 : memref<1x8x128xf32, #tpu.memory_space<vmem>> -> memref<8x128xf32, #tpu.memory_space<vmem>>
      %dma_wait3A_1108 = arith.constant 0 : i32
      %dma_wait3A_1109 = arith.constant 0 : i32
      %dma_wait3A_1110 = tpu.memref_slice %arg4[%dma_wait3A_1108, %dma_wait3A_1109] : memref<32x1000000xf32, #tpu.memory_space<hbm>> -> memref<8x128xf32, #tpu.memory_space<hbm>>
      tpu.wait_dma2 semaphore(%arg15 : memref<!tpu.dma_semaphore, #tpu.memory_space<semaphore_mem>>) src(%dma_wait3A_1110 : memref<8x128xf32, #tpu.memory_space<hbm>>) dst(%dma_wait3A_1107 : memref<8x128xf32, #tpu.memory_space<vmem>>)
      %dma_wait3A_1111 = arith.constant 2 : i32
      %dma_wait3A_1112 = arith.constant 0 : i32
      %dma_wait3A_1113 = tpu.memref_slice %arg10[%dma_wait3A_1111, %multiple_of3A_1097, %dma_wait3A_1112] : memref<8x32x128xf32, #tpu.memory_space<vmem>> -> memref<1x8x128xf32, #tpu.memory_space<vmem>>
      %dma_wait3A_1114 = tpu.memref_squeeze %dma_wait3A_1113 : memref<1x8x128xf32, #tpu.memory_space<vmem>> -> memref<8x128xf32, #tpu.memory_space<vmem>>
      %dma_wait3A_1115 = arith.constant 0 : i32
      %dma_wait3A_1116 = arith.constant 0 : i32
      %dma_wait3A_1117 = tpu.memref_slice %arg5[%dma_wait3A_1115, %dma_wait3A_1116] : memref<32x1000000xf32, #tpu.memory_space<hbm>> -> memref<8x128xf32, #tpu.memory_space<hbm>>
      %dma_wait3A_1118 = arith.constant 0 : i32
      %dma_wait3A_1119 = tpu.memref_slice %arg10[%dma_wait3A_1111, %multiple_of3A_1097, %dma_wait3A_1118] : memref<8x32x128xf32, #tpu.memory_space<vmem>> -> memref<1x8x128xf32, #tpu.memory_space<vmem>>
      %dma_wait3A_1120 = tpu.memref_squeeze %dma_wait3A_1119 : memref<1x8x128xf32, #tpu.memory_space<vmem>> -> memref<8x128xf32, #tpu.memory_space<vmem>>
      %dma_wait3A_1121 = arith.constant 0 : i32
      %dma_wait3A_1122 = arith.constant 0 : i32
      %dma_wait3A_1123 = tpu.memref_slice %arg5[%dma_wait3A_1121, %dma_wait3A_1122] : memref<32x1000000xf32, #tpu.memory_space<hbm>> -> memref<8x128xf32, #tpu.memory_space<hbm>>
      tpu.wait_dma2 semaphore(%arg23 : memref<!tpu.dma_semaphore, #tpu.memory_space<semaphore_mem>>) src(%dma_wait3A_1123 : memref<8x128xf32, #tpu.memory_space<hbm>>) dst(%dma_wait3A_1120 : memref<8x128xf32, #tpu.memory_space<vmem>>)
      %multiple_of3A_1124 = arith.constant 16 : i32
      %multiple_of3A_1125 = tpu.assume_multiple %multiple_of3A_1124, 8 : i32
      %dma_wait3A_1126 = arith.constant 2 : i32
      %dma_wait3A_1127 = arith.constant 0 : i32
      %dma_wait3A_1128 = tpu.memref_slice %arg9[%dma_wait3A_1126, %multiple_of3A_1125, %dma_wait3A_1127] : memref<8x32x128xf32, #tpu.memory_space<vmem>> -> memref<1x8x128xf32, #tpu.memory_space<vmem>>
      %dma_wait3A_1129 = tpu.memref_squeeze %dma_wait3A_1128 : memref<1x8x128xf32, #tpu.memory_space<vmem>> -> memref<8x128xf32, #tpu.memory_space<vmem>>
      %dma_wait3A_1130 = arith.constant 0 : i32
      %dma_wait3A_1131 = arith.constant 0 : i32
      %dma_wait3A_1132 = tpu.memref_slice %arg4[%dma_wait3A_1130, %dma_wait3A_1131] : memref<32x1000000xf32, #tpu.memory_space<hbm>> -> memref<8x128xf32, #tpu.memory_space<hbm>>
      %dma_wait3A_1133 = arith.constant 0 : i32
      %dma_wait3A_1134 = tpu.memref_slice %arg9[%dma_wait3A_1126, %multiple_of3A_1125, %dma_wait3A_1133] : memref<8x32x128xf32, #tpu.memory_space<vmem>> -> memref<1x8x128xf32, #tpu.memory_space<vmem>>
      %dma_wait3A_1135 = tpu.memref_squeeze %dma_wait3A_1134 : memref<1x8x128xf32, #tpu.memory_space<vmem>> -> memref<8x128xf32, #tpu.memory_space<vmem>>
      %dma_wait3A_1136 = arith.constant 0 : i32
      %dma_wait3A_1137 = arith.constant 0 : i32
      %dma_wait3A_1138 = tpu.memref_slice %arg4[%dma_wait3A_1136, %dma_wait3A_1137] : memref<32x1000000xf32, #tpu.memory_space<hbm>> -> memref<8x128xf32, #tpu.memory_space<hbm>>
      tpu.wait_dma2 semaphore(%arg15 : memref<!tpu.dma_semaphore, #tpu.memory_space<semaphore_mem>>) src(%dma_wait3A_1138 : memref<8x128xf32, #tpu.memory_space<hbm>>) dst(%dma_wait3A_1135 : memref<8x128xf32, #tpu.memory_space<vmem>>)
      %dma_wait3A_1139 = arith.constant 2 : i32
      %dma_wait3A_1140 = arith.constant 0 : i32
      %dma_wait3A_1141 = tpu.memref_slice %arg10[%dma_wait3A_1139, %multiple_of3A_1125, %dma_wait3A_1140] : memref<8x32x128xf32, #tpu.memory_space<vmem>> -> memref<1x8x128xf32, #tpu.memory_space<vmem>>
      %dma_wait3A_1142 = tpu.memref_squeeze %dma_wait3A_1141 : memref<1x8x128xf32, #tpu.memory_space<vmem>> -> memref<8x128xf32, #tpu.memory_space<vmem>>
      %dma_wait3A_1143 = arith.constant 0 : i32
      %dma_wait3A_1144 = arith.constant 0 : i32
      %dma_wait3A_1145 = tpu.memref_slice %arg5[%dma_wait3A_1143, %dma_wait3A_1144] : memref<32x1000000xf32, #tpu.memory_space<hbm>> -> memref<8x128xf32, #tpu.memory_space<hbm>>
      %dma_wait3A_1146 = arith.constant 0 : i32
      %dma_wait3A_1147 = tpu.memref_slice %arg10[%dma_wait3A_1139, %multiple_of3A_1125, %dma_wait3A_1146] : memref<8x32x128xf32, #tpu.memory_space<vmem>> -> memref<1x8x128xf32, #tpu.memory_space<vmem>>
      %dma_wait3A_1148 = tpu.memref_squeeze %dma_wait3A_1147 : memref<1x8x128xf32, #tpu.memory_space<vmem>> -> memref<8x128xf32, #tpu.memory_space<vmem>>
      %dma_wait3A_1149 = arith.constant 0 : i32
      %dma_wait3A_1150 = arith.constant 0 : i32
      %dma_wait3A_1151 = tpu.memref_slice %arg5[%dma_wait3A_1149, %dma_wait3A_1150] : memref<32x1000000xf32, #tpu.memory_space<hbm>> -> memref<8x128xf32, #tpu.memory_space<hbm>>
      tpu.wait_dma2 semaphore(%arg23 : memref<!tpu.dma_semaphore, #tpu.memory_space<semaphore_mem>>) src(%dma_wait3A_1151 : memref<8x128xf32, #tpu.memory_space<hbm>>) dst(%dma_wait3A_1148 : memref<8x128xf32, #tpu.memory_space<vmem>>)
      %multiple_of3A_1152 = arith.constant 24 : i32
      %multiple_of3A_1153 = tpu.assume_multiple %multiple_of3A_1152, 8 : i32
      %dma_wait3A_1154 = arith.constant 2 : i32
      %dma_wait3A_1155 = arith.constant 0 : i32
      %dma_wait3A_1156 = tpu.memref_slice %arg9[%dma_wait3A_1154, %multiple_of3A_1153, %dma_wait3A_1155] : memref<8x32x128xf32, #tpu.memory_space<vmem>> -> memref<1x8x128xf32, #tpu.memory_space<vmem>>
      %dma_wait3A_1157 = tpu.memref_squeeze %dma_wait3A_1156 : memref<1x8x128xf32, #tpu.memory_space<vmem>> -> memref<8x128xf32, #tpu.memory_space<vmem>>
      %dma_wait3A_1158 = arith.constant 0 : i32
      %dma_wait3A_1159 = arith.constant 0 : i32
      %dma_wait3A_1160 = tpu.memref_slice %arg4[%dma_wait3A_1158, %dma_wait3A_1159] : memref<32x1000000xf32, #tpu.memory_space<hbm>> -> memref<8x128xf32, #tpu.memory_space<hbm>>
      %dma_wait3A_1161 = arith.constant 0 : i32
      %dma_wait3A_1162 = tpu.memref_slice %arg9[%dma_wait3A_1154, %multiple_of3A_1153, %dma_wait3A_1161] : memref<8x32x128xf32, #tpu.memory_space<vmem>> -> memref<1x8x128xf32, #tpu.memory_space<vmem>>
      %dma_wait3A_1163 = tpu.memref_squeeze %dma_wait3A_1162 : memref<1x8x128xf32, #tpu.memory_space<vmem>> -> memref<8x128xf32, #tpu.memory_space<vmem>>
      %dma_wait3A_1164 = arith.constant 0 : i32
      %dma_wait3A_1165 = arith.constant 0 : i32
      %dma_wait3A_1166 = tpu.memref_slice %arg4[%dma_wait3A_1164, %dma_wait3A_1165] : memref<32x1000000xf32, #tpu.memory_space<hbm>> -> memref<8x128xf32, #tpu.memory_space<hbm>>
      tpu.wait_dma2 semaphore(%arg15 : memref<!tpu.dma_semaphore, #tpu.memory_space<semaphore_mem>>) src(%dma_wait3A_1166 : memref<8x128xf32, #tpu.memory_space<hbm>>) dst(%dma_wait3A_1163 : memref<8x128xf32, #tpu.memory_space<vmem>>)
      %dma_wait3A_1167 = arith.constant 2 : i32
      %dma_wait3A_1168 = arith.constant 0 : i32
      %dma_wait3A_1169 = tpu.memref_slice %arg10[%dma_wait3A_1167, %multiple_of3A_1153, %dma_wait3A_1168] : memref<8x32x128xf32, #tpu.memory_space<vmem>> -> memref<1x8x128xf32, #tpu.memory_space<vmem>>
      %dma_wait3A_1170 = tpu.memref_squeeze %dma_wait3A_1169 : memref<1x8x128xf32, #tpu.memory_space<vmem>> -> memref<8x128xf32, #tpu.memory_space<vmem>>
      %dma_wait3A_1171 = arith.constant 0 : i32
      %dma_wait3A_1172 = arith.constant 0 : i32
      %dma_wait3A_1173 = tpu.memref_slice %arg5[%dma_wait3A_1171, %dma_wait3A_1172] : memref<32x1000000xf32, #tpu.memory_space<hbm>> -> memref<8x128xf32, #tpu.memory_space<hbm>>
      %dma_wait3A_1174 = arith.constant 0 : i32
      %dma_wait3A_1175 = tpu.memref_slice %arg10[%dma_wait3A_1167, %multiple_of3A_1153, %dma_wait3A_1174] : memref<8x32x128xf32, #tpu.memory_space<vmem>> -> memref<1x8x128xf32, #tpu.memory_space<vmem>>
      %dma_wait3A_1176 = tpu.memref_squeeze %dma_wait3A_1175 : memref<1x8x128xf32, #tpu.memory_space<vmem>> -> memref<8x128xf32, #tpu.memory_space<vmem>>
      %dma_wait3A_1177 = arith.constant 0 : i32
      %dma_wait3A_1178 = arith.constant 0 : i32
      %dma_wait3A_1179 = tpu.memref_slice %arg5[%dma_wait3A_1177, %dma_wait3A_1178] : memref<32x1000000xf32, #tpu.memory_space<hbm>> -> memref<8x128xf32, #tpu.memory_space<hbm>>
      tpu.wait_dma2 semaphore(%arg23 : memref<!tpu.dma_semaphore, #tpu.memory_space<semaphore_mem>>) src(%dma_wait3A_1179 : memref<8x128xf32, #tpu.memory_space<hbm>>) dst(%dma_wait3A_1176 : memref<8x128xf32, #tpu.memory_space<vmem>>)
      %slice3A_1180 = vector.extract_strided_slice %and3A_726 {offsets = [2], sizes = [1], strides = [1]} : vector<16xi32> to vector<1xi32>
      %squeeze3A_1181 = vector.extract %slice3A_1180[0] : i32 from vector<1xi32>
      %broadcast_in_dim3A_1182 = vector.broadcast %squeeze3A_1181 : i32 to vector<16xi32>
      %slice3A_1183 = vector.extract_strided_slice %and3A_729 {offsets = [2], sizes = [1], strides = [1]} : vector<16xi32> to vector<1xi32>
      %squeeze3A_1184 = vector.extract %slice3A_1183[0] : i32 from vector<1xi32>
      %broadcast_in_dim3A_1185 = vector.broadcast %squeeze3A_1184 : i32 to vector<16xi32>
      %gather3A_1186 = arith.constant 2 : i32
      %gather3A_1187 = arith.constant 0 : i32
      %gather3A_1188 = arith.constant 0 : i32
      %gather3A_1189 = tpu.memref_slice %arg9[%gather3A_1186, %gather3A_1187, %gather3A_1188] : memref<8x32x128xf32, #tpu.memory_space<vmem>> -> memref<1x32x128xf32, #tpu.memory_space<vmem>>
      %gather3A_1190 = tpu.memref_squeeze %gather3A_1189 : memref<1x32x128xf32, #tpu.memory_space<vmem>> -> memref<32x128xf32, #tpu.memory_space<vmem>>
      %gather3A_1191 = tpu.vector_load_idx %gather3A_1190[%iota3A, %broadcast_in_dim3A_1182] : memref<32x128xf32, #tpu.memory_space<vmem>>[vector<16xi32>, vector<16xi32>], vector<16xf32>,
      %gather3A_1192 = arith.constant 2 : i32
      %gather3A_1193 = arith.constant 0 : i32
      %gather3A_1194 = arith.constant 0 : i32
      %gather3A_1195 = tpu.memref_slice %arg9[%gather3A_1192, %gather3A_1193, %gather3A_1194] : memref<8x32x128xf32, #tpu.memory_space<vmem>> -> memref<1x32x128xf32, #tpu.memory_space<vmem>>
      %gather3A_1196 = tpu.memref_squeeze %gather3A_1195 : memref<1x32x128xf32, #tpu.memory_space<vmem>> -> memref<32x128xf32, #tpu.memory_space<vmem>>
      %gather3A_1197 = tpu.vector_load_idx %gather3A_1196[%add3A_5, %broadcast_in_dim3A_1182] : memref<32x128xf32, #tpu.memory_space<vmem>>[vector<16xi32>, vector<16xi32>], vector<16xf32>,
      %gather3A_1198 = arith.constant 2 : i32
      %gather3A_1199 = arith.constant 0 : i32
      %gather3A_1200 = arith.constant 0 : i32
      %gather3A_1201 = tpu.memref_slice %arg10[%gather3A_1198, %gather3A_1199, %gather3A_1200] : memref<8x32x128xf32, #tpu.memory_space<vmem>> -> memref<1x32x128xf32, #tpu.memory_space<vmem>>
      %gather3A_1202 = tpu.memref_squeeze %gather3A_1201 : memref<1x32x128xf32, #tpu.memory_space<vmem>> -> memref<32x128xf32, #tpu.memory_space<vmem>>
      %gather3A_1203 = tpu.vector_load_idx %gather3A_1202[%iota3A, %broadcast_in_dim3A_1185] : memref<32x128xf32, #tpu.memory_space<vmem>>[vector<16xi32>, vector<16xi32>], vector<16xf32>,
      %gather3A_1204 = arith.constant 2 : i32
      %gather3A_1205 = arith.constant 0 : i32
      %gather3A_1206 = arith.constant 0 : i32
      %gather3A_1207 = tpu.memref_slice %arg10[%gather3A_1204, %gather3A_1205, %gather3A_1206] : memref<8x32x128xf32, #tpu.memory_space<vmem>> -> memref<1x32x128xf32, #tpu.memory_space<vmem>>
      %gather3A_1208 = tpu.memref_squeeze %gather3A_1207 : memref<1x32x128xf32, #tpu.memory_space<vmem>> -> memref<32x128xf32, #tpu.memory_space<vmem>>
      %gather3A_1209 = tpu.vector_load_idx %gather3A_1208[%add3A_5, %broadcast_in_dim3A_1185] : memref<32x128xf32, #tpu.memory_space<vmem>>[vector<16xi32>, vector<16xi32>], vector<16xf32>,
      %mul3A_1210 = arith.mulf %gather3A_1191, %gather3A_1203 : vector<16xf32>
      %mul3A_1211 = arith.mulf %gather3A_1197, %gather3A_1209 : vector<16xf32>
      %add3A_1212 = arith.addf %mul3A_1210, %mul3A_1211 : vector<16xf32>
      %add3A_1213 = arith.constant 1 : i32
      %add3A_1214 = arith.addi %scan3A_717, %add3A_1213 : i32
      %lt3A_1215 = arith.constant 64 : i32
      %lt3A_1216 = arith.cmpi slt, %add3A_1214, %lt3A_1215 : i32
      %convert_element_type3A_1217 = arith.extui %lt3A_1216 : i1 to i32
      %cond3A_1218 = arith.constant 0 : i32
      %cond3A_1219 = arith.cmpi ne, %convert_element_type3A_1217, %cond3A_1218 : i32
      scf.if %cond3A_1219 {
        %slice3A_2024 = vector.extract_strided_slice %mul3A_744 {offsets = [2], sizes = [1], strides = [1]} : vector<16xi32> to vector<1xi32>
        %squeeze3A_2025 = vector.extract %slice3A_2024[0] : i32 from vector<1xi32>
        %multiple_of3A_2026 = tpu.assume_multiple %squeeze3A_2025, 128 : i32
        %slice3A_2027 = vector.extract_strided_slice %mul3A_750 {offsets = [2], sizes = [1], strides = [1]} : vector<16xi32> to vector<1xi32>
        %squeeze3A_2028 = vector.extract %slice3A_2027[0] : i32 from vector<1xi32>
        %multiple_of3A_2029 = tpu.assume_multiple %squeeze3A_2028, 128 : i32
        %multiple_of3A_2030 = arith.constant 0 : i32
        %multiple_of3A_2031 = tpu.assume_multiple %multiple_of3A_2030, 8 : i32
        %dma_start3A_2032 = arith.constant 2 : i32
        %dma_start3A_2033 = arith.constant 0 : i32
        %dma_start3A_2034 = tpu.memref_slice %arg9[%dma_start3A_2032, %multiple_of3A_2031, %dma_start3A_2033] : memref<8x32x128xf32, #tpu.memory_space<vmem>> -> memref<1x8x128xf32, #tpu.memory_space<vmem>>
        %dma_start3A_2035 = tpu.memref_squeeze %dma_start3A_2034 : memref<1x8x128xf32, #tpu.memory_space<vmem>> -> memref<8x128xf32, #tpu.memory_space<vmem>>
        %dma_start3A_2036 = tpu.memref_slice %arg4[%multiple_of3A_2031, %multiple_of3A_2026] : memref<32x1000000xf32, #tpu.memory_space<hbm>> -> memref<8x128xf32, #tpu.memory_space<hbm>>
        %dma_start3A_2037 = arith.constant 0 : i32
        %dma_start3A_2038 = tpu.memref_slice %arg9[%dma_start3A_2032, %multiple_of3A_2031, %dma_start3A_2037] : memref<8x32x128xf32, #tpu.memory_space<vmem>> -> memref<1x8x128xf32, #tpu.memory_space<vmem>>
        %dma_start3A_2039 = tpu.memref_squeeze %dma_start3A_2038 : memref<1x8x128xf32, #tpu.memory_space<vmem>> -> memref<8x128xf32, #tpu.memory_space<vmem>>
        %dma_start3A_2040 = tpu.memref_slice %arg4[%multiple_of3A_2031, %multiple_of3A_2026] : memref<32x1000000xf32, #tpu.memory_space<hbm>> -> memref<8x128xf32, #tpu.memory_space<hbm>>
        tpu.enqueue_dma source(%dma_start3A_2040 : memref<8x128xf32, #tpu.memory_space<hbm>>) target(%dma_start3A_2039 : memref<8x128xf32, #tpu.memory_space<vmem>>) target_semaphore(%arg15 : memref<!tpu.dma_semaphore, #tpu.memory_space<semaphore_mem>>)
        %dma_start3A_2041 = arith.constant 2 : i32
        %dma_start3A_2042 = arith.constant 0 : i32
        %dma_start3A_2043 = tpu.memref_slice %arg10[%dma_start3A_2041, %multiple_of3A_2031, %dma_start3A_2042] : memref<8x32x128xf32, #tpu.memory_space<vmem>> -> memref<1x8x128xf32, #tpu.memory_space<vmem>>
        %dma_start3A_2044 = tpu.memref_squeeze %dma_start3A_2043 : memref<1x8x128xf32, #tpu.memory_space<vmem>> -> memref<8x128xf32, #tpu.memory_space<vmem>>
        %dma_start3A_2045 = tpu.memref_slice %arg5[%multiple_of3A_2031, %multiple_of3A_2029] : memref<32x1000000xf32, #tpu.memory_space<hbm>> -> memref<8x128xf32, #tpu.memory_space<hbm>>
        %dma_start3A_2046 = arith.constant 0 : i32
        %dma_start3A_2047 = tpu.memref_slice %arg10[%dma_start3A_2041, %multiple_of3A_2031, %dma_start3A_2046] : memref<8x32x128xf32, #tpu.memory_space<vmem>> -> memref<1x8x128xf32, #tpu.memory_space<vmem>>
        %dma_start3A_2048 = tpu.memref_squeeze %dma_start3A_2047 : memref<1x8x128xf32, #tpu.memory_space<vmem>> -> memref<8x128xf32, #tpu.memory_space<vmem>>
        %dma_start3A_2049 = tpu.memref_slice %arg5[%multiple_of3A_2031, %multiple_of3A_2029] : memref<32x1000000xf32, #tpu.memory_space<hbm>> -> memref<8x128xf32, #tpu.memory_space<hbm>>
        tpu.enqueue_dma source(%dma_start3A_2049 : memref<8x128xf32, #tpu.memory_space<hbm>>) target(%dma_start3A_2048 : memref<8x128xf32, #tpu.memory_space<vmem>>) target_semaphore(%arg23 : memref<!tpu.dma_semaphore, #tpu.memory_space<semaphore_mem>>)
        %multiple_of3A_2050 = arith.constant 8 : i32
        %multiple_of3A_2051 = tpu.assume_multiple %multiple_of3A_2050, 8 : i32
        %dma_start3A_2052 = arith.constant 2 : i32
        %dma_start3A_2053 = arith.constant 0 : i32
        %dma_start3A_2054 = tpu.memref_slice %arg9[%dma_start3A_2052, %multiple_of3A_2051, %dma_start3A_2053] : memref<8x32x128xf32, #tpu.memory_space<vmem>> -> memref<1x8x128xf32, #tpu.memory_space<vmem>>
        %dma_start3A_2055 = tpu.memref_squeeze %dma_start3A_2054 : memref<1x8x128xf32, #tpu.memory_space<vmem>> -> memref<8x128xf32, #tpu.memory_space<vmem>>
        %dma_start3A_2056 = tpu.memref_slice %arg4[%multiple_of3A_2051, %multiple_of3A_2026] : memref<32x1000000xf32, #tpu.memory_space<hbm>> -> memref<8x128xf32, #tpu.memory_space<hbm>>
        %dma_start3A_2057 = arith.constant 0 : i32
        %dma_start3A_2058 = tpu.memref_slice %arg9[%dma_start3A_2052, %multiple_of3A_2051, %dma_start3A_2057] : memref<8x32x128xf32, #tpu.memory_space<vmem>> -> memref<1x8x128xf32, #tpu.memory_space<vmem>>
        %dma_start3A_2059 = tpu.memref_squeeze %dma_start3A_2058 : memref<1x8x128xf32, #tpu.memory_space<vmem>> -> memref<8x128xf32, #tpu.memory_space<vmem>>
        %dma_start3A_2060 = tpu.memref_slice %arg4[%multiple_of3A_2051, %multiple_of3A_2026] : memref<32x1000000xf32, #tpu.memory_space<hbm>> -> memref<8x128xf32, #tpu.memory_space<hbm>>
        tpu.enqueue_dma source(%dma_start3A_2060 : memref<8x128xf32, #tpu.memory_space<hbm>>) target(%dma_start3A_2059 : memref<8x128xf32, #tpu.memory_space<vmem>>) target_semaphore(%arg15 : memref<!tpu.dma_semaphore, #tpu.memory_space<semaphore_mem>>)
        %dma_start3A_2061 = arith.constant 2 : i32
        %dma_start3A_2062 = arith.constant 0 : i32
        %dma_start3A_2063 = tpu.memref_slice %arg10[%dma_start3A_2061, %multiple_of3A_2051, %dma_start3A_2062] : memref<8x32x128xf32, #tpu.memory_space<vmem>> -> memref<1x8x128xf32, #tpu.memory_space<vmem>>
        %dma_start3A_2064 = tpu.memref_squeeze %dma_start3A_2063 : memref<1x8x128xf32, #tpu.memory_space<vmem>> -> memref<8x128xf32, #tpu.memory_space<vmem>>
        %dma_start3A_2065 = tpu.memref_slice %arg5[%multiple_of3A_2051, %multiple_of3A_2029] : memref<32x1000000xf32, #tpu.memory_space<hbm>> -> memref<8x128xf32, #tpu.memory_space<hbm>>
        %dma_start3A_2066 = arith.constant 0 : i32
        %dma_start3A_2067 = tpu.memref_slice %arg10[%dma_start3A_2061, %multiple_of3A_2051, %dma_start3A_2066] : memref<8x32x128xf32, #tpu.memory_space<vmem>> -> memref<1x8x128xf32, #tpu.memory_space<vmem>>
        %dma_start3A_2068 = tpu.memref_squeeze %dma_start3A_2067 : memref<1x8x128xf32, #tpu.memory_space<vmem>> -> memref<8x128xf32, #tpu.memory_space<vmem>>
        %dma_start3A_2069 = tpu.memref_slice %arg5[%multiple_of3A_2051, %multiple_of3A_2029] : memref<32x1000000xf32, #tpu.memory_space<hbm>> -> memref<8x128xf32, #tpu.memory_space<hbm>>
        tpu.enqueue_dma source(%dma_start3A_2069 : memref<8x128xf32, #tpu.memory_space<hbm>>) target(%dma_start3A_2068 : memref<8x128xf32, #tpu.memory_space<vmem>>) target_semaphore(%arg23 : memref<!tpu.dma_semaphore, #tpu.memory_space<semaphore_mem>>)
        %multiple_of3A_2070 = arith.constant 16 : i32
        %multiple_of3A_2071 = tpu.assume_multiple %multiple_of3A_2070, 8 : i32
        %dma_start3A_2072 = arith.constant 2 : i32
        %dma_start3A_2073 = arith.constant 0 : i32
        %dma_start3A_2074 = tpu.memref_slice %arg9[%dma_start3A_2072, %multiple_of3A_2071, %dma_start3A_2073] : memref<8x32x128xf32, #tpu.memory_space<vmem>> -> memref<1x8x128xf32, #tpu.memory_space<vmem>>
        %dma_start3A_2075 = tpu.memref_squeeze %dma_start3A_2074 : memref<1x8x128xf32, #tpu.memory_space<vmem>> -> memref<8x128xf32, #tpu.memory_space<vmem>>
        %dma_start3A_2076 = tpu.memref_slice %arg4[%multiple_of3A_2071, %multiple_of3A_2026] : memref<32x1000000xf32, #tpu.memory_space<hbm>> -> memref<8x128xf32, #tpu.memory_space<hbm>>
        %dma_start3A_2077 = arith.constant 0 : i32
        %dma_start3A_2078 = tpu.memref_slice %arg9[%dma_start3A_2072, %multiple_of3A_2071, %dma_start3A_2077] : memref<8x32x128xf32, #tpu.memory_space<vmem>> -> memref<1x8x128xf32, #tpu.memory_space<vmem>>
        %dma_start3A_2079 = tpu.memref_squeeze %dma_start3A_2078 : memref<1x8x128xf32, #tpu.memory_space<vmem>> -> memref<8x128xf32, #tpu.memory_space<vmem>>
        %dma_start3A_2080 = tpu.memref_slice %arg4[%multiple_of3A_2071, %multiple_of3A_2026] : memref<32x1000000xf32, #tpu.memory_space<hbm>> -> memref<8x128xf32, #tpu.memory_space<hbm>>
        tpu.enqueue_dma source(%dma_start3A_2080 : memref<8x128xf32, #tpu.memory_space<hbm>>) target(%dma_start3A_2079 : memref<8x128xf32, #tpu.memory_space<vmem>>) target_semaphore(%arg15 : memref<!tpu.dma_semaphore, #tpu.memory_space<semaphore_mem>>)
        %dma_start3A_2081 = arith.constant 2 : i32
        %dma_start3A_2082 = arith.constant 0 : i32
        %dma_start3A_2083 = tpu.memref_slice %arg10[%dma_start3A_2081, %multiple_of3A_2071, %dma_start3A_2082] : memref<8x32x128xf32, #tpu.memory_space<vmem>> -> memref<1x8x128xf32, #tpu.memory_space<vmem>>
        %dma_start3A_2084 = tpu.memref_squeeze %dma_start3A_2083 : memref<1x8x128xf32, #tpu.memory_space<vmem>> -> memref<8x128xf32, #tpu.memory_space<vmem>>
        %dma_start3A_2085 = tpu.memref_slice %arg5[%multiple_of3A_2071, %multiple_of3A_2029] : memref<32x1000000xf32, #tpu.memory_space<hbm>> -> memref<8x128xf32, #tpu.memory_space<hbm>>
        %dma_start3A_2086 = arith.constant 0 : i32
        %dma_start3A_2087 = tpu.memref_slice %arg10[%dma_start3A_2081, %multiple_of3A_2071, %dma_start3A_2086] : memref<8x32x128xf32, #tpu.memory_space<vmem>> -> memref<1x8x128xf32, #tpu.memory_space<vmem>>
        %dma_start3A_2088 = tpu.memref_squeeze %dma_start3A_2087 : memref<1x8x128xf32, #tpu.memory_space<vmem>> -> memref<8x128xf32, #tpu.memory_space<vmem>>
        %dma_start3A_2089 = tpu.memref_slice %arg5[%multiple_of3A_2071, %multiple_of3A_2029] : memref<32x1000000xf32, #tpu.memory_space<hbm>> -> memref<8x128xf32, #tpu.memory_space<hbm>>
        tpu.enqueue_dma source(%dma_start3A_2089 : memref<8x128xf32, #tpu.memory_space<hbm>>) target(%dma_start3A_2088 : memref<8x128xf32, #tpu.memory_space<vmem>>) target_semaphore(%arg23 : memref<!tpu.dma_semaphore, #tpu.memory_space<semaphore_mem>>)
        %multiple_of3A_2090 = arith.constant 24 : i32
        %multiple_of3A_2091 = tpu.assume_multiple %multiple_of3A_2090, 8 : i32
        %dma_start3A_2092 = arith.constant 2 : i32
        %dma_start3A_2093 = arith.constant 0 : i32
        %dma_start3A_2094 = tpu.memref_slice %arg9[%dma_start3A_2092, %multiple_of3A_2091, %dma_start3A_2093] : memref<8x32x128xf32, #tpu.memory_space<vmem>> -> memref<1x8x128xf32, #tpu.memory_space<vmem>>
        %dma_start3A_2095 = tpu.memref_squeeze %dma_start3A_2094 : memref<1x8x128xf32, #tpu.memory_space<vmem>> -> memref<8x128xf32, #tpu.memory_space<vmem>>
        %dma_start3A_2096 = tpu.memref_slice %arg4[%multiple_of3A_2091, %multiple_of3A_2026] : memref<32x1000000xf32, #tpu.memory_space<hbm>> -> memref<8x128xf32, #tpu.memory_space<hbm>>
        %dma_start3A_2097 = arith.constant 0 : i32
        %dma_start3A_2098 = tpu.memref_slice %arg9[%dma_start3A_2092, %multiple_of3A_2091, %dma_start3A_2097] : memref<8x32x128xf32, #tpu.memory_space<vmem>> -> memref<1x8x128xf32, #tpu.memory_space<vmem>>
        %dma_start3A_2099 = tpu.memref_squeeze %dma_start3A_2098 : memref<1x8x128xf32, #tpu.memory_space<vmem>> -> memref<8x128xf32, #tpu.memory_space<vmem>>
        %dma_start3A_2100 = tpu.memref_slice %arg4[%multiple_of3A_2091, %multiple_of3A_2026] : memref<32x1000000xf32, #tpu.memory_space<hbm>> -> memref<8x128xf32, #tpu.memory_space<hbm>>
        tpu.enqueue_dma source(%dma_start3A_2100 : memref<8x128xf32, #tpu.memory_space<hbm>>) target(%dma_start3A_2099 : memref<8x128xf32, #tpu.memory_space<vmem>>) target_semaphore(%arg15 : memref<!tpu.dma_semaphore, #tpu.memory_space<semaphore_mem>>)
        %dma_start3A_2101 = arith.constant 2 : i32
        %dma_start3A_2102 = arith.constant 0 : i32
        %dma_start3A_2103 = tpu.memref_slice %arg10[%dma_start3A_2101, %multiple_of3A_2091, %dma_start3A_2102] : memref<8x32x128xf32, #tpu.memory_space<vmem>> -> memref<1x8x128xf32, #tpu.memory_space<vmem>>
        %dma_start3A_2104 = tpu.memref_squeeze %dma_start3A_2103 : memref<1x8x128xf32, #tpu.memory_space<vmem>> -> memref<8x128xf32, #tpu.memory_space<vmem>>
        %dma_start3A_2105 = tpu.memref_slice %arg5[%multiple_of3A_2091, %multiple_of3A_2029] : memref<32x1000000xf32, #tpu.memory_space<hbm>> -> memref<8x128xf32, #tpu.memory_space<hbm>>
        %dma_start3A_2106 = arith.constant 0 : i32
        %dma_start3A_2107 = tpu.memref_slice %arg10[%dma_start3A_2101, %multiple_of3A_2091, %dma_start3A_2106] : memref<8x32x128xf32, #tpu.memory_space<vmem>> -> memref<1x8x128xf32, #tpu.memory_space<vmem>>
        %dma_start3A_2108 = tpu.memref_squeeze %dma_start3A_2107 : memref<1x8x128xf32, #tpu.memory_space<vmem>> -> memref<8x128xf32, #tpu.memory_space<vmem>>
        %dma_start3A_2109 = tpu.memref_slice %arg5[%multiple_of3A_2091, %multiple_of3A_2029] : memref<32x1000000xf32, #tpu.memory_space<hbm>> -> memref<8x128xf32, #tpu.memory_space<hbm>>
        tpu.enqueue_dma source(%dma_start3A_2109 : memref<8x128xf32, #tpu.memory_space<hbm>>) target(%dma_start3A_2108 : memref<8x128xf32, #tpu.memory_space<vmem>>) target_semaphore(%arg23 : memref<!tpu.dma_semaphore, #tpu.memory_space<semaphore_mem>>)
      } else {
      }
      %mul3A_1220 = arith.constant 17 : i32
      %mul3A_1221 = arith.muli %add3A_1067, %mul3A_1220 : i32
      %swap3A_1222 = arith.index_cast %mul3A_1221 : i32 to index
      %swap3A_1223 = tpu.vector_load %arg11[%swap3A_1222] {strides = array<i32>} : memref<8704xf32, #tpu.memory_space<vmem>>, vector<16xf32>,
      tpu.vector_store %arg11[%swap3A_1222], %add3A_1212 {strides = array<i32>} : memref<8704xf32, #tpu.memory_space<vmem>>, vector<16xf32>,
      %mul3A_1224 = arith.constant 8 : i32
      %mul3A_1225 = arith.muli %scan3A_717, %mul3A_1224 : i32
      %add3A_1226 = arith.constant 3 : i32
      %add3A_1227 = arith.addi %mul3A_1225, %add3A_1226 : i32
      %multiple_of3A_1228 = arith.constant 0 : i32
      %multiple_of3A_1229 = tpu.assume_multiple %multiple_of3A_1228, 8 : i32
      %dma_wait3A_1230 = arith.constant 3 : i32
      %dma_wait3A_1231 = arith.constant 0 : i32
      %dma_wait3A_1232 = tpu.memref_slice %arg9[%dma_wait3A_1230, %multiple_of3A_1229, %dma_wait3A_1231] : memref<8x32x128xf32, #tpu.memory_space<vmem>> -> memref<1x8x128xf32, #tpu.memory_space<vmem>>
      %dma_wait3A_1233 = tpu.memref_squeeze %dma_wait3A_1232 : memref<1x8x128xf32, #tpu.memory_space<vmem>> -> memref<8x128xf32, #tpu.memory_space<vmem>>
      %dma_wait3A_1234 = arith.constant 0 : i32
      %dma_wait3A_1235 = arith.constant 0 : i32
      %dma_wait3A_1236 = tpu.memref_slice %arg4[%dma_wait3A_1234, %dma_wait3A_1235] : memref<32x1000000xf32, #tpu.memory_space<hbm>> -> memref<8x128xf32, #tpu.memory_space<hbm>>
      %dma_wait3A_1237 = arith.constant 0 : i32
      %dma_wait3A_1238 = tpu.memref_slice %arg9[%dma_wait3A_1230, %multiple_of3A_1229, %dma_wait3A_1237] : memref<8x32x128xf32, #tpu.memory_space<vmem>> -> memref<1x8x128xf32, #tpu.memory_space<vmem>>
      %dma_wait3A_1239 = tpu.memref_squeeze %dma_wait3A_1238 : memref<1x8x128xf32, #tpu.memory_space<vmem>> -> memref<8x128xf32, #tpu.memory_space<vmem>>
      %dma_wait3A_1240 = arith.constant 0 : i32
      %dma_wait3A_1241 = arith.constant 0 : i32
      %dma_wait3A_1242 = tpu.memref_slice %arg4[%dma_wait3A_1240, %dma_wait3A_1241] : memref<32x1000000xf32, #tpu.memory_space<hbm>> -> memref<8x128xf32, #tpu.memory_space<hbm>>
      tpu.wait_dma2 semaphore(%arg16 : memref<!tpu.dma_semaphore, #tpu.memory_space<semaphore_mem>>) src(%dma_wait3A_1242 : memref<8x128xf32, #tpu.memory_space<hbm>>) dst(%dma_wait3A_1239 : memref<8x128xf32, #tpu.memory_space<vmem>>)
      %dma_wait3A_1243 = arith.constant 3 : i32
      %dma_wait3A_1244 = arith.constant 0 : i32
      %dma_wait3A_1245 = tpu.memref_slice %arg10[%dma_wait3A_1243, %multiple_of3A_1229, %dma_wait3A_1244] : memref<8x32x128xf32, #tpu.memory_space<vmem>> -> memref<1x8x128xf32, #tpu.memory_space<vmem>>
      %dma_wait3A_1246 = tpu.memref_squeeze %dma_wait3A_1245 : memref<1x8x128xf32, #tpu.memory_space<vmem>> -> memref<8x128xf32, #tpu.memory_space<vmem>>
      %dma_wait3A_1247 = arith.constant 0 : i32
      %dma_wait3A_1248 = arith.constant 0 : i32
      %dma_wait3A_1249 = tpu.memref_slice %arg5[%dma_wait3A_1247, %dma_wait3A_1248] : memref<32x1000000xf32, #tpu.memory_space<hbm>> -> memref<8x128xf32, #tpu.memory_space<hbm>>
      %dma_wait3A_1250 = arith.constant 0 : i32
      %dma_wait3A_1251 = tpu.memref_slice %arg10[%dma_wait3A_1243, %multiple_of3A_1229, %dma_wait3A_1250] : memref<8x32x128xf32, #tpu.memory_space<vmem>> -> memref<1x8x128xf32, #tpu.memory_space<vmem>>
      %dma_wait3A_1252 = tpu.memref_squeeze %dma_wait3A_1251 : memref<1x8x128xf32, #tpu.memory_space<vmem>> -> memref<8x128xf32, #tpu.memory_space<vmem>>
      %dma_wait3A_1253 = arith.constant 0 : i32
      %dma_wait3A_1254 = arith.constant 0 : i32
      %dma_wait3A_1255 = tpu.memref_slice %arg5[%dma_wait3A_1253, %dma_wait3A_1254] : memref<32x1000000xf32, #tpu.memory_space<hbm>> -> memref<8x128xf32, #tpu.memory_space<hbm>>
      tpu.wait_dma2 semaphore(%arg24 : memref<!tpu.dma_semaphore, #tpu.memory_space<semaphore_mem>>) src(%dma_wait3A_1255 : memref<8x128xf32, #tpu.memory_space<hbm>>) dst(%dma_wait3A_1252 : memref<8x128xf32, #tpu.memory_space<vmem>>)
      %multiple_of3A_1256 = arith.constant 8 : i32
      %multiple_of3A_1257 = tpu.assume_multiple %multiple_of3A_1256, 8 : i32
      %dma_wait3A_1258 = arith.constant 3 : i32
      %dma_wait3A_1259 = arith.constant 0 : i32
      %dma_wait3A_1260 = tpu.memref_slice %arg9[%dma_wait3A_1258, %multiple_of3A_1257, %dma_wait3A_1259] : memref<8x32x128xf32, #tpu.memory_space<vmem>> -> memref<1x8x128xf32, #tpu.memory_space<vmem>>
      %dma_wait3A_1261 = tpu.memref_squeeze %dma_wait3A_1260 : memref<1x8x128xf32, #tpu.memory_space<vmem>> -> memref<8x128xf32, #tpu.memory_space<vmem>>
      %dma_wait3A_1262 = arith.constant 0 : i32
      %dma_wait3A_1263 = arith.constant 0 : i32
      %dma_wait3A_1264 = tpu.memref_slice %arg4[%dma_wait3A_1262, %dma_wait3A_1263] : memref<32x1000000xf32, #tpu.memory_space<hbm>> -> memref<8x128xf32, #tpu.memory_space<hbm>>
      %dma_wait3A_1265 = arith.constant 0 : i32
      %dma_wait3A_1266 = tpu.memref_slice %arg9[%dma_wait3A_1258, %multiple_of3A_1257, %dma_wait3A_1265] : memref<8x32x128xf32, #tpu.memory_space<vmem>> -> memref<1x8x128xf32, #tpu.memory_space<vmem>>
      %dma_wait3A_1267 = tpu.memref_squeeze %dma_wait3A_1266 : memref<1x8x128xf32, #tpu.memory_space<vmem>> -> memref<8x128xf32, #tpu.memory_space<vmem>>
      %dma_wait3A_1268 = arith.constant 0 : i32
      %dma_wait3A_1269 = arith.constant 0 : i32
      %dma_wait3A_1270 = tpu.memref_slice %arg4[%dma_wait3A_1268, %dma_wait3A_1269] : memref<32x1000000xf32, #tpu.memory_space<hbm>> -> memref<8x128xf32, #tpu.memory_space<hbm>>
      tpu.wait_dma2 semaphore(%arg16 : memref<!tpu.dma_semaphore, #tpu.memory_space<semaphore_mem>>) src(%dma_wait3A_1270 : memref<8x128xf32, #tpu.memory_space<hbm>>) dst(%dma_wait3A_1267 : memref<8x128xf32, #tpu.memory_space<vmem>>)
      %dma_wait3A_1271 = arith.constant 3 : i32
      %dma_wait3A_1272 = arith.constant 0 : i32
      %dma_wait3A_1273 = tpu.memref_slice %arg10[%dma_wait3A_1271, %multiple_of3A_1257, %dma_wait3A_1272] : memref<8x32x128xf32, #tpu.memory_space<vmem>> -> memref<1x8x128xf32, #tpu.memory_space<vmem>>
      %dma_wait3A_1274 = tpu.memref_squeeze %dma_wait3A_1273 : memref<1x8x128xf32, #tpu.memory_space<vmem>> -> memref<8x128xf32, #tpu.memory_space<vmem>>
      %dma_wait3A_1275 = arith.constant 0 : i32
      %dma_wait3A_1276 = arith.constant 0 : i32
      %dma_wait3A_1277 = tpu.memref_slice %arg5[%dma_wait3A_1275, %dma_wait3A_1276] : memref<32x1000000xf32, #tpu.memory_space<hbm>> -> memref<8x128xf32, #tpu.memory_space<hbm>>
      %dma_wait3A_1278 = arith.constant 0 : i32
      %dma_wait3A_1279 = tpu.memref_slice %arg10[%dma_wait3A_1271, %multiple_of3A_1257, %dma_wait3A_1278] : memref<8x32x128xf32, #tpu.memory_space<vmem>> -> memref<1x8x128xf32, #tpu.memory_space<vmem>>
      %dma_wait3A_1280 = tpu.memref_squeeze %dma_wait3A_1279 : memref<1x8x128xf32, #tpu.memory_space<vmem>> -> memref<8x128xf32, #tpu.memory_space<vmem>>
      %dma_wait3A_1281 = arith.constant 0 : i32
      %dma_wait3A_1282 = arith.constant 0 : i32
      %dma_wait3A_1283 = tpu.memref_slice %arg5[%dma_wait3A_1281, %dma_wait3A_1282] : memref<32x1000000xf32, #tpu.memory_space<hbm>> -> memref<8x128xf32, #tpu.memory_space<hbm>>
      tpu.wait_dma2 semaphore(%arg24 : memref<!tpu.dma_semaphore, #tpu.memory_space<semaphore_mem>>) src(%dma_wait3A_1283 : memref<8x128xf32, #tpu.memory_space<hbm>>) dst(%dma_wait3A_1280 : memref<8x128xf32, #tpu.memory_space<vmem>>)
      %multiple_of3A_1284 = arith.constant 16 : i32
      %multiple_of3A_1285 = tpu.assume_multiple %multiple_of3A_1284, 8 : i32
      %dma_wait3A_1286 = arith.constant 3 : i32
      %dma_wait3A_1287 = arith.constant 0 : i32
      %dma_wait3A_1288 = tpu.memref_slice %arg9[%dma_wait3A_1286, %multiple_of3A_1285, %dma_wait3A_1287] : memref<8x32x128xf32, #tpu.memory_space<vmem>> -> memref<1x8x128xf32, #tpu.memory_space<vmem>>
      %dma_wait3A_1289 = tpu.memref_squeeze %dma_wait3A_1288 : memref<1x8x128xf32, #tpu.memory_space<vmem>> -> memref<8x128xf32, #tpu.memory_space<vmem>>
      %dma_wait3A_1290 = arith.constant 0 : i32
      %dma_wait3A_1291 = arith.constant 0 : i32
      %dma_wait3A_1292 = tpu.memref_slice %arg4[%dma_wait3A_1290, %dma_wait3A_1291] : memref<32x1000000xf32, #tpu.memory_space<hbm>> -> memref<8x128xf32, #tpu.memory_space<hbm>>
      %dma_wait3A_1293 = arith.constant 0 : i32
      %dma_wait3A_1294 = tpu.memref_slice %arg9[%dma_wait3A_1286, %multiple_of3A_1285, %dma_wait3A_1293] : memref<8x32x128xf32, #tpu.memory_space<vmem>> -> memref<1x8x128xf32, #tpu.memory_space<vmem>>
      %dma_wait3A_1295 = tpu.memref_squeeze %dma_wait3A_1294 : memref<1x8x128xf32, #tpu.memory_space<vmem>> -> memref<8x128xf32, #tpu.memory_space<vmem>>
      %dma_wait3A_1296 = arith.constant 0 : i32
      %dma_wait3A_1297 = arith.constant 0 : i32
      %dma_wait3A_1298 = tpu.memref_slice %arg4[%dma_wait3A_1296, %dma_wait3A_1297] : memref<32x1000000xf32, #tpu.memory_space<hbm>> -> memref<8x128xf32, #tpu.memory_space<hbm>>
      tpu.wait_dma2 semaphore(%arg16 : memref<!tpu.dma_semaphore, #tpu.memory_space<semaphore_mem>>) src(%dma_wait3A_1298 : memref<8x128xf32, #tpu.memory_space<hbm>>) dst(%dma_wait3A_1295 : memref<8x128xf32, #tpu.memory_space<vmem>>)
      %dma_wait3A_1299 = arith.constant 3 : i32
      %dma_wait3A_1300 = arith.constant 0 : i32
      %dma_wait3A_1301 = tpu.memref_slice %arg10[%dma_wait3A_1299, %multiple_of3A_1285, %dma_wait3A_1300] : memref<8x32x128xf32, #tpu.memory_space<vmem>> -> memref<1x8x128xf32, #tpu.memory_space<vmem>>
      %dma_wait3A_1302 = tpu.memref_squeeze %dma_wait3A_1301 : memref<1x8x128xf32, #tpu.memory_space<vmem>> -> memref<8x128xf32, #tpu.memory_space<vmem>>
      %dma_wait3A_1303 = arith.constant 0 : i32
      %dma_wait3A_1304 = arith.constant 0 : i32
      %dma_wait3A_1305 = tpu.memref_slice %arg5[%dma_wait3A_1303, %dma_wait3A_1304] : memref<32x1000000xf32, #tpu.memory_space<hbm>> -> memref<8x128xf32, #tpu.memory_space<hbm>>
      %dma_wait3A_1306 = arith.constant 0 : i32
      %dma_wait3A_1307 = tpu.memref_slice %arg10[%dma_wait3A_1299, %multiple_of3A_1285, %dma_wait3A_1306] : memref<8x32x128xf32, #tpu.memory_space<vmem>> -> memref<1x8x128xf32, #tpu.memory_space<vmem>>
      %dma_wait3A_1308 = tpu.memref_squeeze %dma_wait3A_1307 : memref<1x8x128xf32, #tpu.memory_space<vmem>> -> memref<8x128xf32, #tpu.memory_space<vmem>>
      %dma_wait3A_1309 = arith.constant 0 : i32
      %dma_wait3A_1310 = arith.constant 0 : i32
      %dma_wait3A_1311 = tpu.memref_slice %arg5[%dma_wait3A_1309, %dma_wait3A_1310] : memref<32x1000000xf32, #tpu.memory_space<hbm>> -> memref<8x128xf32, #tpu.memory_space<hbm>>
      tpu.wait_dma2 semaphore(%arg24 : memref<!tpu.dma_semaphore, #tpu.memory_space<semaphore_mem>>) src(%dma_wait3A_1311 : memref<8x128xf32, #tpu.memory_space<hbm>>) dst(%dma_wait3A_1308 : memref<8x128xf32, #tpu.memory_space<vmem>>)
      %multiple_of3A_1312 = arith.constant 24 : i32
      %multiple_of3A_1313 = tpu.assume_multiple %multiple_of3A_1312, 8 : i32
      %dma_wait3A_1314 = arith.constant 3 : i32
      %dma_wait3A_1315 = arith.constant 0 : i32
      %dma_wait3A_1316 = tpu.memref_slice %arg9[%dma_wait3A_1314, %multiple_of3A_1313, %dma_wait3A_1315] : memref<8x32x128xf32, #tpu.memory_space<vmem>> -> memref<1x8x128xf32, #tpu.memory_space<vmem>>
      %dma_wait3A_1317 = tpu.memref_squeeze %dma_wait3A_1316 : memref<1x8x128xf32, #tpu.memory_space<vmem>> -> memref<8x128xf32, #tpu.memory_space<vmem>>
      %dma_wait3A_1318 = arith.constant 0 : i32
      %dma_wait3A_1319 = arith.constant 0 : i32
      %dma_wait3A_1320 = tpu.memref_slice %arg4[%dma_wait3A_1318, %dma_wait3A_1319] : memref<32x1000000xf32, #tpu.memory_space<hbm>> -> memref<8x128xf32, #tpu.memory_space<hbm>>
      %dma_wait3A_1321 = arith.constant 0 : i32
      %dma_wait3A_1322 = tpu.memref_slice %arg9[%dma_wait3A_1314, %multiple_of3A_1313, %dma_wait3A_1321] : memref<8x32x128xf32, #tpu.memory_space<vmem>> -> memref<1x8x128xf32, #tpu.memory_space<vmem>>
      %dma_wait3A_1323 = tpu.memref_squeeze %dma_wait3A_1322 : memref<1x8x128xf32, #tpu.memory_space<vmem>> -> memref<8x128xf32, #tpu.memory_space<vmem>>
      %dma_wait3A_1324 = arith.constant 0 : i32
      %dma_wait3A_1325 = arith.constant 0 : i32
      %dma_wait3A_1326 = tpu.memref_slice %arg4[%dma_wait3A_1324, %dma_wait3A_1325] : memref<32x1000000xf32, #tpu.memory_space<hbm>> -> memref<8x128xf32, #tpu.memory_space<hbm>>
      tpu.wait_dma2 semaphore(%arg16 : memref<!tpu.dma_semaphore, #tpu.memory_space<semaphore_mem>>) src(%dma_wait3A_1326 : memref<8x128xf32, #tpu.memory_space<hbm>>) dst(%dma_wait3A_1323 : memref<8x128xf32, #tpu.memory_space<vmem>>)
      %dma_wait3A_1327 = arith.constant 3 : i32
      %dma_wait3A_1328 = arith.constant 0 : i32
      %dma_wait3A_1329 = tpu.memref_slice %arg10[%dma_wait3A_1327, %multiple_of3A_1313, %dma_wait3A_1328] : memref<8x32x128xf32, #tpu.memory_space<vmem>> -> memref<1x8x128xf32, #tpu.memory_space<vmem>>
      %dma_wait3A_1330 = tpu.memref_squeeze %dma_wait3A_1329 : memref<1x8x128xf32, #tpu.memory_space<vmem>> -> memref<8x128xf32, #tpu.memory_space<vmem>>
      %dma_wait3A_1331 = arith.constant 0 : i32
      %dma_wait3A_1332 = arith.constant 0 : i32
      %dma_wait3A_1333 = tpu.memref_slice %arg5[%dma_wait3A_1331, %dma_wait3A_1332] : memref<32x1000000xf32, #tpu.memory_space<hbm>> -> memref<8x128xf32, #tpu.memory_space<hbm>>
      %dma_wait3A_1334 = arith.constant 0 : i32
      %dma_wait3A_1335 = tpu.memref_slice %arg10[%dma_wait3A_1327, %multiple_of3A_1313, %dma_wait3A_1334] : memref<8x32x128xf32, #tpu.memory_space<vmem>> -> memref<1x8x128xf32, #tpu.memory_space<vmem>>
      %dma_wait3A_1336 = tpu.memref_squeeze %dma_wait3A_1335 : memref<1x8x128xf32, #tpu.memory_space<vmem>> -> memref<8x128xf32, #tpu.memory_space<vmem>>
      %dma_wait3A_1337 = arith.constant 0 : i32
      %dma_wait3A_1338 = arith.constant 0 : i32
      %dma_wait3A_1339 = tpu.memref_slice %arg5[%dma_wait3A_1337, %dma_wait3A_1338] : memref<32x1000000xf32, #tpu.memory_space<hbm>> -> memref<8x128xf32, #tpu.memory_space<hbm>>
      tpu.wait_dma2 semaphore(%arg24 : memref<!tpu.dma_semaphore, #tpu.memory_space<semaphore_mem>>) src(%dma_wait3A_1339 : memref<8x128xf32, #tpu.memory_space<hbm>>) dst(%dma_wait3A_1336 : memref<8x128xf32, #tpu.memory_space<vmem>>)
      %slice3A_1340 = vector.extract_strided_slice %and3A_726 {offsets = [3], sizes = [1], strides = [1]} : vector<16xi32> to vector<1xi32>
      %squeeze3A_1341 = vector.extract %slice3A_1340[0] : i32 from vector<1xi32>
      %broadcast_in_dim3A_1342 = vector.broadcast %squeeze3A_1341 : i32 to vector<16xi32>
      %slice3A_1343 = vector.extract_strided_slice %and3A_729 {offsets = [3], sizes = [1], strides = [1]} : vector<16xi32> to vector<1xi32>
      %squeeze3A_1344 = vector.extract %slice3A_1343[0] : i32 from vector<1xi32>
      %broadcast_in_dim3A_1345 = vector.broadcast %squeeze3A_1344 : i32 to vector<16xi32>
      %gather3A_1346 = arith.constant 3 : i32
      %gather3A_1347 = arith.constant 0 : i32
      %gather3A_1348 = arith.constant 0 : i32
      %gather3A_1349 = tpu.memref_slice %arg9[%gather3A_1346, %gather3A_1347, %gather3A_1348] : memref<8x32x128xf32, #tpu.memory_space<vmem>> -> memref<1x32x128xf32, #tpu.memory_space<vmem>>
      %gather3A_1350 = tpu.memref_squeeze %gather3A_1349 : memref<1x32x128xf32, #tpu.memory_space<vmem>> -> memref<32x128xf32, #tpu.memory_space<vmem>>
      %gather3A_1351 = tpu.vector_load_idx %gather3A_1350[%iota3A, %broadcast_in_dim3A_1342] : memref<32x128xf32, #tpu.memory_space<vmem>>[vector<16xi32>, vector<16xi32>], vector<16xf32>,
      %gather3A_1352 = arith.constant 3 : i32
      %gather3A_1353 = arith.constant 0 : i32
      %gather3A_1354 = arith.constant 0 : i32
      %gather3A_1355 = tpu.memref_slice %arg9[%gather3A_1352, %gather3A_1353, %gather3A_1354] : memref<8x32x128xf32, #tpu.memory_space<vmem>> -> memref<1x32x128xf32, #tpu.memory_space<vmem>>
      %gather3A_1356 = tpu.memref_squeeze %gather3A_1355 : memref<1x32x128xf32, #tpu.memory_space<vmem>> -> memref<32x128xf32, #tpu.memory_space<vmem>>
      %gather3A_1357 = tpu.vector_load_idx %gather3A_1356[%add3A_5, %broadcast_in_dim3A_1342] : memref<32x128xf32, #tpu.memory_space<vmem>>[vector<16xi32>, vector<16xi32>], vector<16xf32>,
      %gather3A_1358 = arith.constant 3 : i32
      %gather3A_1359 = arith.constant 0 : i32
      %gather3A_1360 = arith.constant 0 : i32
      %gather3A_1361 = tpu.memref_slice %arg10[%gather3A_1358, %gather3A_1359, %gather3A_1360] : memref<8x32x128xf32, #tpu.memory_space<vmem>> -> memref<1x32x128xf32, #tpu.memory_space<vmem>>
      %gather3A_1362 = tpu.memref_squeeze %gather3A_1361 : memref<1x32x128xf32, #tpu.memory_space<vmem>> -> memref<32x128xf32, #tpu.memory_space<vmem>>
      %gather3A_1363 = tpu.vector_load_idx %gather3A_1362[%iota3A, %broadcast_in_dim3A_1345] : memref<32x128xf32, #tpu.memory_space<vmem>>[vector<16xi32>, vector<16xi32>], vector<16xf32>,
      %gather3A_1364 = arith.constant 3 : i32
      %gather3A_1365 = arith.constant 0 : i32
      %gather3A_1366 = arith.constant 0 : i32
      %gather3A_1367 = tpu.memref_slice %arg10[%gather3A_1364, %gather3A_1365, %gather3A_1366] : memref<8x32x128xf32, #tpu.memory_space<vmem>> -> memref<1x32x128xf32, #tpu.memory_space<vmem>>
      %gather3A_1368 = tpu.memref_squeeze %gather3A_1367 : memref<1x32x128xf32, #tpu.memory_space<vmem>> -> memref<32x128xf32, #tpu.memory_space<vmem>>
      %gather3A_1369 = tpu.vector_load_idx %gather3A_1368[%add3A_5, %broadcast_in_dim3A_1345] : memref<32x128xf32, #tpu.memory_space<vmem>>[vector<16xi32>, vector<16xi32>], vector<16xf32>,
      %mul3A_1370 = arith.mulf %gather3A_1351, %gather3A_1363 : vector<16xf32>
      %mul3A_1371 = arith.mulf %gather3A_1357, %gather3A_1369 : vector<16xf32>
      %add3A_1372 = arith.addf %mul3A_1370, %mul3A_1371 : vector<16xf32>
      %add3A_1373 = arith.constant 1 : i32
      %add3A_1374 = arith.addi %scan3A_717, %add3A_1373 : i32
      %lt3A_1375 = arith.constant 64 : i32
      %lt3A_1376 = arith.cmpi slt, %add3A_1374, %lt3A_1375 : i32
      %convert_element_type3A_1377 = arith.extui %lt3A_1376 : i1 to i32
      %cond3A_1378 = arith.constant 0 : i32
      %cond3A_1379 = arith.cmpi ne, %convert_element_type3A_1377, %cond3A_1378 : i32
      scf.if %cond3A_1379 {
        %slice3A_2024 = vector.extract_strided_slice %mul3A_744 {offsets = [3], sizes = [1], strides = [1]} : vector<16xi32> to vector<1xi32>
        %squeeze3A_2025 = vector.extract %slice3A_2024[0] : i32 from vector<1xi32>
        %multiple_of3A_2026 = tpu.assume_multiple %squeeze3A_2025, 128 : i32
        %slice3A_2027 = vector.extract_strided_slice %mul3A_750 {offsets = [3], sizes = [1], strides = [1]} : vector<16xi32> to vector<1xi32>
        %squeeze3A_2028 = vector.extract %slice3A_2027[0] : i32 from vector<1xi32>
        %multiple_of3A_2029 = tpu.assume_multiple %squeeze3A_2028, 128 : i32
        %multiple_of3A_2030 = arith.constant 0 : i32
        %multiple_of3A_2031 = tpu.assume_multiple %multiple_of3A_2030, 8 : i32
        %dma_start3A_2032 = arith.constant 3 : i32
        %dma_start3A_2033 = arith.constant 0 : i32
        %dma_start3A_2034 = tpu.memref_slice %arg9[%dma_start3A_2032, %multiple_of3A_2031, %dma_start3A_2033] : memref<8x32x128xf32, #tpu.memory_space<vmem>> -> memref<1x8x128xf32, #tpu.memory_space<vmem>>
        %dma_start3A_2035 = tpu.memref_squeeze %dma_start3A_2034 : memref<1x8x128xf32, #tpu.memory_space<vmem>> -> memref<8x128xf32, #tpu.memory_space<vmem>>
        %dma_start3A_2036 = tpu.memref_slice %arg4[%multiple_of3A_2031, %multiple_of3A_2026] : memref<32x1000000xf32, #tpu.memory_space<hbm>> -> memref<8x128xf32, #tpu.memory_space<hbm>>
        %dma_start3A_2037 = arith.constant 0 : i32
        %dma_start3A_2038 = tpu.memref_slice %arg9[%dma_start3A_2032, %multiple_of3A_2031, %dma_start3A_2037] : memref<8x32x128xf32, #tpu.memory_space<vmem>> -> memref<1x8x128xf32, #tpu.memory_space<vmem>>
        %dma_start3A_2039 = tpu.memref_squeeze %dma_start3A_2038 : memref<1x8x128xf32, #tpu.memory_space<vmem>> -> memref<8x128xf32, #tpu.memory_space<vmem>>
        %dma_start3A_2040 = tpu.memref_slice %arg4[%multiple_of3A_2031, %multiple_of3A_2026] : memref<32x1000000xf32, #tpu.memory_space<hbm>> -> memref<8x128xf32, #tpu.memory_space<hbm>>
        tpu.enqueue_dma source(%dma_start3A_2040 : memref<8x128xf32, #tpu.memory_space<hbm>>) target(%dma_start3A_2039 : memref<8x128xf32, #tpu.memory_space<vmem>>) target_semaphore(%arg16 : memref<!tpu.dma_semaphore, #tpu.memory_space<semaphore_mem>>)
        %dma_start3A_2041 = arith.constant 3 : i32
        %dma_start3A_2042 = arith.constant 0 : i32
        %dma_start3A_2043 = tpu.memref_slice %arg10[%dma_start3A_2041, %multiple_of3A_2031, %dma_start3A_2042] : memref<8x32x128xf32, #tpu.memory_space<vmem>> -> memref<1x8x128xf32, #tpu.memory_space<vmem>>
        %dma_start3A_2044 = tpu.memref_squeeze %dma_start3A_2043 : memref<1x8x128xf32, #tpu.memory_space<vmem>> -> memref<8x128xf32, #tpu.memory_space<vmem>>
        %dma_start3A_2045 = tpu.memref_slice %arg5[%multiple_of3A_2031, %multiple_of3A_2029] : memref<32x1000000xf32, #tpu.memory_space<hbm>> -> memref<8x128xf32, #tpu.memory_space<hbm>>
        %dma_start3A_2046 = arith.constant 0 : i32
        %dma_start3A_2047 = tpu.memref_slice %arg10[%dma_start3A_2041, %multiple_of3A_2031, %dma_start3A_2046] : memref<8x32x128xf32, #tpu.memory_space<vmem>> -> memref<1x8x128xf32, #tpu.memory_space<vmem>>
        %dma_start3A_2048 = tpu.memref_squeeze %dma_start3A_2047 : memref<1x8x128xf32, #tpu.memory_space<vmem>> -> memref<8x128xf32, #tpu.memory_space<vmem>>
        %dma_start3A_2049 = tpu.memref_slice %arg5[%multiple_of3A_2031, %multiple_of3A_2029] : memref<32x1000000xf32, #tpu.memory_space<hbm>> -> memref<8x128xf32, #tpu.memory_space<hbm>>
        tpu.enqueue_dma source(%dma_start3A_2049 : memref<8x128xf32, #tpu.memory_space<hbm>>) target(%dma_start3A_2048 : memref<8x128xf32, #tpu.memory_space<vmem>>) target_semaphore(%arg24 : memref<!tpu.dma_semaphore, #tpu.memory_space<semaphore_mem>>)
        %multiple_of3A_2050 = arith.constant 8 : i32
        %multiple_of3A_2051 = tpu.assume_multiple %multiple_of3A_2050, 8 : i32
        %dma_start3A_2052 = arith.constant 3 : i32
        %dma_start3A_2053 = arith.constant 0 : i32
        %dma_start3A_2054 = tpu.memref_slice %arg9[%dma_start3A_2052, %multiple_of3A_2051, %dma_start3A_2053] : memref<8x32x128xf32, #tpu.memory_space<vmem>> -> memref<1x8x128xf32, #tpu.memory_space<vmem>>
        %dma_start3A_2055 = tpu.memref_squeeze %dma_start3A_2054 : memref<1x8x128xf32, #tpu.memory_space<vmem>> -> memref<8x128xf32, #tpu.memory_space<vmem>>
        %dma_start3A_2056 = tpu.memref_slice %arg4[%multiple_of3A_2051, %multiple_of3A_2026] : memref<32x1000000xf32, #tpu.memory_space<hbm>> -> memref<8x128xf32, #tpu.memory_space<hbm>>
        %dma_start3A_2057 = arith.constant 0 : i32
        %dma_start3A_2058 = tpu.memref_slice %arg9[%dma_start3A_2052, %multiple_of3A_2051, %dma_start3A_2057] : memref<8x32x128xf32, #tpu.memory_space<vmem>> -> memref<1x8x128xf32, #tpu.memory_space<vmem>>
        %dma_start3A_2059 = tpu.memref_squeeze %dma_start3A_2058 : memref<1x8x128xf32, #tpu.memory_space<vmem>> -> memref<8x128xf32, #tpu.memory_space<vmem>>
        %dma_start3A_2060 = tpu.memref_slice %arg4[%multiple_of3A_2051, %multiple_of3A_2026] : memref<32x1000000xf32, #tpu.memory_space<hbm>> -> memref<8x128xf32, #tpu.memory_space<hbm>>
        tpu.enqueue_dma source(%dma_start3A_2060 : memref<8x128xf32, #tpu.memory_space<hbm>>) target(%dma_start3A_2059 : memref<8x128xf32, #tpu.memory_space<vmem>>) target_semaphore(%arg16 : memref<!tpu.dma_semaphore, #tpu.memory_space<semaphore_mem>>)
        %dma_start3A_2061 = arith.constant 3 : i32
        %dma_start3A_2062 = arith.constant 0 : i32
        %dma_start3A_2063 = tpu.memref_slice %arg10[%dma_start3A_2061, %multiple_of3A_2051, %dma_start3A_2062] : memref<8x32x128xf32, #tpu.memory_space<vmem>> -> memref<1x8x128xf32, #tpu.memory_space<vmem>>
        %dma_start3A_2064 = tpu.memref_squeeze %dma_start3A_2063 : memref<1x8x128xf32, #tpu.memory_space<vmem>> -> memref<8x128xf32, #tpu.memory_space<vmem>>
        %dma_start3A_2065 = tpu.memref_slice %arg5[%multiple_of3A_2051, %multiple_of3A_2029] : memref<32x1000000xf32, #tpu.memory_space<hbm>> -> memref<8x128xf32, #tpu.memory_space<hbm>>
        %dma_start3A_2066 = arith.constant 0 : i32
        %dma_start3A_2067 = tpu.memref_slice %arg10[%dma_start3A_2061, %multiple_of3A_2051, %dma_start3A_2066] : memref<8x32x128xf32, #tpu.memory_space<vmem>> -> memref<1x8x128xf32, #tpu.memory_space<vmem>>
        %dma_start3A_2068 = tpu.memref_squeeze %dma_start3A_2067 : memref<1x8x128xf32, #tpu.memory_space<vmem>> -> memref<8x128xf32, #tpu.memory_space<vmem>>
        %dma_start3A_2069 = tpu.memref_slice %arg5[%multiple_of3A_2051, %multiple_of3A_2029] : memref<32x1000000xf32, #tpu.memory_space<hbm>> -> memref<8x128xf32, #tpu.memory_space<hbm>>
        tpu.enqueue_dma source(%dma_start3A_2069 : memref<8x128xf32, #tpu.memory_space<hbm>>) target(%dma_start3A_2068 : memref<8x128xf32, #tpu.memory_space<vmem>>) target_semaphore(%arg24 : memref<!tpu.dma_semaphore, #tpu.memory_space<semaphore_mem>>)
        %multiple_of3A_2070 = arith.constant 16 : i32
        %multiple_of3A_2071 = tpu.assume_multiple %multiple_of3A_2070, 8 : i32
        %dma_start3A_2072 = arith.constant 3 : i32
        %dma_start3A_2073 = arith.constant 0 : i32
        %dma_start3A_2074 = tpu.memref_slice %arg9[%dma_start3A_2072, %multiple_of3A_2071, %dma_start3A_2073] : memref<8x32x128xf32, #tpu.memory_space<vmem>> -> memref<1x8x128xf32, #tpu.memory_space<vmem>>
        %dma_start3A_2075 = tpu.memref_squeeze %dma_start3A_2074 : memref<1x8x128xf32, #tpu.memory_space<vmem>> -> memref<8x128xf32, #tpu.memory_space<vmem>>
        %dma_start3A_2076 = tpu.memref_slice %arg4[%multiple_of3A_2071, %multiple_of3A_2026] : memref<32x1000000xf32, #tpu.memory_space<hbm>> -> memref<8x128xf32, #tpu.memory_space<hbm>>
        %dma_start3A_2077 = arith.constant 0 : i32
        %dma_start3A_2078 = tpu.memref_slice %arg9[%dma_start3A_2072, %multiple_of3A_2071, %dma_start3A_2077] : memref<8x32x128xf32, #tpu.memory_space<vmem>> -> memref<1x8x128xf32, #tpu.memory_space<vmem>>
        %dma_start3A_2079 = tpu.memref_squeeze %dma_start3A_2078 : memref<1x8x128xf32, #tpu.memory_space<vmem>> -> memref<8x128xf32, #tpu.memory_space<vmem>>
        %dma_start3A_2080 = tpu.memref_slice %arg4[%multiple_of3A_2071, %multiple_of3A_2026] : memref<32x1000000xf32, #tpu.memory_space<hbm>> -> memref<8x128xf32, #tpu.memory_space<hbm>>
        tpu.enqueue_dma source(%dma_start3A_2080 : memref<8x128xf32, #tpu.memory_space<hbm>>) target(%dma_start3A_2079 : memref<8x128xf32, #tpu.memory_space<vmem>>) target_semaphore(%arg16 : memref<!tpu.dma_semaphore, #tpu.memory_space<semaphore_mem>>)
        %dma_start3A_2081 = arith.constant 3 : i32
        %dma_start3A_2082 = arith.constant 0 : i32
        %dma_start3A_2083 = tpu.memref_slice %arg10[%dma_start3A_2081, %multiple_of3A_2071, %dma_start3A_2082] : memref<8x32x128xf32, #tpu.memory_space<vmem>> -> memref<1x8x128xf32, #tpu.memory_space<vmem>>
        %dma_start3A_2084 = tpu.memref_squeeze %dma_start3A_2083 : memref<1x8x128xf32, #tpu.memory_space<vmem>> -> memref<8x128xf32, #tpu.memory_space<vmem>>
        %dma_start3A_2085 = tpu.memref_slice %arg5[%multiple_of3A_2071, %multiple_of3A_2029] : memref<32x1000000xf32, #tpu.memory_space<hbm>> -> memref<8x128xf32, #tpu.memory_space<hbm>>
        %dma_start3A_2086 = arith.constant 0 : i32
        %dma_start3A_2087 = tpu.memref_slice %arg10[%dma_start3A_2081, %multiple_of3A_2071, %dma_start3A_2086] : memref<8x32x128xf32, #tpu.memory_space<vmem>> -> memref<1x8x128xf32, #tpu.memory_space<vmem>>
        %dma_start3A_2088 = tpu.memref_squeeze %dma_start3A_2087 : memref<1x8x128xf32, #tpu.memory_space<vmem>> -> memref<8x128xf32, #tpu.memory_space<vmem>>
        %dma_start3A_2089 = tpu.memref_slice %arg5[%multiple_of3A_2071, %multiple_of3A_2029] : memref<32x1000000xf32, #tpu.memory_space<hbm>> -> memref<8x128xf32, #tpu.memory_space<hbm>>
        tpu.enqueue_dma source(%dma_start3A_2089 : memref<8x128xf32, #tpu.memory_space<hbm>>) target(%dma_start3A_2088 : memref<8x128xf32, #tpu.memory_space<vmem>>) target_semaphore(%arg24 : memref<!tpu.dma_semaphore, #tpu.memory_space<semaphore_mem>>)
        %multiple_of3A_2090 = arith.constant 24 : i32
        %multiple_of3A_2091 = tpu.assume_multiple %multiple_of3A_2090, 8 : i32
        %dma_start3A_2092 = arith.constant 3 : i32
        %dma_start3A_2093 = arith.constant 0 : i32
        %dma_start3A_2094 = tpu.memref_slice %arg9[%dma_start3A_2092, %multiple_of3A_2091, %dma_start3A_2093] : memref<8x32x128xf32, #tpu.memory_space<vmem>> -> memref<1x8x128xf32, #tpu.memory_space<vmem>>
        %dma_start3A_2095 = tpu.memref_squeeze %dma_start3A_2094 : memref<1x8x128xf32, #tpu.memory_space<vmem>> -> memref<8x128xf32, #tpu.memory_space<vmem>>
        %dma_start3A_2096 = tpu.memref_slice %arg4[%multiple_of3A_2091, %multiple_of3A_2026] : memref<32x1000000xf32, #tpu.memory_space<hbm>> -> memref<8x128xf32, #tpu.memory_space<hbm>>
        %dma_start3A_2097 = arith.constant 0 : i32
        %dma_start3A_2098 = tpu.memref_slice %arg9[%dma_start3A_2092, %multiple_of3A_2091, %dma_start3A_2097] : memref<8x32x128xf32, #tpu.memory_space<vmem>> -> memref<1x8x128xf32, #tpu.memory_space<vmem>>
        %dma_start3A_2099 = tpu.memref_squeeze %dma_start3A_2098 : memref<1x8x128xf32, #tpu.memory_space<vmem>> -> memref<8x128xf32, #tpu.memory_space<vmem>>
        %dma_start3A_2100 = tpu.memref_slice %arg4[%multiple_of3A_2091, %multiple_of3A_2026] : memref<32x1000000xf32, #tpu.memory_space<hbm>> -> memref<8x128xf32, #tpu.memory_space<hbm>>
        tpu.enqueue_dma source(%dma_start3A_2100 : memref<8x128xf32, #tpu.memory_space<hbm>>) target(%dma_start3A_2099 : memref<8x128xf32, #tpu.memory_space<vmem>>) target_semaphore(%arg16 : memref<!tpu.dma_semaphore, #tpu.memory_space<semaphore_mem>>)
        %dma_start3A_2101 = arith.constant 3 : i32
        %dma_start3A_2102 = arith.constant 0 : i32
        %dma_start3A_2103 = tpu.memref_slice %arg10[%dma_start3A_2101, %multiple_of3A_2091, %dma_start3A_2102] : memref<8x32x128xf32, #tpu.memory_space<vmem>> -> memref<1x8x128xf32, #tpu.memory_space<vmem>>
        %dma_start3A_2104 = tpu.memref_squeeze %dma_start3A_2103 : memref<1x8x128xf32, #tpu.memory_space<vmem>> -> memref<8x128xf32, #tpu.memory_space<vmem>>
        %dma_start3A_2105 = tpu.memref_slice %arg5[%multiple_of3A_2091, %multiple_of3A_2029] : memref<32x1000000xf32, #tpu.memory_space<hbm>> -> memref<8x128xf32, #tpu.memory_space<hbm>>
        %dma_start3A_2106 = arith.constant 0 : i32
        %dma_start3A_2107 = tpu.memref_slice %arg10[%dma_start3A_2101, %multiple_of3A_2091, %dma_start3A_2106] : memref<8x32x128xf32, #tpu.memory_space<vmem>> -> memref<1x8x128xf32, #tpu.memory_space<vmem>>
        %dma_start3A_2108 = tpu.memref_squeeze %dma_start3A_2107 : memref<1x8x128xf32, #tpu.memory_space<vmem>> -> memref<8x128xf32, #tpu.memory_space<vmem>>
        %dma_start3A_2109 = tpu.memref_slice %arg5[%multiple_of3A_2091, %multiple_of3A_2029] : memref<32x1000000xf32, #tpu.memory_space<hbm>> -> memref<8x128xf32, #tpu.memory_space<hbm>>
        tpu.enqueue_dma source(%dma_start3A_2109 : memref<8x128xf32, #tpu.memory_space<hbm>>) target(%dma_start3A_2108 : memref<8x128xf32, #tpu.memory_space<vmem>>) target_semaphore(%arg24 : memref<!tpu.dma_semaphore, #tpu.memory_space<semaphore_mem>>)
      } else {
      }
      %mul3A_1380 = arith.constant 17 : i32
      %mul3A_1381 = arith.muli %add3A_1227, %mul3A_1380 : i32
      %swap3A_1382 = arith.index_cast %mul3A_1381 : i32 to index
      %swap3A_1383 = tpu.vector_load %arg11[%swap3A_1382] {strides = array<i32>} : memref<8704xf32, #tpu.memory_space<vmem>>, vector<16xf32>,
      tpu.vector_store %arg11[%swap3A_1382], %add3A_1372 {strides = array<i32>} : memref<8704xf32, #tpu.memory_space<vmem>>, vector<16xf32>,
      %mul3A_1384 = arith.constant 8 : i32
      %mul3A_1385 = arith.muli %scan3A_717, %mul3A_1384 : i32
      %add3A_1386 = arith.constant 4 : i32
      %add3A_1387 = arith.addi %mul3A_1385, %add3A_1386 : i32
      %multiple_of3A_1388 = arith.constant 0 : i32
      %multiple_of3A_1389 = tpu.assume_multiple %multiple_of3A_1388, 8 : i32
      %dma_wait3A_1390 = arith.constant 4 : i32
      %dma_wait3A_1391 = arith.constant 0 : i32
      %dma_wait3A_1392 = tpu.memref_slice %arg9[%dma_wait3A_1390, %multiple_of3A_1389, %dma_wait3A_1391] : memref<8x32x128xf32, #tpu.memory_space<vmem>> -> memref<1x8x128xf32, #tpu.memory_space<vmem>>
      %dma_wait3A_1393 = tpu.memref_squeeze %dma_wait3A_1392 : memref<1x8x128xf32, #tpu.memory_space<vmem>> -> memref<8x128xf32, #tpu.memory_space<vmem>>
      %dma_wait3A_1394 = arith.constant 0 : i32
      %dma_wait3A_1395 = arith.constant 0 : i32
      %dma_wait3A_1396 = tpu.memref_slice %arg4[%dma_wait3A_1394, %dma_wait3A_1395] : memref<32x1000000xf32, #tpu.memory_space<hbm>> -> memref<8x128xf32, #tpu.memory_space<hbm>>
      %dma_wait3A_1397 = arith.constant 0 : i32
      %dma_wait3A_1398 = tpu.memref_slice %arg9[%dma_wait3A_1390, %multiple_of3A_1389, %dma_wait3A_1397] : memref<8x32x128xf32, #tpu.memory_space<vmem>> -> memref<1x8x128xf32, #tpu.memory_space<vmem>>
      %dma_wait3A_1399 = tpu.memref_squeeze %dma_wait3A_1398 : memref<1x8x128xf32, #tpu.memory_space<vmem>> -> memref<8x128xf32, #tpu.memory_space<vmem>>
      %dma_wait3A_1400 = arith.constant 0 : i32
      %dma_wait3A_1401 = arith.constant 0 : i32
      %dma_wait3A_1402 = tpu.memref_slice %arg4[%dma_wait3A_1400, %dma_wait3A_1401] : memref<32x1000000xf32, #tpu.memory_space<hbm>> -> memref<8x128xf32, #tpu.memory_space<hbm>>
      tpu.wait_dma2 semaphore(%arg17 : memref<!tpu.dma_semaphore, #tpu.memory_space<semaphore_mem>>) src(%dma_wait3A_1402 : memref<8x128xf32, #tpu.memory_space<hbm>>) dst(%dma_wait3A_1399 : memref<8x128xf32, #tpu.memory_space<vmem>>)
      %dma_wait3A_1403 = arith.constant 4 : i32
      %dma_wait3A_1404 = arith.constant 0 : i32
      %dma_wait3A_1405 = tpu.memref_slice %arg10[%dma_wait3A_1403, %multiple_of3A_1389, %dma_wait3A_1404] : memref<8x32x128xf32, #tpu.memory_space<vmem>> -> memref<1x8x128xf32, #tpu.memory_space<vmem>>
      %dma_wait3A_1406 = tpu.memref_squeeze %dma_wait3A_1405 : memref<1x8x128xf32, #tpu.memory_space<vmem>> -> memref<8x128xf32, #tpu.memory_space<vmem>>
      %dma_wait3A_1407 = arith.constant 0 : i32
      %dma_wait3A_1408 = arith.constant 0 : i32
      %dma_wait3A_1409 = tpu.memref_slice %arg5[%dma_wait3A_1407, %dma_wait3A_1408] : memref<32x1000000xf32, #tpu.memory_space<hbm>> -> memref<8x128xf32, #tpu.memory_space<hbm>>
      %dma_wait3A_1410 = arith.constant 0 : i32
      %dma_wait3A_1411 = tpu.memref_slice %arg10[%dma_wait3A_1403, %multiple_of3A_1389, %dma_wait3A_1410] : memref<8x32x128xf32, #tpu.memory_space<vmem>> -> memref<1x8x128xf32, #tpu.memory_space<vmem>>
      %dma_wait3A_1412 = tpu.memref_squeeze %dma_wait3A_1411 : memref<1x8x128xf32, #tpu.memory_space<vmem>> -> memref<8x128xf32, #tpu.memory_space<vmem>>
      %dma_wait3A_1413 = arith.constant 0 : i32
      %dma_wait3A_1414 = arith.constant 0 : i32
      %dma_wait3A_1415 = tpu.memref_slice %arg5[%dma_wait3A_1413, %dma_wait3A_1414] : memref<32x1000000xf32, #tpu.memory_space<hbm>> -> memref<8x128xf32, #tpu.memory_space<hbm>>
      tpu.wait_dma2 semaphore(%arg25 : memref<!tpu.dma_semaphore, #tpu.memory_space<semaphore_mem>>) src(%dma_wait3A_1415 : memref<8x128xf32, #tpu.memory_space<hbm>>) dst(%dma_wait3A_1412 : memref<8x128xf32, #tpu.memory_space<vmem>>)
      %multiple_of3A_1416 = arith.constant 8 : i32
      %multiple_of3A_1417 = tpu.assume_multiple %multiple_of3A_1416, 8 : i32
      %dma_wait3A_1418 = arith.constant 4 : i32
      %dma_wait3A_1419 = arith.constant 0 : i32
      %dma_wait3A_1420 = tpu.memref_slice %arg9[%dma_wait3A_1418, %multiple_of3A_1417, %dma_wait3A_1419] : memref<8x32x128xf32, #tpu.memory_space<vmem>> -> memref<1x8x128xf32, #tpu.memory_space<vmem>>
      %dma_wait3A_1421 = tpu.memref_squeeze %dma_wait3A_1420 : memref<1x8x128xf32, #tpu.memory_space<vmem>> -> memref<8x128xf32, #tpu.memory_space<vmem>>
      %dma_wait3A_1422 = arith.constant 0 : i32
      %dma_wait3A_1423 = arith.constant 0 : i32
      %dma_wait3A_1424 = tpu.memref_slice %arg4[%dma_wait3A_1422, %dma_wait3A_1423] : memref<32x1000000xf32, #tpu.memory_space<hbm>> -> memref<8x128xf32, #tpu.memory_space<hbm>>
      %dma_wait3A_1425 = arith.constant 0 : i32
      %dma_wait3A_1426 = tpu.memref_slice %arg9[%dma_wait3A_1418, %multiple_of3A_1417, %dma_wait3A_1425] : memref<8x32x128xf32, #tpu.memory_space<vmem>> -> memref<1x8x128xf32, #tpu.memory_space<vmem>>
      %dma_wait3A_1427 = tpu.memref_squeeze %dma_wait3A_1426 : memref<1x8x128xf32, #tpu.memory_space<vmem>> -> memref<8x128xf32, #tpu.memory_space<vmem>>
      %dma_wait3A_1428 = arith.constant 0 : i32
      %dma_wait3A_1429 = arith.constant 0 : i32
      %dma_wait3A_1430 = tpu.memref_slice %arg4[%dma_wait3A_1428, %dma_wait3A_1429] : memref<32x1000000xf32, #tpu.memory_space<hbm>> -> memref<8x128xf32, #tpu.memory_space<hbm>>
      tpu.wait_dma2 semaphore(%arg17 : memref<!tpu.dma_semaphore, #tpu.memory_space<semaphore_mem>>) src(%dma_wait3A_1430 : memref<8x128xf32, #tpu.memory_space<hbm>>) dst(%dma_wait3A_1427 : memref<8x128xf32, #tpu.memory_space<vmem>>)
      %dma_wait3A_1431 = arith.constant 4 : i32
      %dma_wait3A_1432 = arith.constant 0 : i32
      %dma_wait3A_1433 = tpu.memref_slice %arg10[%dma_wait3A_1431, %multiple_of3A_1417, %dma_wait3A_1432] : memref<8x32x128xf32, #tpu.memory_space<vmem>> -> memref<1x8x128xf32, #tpu.memory_space<vmem>>
      %dma_wait3A_1434 = tpu.memref_squeeze %dma_wait3A_1433 : memref<1x8x128xf32, #tpu.memory_space<vmem>> -> memref<8x128xf32, #tpu.memory_space<vmem>>
      %dma_wait3A_1435 = arith.constant 0 : i32
      %dma_wait3A_1436 = arith.constant 0 : i32
      %dma_wait3A_1437 = tpu.memref_slice %arg5[%dma_wait3A_1435, %dma_wait3A_1436] : memref<32x1000000xf32, #tpu.memory_space<hbm>> -> memref<8x128xf32, #tpu.memory_space<hbm>>
      %dma_wait3A_1438 = arith.constant 0 : i32
      %dma_wait3A_1439 = tpu.memref_slice %arg10[%dma_wait3A_1431, %multiple_of3A_1417, %dma_wait3A_1438] : memref<8x32x128xf32, #tpu.memory_space<vmem>> -> memref<1x8x128xf32, #tpu.memory_space<vmem>>
      %dma_wait3A_1440 = tpu.memref_squeeze %dma_wait3A_1439 : memref<1x8x128xf32, #tpu.memory_space<vmem>> -> memref<8x128xf32, #tpu.memory_space<vmem>>
      %dma_wait3A_1441 = arith.constant 0 : i32
      %dma_wait3A_1442 = arith.constant 0 : i32
      %dma_wait3A_1443 = tpu.memref_slice %arg5[%dma_wait3A_1441, %dma_wait3A_1442] : memref<32x1000000xf32, #tpu.memory_space<hbm>> -> memref<8x128xf32, #tpu.memory_space<hbm>>
      tpu.wait_dma2 semaphore(%arg25 : memref<!tpu.dma_semaphore, #tpu.memory_space<semaphore_mem>>) src(%dma_wait3A_1443 : memref<8x128xf32, #tpu.memory_space<hbm>>) dst(%dma_wait3A_1440 : memref<8x128xf32, #tpu.memory_space<vmem>>)
      %multiple_of3A_1444 = arith.constant 16 : i32
      %multiple_of3A_1445 = tpu.assume_multiple %multiple_of3A_1444, 8 : i32
      %dma_wait3A_1446 = arith.constant 4 : i32
      %dma_wait3A_1447 = arith.constant 0 : i32
      %dma_wait3A_1448 = tpu.memref_slice %arg9[%dma_wait3A_1446, %multiple_of3A_1445, %dma_wait3A_1447] : memref<8x32x128xf32, #tpu.memory_space<vmem>> -> memref<1x8x128xf32, #tpu.memory_space<vmem>>
      %dma_wait3A_1449 = tpu.memref_squeeze %dma_wait3A_1448 : memref<1x8x128xf32, #tpu.memory_space<vmem>> -> memref<8x128xf32, #tpu.memory_space<vmem>>
      %dma_wait3A_1450 = arith.constant 0 : i32
      %dma_wait3A_1451 = arith.constant 0 : i32
      %dma_wait3A_1452 = tpu.memref_slice %arg4[%dma_wait3A_1450, %dma_wait3A_1451] : memref<32x1000000xf32, #tpu.memory_space<hbm>> -> memref<8x128xf32, #tpu.memory_space<hbm>>
      %dma_wait3A_1453 = arith.constant 0 : i32
      %dma_wait3A_1454 = tpu.memref_slice %arg9[%dma_wait3A_1446, %multiple_of3A_1445, %dma_wait3A_1453] : memref<8x32x128xf32, #tpu.memory_space<vmem>> -> memref<1x8x128xf32, #tpu.memory_space<vmem>>
      %dma_wait3A_1455 = tpu.memref_squeeze %dma_wait3A_1454 : memref<1x8x128xf32, #tpu.memory_space<vmem>> -> memref<8x128xf32, #tpu.memory_space<vmem>>
      %dma_wait3A_1456 = arith.constant 0 : i32
      %dma_wait3A_1457 = arith.constant 0 : i32
      %dma_wait3A_1458 = tpu.memref_slice %arg4[%dma_wait3A_1456, %dma_wait3A_1457] : memref<32x1000000xf32, #tpu.memory_space<hbm>> -> memref<8x128xf32, #tpu.memory_space<hbm>>
      tpu.wait_dma2 semaphore(%arg17 : memref<!tpu.dma_semaphore, #tpu.memory_space<semaphore_mem>>) src(%dma_wait3A_1458 : memref<8x128xf32, #tpu.memory_space<hbm>>) dst(%dma_wait3A_1455 : memref<8x128xf32, #tpu.memory_space<vmem>>)
      %dma_wait3A_1459 = arith.constant 4 : i32
      %dma_wait3A_1460 = arith.constant 0 : i32
      %dma_wait3A_1461 = tpu.memref_slice %arg10[%dma_wait3A_1459, %multiple_of3A_1445, %dma_wait3A_1460] : memref<8x32x128xf32, #tpu.memory_space<vmem>> -> memref<1x8x128xf32, #tpu.memory_space<vmem>>
      %dma_wait3A_1462 = tpu.memref_squeeze %dma_wait3A_1461 : memref<1x8x128xf32, #tpu.memory_space<vmem>> -> memref<8x128xf32, #tpu.memory_space<vmem>>
      %dma_wait3A_1463 = arith.constant 0 : i32
      %dma_wait3A_1464 = arith.constant 0 : i32
      %dma_wait3A_1465 = tpu.memref_slice %arg5[%dma_wait3A_1463, %dma_wait3A_1464] : memref<32x1000000xf32, #tpu.memory_space<hbm>> -> memref<8x128xf32, #tpu.memory_space<hbm>>
      %dma_wait3A_1466 = arith.constant 0 : i32
      %dma_wait3A_1467 = tpu.memref_slice %arg10[%dma_wait3A_1459, %multiple_of3A_1445, %dma_wait3A_1466] : memref<8x32x128xf32, #tpu.memory_space<vmem>> -> memref<1x8x128xf32, #tpu.memory_space<vmem>>
      %dma_wait3A_1468 = tpu.memref_squeeze %dma_wait3A_1467 : memref<1x8x128xf32, #tpu.memory_space<vmem>> -> memref<8x128xf32, #tpu.memory_space<vmem>>
      %dma_wait3A_1469 = arith.constant 0 : i32
      %dma_wait3A_1470 = arith.constant 0 : i32
      %dma_wait3A_1471 = tpu.memref_slice %arg5[%dma_wait3A_1469, %dma_wait3A_1470] : memref<32x1000000xf32, #tpu.memory_space<hbm>> -> memref<8x128xf32, #tpu.memory_space<hbm>>
      tpu.wait_dma2 semaphore(%arg25 : memref<!tpu.dma_semaphore, #tpu.memory_space<semaphore_mem>>) src(%dma_wait3A_1471 : memref<8x128xf32, #tpu.memory_space<hbm>>) dst(%dma_wait3A_1468 : memref<8x128xf32, #tpu.memory_space<vmem>>)
      %multiple_of3A_1472 = arith.constant 24 : i32
      %multiple_of3A_1473 = tpu.assume_multiple %multiple_of3A_1472, 8 : i32
      %dma_wait3A_1474 = arith.constant 4 : i32
      %dma_wait3A_1475 = arith.constant 0 : i32
      %dma_wait3A_1476 = tpu.memref_slice %arg9[%dma_wait3A_1474, %multiple_of3A_1473, %dma_wait3A_1475] : memref<8x32x128xf32, #tpu.memory_space<vmem>> -> memref<1x8x128xf32, #tpu.memory_space<vmem>>
      %dma_wait3A_1477 = tpu.memref_squeeze %dma_wait3A_1476 : memref<1x8x128xf32, #tpu.memory_space<vmem>> -> memref<8x128xf32, #tpu.memory_space<vmem>>
      %dma_wait3A_1478 = arith.constant 0 : i32
      %dma_wait3A_1479 = arith.constant 0 : i32
      %dma_wait3A_1480 = tpu.memref_slice %arg4[%dma_wait3A_1478, %dma_wait3A_1479] : memref<32x1000000xf32, #tpu.memory_space<hbm>> -> memref<8x128xf32, #tpu.memory_space<hbm>>
      %dma_wait3A_1481 = arith.constant 0 : i32
      %dma_wait3A_1482 = tpu.memref_slice %arg9[%dma_wait3A_1474, %multiple_of3A_1473, %dma_wait3A_1481] : memref<8x32x128xf32, #tpu.memory_space<vmem>> -> memref<1x8x128xf32, #tpu.memory_space<vmem>>
      %dma_wait3A_1483 = tpu.memref_squeeze %dma_wait3A_1482 : memref<1x8x128xf32, #tpu.memory_space<vmem>> -> memref<8x128xf32, #tpu.memory_space<vmem>>
      %dma_wait3A_1484 = arith.constant 0 : i32
      %dma_wait3A_1485 = arith.constant 0 : i32
      %dma_wait3A_1486 = tpu.memref_slice %arg4[%dma_wait3A_1484, %dma_wait3A_1485] : memref<32x1000000xf32, #tpu.memory_space<hbm>> -> memref<8x128xf32, #tpu.memory_space<hbm>>
      tpu.wait_dma2 semaphore(%arg17 : memref<!tpu.dma_semaphore, #tpu.memory_space<semaphore_mem>>) src(%dma_wait3A_1486 : memref<8x128xf32, #tpu.memory_space<hbm>>) dst(%dma_wait3A_1483 : memref<8x128xf32, #tpu.memory_space<vmem>>)
      %dma_wait3A_1487 = arith.constant 4 : i32
      %dma_wait3A_1488 = arith.constant 0 : i32
      %dma_wait3A_1489 = tpu.memref_slice %arg10[%dma_wait3A_1487, %multiple_of3A_1473, %dma_wait3A_1488] : memref<8x32x128xf32, #tpu.memory_space<vmem>> -> memref<1x8x128xf32, #tpu.memory_space<vmem>>
      %dma_wait3A_1490 = tpu.memref_squeeze %dma_wait3A_1489 : memref<1x8x128xf32, #tpu.memory_space<vmem>> -> memref<8x128xf32, #tpu.memory_space<vmem>>
      %dma_wait3A_1491 = arith.constant 0 : i32
      %dma_wait3A_1492 = arith.constant 0 : i32
      %dma_wait3A_1493 = tpu.memref_slice %arg5[%dma_wait3A_1491, %dma_wait3A_1492] : memref<32x1000000xf32, #tpu.memory_space<hbm>> -> memref<8x128xf32, #tpu.memory_space<hbm>>
      %dma_wait3A_1494 = arith.constant 0 : i32
      %dma_wait3A_1495 = tpu.memref_slice %arg10[%dma_wait3A_1487, %multiple_of3A_1473, %dma_wait3A_1494] : memref<8x32x128xf32, #tpu.memory_space<vmem>> -> memref<1x8x128xf32, #tpu.memory_space<vmem>>
      %dma_wait3A_1496 = tpu.memref_squeeze %dma_wait3A_1495 : memref<1x8x128xf32, #tpu.memory_space<vmem>> -> memref<8x128xf32, #tpu.memory_space<vmem>>
      %dma_wait3A_1497 = arith.constant 0 : i32
      %dma_wait3A_1498 = arith.constant 0 : i32
      %dma_wait3A_1499 = tpu.memref_slice %arg5[%dma_wait3A_1497, %dma_wait3A_1498] : memref<32x1000000xf32, #tpu.memory_space<hbm>> -> memref<8x128xf32, #tpu.memory_space<hbm>>
      tpu.wait_dma2 semaphore(%arg25 : memref<!tpu.dma_semaphore, #tpu.memory_space<semaphore_mem>>) src(%dma_wait3A_1499 : memref<8x128xf32, #tpu.memory_space<hbm>>) dst(%dma_wait3A_1496 : memref<8x128xf32, #tpu.memory_space<vmem>>)
      %slice3A_1500 = vector.extract_strided_slice %and3A_726 {offsets = [4], sizes = [1], strides = [1]} : vector<16xi32> to vector<1xi32>
      %squeeze3A_1501 = vector.extract %slice3A_1500[0] : i32 from vector<1xi32>
      %broadcast_in_dim3A_1502 = vector.broadcast %squeeze3A_1501 : i32 to vector<16xi32>
      %slice3A_1503 = vector.extract_strided_slice %and3A_729 {offsets = [4], sizes = [1], strides = [1]} : vector<16xi32> to vector<1xi32>
      %squeeze3A_1504 = vector.extract %slice3A_1503[0] : i32 from vector<1xi32>
      %broadcast_in_dim3A_1505 = vector.broadcast %squeeze3A_1504 : i32 to vector<16xi32>
      %gather3A_1506 = arith.constant 4 : i32
      %gather3A_1507 = arith.constant 0 : i32
      %gather3A_1508 = arith.constant 0 : i32
      %gather3A_1509 = tpu.memref_slice %arg9[%gather3A_1506, %gather3A_1507, %gather3A_1508] : memref<8x32x128xf32, #tpu.memory_space<vmem>> -> memref<1x32x128xf32, #tpu.memory_space<vmem>>
      %gather3A_1510 = tpu.memref_squeeze %gather3A_1509 : memref<1x32x128xf32, #tpu.memory_space<vmem>> -> memref<32x128xf32, #tpu.memory_space<vmem>>
      %gather3A_1511 = tpu.vector_load_idx %gather3A_1510[%iota3A, %broadcast_in_dim3A_1502] : memref<32x128xf32, #tpu.memory_space<vmem>>[vector<16xi32>, vector<16xi32>], vector<16xf32>,
      %gather3A_1512 = arith.constant 4 : i32
      %gather3A_1513 = arith.constant 0 : i32
      %gather3A_1514 = arith.constant 0 : i32
      %gather3A_1515 = tpu.memref_slice %arg9[%gather3A_1512, %gather3A_1513, %gather3A_1514] : memref<8x32x128xf32, #tpu.memory_space<vmem>> -> memref<1x32x128xf32, #tpu.memory_space<vmem>>
      %gather3A_1516 = tpu.memref_squeeze %gather3A_1515 : memref<1x32x128xf32, #tpu.memory_space<vmem>> -> memref<32x128xf32, #tpu.memory_space<vmem>>
      %gather3A_1517 = tpu.vector_load_idx %gather3A_1516[%add3A_5, %broadcast_in_dim3A_1502] : memref<32x128xf32, #tpu.memory_space<vmem>>[vector<16xi32>, vector<16xi32>], vector<16xf32>,
      %gather3A_1518 = arith.constant 4 : i32
      %gather3A_1519 = arith.constant 0 : i32
      %gather3A_1520 = arith.constant 0 : i32
      %gather3A_1521 = tpu.memref_slice %arg10[%gather3A_1518, %gather3A_1519, %gather3A_1520] : memref<8x32x128xf32, #tpu.memory_space<vmem>> -> memref<1x32x128xf32, #tpu.memory_space<vmem>>
      %gather3A_1522 = tpu.memref_squeeze %gather3A_1521 : memref<1x32x128xf32, #tpu.memory_space<vmem>> -> memref<32x128xf32, #tpu.memory_space<vmem>>
      %gather3A_1523 = tpu.vector_load_idx %gather3A_1522[%iota3A, %broadcast_in_dim3A_1505] : memref<32x128xf32, #tpu.memory_space<vmem>>[vector<16xi32>, vector<16xi32>], vector<16xf32>,
      %gather3A_1524 = arith.constant 4 : i32
      %gather3A_1525 = arith.constant 0 : i32
      %gather3A_1526 = arith.constant 0 : i32
      %gather3A_1527 = tpu.memref_slice %arg10[%gather3A_1524, %gather3A_1525, %gather3A_1526] : memref<8x32x128xf32, #tpu.memory_space<vmem>> -> memref<1x32x128xf32, #tpu.memory_space<vmem>>
      %gather3A_1528 = tpu.memref_squeeze %gather3A_1527 : memref<1x32x128xf32, #tpu.memory_space<vmem>> -> memref<32x128xf32, #tpu.memory_space<vmem>>
      %gather3A_1529 = tpu.vector_load_idx %gather3A_1528[%add3A_5, %broadcast_in_dim3A_1505] : memref<32x128xf32, #tpu.memory_space<vmem>>[vector<16xi32>, vector<16xi32>], vector<16xf32>,
      %mul3A_1530 = arith.mulf %gather3A_1511, %gather3A_1523 : vector<16xf32>
      %mul3A_1531 = arith.mulf %gather3A_1517, %gather3A_1529 : vector<16xf32>
      %add3A_1532 = arith.addf %mul3A_1530, %mul3A_1531 : vector<16xf32>
      %add3A_1533 = arith.constant 1 : i32
      %add3A_1534 = arith.addi %scan3A_717, %add3A_1533 : i32
      %lt3A_1535 = arith.constant 64 : i32
      %lt3A_1536 = arith.cmpi slt, %add3A_1534, %lt3A_1535 : i32
      %convert_element_type3A_1537 = arith.extui %lt3A_1536 : i1 to i32
      %cond3A_1538 = arith.constant 0 : i32
      %cond3A_1539 = arith.cmpi ne, %convert_element_type3A_1537, %cond3A_1538 : i32
      scf.if %cond3A_1539 {
        %slice3A_2024 = vector.extract_strided_slice %mul3A_744 {offsets = [4], sizes = [1], strides = [1]} : vector<16xi32> to vector<1xi32>
        %squeeze3A_2025 = vector.extract %slice3A_2024[0] : i32 from vector<1xi32>
        %multiple_of3A_2026 = tpu.assume_multiple %squeeze3A_2025, 128 : i32
        %slice3A_2027 = vector.extract_strided_slice %mul3A_750 {offsets = [4], sizes = [1], strides = [1]} : vector<16xi32> to vector<1xi32>
        %squeeze3A_2028 = vector.extract %slice3A_2027[0] : i32 from vector<1xi32>
        %multiple_of3A_2029 = tpu.assume_multiple %squeeze3A_2028, 128 : i32
        %multiple_of3A_2030 = arith.constant 0 : i32
        %multiple_of3A_2031 = tpu.assume_multiple %multiple_of3A_2030, 8 : i32
        %dma_start3A_2032 = arith.constant 4 : i32
        %dma_start3A_2033 = arith.constant 0 : i32
        %dma_start3A_2034 = tpu.memref_slice %arg9[%dma_start3A_2032, %multiple_of3A_2031, %dma_start3A_2033] : memref<8x32x128xf32, #tpu.memory_space<vmem>> -> memref<1x8x128xf32, #tpu.memory_space<vmem>>
        %dma_start3A_2035 = tpu.memref_squeeze %dma_start3A_2034 : memref<1x8x128xf32, #tpu.memory_space<vmem>> -> memref<8x128xf32, #tpu.memory_space<vmem>>
        %dma_start3A_2036 = tpu.memref_slice %arg4[%multiple_of3A_2031, %multiple_of3A_2026] : memref<32x1000000xf32, #tpu.memory_space<hbm>> -> memref<8x128xf32, #tpu.memory_space<hbm>>
        %dma_start3A_2037 = arith.constant 0 : i32
        %dma_start3A_2038 = tpu.memref_slice %arg9[%dma_start3A_2032, %multiple_of3A_2031, %dma_start3A_2037] : memref<8x32x128xf32, #tpu.memory_space<vmem>> -> memref<1x8x128xf32, #tpu.memory_space<vmem>>
        %dma_start3A_2039 = tpu.memref_squeeze %dma_start3A_2038 : memref<1x8x128xf32, #tpu.memory_space<vmem>> -> memref<8x128xf32, #tpu.memory_space<vmem>>
        %dma_start3A_2040 = tpu.memref_slice %arg4[%multiple_of3A_2031, %multiple_of3A_2026] : memref<32x1000000xf32, #tpu.memory_space<hbm>> -> memref<8x128xf32, #tpu.memory_space<hbm>>
        tpu.enqueue_dma source(%dma_start3A_2040 : memref<8x128xf32, #tpu.memory_space<hbm>>) target(%dma_start3A_2039 : memref<8x128xf32, #tpu.memory_space<vmem>>) target_semaphore(%arg17 : memref<!tpu.dma_semaphore, #tpu.memory_space<semaphore_mem>>)
        %dma_start3A_2041 = arith.constant 4 : i32
        %dma_start3A_2042 = arith.constant 0 : i32
        %dma_start3A_2043 = tpu.memref_slice %arg10[%dma_start3A_2041, %multiple_of3A_2031, %dma_start3A_2042] : memref<8x32x128xf32, #tpu.memory_space<vmem>> -> memref<1x8x128xf32, #tpu.memory_space<vmem>>
        %dma_start3A_2044 = tpu.memref_squeeze %dma_start3A_2043 : memref<1x8x128xf32, #tpu.memory_space<vmem>> -> memref<8x128xf32, #tpu.memory_space<vmem>>
        %dma_start3A_2045 = tpu.memref_slice %arg5[%multiple_of3A_2031, %multiple_of3A_2029] : memref<32x1000000xf32, #tpu.memory_space<hbm>> -> memref<8x128xf32, #tpu.memory_space<hbm>>
        %dma_start3A_2046 = arith.constant 0 : i32
        %dma_start3A_2047 = tpu.memref_slice %arg10[%dma_start3A_2041, %multiple_of3A_2031, %dma_start3A_2046] : memref<8x32x128xf32, #tpu.memory_space<vmem>> -> memref<1x8x128xf32, #tpu.memory_space<vmem>>
        %dma_start3A_2048 = tpu.memref_squeeze %dma_start3A_2047 : memref<1x8x128xf32, #tpu.memory_space<vmem>> -> memref<8x128xf32, #tpu.memory_space<vmem>>
        %dma_start3A_2049 = tpu.memref_slice %arg5[%multiple_of3A_2031, %multiple_of3A_2029] : memref<32x1000000xf32, #tpu.memory_space<hbm>> -> memref<8x128xf32, #tpu.memory_space<hbm>>
        tpu.enqueue_dma source(%dma_start3A_2049 : memref<8x128xf32, #tpu.memory_space<hbm>>) target(%dma_start3A_2048 : memref<8x128xf32, #tpu.memory_space<vmem>>) target_semaphore(%arg25 : memref<!tpu.dma_semaphore, #tpu.memory_space<semaphore_mem>>)
        %multiple_of3A_2050 = arith.constant 8 : i32
        %multiple_of3A_2051 = tpu.assume_multiple %multiple_of3A_2050, 8 : i32
        %dma_start3A_2052 = arith.constant 4 : i32
        %dma_start3A_2053 = arith.constant 0 : i32
        %dma_start3A_2054 = tpu.memref_slice %arg9[%dma_start3A_2052, %multiple_of3A_2051, %dma_start3A_2053] : memref<8x32x128xf32, #tpu.memory_space<vmem>> -> memref<1x8x128xf32, #tpu.memory_space<vmem>>
        %dma_start3A_2055 = tpu.memref_squeeze %dma_start3A_2054 : memref<1x8x128xf32, #tpu.memory_space<vmem>> -> memref<8x128xf32, #tpu.memory_space<vmem>>
        %dma_start3A_2056 = tpu.memref_slice %arg4[%multiple_of3A_2051, %multiple_of3A_2026] : memref<32x1000000xf32, #tpu.memory_space<hbm>> -> memref<8x128xf32, #tpu.memory_space<hbm>>
        %dma_start3A_2057 = arith.constant 0 : i32
        %dma_start3A_2058 = tpu.memref_slice %arg9[%dma_start3A_2052, %multiple_of3A_2051, %dma_start3A_2057] : memref<8x32x128xf32, #tpu.memory_space<vmem>> -> memref<1x8x128xf32, #tpu.memory_space<vmem>>
        %dma_start3A_2059 = tpu.memref_squeeze %dma_start3A_2058 : memref<1x8x128xf32, #tpu.memory_space<vmem>> -> memref<8x128xf32, #tpu.memory_space<vmem>>
        %dma_start3A_2060 = tpu.memref_slice %arg4[%multiple_of3A_2051, %multiple_of3A_2026] : memref<32x1000000xf32, #tpu.memory_space<hbm>> -> memref<8x128xf32, #tpu.memory_space<hbm>>
        tpu.enqueue_dma source(%dma_start3A_2060 : memref<8x128xf32, #tpu.memory_space<hbm>>) target(%dma_start3A_2059 : memref<8x128xf32, #tpu.memory_space<vmem>>) target_semaphore(%arg17 : memref<!tpu.dma_semaphore, #tpu.memory_space<semaphore_mem>>)
        %dma_start3A_2061 = arith.constant 4 : i32
        %dma_start3A_2062 = arith.constant 0 : i32
        %dma_start3A_2063 = tpu.memref_slice %arg10[%dma_start3A_2061, %multiple_of3A_2051, %dma_start3A_2062] : memref<8x32x128xf32, #tpu.memory_space<vmem>> -> memref<1x8x128xf32, #tpu.memory_space<vmem>>
        %dma_start3A_2064 = tpu.memref_squeeze %dma_start3A_2063 : memref<1x8x128xf32, #tpu.memory_space<vmem>> -> memref<8x128xf32, #tpu.memory_space<vmem>>
        %dma_start3A_2065 = tpu.memref_slice %arg5[%multiple_of3A_2051, %multiple_of3A_2029] : memref<32x1000000xf32, #tpu.memory_space<hbm>> -> memref<8x128xf32, #tpu.memory_space<hbm>>
        %dma_start3A_2066 = arith.constant 0 : i32
        %dma_start3A_2067 = tpu.memref_slice %arg10[%dma_start3A_2061, %multiple_of3A_2051, %dma_start3A_2066] : memref<8x32x128xf32, #tpu.memory_space<vmem>> -> memref<1x8x128xf32, #tpu.memory_space<vmem>>
        %dma_start3A_2068 = tpu.memref_squeeze %dma_start3A_2067 : memref<1x8x128xf32, #tpu.memory_space<vmem>> -> memref<8x128xf32, #tpu.memory_space<vmem>>
        %dma_start3A_2069 = tpu.memref_slice %arg5[%multiple_of3A_2051, %multiple_of3A_2029] : memref<32x1000000xf32, #tpu.memory_space<hbm>> -> memref<8x128xf32, #tpu.memory_space<hbm>>
        tpu.enqueue_dma source(%dma_start3A_2069 : memref<8x128xf32, #tpu.memory_space<hbm>>) target(%dma_start3A_2068 : memref<8x128xf32, #tpu.memory_space<vmem>>) target_semaphore(%arg25 : memref<!tpu.dma_semaphore, #tpu.memory_space<semaphore_mem>>)
        %multiple_of3A_2070 = arith.constant 16 : i32
        %multiple_of3A_2071 = tpu.assume_multiple %multiple_of3A_2070, 8 : i32
        %dma_start3A_2072 = arith.constant 4 : i32
        %dma_start3A_2073 = arith.constant 0 : i32
        %dma_start3A_2074 = tpu.memref_slice %arg9[%dma_start3A_2072, %multiple_of3A_2071, %dma_start3A_2073] : memref<8x32x128xf32, #tpu.memory_space<vmem>> -> memref<1x8x128xf32, #tpu.memory_space<vmem>>
        %dma_start3A_2075 = tpu.memref_squeeze %dma_start3A_2074 : memref<1x8x128xf32, #tpu.memory_space<vmem>> -> memref<8x128xf32, #tpu.memory_space<vmem>>
        %dma_start3A_2076 = tpu.memref_slice %arg4[%multiple_of3A_2071, %multiple_of3A_2026] : memref<32x1000000xf32, #tpu.memory_space<hbm>> -> memref<8x128xf32, #tpu.memory_space<hbm>>
        %dma_start3A_2077 = arith.constant 0 : i32
        %dma_start3A_2078 = tpu.memref_slice %arg9[%dma_start3A_2072, %multiple_of3A_2071, %dma_start3A_2077] : memref<8x32x128xf32, #tpu.memory_space<vmem>> -> memref<1x8x128xf32, #tpu.memory_space<vmem>>
        %dma_start3A_2079 = tpu.memref_squeeze %dma_start3A_2078 : memref<1x8x128xf32, #tpu.memory_space<vmem>> -> memref<8x128xf32, #tpu.memory_space<vmem>>
        %dma_start3A_2080 = tpu.memref_slice %arg4[%multiple_of3A_2071, %multiple_of3A_2026] : memref<32x1000000xf32, #tpu.memory_space<hbm>> -> memref<8x128xf32, #tpu.memory_space<hbm>>
        tpu.enqueue_dma source(%dma_start3A_2080 : memref<8x128xf32, #tpu.memory_space<hbm>>) target(%dma_start3A_2079 : memref<8x128xf32, #tpu.memory_space<vmem>>) target_semaphore(%arg17 : memref<!tpu.dma_semaphore, #tpu.memory_space<semaphore_mem>>)
        %dma_start3A_2081 = arith.constant 4 : i32
        %dma_start3A_2082 = arith.constant 0 : i32
        %dma_start3A_2083 = tpu.memref_slice %arg10[%dma_start3A_2081, %multiple_of3A_2071, %dma_start3A_2082] : memref<8x32x128xf32, #tpu.memory_space<vmem>> -> memref<1x8x128xf32, #tpu.memory_space<vmem>>
        %dma_start3A_2084 = tpu.memref_squeeze %dma_start3A_2083 : memref<1x8x128xf32, #tpu.memory_space<vmem>> -> memref<8x128xf32, #tpu.memory_space<vmem>>
        %dma_start3A_2085 = tpu.memref_slice %arg5[%multiple_of3A_2071, %multiple_of3A_2029] : memref<32x1000000xf32, #tpu.memory_space<hbm>> -> memref<8x128xf32, #tpu.memory_space<hbm>>
        %dma_start3A_2086 = arith.constant 0 : i32
        %dma_start3A_2087 = tpu.memref_slice %arg10[%dma_start3A_2081, %multiple_of3A_2071, %dma_start3A_2086] : memref<8x32x128xf32, #tpu.memory_space<vmem>> -> memref<1x8x128xf32, #tpu.memory_space<vmem>>
        %dma_start3A_2088 = tpu.memref_squeeze %dma_start3A_2087 : memref<1x8x128xf32, #tpu.memory_space<vmem>> -> memref<8x128xf32, #tpu.memory_space<vmem>>
        %dma_start3A_2089 = tpu.memref_slice %arg5[%multiple_of3A_2071, %multiple_of3A_2029] : memref<32x1000000xf32, #tpu.memory_space<hbm>> -> memref<8x128xf32, #tpu.memory_space<hbm>>
        tpu.enqueue_dma source(%dma_start3A_2089 : memref<8x128xf32, #tpu.memory_space<hbm>>) target(%dma_start3A_2088 : memref<8x128xf32, #tpu.memory_space<vmem>>) target_semaphore(%arg25 : memref<!tpu.dma_semaphore, #tpu.memory_space<semaphore_mem>>)
        %multiple_of3A_2090 = arith.constant 24 : i32
        %multiple_of3A_2091 = tpu.assume_multiple %multiple_of3A_2090, 8 : i32
        %dma_start3A_2092 = arith.constant 4 : i32
        %dma_start3A_2093 = arith.constant 0 : i32
        %dma_start3A_2094 = tpu.memref_slice %arg9[%dma_start3A_2092, %multiple_of3A_2091, %dma_start3A_2093] : memref<8x32x128xf32, #tpu.memory_space<vmem>> -> memref<1x8x128xf32, #tpu.memory_space<vmem>>
        %dma_start3A_2095 = tpu.memref_squeeze %dma_start3A_2094 : memref<1x8x128xf32, #tpu.memory_space<vmem>> -> memref<8x128xf32, #tpu.memory_space<vmem>>
        %dma_start3A_2096 = tpu.memref_slice %arg4[%multiple_of3A_2091, %multiple_of3A_2026] : memref<32x1000000xf32, #tpu.memory_space<hbm>> -> memref<8x128xf32, #tpu.memory_space<hbm>>
        %dma_start3A_2097 = arith.constant 0 : i32
        %dma_start3A_2098 = tpu.memref_slice %arg9[%dma_start3A_2092, %multiple_of3A_2091, %dma_start3A_2097] : memref<8x32x128xf32, #tpu.memory_space<vmem>> -> memref<1x8x128xf32, #tpu.memory_space<vmem>>
        %dma_start3A_2099 = tpu.memref_squeeze %dma_start3A_2098 : memref<1x8x128xf32, #tpu.memory_space<vmem>> -> memref<8x128xf32, #tpu.memory_space<vmem>>
        %dma_start3A_2100 = tpu.memref_slice %arg4[%multiple_of3A_2091, %multiple_of3A_2026] : memref<32x1000000xf32, #tpu.memory_space<hbm>> -> memref<8x128xf32, #tpu.memory_space<hbm>>
        tpu.enqueue_dma source(%dma_start3A_2100 : memref<8x128xf32, #tpu.memory_space<hbm>>) target(%dma_start3A_2099 : memref<8x128xf32, #tpu.memory_space<vmem>>) target_semaphore(%arg17 : memref<!tpu.dma_semaphore, #tpu.memory_space<semaphore_mem>>)
        %dma_start3A_2101 = arith.constant 4 : i32
        %dma_start3A_2102 = arith.constant 0 : i32
        %dma_start3A_2103 = tpu.memref_slice %arg10[%dma_start3A_2101, %multiple_of3A_2091, %dma_start3A_2102] : memref<8x32x128xf32, #tpu.memory_space<vmem>> -> memref<1x8x128xf32, #tpu.memory_space<vmem>>
        %dma_start3A_2104 = tpu.memref_squeeze %dma_start3A_2103 : memref<1x8x128xf32, #tpu.memory_space<vmem>> -> memref<8x128xf32, #tpu.memory_space<vmem>>
        %dma_start3A_2105 = tpu.memref_slice %arg5[%multiple_of3A_2091, %multiple_of3A_2029] : memref<32x1000000xf32, #tpu.memory_space<hbm>> -> memref<8x128xf32, #tpu.memory_space<hbm>>
        %dma_start3A_2106 = arith.constant 0 : i32
        %dma_start3A_2107 = tpu.memref_slice %arg10[%dma_start3A_2101, %multiple_of3A_2091, %dma_start3A_2106] : memref<8x32x128xf32, #tpu.memory_space<vmem>> -> memref<1x8x128xf32, #tpu.memory_space<vmem>>
        %dma_start3A_2108 = tpu.memref_squeeze %dma_start3A_2107 : memref<1x8x128xf32, #tpu.memory_space<vmem>> -> memref<8x128xf32, #tpu.memory_space<vmem>>
        %dma_start3A_2109 = tpu.memref_slice %arg5[%multiple_of3A_2091, %multiple_of3A_2029] : memref<32x1000000xf32, #tpu.memory_space<hbm>> -> memref<8x128xf32, #tpu.memory_space<hbm>>
        tpu.enqueue_dma source(%dma_start3A_2109 : memref<8x128xf32, #tpu.memory_space<hbm>>) target(%dma_start3A_2108 : memref<8x128xf32, #tpu.memory_space<vmem>>) target_semaphore(%arg25 : memref<!tpu.dma_semaphore, #tpu.memory_space<semaphore_mem>>)
      } else {
      }
      %mul3A_1540 = arith.constant 17 : i32
      %mul3A_1541 = arith.muli %add3A_1387, %mul3A_1540 : i32
      %swap3A_1542 = arith.index_cast %mul3A_1541 : i32 to index
      %swap3A_1543 = tpu.vector_load %arg11[%swap3A_1542] {strides = array<i32>} : memref<8704xf32, #tpu.memory_space<vmem>>, vector<16xf32>,
      tpu.vector_store %arg11[%swap3A_1542], %add3A_1532 {strides = array<i32>} : memref<8704xf32, #tpu.memory_space<vmem>>, vector<16xf32>,
      %mul3A_1544 = arith.constant 8 : i32
      %mul3A_1545 = arith.muli %scan3A_717, %mul3A_1544 : i32
      %add3A_1546 = arith.constant 5 : i32
      %add3A_1547 = arith.addi %mul3A_1545, %add3A_1546 : i32
      %multiple_of3A_1548 = arith.constant 0 : i32
      %multiple_of3A_1549 = tpu.assume_multiple %multiple_of3A_1548, 8 : i32
      %dma_wait3A_1550 = arith.constant 5 : i32
      %dma_wait3A_1551 = arith.constant 0 : i32
      %dma_wait3A_1552 = tpu.memref_slice %arg9[%dma_wait3A_1550, %multiple_of3A_1549, %dma_wait3A_1551] : memref<8x32x128xf32, #tpu.memory_space<vmem>> -> memref<1x8x128xf32, #tpu.memory_space<vmem>>
      %dma_wait3A_1553 = tpu.memref_squeeze %dma_wait3A_1552 : memref<1x8x128xf32, #tpu.memory_space<vmem>> -> memref<8x128xf32, #tpu.memory_space<vmem>>
      %dma_wait3A_1554 = arith.constant 0 : i32
      %dma_wait3A_1555 = arith.constant 0 : i32
      %dma_wait3A_1556 = tpu.memref_slice %arg4[%dma_wait3A_1554, %dma_wait3A_1555] : memref<32x1000000xf32, #tpu.memory_space<hbm>> -> memref<8x128xf32, #tpu.memory_space<hbm>>
      %dma_wait3A_1557 = arith.constant 0 : i32
      %dma_wait3A_1558 = tpu.memref_slice %arg9[%dma_wait3A_1550, %multiple_of3A_1549, %dma_wait3A_1557] : memref<8x32x128xf32, #tpu.memory_space<vmem>> -> memref<1x8x128xf32, #tpu.memory_space<vmem>>
      %dma_wait3A_1559 = tpu.memref_squeeze %dma_wait3A_1558 : memref<1x8x128xf32, #tpu.memory_space<vmem>> -> memref<8x128xf32, #tpu.memory_space<vmem>>
      %dma_wait3A_1560 = arith.constant 0 : i32
      %dma_wait3A_1561 = arith.constant 0 : i32
      %dma_wait3A_1562 = tpu.memref_slice %arg4[%dma_wait3A_1560, %dma_wait3A_1561] : memref<32x1000000xf32, #tpu.memory_space<hbm>> -> memref<8x128xf32, #tpu.memory_space<hbm>>
      tpu.wait_dma2 semaphore(%arg18 : memref<!tpu.dma_semaphore, #tpu.memory_space<semaphore_mem>>) src(%dma_wait3A_1562 : memref<8x128xf32, #tpu.memory_space<hbm>>) dst(%dma_wait3A_1559 : memref<8x128xf32, #tpu.memory_space<vmem>>)
      %dma_wait3A_1563 = arith.constant 5 : i32
      %dma_wait3A_1564 = arith.constant 0 : i32
      %dma_wait3A_1565 = tpu.memref_slice %arg10[%dma_wait3A_1563, %multiple_of3A_1549, %dma_wait3A_1564] : memref<8x32x128xf32, #tpu.memory_space<vmem>> -> memref<1x8x128xf32, #tpu.memory_space<vmem>>
      %dma_wait3A_1566 = tpu.memref_squeeze %dma_wait3A_1565 : memref<1x8x128xf32, #tpu.memory_space<vmem>> -> memref<8x128xf32, #tpu.memory_space<vmem>>
      %dma_wait3A_1567 = arith.constant 0 : i32
      %dma_wait3A_1568 = arith.constant 0 : i32
      %dma_wait3A_1569 = tpu.memref_slice %arg5[%dma_wait3A_1567, %dma_wait3A_1568] : memref<32x1000000xf32, #tpu.memory_space<hbm>> -> memref<8x128xf32, #tpu.memory_space<hbm>>
      %dma_wait3A_1570 = arith.constant 0 : i32
      %dma_wait3A_1571 = tpu.memref_slice %arg10[%dma_wait3A_1563, %multiple_of3A_1549, %dma_wait3A_1570] : memref<8x32x128xf32, #tpu.memory_space<vmem>> -> memref<1x8x128xf32, #tpu.memory_space<vmem>>
      %dma_wait3A_1572 = tpu.memref_squeeze %dma_wait3A_1571 : memref<1x8x128xf32, #tpu.memory_space<vmem>> -> memref<8x128xf32, #tpu.memory_space<vmem>>
      %dma_wait3A_1573 = arith.constant 0 : i32
      %dma_wait3A_1574 = arith.constant 0 : i32
      %dma_wait3A_1575 = tpu.memref_slice %arg5[%dma_wait3A_1573, %dma_wait3A_1574] : memref<32x1000000xf32, #tpu.memory_space<hbm>> -> memref<8x128xf32, #tpu.memory_space<hbm>>
      tpu.wait_dma2 semaphore(%arg26 : memref<!tpu.dma_semaphore, #tpu.memory_space<semaphore_mem>>) src(%dma_wait3A_1575 : memref<8x128xf32, #tpu.memory_space<hbm>>) dst(%dma_wait3A_1572 : memref<8x128xf32, #tpu.memory_space<vmem>>)
      %multiple_of3A_1576 = arith.constant 8 : i32
      %multiple_of3A_1577 = tpu.assume_multiple %multiple_of3A_1576, 8 : i32
      %dma_wait3A_1578 = arith.constant 5 : i32
      %dma_wait3A_1579 = arith.constant 0 : i32
      %dma_wait3A_1580 = tpu.memref_slice %arg9[%dma_wait3A_1578, %multiple_of3A_1577, %dma_wait3A_1579] : memref<8x32x128xf32, #tpu.memory_space<vmem>> -> memref<1x8x128xf32, #tpu.memory_space<vmem>>
      %dma_wait3A_1581 = tpu.memref_squeeze %dma_wait3A_1580 : memref<1x8x128xf32, #tpu.memory_space<vmem>> -> memref<8x128xf32, #tpu.memory_space<vmem>>
      %dma_wait3A_1582 = arith.constant 0 : i32
      %dma_wait3A_1583 = arith.constant 0 : i32
      %dma_wait3A_1584 = tpu.memref_slice %arg4[%dma_wait3A_1582, %dma_wait3A_1583] : memref<32x1000000xf32, #tpu.memory_space<hbm>> -> memref<8x128xf32, #tpu.memory_space<hbm>>
      %dma_wait3A_1585 = arith.constant 0 : i32
      %dma_wait3A_1586 = tpu.memref_slice %arg9[%dma_wait3A_1578, %multiple_of3A_1577, %dma_wait3A_1585] : memref<8x32x128xf32, #tpu.memory_space<vmem>> -> memref<1x8x128xf32, #tpu.memory_space<vmem>>
      %dma_wait3A_1587 = tpu.memref_squeeze %dma_wait3A_1586 : memref<1x8x128xf32, #tpu.memory_space<vmem>> -> memref<8x128xf32, #tpu.memory_space<vmem>>
      %dma_wait3A_1588 = arith.constant 0 : i32
      %dma_wait3A_1589 = arith.constant 0 : i32
      %dma_wait3A_1590 = tpu.memref_slice %arg4[%dma_wait3A_1588, %dma_wait3A_1589] : memref<32x1000000xf32, #tpu.memory_space<hbm>> -> memref<8x128xf32, #tpu.memory_space<hbm>>
      tpu.wait_dma2 semaphore(%arg18 : memref<!tpu.dma_semaphore, #tpu.memory_space<semaphore_mem>>) src(%dma_wait3A_1590 : memref<8x128xf32, #tpu.memory_space<hbm>>) dst(%dma_wait3A_1587 : memref<8x128xf32, #tpu.memory_space<vmem>>)
      %dma_wait3A_1591 = arith.constant 5 : i32
      %dma_wait3A_1592 = arith.constant 0 : i32
      %dma_wait3A_1593 = tpu.memref_slice %arg10[%dma_wait3A_1591, %multiple_of3A_1577, %dma_wait3A_1592] : memref<8x32x128xf32, #tpu.memory_space<vmem>> -> memref<1x8x128xf32, #tpu.memory_space<vmem>>
      %dma_wait3A_1594 = tpu.memref_squeeze %dma_wait3A_1593 : memref<1x8x128xf32, #tpu.memory_space<vmem>> -> memref<8x128xf32, #tpu.memory_space<vmem>>
      %dma_wait3A_1595 = arith.constant 0 : i32
      %dma_wait3A_1596 = arith.constant 0 : i32
      %dma_wait3A_1597 = tpu.memref_slice %arg5[%dma_wait3A_1595, %dma_wait3A_1596] : memref<32x1000000xf32, #tpu.memory_space<hbm>> -> memref<8x128xf32, #tpu.memory_space<hbm>>
      %dma_wait3A_1598 = arith.constant 0 : i32
      %dma_wait3A_1599 = tpu.memref_slice %arg10[%dma_wait3A_1591, %multiple_of3A_1577, %dma_wait3A_1598] : memref<8x32x128xf32, #tpu.memory_space<vmem>> -> memref<1x8x128xf32, #tpu.memory_space<vmem>>
      %dma_wait3A_1600 = tpu.memref_squeeze %dma_wait3A_1599 : memref<1x8x128xf32, #tpu.memory_space<vmem>> -> memref<8x128xf32, #tpu.memory_space<vmem>>
      %dma_wait3A_1601 = arith.constant 0 : i32
      %dma_wait3A_1602 = arith.constant 0 : i32
      %dma_wait3A_1603 = tpu.memref_slice %arg5[%dma_wait3A_1601, %dma_wait3A_1602] : memref<32x1000000xf32, #tpu.memory_space<hbm>> -> memref<8x128xf32, #tpu.memory_space<hbm>>
      tpu.wait_dma2 semaphore(%arg26 : memref<!tpu.dma_semaphore, #tpu.memory_space<semaphore_mem>>) src(%dma_wait3A_1603 : memref<8x128xf32, #tpu.memory_space<hbm>>) dst(%dma_wait3A_1600 : memref<8x128xf32, #tpu.memory_space<vmem>>)
      %multiple_of3A_1604 = arith.constant 16 : i32
      %multiple_of3A_1605 = tpu.assume_multiple %multiple_of3A_1604, 8 : i32
      %dma_wait3A_1606 = arith.constant 5 : i32
      %dma_wait3A_1607 = arith.constant 0 : i32
      %dma_wait3A_1608 = tpu.memref_slice %arg9[%dma_wait3A_1606, %multiple_of3A_1605, %dma_wait3A_1607] : memref<8x32x128xf32, #tpu.memory_space<vmem>> -> memref<1x8x128xf32, #tpu.memory_space<vmem>>
      %dma_wait3A_1609 = tpu.memref_squeeze %dma_wait3A_1608 : memref<1x8x128xf32, #tpu.memory_space<vmem>> -> memref<8x128xf32, #tpu.memory_space<vmem>>
      %dma_wait3A_1610 = arith.constant 0 : i32
      %dma_wait3A_1611 = arith.constant 0 : i32
      %dma_wait3A_1612 = tpu.memref_slice %arg4[%dma_wait3A_1610, %dma_wait3A_1611] : memref<32x1000000xf32, #tpu.memory_space<hbm>> -> memref<8x128xf32, #tpu.memory_space<hbm>>
      %dma_wait3A_1613 = arith.constant 0 : i32
      %dma_wait3A_1614 = tpu.memref_slice %arg9[%dma_wait3A_1606, %multiple_of3A_1605, %dma_wait3A_1613] : memref<8x32x128xf32, #tpu.memory_space<vmem>> -> memref<1x8x128xf32, #tpu.memory_space<vmem>>
      %dma_wait3A_1615 = tpu.memref_squeeze %dma_wait3A_1614 : memref<1x8x128xf32, #tpu.memory_space<vmem>> -> memref<8x128xf32, #tpu.memory_space<vmem>>
      %dma_wait3A_1616 = arith.constant 0 : i32
      %dma_wait3A_1617 = arith.constant 0 : i32
      %dma_wait3A_1618 = tpu.memref_slice %arg4[%dma_wait3A_1616, %dma_wait3A_1617] : memref<32x1000000xf32, #tpu.memory_space<hbm>> -> memref<8x128xf32, #tpu.memory_space<hbm>>
      tpu.wait_dma2 semaphore(%arg18 : memref<!tpu.dma_semaphore, #tpu.memory_space<semaphore_mem>>) src(%dma_wait3A_1618 : memref<8x128xf32, #tpu.memory_space<hbm>>) dst(%dma_wait3A_1615 : memref<8x128xf32, #tpu.memory_space<vmem>>)
      %dma_wait3A_1619 = arith.constant 5 : i32
      %dma_wait3A_1620 = arith.constant 0 : i32
      %dma_wait3A_1621 = tpu.memref_slice %arg10[%dma_wait3A_1619, %multiple_of3A_1605, %dma_wait3A_1620] : memref<8x32x128xf32, #tpu.memory_space<vmem>> -> memref<1x8x128xf32, #tpu.memory_space<vmem>>
      %dma_wait3A_1622 = tpu.memref_squeeze %dma_wait3A_1621 : memref<1x8x128xf32, #tpu.memory_space<vmem>> -> memref<8x128xf32, #tpu.memory_space<vmem>>
      %dma_wait3A_1623 = arith.constant 0 : i32
      %dma_wait3A_1624 = arith.constant 0 : i32
      %dma_wait3A_1625 = tpu.memref_slice %arg5[%dma_wait3A_1623, %dma_wait3A_1624] : memref<32x1000000xf32, #tpu.memory_space<hbm>> -> memref<8x128xf32, #tpu.memory_space<hbm>>
      %dma_wait3A_1626 = arith.constant 0 : i32
      %dma_wait3A_1627 = tpu.memref_slice %arg10[%dma_wait3A_1619, %multiple_of3A_1605, %dma_wait3A_1626] : memref<8x32x128xf32, #tpu.memory_space<vmem>> -> memref<1x8x128xf32, #tpu.memory_space<vmem>>
      %dma_wait3A_1628 = tpu.memref_squeeze %dma_wait3A_1627 : memref<1x8x128xf32, #tpu.memory_space<vmem>> -> memref<8x128xf32, #tpu.memory_space<vmem>>
      %dma_wait3A_1629 = arith.constant 0 : i32
      %dma_wait3A_1630 = arith.constant 0 : i32
      %dma_wait3A_1631 = tpu.memref_slice %arg5[%dma_wait3A_1629, %dma_wait3A_1630] : memref<32x1000000xf32, #tpu.memory_space<hbm>> -> memref<8x128xf32, #tpu.memory_space<hbm>>
      tpu.wait_dma2 semaphore(%arg26 : memref<!tpu.dma_semaphore, #tpu.memory_space<semaphore_mem>>) src(%dma_wait3A_1631 : memref<8x128xf32, #tpu.memory_space<hbm>>) dst(%dma_wait3A_1628 : memref<8x128xf32, #tpu.memory_space<vmem>>)
      %multiple_of3A_1632 = arith.constant 24 : i32
      %multiple_of3A_1633 = tpu.assume_multiple %multiple_of3A_1632, 8 : i32
      %dma_wait3A_1634 = arith.constant 5 : i32
      %dma_wait3A_1635 = arith.constant 0 : i32
      %dma_wait3A_1636 = tpu.memref_slice %arg9[%dma_wait3A_1634, %multiple_of3A_1633, %dma_wait3A_1635] : memref<8x32x128xf32, #tpu.memory_space<vmem>> -> memref<1x8x128xf32, #tpu.memory_space<vmem>>
      %dma_wait3A_1637 = tpu.memref_squeeze %dma_wait3A_1636 : memref<1x8x128xf32, #tpu.memory_space<vmem>> -> memref<8x128xf32, #tpu.memory_space<vmem>>
      %dma_wait3A_1638 = arith.constant 0 : i32
      %dma_wait3A_1639 = arith.constant 0 : i32
      %dma_wait3A_1640 = tpu.memref_slice %arg4[%dma_wait3A_1638, %dma_wait3A_1639] : memref<32x1000000xf32, #tpu.memory_space<hbm>> -> memref<8x128xf32, #tpu.memory_space<hbm>>
      %dma_wait3A_1641 = arith.constant 0 : i32
      %dma_wait3A_1642 = tpu.memref_slice %arg9[%dma_wait3A_1634, %multiple_of3A_1633, %dma_wait3A_1641] : memref<8x32x128xf32, #tpu.memory_space<vmem>> -> memref<1x8x128xf32, #tpu.memory_space<vmem>>
      %dma_wait3A_1643 = tpu.memref_squeeze %dma_wait3A_1642 : memref<1x8x128xf32, #tpu.memory_space<vmem>> -> memref<8x128xf32, #tpu.memory_space<vmem>>
      %dma_wait3A_1644 = arith.constant 0 : i32
      %dma_wait3A_1645 = arith.constant 0 : i32
      %dma_wait3A_1646 = tpu.memref_slice %arg4[%dma_wait3A_1644, %dma_wait3A_1645] : memref<32x1000000xf32, #tpu.memory_space<hbm>> -> memref<8x128xf32, #tpu.memory_space<hbm>>
      tpu.wait_dma2 semaphore(%arg18 : memref<!tpu.dma_semaphore, #tpu.memory_space<semaphore_mem>>) src(%dma_wait3A_1646 : memref<8x128xf32, #tpu.memory_space<hbm>>) dst(%dma_wait3A_1643 : memref<8x128xf32, #tpu.memory_space<vmem>>)
      %dma_wait3A_1647 = arith.constant 5 : i32
      %dma_wait3A_1648 = arith.constant 0 : i32
      %dma_wait3A_1649 = tpu.memref_slice %arg10[%dma_wait3A_1647, %multiple_of3A_1633, %dma_wait3A_1648] : memref<8x32x128xf32, #tpu.memory_space<vmem>> -> memref<1x8x128xf32, #tpu.memory_space<vmem>>
      %dma_wait3A_1650 = tpu.memref_squeeze %dma_wait3A_1649 : memref<1x8x128xf32, #tpu.memory_space<vmem>> -> memref<8x128xf32, #tpu.memory_space<vmem>>
      %dma_wait3A_1651 = arith.constant 0 : i32
      %dma_wait3A_1652 = arith.constant 0 : i32
      %dma_wait3A_1653 = tpu.memref_slice %arg5[%dma_wait3A_1651, %dma_wait3A_1652] : memref<32x1000000xf32, #tpu.memory_space<hbm>> -> memref<8x128xf32, #tpu.memory_space<hbm>>
      %dma_wait3A_1654 = arith.constant 0 : i32
      %dma_wait3A_1655 = tpu.memref_slice %arg10[%dma_wait3A_1647, %multiple_of3A_1633, %dma_wait3A_1654] : memref<8x32x128xf32, #tpu.memory_space<vmem>> -> memref<1x8x128xf32, #tpu.memory_space<vmem>>
      %dma_wait3A_1656 = tpu.memref_squeeze %dma_wait3A_1655 : memref<1x8x128xf32, #tpu.memory_space<vmem>> -> memref<8x128xf32, #tpu.memory_space<vmem>>
      %dma_wait3A_1657 = arith.constant 0 : i32
      %dma_wait3A_1658 = arith.constant 0 : i32
      %dma_wait3A_1659 = tpu.memref_slice %arg5[%dma_wait3A_1657, %dma_wait3A_1658] : memref<32x1000000xf32, #tpu.memory_space<hbm>> -> memref<8x128xf32, #tpu.memory_space<hbm>>
      tpu.wait_dma2 semaphore(%arg26 : memref<!tpu.dma_semaphore, #tpu.memory_space<semaphore_mem>>) src(%dma_wait3A_1659 : memref<8x128xf32, #tpu.memory_space<hbm>>) dst(%dma_wait3A_1656 : memref<8x128xf32, #tpu.memory_space<vmem>>)
      %slice3A_1660 = vector.extract_strided_slice %and3A_726 {offsets = [5], sizes = [1], strides = [1]} : vector<16xi32> to vector<1xi32>
      %squeeze3A_1661 = vector.extract %slice3A_1660[0] : i32 from vector<1xi32>
      %broadcast_in_dim3A_1662 = vector.broadcast %squeeze3A_1661 : i32 to vector<16xi32>
      %slice3A_1663 = vector.extract_strided_slice %and3A_729 {offsets = [5], sizes = [1], strides = [1]} : vector<16xi32> to vector<1xi32>
      %squeeze3A_1664 = vector.extract %slice3A_1663[0] : i32 from vector<1xi32>
      %broadcast_in_dim3A_1665 = vector.broadcast %squeeze3A_1664 : i32 to vector<16xi32>
      %gather3A_1666 = arith.constant 5 : i32
      %gather3A_1667 = arith.constant 0 : i32
      %gather3A_1668 = arith.constant 0 : i32
      %gather3A_1669 = tpu.memref_slice %arg9[%gather3A_1666, %gather3A_1667, %gather3A_1668] : memref<8x32x128xf32, #tpu.memory_space<vmem>> -> memref<1x32x128xf32, #tpu.memory_space<vmem>>
      %gather3A_1670 = tpu.memref_squeeze %gather3A_1669 : memref<1x32x128xf32, #tpu.memory_space<vmem>> -> memref<32x128xf32, #tpu.memory_space<vmem>>
      %gather3A_1671 = tpu.vector_load_idx %gather3A_1670[%iota3A, %broadcast_in_dim3A_1662] : memref<32x128xf32, #tpu.memory_space<vmem>>[vector<16xi32>, vector<16xi32>], vector<16xf32>,
      %gather3A_1672 = arith.constant 5 : i32
      %gather3A_1673 = arith.constant 0 : i32
      %gather3A_1674 = arith.constant 0 : i32
      %gather3A_1675 = tpu.memref_slice %arg9[%gather3A_1672, %gather3A_1673, %gather3A_1674] : memref<8x32x128xf32, #tpu.memory_space<vmem>> -> memref<1x32x128xf32, #tpu.memory_space<vmem>>
      %gather3A_1676 = tpu.memref_squeeze %gather3A_1675 : memref<1x32x128xf32, #tpu.memory_space<vmem>> -> memref<32x128xf32, #tpu.memory_space<vmem>>
      %gather3A_1677 = tpu.vector_load_idx %gather3A_1676[%add3A_5, %broadcast_in_dim3A_1662] : memref<32x128xf32, #tpu.memory_space<vmem>>[vector<16xi32>, vector<16xi32>], vector<16xf32>,
      %gather3A_1678 = arith.constant 5 : i32
      %gather3A_1679 = arith.constant 0 : i32
      %gather3A_1680 = arith.constant 0 : i32
      %gather3A_1681 = tpu.memref_slice %arg10[%gather3A_1678, %gather3A_1679, %gather3A_1680] : memref<8x32x128xf32, #tpu.memory_space<vmem>> -> memref<1x32x128xf32, #tpu.memory_space<vmem>>
      %gather3A_1682 = tpu.memref_squeeze %gather3A_1681 : memref<1x32x128xf32, #tpu.memory_space<vmem>> -> memref<32x128xf32, #tpu.memory_space<vmem>>
      %gather3A_1683 = tpu.vector_load_idx %gather3A_1682[%iota3A, %broadcast_in_dim3A_1665] : memref<32x128xf32, #tpu.memory_space<vmem>>[vector<16xi32>, vector<16xi32>], vector<16xf32>,
      %gather3A_1684 = arith.constant 5 : i32
      %gather3A_1685 = arith.constant 0 : i32
      %gather3A_1686 = arith.constant 0 : i32
      %gather3A_1687 = tpu.memref_slice %arg10[%gather3A_1684, %gather3A_1685, %gather3A_1686] : memref<8x32x128xf32, #tpu.memory_space<vmem>> -> memref<1x32x128xf32, #tpu.memory_space<vmem>>
      %gather3A_1688 = tpu.memref_squeeze %gather3A_1687 : memref<1x32x128xf32, #tpu.memory_space<vmem>> -> memref<32x128xf32, #tpu.memory_space<vmem>>
      %gather3A_1689 = tpu.vector_load_idx %gather3A_1688[%add3A_5, %broadcast_in_dim3A_1665] : memref<32x128xf32, #tpu.memory_space<vmem>>[vector<16xi32>, vector<16xi32>], vector<16xf32>,
      %mul3A_1690 = arith.mulf %gather3A_1671, %gather3A_1683 : vector<16xf32>
      %mul3A_1691 = arith.mulf %gather3A_1677, %gather3A_1689 : vector<16xf32>
      %add3A_1692 = arith.addf %mul3A_1690, %mul3A_1691 : vector<16xf32>
      %add3A_1693 = arith.constant 1 : i32
      %add3A_1694 = arith.addi %scan3A_717, %add3A_1693 : i32
      %lt3A_1695 = arith.constant 64 : i32
      %lt3A_1696 = arith.cmpi slt, %add3A_1694, %lt3A_1695 : i32
      %convert_element_type3A_1697 = arith.extui %lt3A_1696 : i1 to i32
      %cond3A_1698 = arith.constant 0 : i32
      %cond3A_1699 = arith.cmpi ne, %convert_element_type3A_1697, %cond3A_1698 : i32
      scf.if %cond3A_1699 {
        %slice3A_2024 = vector.extract_strided_slice %mul3A_744 {offsets = [5], sizes = [1], strides = [1]} : vector<16xi32> to vector<1xi32>
        %squeeze3A_2025 = vector.extract %slice3A_2024[0] : i32 from vector<1xi32>
        %multiple_of3A_2026 = tpu.assume_multiple %squeeze3A_2025, 128 : i32
        %slice3A_2027 = vector.extract_strided_slice %mul3A_750 {offsets = [5], sizes = [1], strides = [1]} : vector<16xi32> to vector<1xi32>
        %squeeze3A_2028 = vector.extract %slice3A_2027[0] : i32 from vector<1xi32>
        %multiple_of3A_2029 = tpu.assume_multiple %squeeze3A_2028, 128 : i32
        %multiple_of3A_2030 = arith.constant 0 : i32
        %multiple_of3A_2031 = tpu.assume_multiple %multiple_of3A_2030, 8 : i32
        %dma_start3A_2032 = arith.constant 5 : i32
        %dma_start3A_2033 = arith.constant 0 : i32
        %dma_start3A_2034 = tpu.memref_slice %arg9[%dma_start3A_2032, %multiple_of3A_2031, %dma_start3A_2033] : memref<8x32x128xf32, #tpu.memory_space<vmem>> -> memref<1x8x128xf32, #tpu.memory_space<vmem>>
        %dma_start3A_2035 = tpu.memref_squeeze %dma_start3A_2034 : memref<1x8x128xf32, #tpu.memory_space<vmem>> -> memref<8x128xf32, #tpu.memory_space<vmem>>
        %dma_start3A_2036 = tpu.memref_slice %arg4[%multiple_of3A_2031, %multiple_of3A_2026] : memref<32x1000000xf32, #tpu.memory_space<hbm>> -> memref<8x128xf32, #tpu.memory_space<hbm>>
        %dma_start3A_2037 = arith.constant 0 : i32
        %dma_start3A_2038 = tpu.memref_slice %arg9[%dma_start3A_2032, %multiple_of3A_2031, %dma_start3A_2037] : memref<8x32x128xf32, #tpu.memory_space<vmem>> -> memref<1x8x128xf32, #tpu.memory_space<vmem>>
        %dma_start3A_2039 = tpu.memref_squeeze %dma_start3A_2038 : memref<1x8x128xf32, #tpu.memory_space<vmem>> -> memref<8x128xf32, #tpu.memory_space<vmem>>
        %dma_start3A_2040 = tpu.memref_slice %arg4[%multiple_of3A_2031, %multiple_of3A_2026] : memref<32x1000000xf32, #tpu.memory_space<hbm>> -> memref<8x128xf32, #tpu.memory_space<hbm>>
        tpu.enqueue_dma source(%dma_start3A_2040 : memref<8x128xf32, #tpu.memory_space<hbm>>) target(%dma_start3A_2039 : memref<8x128xf32, #tpu.memory_space<vmem>>) target_semaphore(%arg18 : memref<!tpu.dma_semaphore, #tpu.memory_space<semaphore_mem>>)
        %dma_start3A_2041 = arith.constant 5 : i32
        %dma_start3A_2042 = arith.constant 0 : i32
        %dma_start3A_2043 = tpu.memref_slice %arg10[%dma_start3A_2041, %multiple_of3A_2031, %dma_start3A_2042] : memref<8x32x128xf32, #tpu.memory_space<vmem>> -> memref<1x8x128xf32, #tpu.memory_space<vmem>>
        %dma_start3A_2044 = tpu.memref_squeeze %dma_start3A_2043 : memref<1x8x128xf32, #tpu.memory_space<vmem>> -> memref<8x128xf32, #tpu.memory_space<vmem>>
        %dma_start3A_2045 = tpu.memref_slice %arg5[%multiple_of3A_2031, %multiple_of3A_2029] : memref<32x1000000xf32, #tpu.memory_space<hbm>> -> memref<8x128xf32, #tpu.memory_space<hbm>>
        %dma_start3A_2046 = arith.constant 0 : i32
        %dma_start3A_2047 = tpu.memref_slice %arg10[%dma_start3A_2041, %multiple_of3A_2031, %dma_start3A_2046] : memref<8x32x128xf32, #tpu.memory_space<vmem>> -> memref<1x8x128xf32, #tpu.memory_space<vmem>>
        %dma_start3A_2048 = tpu.memref_squeeze %dma_start3A_2047 : memref<1x8x128xf32, #tpu.memory_space<vmem>> -> memref<8x128xf32, #tpu.memory_space<vmem>>
        %dma_start3A_2049 = tpu.memref_slice %arg5[%multiple_of3A_2031, %multiple_of3A_2029] : memref<32x1000000xf32, #tpu.memory_space<hbm>> -> memref<8x128xf32, #tpu.memory_space<hbm>>
        tpu.enqueue_dma source(%dma_start3A_2049 : memref<8x128xf32, #tpu.memory_space<hbm>>) target(%dma_start3A_2048 : memref<8x128xf32, #tpu.memory_space<vmem>>) target_semaphore(%arg26 : memref<!tpu.dma_semaphore, #tpu.memory_space<semaphore_mem>>)
        %multiple_of3A_2050 = arith.constant 8 : i32
        %multiple_of3A_2051 = tpu.assume_multiple %multiple_of3A_2050, 8 : i32
        %dma_start3A_2052 = arith.constant 5 : i32
        %dma_start3A_2053 = arith.constant 0 : i32
        %dma_start3A_2054 = tpu.memref_slice %arg9[%dma_start3A_2052, %multiple_of3A_2051, %dma_start3A_2053] : memref<8x32x128xf32, #tpu.memory_space<vmem>> -> memref<1x8x128xf32, #tpu.memory_space<vmem>>
        %dma_start3A_2055 = tpu.memref_squeeze %dma_start3A_2054 : memref<1x8x128xf32, #tpu.memory_space<vmem>> -> memref<8x128xf32, #tpu.memory_space<vmem>>
        %dma_start3A_2056 = tpu.memref_slice %arg4[%multiple_of3A_2051, %multiple_of3A_2026] : memref<32x1000000xf32, #tpu.memory_space<hbm>> -> memref<8x128xf32, #tpu.memory_space<hbm>>
        %dma_start3A_2057 = arith.constant 0 : i32
        %dma_start3A_2058 = tpu.memref_slice %arg9[%dma_start3A_2052, %multiple_of3A_2051, %dma_start3A_2057] : memref<8x32x128xf32, #tpu.memory_space<vmem>> -> memref<1x8x128xf32, #tpu.memory_space<vmem>>
        %dma_start3A_2059 = tpu.memref_squeeze %dma_start3A_2058 : memref<1x8x128xf32, #tpu.memory_space<vmem>> -> memref<8x128xf32, #tpu.memory_space<vmem>>
        %dma_start3A_2060 = tpu.memref_slice %arg4[%multiple_of3A_2051, %multiple_of3A_2026] : memref<32x1000000xf32, #tpu.memory_space<hbm>> -> memref<8x128xf32, #tpu.memory_space<hbm>>
        tpu.enqueue_dma source(%dma_start3A_2060 : memref<8x128xf32, #tpu.memory_space<hbm>>) target(%dma_start3A_2059 : memref<8x128xf32, #tpu.memory_space<vmem>>) target_semaphore(%arg18 : memref<!tpu.dma_semaphore, #tpu.memory_space<semaphore_mem>>)
        %dma_start3A_2061 = arith.constant 5 : i32
        %dma_start3A_2062 = arith.constant 0 : i32
        %dma_start3A_2063 = tpu.memref_slice %arg10[%dma_start3A_2061, %multiple_of3A_2051, %dma_start3A_2062] : memref<8x32x128xf32, #tpu.memory_space<vmem>> -> memref<1x8x128xf32, #tpu.memory_space<vmem>>
        %dma_start3A_2064 = tpu.memref_squeeze %dma_start3A_2063 : memref<1x8x128xf32, #tpu.memory_space<vmem>> -> memref<8x128xf32, #tpu.memory_space<vmem>>
        %dma_start3A_2065 = tpu.memref_slice %arg5[%multiple_of3A_2051, %multiple_of3A_2029] : memref<32x1000000xf32, #tpu.memory_space<hbm>> -> memref<8x128xf32, #tpu.memory_space<hbm>>
        %dma_start3A_2066 = arith.constant 0 : i32
        %dma_start3A_2067 = tpu.memref_slice %arg10[%dma_start3A_2061, %multiple_of3A_2051, %dma_start3A_2066] : memref<8x32x128xf32, #tpu.memory_space<vmem>> -> memref<1x8x128xf32, #tpu.memory_space<vmem>>
        %dma_start3A_2068 = tpu.memref_squeeze %dma_start3A_2067 : memref<1x8x128xf32, #tpu.memory_space<vmem>> -> memref<8x128xf32, #tpu.memory_space<vmem>>
        %dma_start3A_2069 = tpu.memref_slice %arg5[%multiple_of3A_2051, %multiple_of3A_2029] : memref<32x1000000xf32, #tpu.memory_space<hbm>> -> memref<8x128xf32, #tpu.memory_space<hbm>>
        tpu.enqueue_dma source(%dma_start3A_2069 : memref<8x128xf32, #tpu.memory_space<hbm>>) target(%dma_start3A_2068 : memref<8x128xf32, #tpu.memory_space<vmem>>) target_semaphore(%arg26 : memref<!tpu.dma_semaphore, #tpu.memory_space<semaphore_mem>>)
        %multiple_of3A_2070 = arith.constant 16 : i32
        %multiple_of3A_2071 = tpu.assume_multiple %multiple_of3A_2070, 8 : i32
        %dma_start3A_2072 = arith.constant 5 : i32
        %dma_start3A_2073 = arith.constant 0 : i32
        %dma_start3A_2074 = tpu.memref_slice %arg9[%dma_start3A_2072, %multiple_of3A_2071, %dma_start3A_2073] : memref<8x32x128xf32, #tpu.memory_space<vmem>> -> memref<1x8x128xf32, #tpu.memory_space<vmem>>
        %dma_start3A_2075 = tpu.memref_squeeze %dma_start3A_2074 : memref<1x8x128xf32, #tpu.memory_space<vmem>> -> memref<8x128xf32, #tpu.memory_space<vmem>>
        %dma_start3A_2076 = tpu.memref_slice %arg4[%multiple_of3A_2071, %multiple_of3A_2026] : memref<32x1000000xf32, #tpu.memory_space<hbm>> -> memref<8x128xf32, #tpu.memory_space<hbm>>
        %dma_start3A_2077 = arith.constant 0 : i32
        %dma_start3A_2078 = tpu.memref_slice %arg9[%dma_start3A_2072, %multiple_of3A_2071, %dma_start3A_2077] : memref<8x32x128xf32, #tpu.memory_space<vmem>> -> memref<1x8x128xf32, #tpu.memory_space<vmem>>
        %dma_start3A_2079 = tpu.memref_squeeze %dma_start3A_2078 : memref<1x8x128xf32, #tpu.memory_space<vmem>> -> memref<8x128xf32, #tpu.memory_space<vmem>>
        %dma_start3A_2080 = tpu.memref_slice %arg4[%multiple_of3A_2071, %multiple_of3A_2026] : memref<32x1000000xf32, #tpu.memory_space<hbm>> -> memref<8x128xf32, #tpu.memory_space<hbm>>
        tpu.enqueue_dma source(%dma_start3A_2080 : memref<8x128xf32, #tpu.memory_space<hbm>>) target(%dma_start3A_2079 : memref<8x128xf32, #tpu.memory_space<vmem>>) target_semaphore(%arg18 : memref<!tpu.dma_semaphore, #tpu.memory_space<semaphore_mem>>)
        %dma_start3A_2081 = arith.constant 5 : i32
        %dma_start3A_2082 = arith.constant 0 : i32
        %dma_start3A_2083 = tpu.memref_slice %arg10[%dma_start3A_2081, %multiple_of3A_2071, %dma_start3A_2082] : memref<8x32x128xf32, #tpu.memory_space<vmem>> -> memref<1x8x128xf32, #tpu.memory_space<vmem>>
        %dma_start3A_2084 = tpu.memref_squeeze %dma_start3A_2083 : memref<1x8x128xf32, #tpu.memory_space<vmem>> -> memref<8x128xf32, #tpu.memory_space<vmem>>
        %dma_start3A_2085 = tpu.memref_slice %arg5[%multiple_of3A_2071, %multiple_of3A_2029] : memref<32x1000000xf32, #tpu.memory_space<hbm>> -> memref<8x128xf32, #tpu.memory_space<hbm>>
        %dma_start3A_2086 = arith.constant 0 : i32
        %dma_start3A_2087 = tpu.memref_slice %arg10[%dma_start3A_2081, %multiple_of3A_2071, %dma_start3A_2086] : memref<8x32x128xf32, #tpu.memory_space<vmem>> -> memref<1x8x128xf32, #tpu.memory_space<vmem>>
        %dma_start3A_2088 = tpu.memref_squeeze %dma_start3A_2087 : memref<1x8x128xf32, #tpu.memory_space<vmem>> -> memref<8x128xf32, #tpu.memory_space<vmem>>
        %dma_start3A_2089 = tpu.memref_slice %arg5[%multiple_of3A_2071, %multiple_of3A_2029] : memref<32x1000000xf32, #tpu.memory_space<hbm>> -> memref<8x128xf32, #tpu.memory_space<hbm>>
        tpu.enqueue_dma source(%dma_start3A_2089 : memref<8x128xf32, #tpu.memory_space<hbm>>) target(%dma_start3A_2088 : memref<8x128xf32, #tpu.memory_space<vmem>>) target_semaphore(%arg26 : memref<!tpu.dma_semaphore, #tpu.memory_space<semaphore_mem>>)
        %multiple_of3A_2090 = arith.constant 24 : i32
        %multiple_of3A_2091 = tpu.assume_multiple %multiple_of3A_2090, 8 : i32
        %dma_start3A_2092 = arith.constant 5 : i32
        %dma_start3A_2093 = arith.constant 0 : i32
        %dma_start3A_2094 = tpu.memref_slice %arg9[%dma_start3A_2092, %multiple_of3A_2091, %dma_start3A_2093] : memref<8x32x128xf32, #tpu.memory_space<vmem>> -> memref<1x8x128xf32, #tpu.memory_space<vmem>>
        %dma_start3A_2095 = tpu.memref_squeeze %dma_start3A_2094 : memref<1x8x128xf32, #tpu.memory_space<vmem>> -> memref<8x128xf32, #tpu.memory_space<vmem>>
        %dma_start3A_2096 = tpu.memref_slice %arg4[%multiple_of3A_2091, %multiple_of3A_2026] : memref<32x1000000xf32, #tpu.memory_space<hbm>> -> memref<8x128xf32, #tpu.memory_space<hbm>>
        %dma_start3A_2097 = arith.constant 0 : i32
        %dma_start3A_2098 = tpu.memref_slice %arg9[%dma_start3A_2092, %multiple_of3A_2091, %dma_start3A_2097] : memref<8x32x128xf32, #tpu.memory_space<vmem>> -> memref<1x8x128xf32, #tpu.memory_space<vmem>>
        %dma_start3A_2099 = tpu.memref_squeeze %dma_start3A_2098 : memref<1x8x128xf32, #tpu.memory_space<vmem>> -> memref<8x128xf32, #tpu.memory_space<vmem>>
        %dma_start3A_2100 = tpu.memref_slice %arg4[%multiple_of3A_2091, %multiple_of3A_2026] : memref<32x1000000xf32, #tpu.memory_space<hbm>> -> memref<8x128xf32, #tpu.memory_space<hbm>>
        tpu.enqueue_dma source(%dma_start3A_2100 : memref<8x128xf32, #tpu.memory_space<hbm>>) target(%dma_start3A_2099 : memref<8x128xf32, #tpu.memory_space<vmem>>) target_semaphore(%arg18 : memref<!tpu.dma_semaphore, #tpu.memory_space<semaphore_mem>>)
        %dma_start3A_2101 = arith.constant 5 : i32
        %dma_start3A_2102 = arith.constant 0 : i32
        %dma_start3A_2103 = tpu.memref_slice %arg10[%dma_start3A_2101, %multiple_of3A_2091, %dma_start3A_2102] : memref<8x32x128xf32, #tpu.memory_space<vmem>> -> memref<1x8x128xf32, #tpu.memory_space<vmem>>
        %dma_start3A_2104 = tpu.memref_squeeze %dma_start3A_2103 : memref<1x8x128xf32, #tpu.memory_space<vmem>> -> memref<8x128xf32, #tpu.memory_space<vmem>>
        %dma_start3A_2105 = tpu.memref_slice %arg5[%multiple_of3A_2091, %multiple_of3A_2029] : memref<32x1000000xf32, #tpu.memory_space<hbm>> -> memref<8x128xf32, #tpu.memory_space<hbm>>
        %dma_start3A_2106 = arith.constant 0 : i32
        %dma_start3A_2107 = tpu.memref_slice %arg10[%dma_start3A_2101, %multiple_of3A_2091, %dma_start3A_2106] : memref<8x32x128xf32, #tpu.memory_space<vmem>> -> memref<1x8x128xf32, #tpu.memory_space<vmem>>
        %dma_start3A_2108 = tpu.memref_squeeze %dma_start3A_2107 : memref<1x8x128xf32, #tpu.memory_space<vmem>> -> memref<8x128xf32, #tpu.memory_space<vmem>>
        %dma_start3A_2109 = tpu.memref_slice %arg5[%multiple_of3A_2091, %multiple_of3A_2029] : memref<32x1000000xf32, #tpu.memory_space<hbm>> -> memref<8x128xf32, #tpu.memory_space<hbm>>
        tpu.enqueue_dma source(%dma_start3A_2109 : memref<8x128xf32, #tpu.memory_space<hbm>>) target(%dma_start3A_2108 : memref<8x128xf32, #tpu.memory_space<vmem>>) target_semaphore(%arg26 : memref<!tpu.dma_semaphore, #tpu.memory_space<semaphore_mem>>)
      } else {
      }
      %mul3A_1700 = arith.constant 17 : i32
      %mul3A_1701 = arith.muli %add3A_1547, %mul3A_1700 : i32
      %swap3A_1702 = arith.index_cast %mul3A_1701 : i32 to index
      %swap3A_1703 = tpu.vector_load %arg11[%swap3A_1702] {strides = array<i32>} : memref<8704xf32, #tpu.memory_space<vmem>>, vector<16xf32>,
      tpu.vector_store %arg11[%swap3A_1702], %add3A_1692 {strides = array<i32>} : memref<8704xf32, #tpu.memory_space<vmem>>, vector<16xf32>,
      %mul3A_1704 = arith.constant 8 : i32
      %mul3A_1705 = arith.muli %scan3A_717, %mul3A_1704 : i32
      %add3A_1706 = arith.constant 6 : i32
      %add3A_1707 = arith.addi %mul3A_1705, %add3A_1706 : i32
      %multiple_of3A_1708 = arith.constant 0 : i32
      %multiple_of3A_1709 = tpu.assume_multiple %multiple_of3A_1708, 8 : i32
      %dma_wait3A_1710 = arith.constant 6 : i32
      %dma_wait3A_1711 = arith.constant 0 : i32
      %dma_wait3A_1712 = tpu.memref_slice %arg9[%dma_wait3A_1710, %multiple_of3A_1709, %dma_wait3A_1711] : memref<8x32x128xf32, #tpu.memory_space<vmem>> -> memref<1x8x128xf32, #tpu.memory_space<vmem>>
      %dma_wait3A_1713 = tpu.memref_squeeze %dma_wait3A_1712 : memref<1x8x128xf32, #tpu.memory_space<vmem>> -> memref<8x128xf32, #tpu.memory_space<vmem>>
      %dma_wait3A_1714 = arith.constant 0 : i32
      %dma_wait3A_1715 = arith.constant 0 : i32
      %dma_wait3A_1716 = tpu.memref_slice %arg4[%dma_wait3A_1714, %dma_wait3A_1715] : memref<32x1000000xf32, #tpu.memory_space<hbm>> -> memref<8x128xf32, #tpu.memory_space<hbm>>
      %dma_wait3A_1717 = arith.constant 0 : i32
      %dma_wait3A_1718 = tpu.memref_slice %arg9[%dma_wait3A_1710, %multiple_of3A_1709, %dma_wait3A_1717] : memref<8x32x128xf32, #tpu.memory_space<vmem>> -> memref<1x8x128xf32, #tpu.memory_space<vmem>>
      %dma_wait3A_1719 = tpu.memref_squeeze %dma_wait3A_1718 : memref<1x8x128xf32, #tpu.memory_space<vmem>> -> memref<8x128xf32, #tpu.memory_space<vmem>>
      %dma_wait3A_1720 = arith.constant 0 : i32
      %dma_wait3A_1721 = arith.constant 0 : i32
      %dma_wait3A_1722 = tpu.memref_slice %arg4[%dma_wait3A_1720, %dma_wait3A_1721] : memref<32x1000000xf32, #tpu.memory_space<hbm>> -> memref<8x128xf32, #tpu.memory_space<hbm>>
      tpu.wait_dma2 semaphore(%arg19 : memref<!tpu.dma_semaphore, #tpu.memory_space<semaphore_mem>>) src(%dma_wait3A_1722 : memref<8x128xf32, #tpu.memory_space<hbm>>) dst(%dma_wait3A_1719 : memref<8x128xf32, #tpu.memory_space<vmem>>)
      %dma_wait3A_1723 = arith.constant 6 : i32
      %dma_wait3A_1724 = arith.constant 0 : i32
      %dma_wait3A_1725 = tpu.memref_slice %arg10[%dma_wait3A_1723, %multiple_of3A_1709, %dma_wait3A_1724] : memref<8x32x128xf32, #tpu.memory_space<vmem>> -> memref<1x8x128xf32, #tpu.memory_space<vmem>>
      %dma_wait3A_1726 = tpu.memref_squeeze %dma_wait3A_1725 : memref<1x8x128xf32, #tpu.memory_space<vmem>> -> memref<8x128xf32, #tpu.memory_space<vmem>>
      %dma_wait3A_1727 = arith.constant 0 : i32
      %dma_wait3A_1728 = arith.constant 0 : i32
      %dma_wait3A_1729 = tpu.memref_slice %arg5[%dma_wait3A_1727, %dma_wait3A_1728] : memref<32x1000000xf32, #tpu.memory_space<hbm>> -> memref<8x128xf32, #tpu.memory_space<hbm>>
      %dma_wait3A_1730 = arith.constant 0 : i32
      %dma_wait3A_1731 = tpu.memref_slice %arg10[%dma_wait3A_1723, %multiple_of3A_1709, %dma_wait3A_1730] : memref<8x32x128xf32, #tpu.memory_space<vmem>> -> memref<1x8x128xf32, #tpu.memory_space<vmem>>
      %dma_wait3A_1732 = tpu.memref_squeeze %dma_wait3A_1731 : memref<1x8x128xf32, #tpu.memory_space<vmem>> -> memref<8x128xf32, #tpu.memory_space<vmem>>
      %dma_wait3A_1733 = arith.constant 0 : i32
      %dma_wait3A_1734 = arith.constant 0 : i32
      %dma_wait3A_1735 = tpu.memref_slice %arg5[%dma_wait3A_1733, %dma_wait3A_1734] : memref<32x1000000xf32, #tpu.memory_space<hbm>> -> memref<8x128xf32, #tpu.memory_space<hbm>>
      tpu.wait_dma2 semaphore(%arg27 : memref<!tpu.dma_semaphore, #tpu.memory_space<semaphore_mem>>) src(%dma_wait3A_1735 : memref<8x128xf32, #tpu.memory_space<hbm>>) dst(%dma_wait3A_1732 : memref<8x128xf32, #tpu.memory_space<vmem>>)
      %multiple_of3A_1736 = arith.constant 8 : i32
      %multiple_of3A_1737 = tpu.assume_multiple %multiple_of3A_1736, 8 : i32
      %dma_wait3A_1738 = arith.constant 6 : i32
      %dma_wait3A_1739 = arith.constant 0 : i32
      %dma_wait3A_1740 = tpu.memref_slice %arg9[%dma_wait3A_1738, %multiple_of3A_1737, %dma_wait3A_1739] : memref<8x32x128xf32, #tpu.memory_space<vmem>> -> memref<1x8x128xf32, #tpu.memory_space<vmem>>
      %dma_wait3A_1741 = tpu.memref_squeeze %dma_wait3A_1740 : memref<1x8x128xf32, #tpu.memory_space<vmem>> -> memref<8x128xf32, #tpu.memory_space<vmem>>
      %dma_wait3A_1742 = arith.constant 0 : i32
      %dma_wait3A_1743 = arith.constant 0 : i32
      %dma_wait3A_1744 = tpu.memref_slice %arg4[%dma_wait3A_1742, %dma_wait3A_1743] : memref<32x1000000xf32, #tpu.memory_space<hbm>> -> memref<8x128xf32, #tpu.memory_space<hbm>>
      %dma_wait3A_1745 = arith.constant 0 : i32
      %dma_wait3A_1746 = tpu.memref_slice %arg9[%dma_wait3A_1738, %multiple_of3A_1737, %dma_wait3A_1745] : memref<8x32x128xf32, #tpu.memory_space<vmem>> -> memref<1x8x128xf32, #tpu.memory_space<vmem>>
      %dma_wait3A_1747 = tpu.memref_squeeze %dma_wait3A_1746 : memref<1x8x128xf32, #tpu.memory_space<vmem>> -> memref<8x128xf32, #tpu.memory_space<vmem>>
      %dma_wait3A_1748 = arith.constant 0 : i32
      %dma_wait3A_1749 = arith.constant 0 : i32
      %dma_wait3A_1750 = tpu.memref_slice %arg4[%dma_wait3A_1748, %dma_wait3A_1749] : memref<32x1000000xf32, #tpu.memory_space<hbm>> -> memref<8x128xf32, #tpu.memory_space<hbm>>
      tpu.wait_dma2 semaphore(%arg19 : memref<!tpu.dma_semaphore, #tpu.memory_space<semaphore_mem>>) src(%dma_wait3A_1750 : memref<8x128xf32, #tpu.memory_space<hbm>>) dst(%dma_wait3A_1747 : memref<8x128xf32, #tpu.memory_space<vmem>>)
      %dma_wait3A_1751 = arith.constant 6 : i32
      %dma_wait3A_1752 = arith.constant 0 : i32
      %dma_wait3A_1753 = tpu.memref_slice %arg10[%dma_wait3A_1751, %multiple_of3A_1737, %dma_wait3A_1752] : memref<8x32x128xf32, #tpu.memory_space<vmem>> -> memref<1x8x128xf32, #tpu.memory_space<vmem>>
      %dma_wait3A_1754 = tpu.memref_squeeze %dma_wait3A_1753 : memref<1x8x128xf32, #tpu.memory_space<vmem>> -> memref<8x128xf32, #tpu.memory_space<vmem>>
      %dma_wait3A_1755 = arith.constant 0 : i32
      %dma_wait3A_1756 = arith.constant 0 : i32
      %dma_wait3A_1757 = tpu.memref_slice %arg5[%dma_wait3A_1755, %dma_wait3A_1756] : memref<32x1000000xf32, #tpu.memory_space<hbm>> -> memref<8x128xf32, #tpu.memory_space<hbm>>
      %dma_wait3A_1758 = arith.constant 0 : i32
      %dma_wait3A_1759 = tpu.memref_slice %arg10[%dma_wait3A_1751, %multiple_of3A_1737, %dma_wait3A_1758] : memref<8x32x128xf32, #tpu.memory_space<vmem>> -> memref<1x8x128xf32, #tpu.memory_space<vmem>>
      %dma_wait3A_1760 = tpu.memref_squeeze %dma_wait3A_1759 : memref<1x8x128xf32, #tpu.memory_space<vmem>> -> memref<8x128xf32, #tpu.memory_space<vmem>>
      %dma_wait3A_1761 = arith.constant 0 : i32
      %dma_wait3A_1762 = arith.constant 0 : i32
      %dma_wait3A_1763 = tpu.memref_slice %arg5[%dma_wait3A_1761, %dma_wait3A_1762] : memref<32x1000000xf32, #tpu.memory_space<hbm>> -> memref<8x128xf32, #tpu.memory_space<hbm>>
      tpu.wait_dma2 semaphore(%arg27 : memref<!tpu.dma_semaphore, #tpu.memory_space<semaphore_mem>>) src(%dma_wait3A_1763 : memref<8x128xf32, #tpu.memory_space<hbm>>) dst(%dma_wait3A_1760 : memref<8x128xf32, #tpu.memory_space<vmem>>)
      %multiple_of3A_1764 = arith.constant 16 : i32
      %multiple_of3A_1765 = tpu.assume_multiple %multiple_of3A_1764, 8 : i32
      %dma_wait3A_1766 = arith.constant 6 : i32
      %dma_wait3A_1767 = arith.constant 0 : i32
      %dma_wait3A_1768 = tpu.memref_slice %arg9[%dma_wait3A_1766, %multiple_of3A_1765, %dma_wait3A_1767] : memref<8x32x128xf32, #tpu.memory_space<vmem>> -> memref<1x8x128xf32, #tpu.memory_space<vmem>>
      %dma_wait3A_1769 = tpu.memref_squeeze %dma_wait3A_1768 : memref<1x8x128xf32, #tpu.memory_space<vmem>> -> memref<8x128xf32, #tpu.memory_space<vmem>>
      %dma_wait3A_1770 = arith.constant 0 : i32
      %dma_wait3A_1771 = arith.constant 0 : i32
      %dma_wait3A_1772 = tpu.memref_slice %arg4[%dma_wait3A_1770, %dma_wait3A_1771] : memref<32x1000000xf32, #tpu.memory_space<hbm>> -> memref<8x128xf32, #tpu.memory_space<hbm>>
      %dma_wait3A_1773 = arith.constant 0 : i32
      %dma_wait3A_1774 = tpu.memref_slice %arg9[%dma_wait3A_1766, %multiple_of3A_1765, %dma_wait3A_1773] : memref<8x32x128xf32, #tpu.memory_space<vmem>> -> memref<1x8x128xf32, #tpu.memory_space<vmem>>
      %dma_wait3A_1775 = tpu.memref_squeeze %dma_wait3A_1774 : memref<1x8x128xf32, #tpu.memory_space<vmem>> -> memref<8x128xf32, #tpu.memory_space<vmem>>
      %dma_wait3A_1776 = arith.constant 0 : i32
      %dma_wait3A_1777 = arith.constant 0 : i32
      %dma_wait3A_1778 = tpu.memref_slice %arg4[%dma_wait3A_1776, %dma_wait3A_1777] : memref<32x1000000xf32, #tpu.memory_space<hbm>> -> memref<8x128xf32, #tpu.memory_space<hbm>>
      tpu.wait_dma2 semaphore(%arg19 : memref<!tpu.dma_semaphore, #tpu.memory_space<semaphore_mem>>) src(%dma_wait3A_1778 : memref<8x128xf32, #tpu.memory_space<hbm>>) dst(%dma_wait3A_1775 : memref<8x128xf32, #tpu.memory_space<vmem>>)
      %dma_wait3A_1779 = arith.constant 6 : i32
      %dma_wait3A_1780 = arith.constant 0 : i32
      %dma_wait3A_1781 = tpu.memref_slice %arg10[%dma_wait3A_1779, %multiple_of3A_1765, %dma_wait3A_1780] : memref<8x32x128xf32, #tpu.memory_space<vmem>> -> memref<1x8x128xf32, #tpu.memory_space<vmem>>
      %dma_wait3A_1782 = tpu.memref_squeeze %dma_wait3A_1781 : memref<1x8x128xf32, #tpu.memory_space<vmem>> -> memref<8x128xf32, #tpu.memory_space<vmem>>
      %dma_wait3A_1783 = arith.constant 0 : i32
      %dma_wait3A_1784 = arith.constant 0 : i32
      %dma_wait3A_1785 = tpu.memref_slice %arg5[%dma_wait3A_1783, %dma_wait3A_1784] : memref<32x1000000xf32, #tpu.memory_space<hbm>> -> memref<8x128xf32, #tpu.memory_space<hbm>>
      %dma_wait3A_1786 = arith.constant 0 : i32
      %dma_wait3A_1787 = tpu.memref_slice %arg10[%dma_wait3A_1779, %multiple_of3A_1765, %dma_wait3A_1786] : memref<8x32x128xf32, #tpu.memory_space<vmem>> -> memref<1x8x128xf32, #tpu.memory_space<vmem>>
      %dma_wait3A_1788 = tpu.memref_squeeze %dma_wait3A_1787 : memref<1x8x128xf32, #tpu.memory_space<vmem>> -> memref<8x128xf32, #tpu.memory_space<vmem>>
      %dma_wait3A_1789 = arith.constant 0 : i32
      %dma_wait3A_1790 = arith.constant 0 : i32
      %dma_wait3A_1791 = tpu.memref_slice %arg5[%dma_wait3A_1789, %dma_wait3A_1790] : memref<32x1000000xf32, #tpu.memory_space<hbm>> -> memref<8x128xf32, #tpu.memory_space<hbm>>
      tpu.wait_dma2 semaphore(%arg27 : memref<!tpu.dma_semaphore, #tpu.memory_space<semaphore_mem>>) src(%dma_wait3A_1791 : memref<8x128xf32, #tpu.memory_space<hbm>>) dst(%dma_wait3A_1788 : memref<8x128xf32, #tpu.memory_space<vmem>>)
      %multiple_of3A_1792 = arith.constant 24 : i32
      %multiple_of3A_1793 = tpu.assume_multiple %multiple_of3A_1792, 8 : i32
      %dma_wait3A_1794 = arith.constant 6 : i32
      %dma_wait3A_1795 = arith.constant 0 : i32
      %dma_wait3A_1796 = tpu.memref_slice %arg9[%dma_wait3A_1794, %multiple_of3A_1793, %dma_wait3A_1795] : memref<8x32x128xf32, #tpu.memory_space<vmem>> -> memref<1x8x128xf32, #tpu.memory_space<vmem>>
      %dma_wait3A_1797 = tpu.memref_squeeze %dma_wait3A_1796 : memref<1x8x128xf32, #tpu.memory_space<vmem>> -> memref<8x128xf32, #tpu.memory_space<vmem>>
      %dma_wait3A_1798 = arith.constant 0 : i32
      %dma_wait3A_1799 = arith.constant 0 : i32
      %dma_wait3A_1800 = tpu.memref_slice %arg4[%dma_wait3A_1798, %dma_wait3A_1799] : memref<32x1000000xf32, #tpu.memory_space<hbm>> -> memref<8x128xf32, #tpu.memory_space<hbm>>
      %dma_wait3A_1801 = arith.constant 0 : i32
      %dma_wait3A_1802 = tpu.memref_slice %arg9[%dma_wait3A_1794, %multiple_of3A_1793, %dma_wait3A_1801] : memref<8x32x128xf32, #tpu.memory_space<vmem>> -> memref<1x8x128xf32, #tpu.memory_space<vmem>>
      %dma_wait3A_1803 = tpu.memref_squeeze %dma_wait3A_1802 : memref<1x8x128xf32, #tpu.memory_space<vmem>> -> memref<8x128xf32, #tpu.memory_space<vmem>>
      %dma_wait3A_1804 = arith.constant 0 : i32
      %dma_wait3A_1805 = arith.constant 0 : i32
      %dma_wait3A_1806 = tpu.memref_slice %arg4[%dma_wait3A_1804, %dma_wait3A_1805] : memref<32x1000000xf32, #tpu.memory_space<hbm>> -> memref<8x128xf32, #tpu.memory_space<hbm>>
      tpu.wait_dma2 semaphore(%arg19 : memref<!tpu.dma_semaphore, #tpu.memory_space<semaphore_mem>>) src(%dma_wait3A_1806 : memref<8x128xf32, #tpu.memory_space<hbm>>) dst(%dma_wait3A_1803 : memref<8x128xf32, #tpu.memory_space<vmem>>)
      %dma_wait3A_1807 = arith.constant 6 : i32
      %dma_wait3A_1808 = arith.constant 0 : i32
      %dma_wait3A_1809 = tpu.memref_slice %arg10[%dma_wait3A_1807, %multiple_of3A_1793, %dma_wait3A_1808] : memref<8x32x128xf32, #tpu.memory_space<vmem>> -> memref<1x8x128xf32, #tpu.memory_space<vmem>>
      %dma_wait3A_1810 = tpu.memref_squeeze %dma_wait3A_1809 : memref<1x8x128xf32, #tpu.memory_space<vmem>> -> memref<8x128xf32, #tpu.memory_space<vmem>>
      %dma_wait3A_1811 = arith.constant 0 : i32
      %dma_wait3A_1812 = arith.constant 0 : i32
      %dma_wait3A_1813 = tpu.memref_slice %arg5[%dma_wait3A_1811, %dma_wait3A_1812] : memref<32x1000000xf32, #tpu.memory_space<hbm>> -> memref<8x128xf32, #tpu.memory_space<hbm>>
      %dma_wait3A_1814 = arith.constant 0 : i32
      %dma_wait3A_1815 = tpu.memref_slice %arg10[%dma_wait3A_1807, %multiple_of3A_1793, %dma_wait3A_1814] : memref<8x32x128xf32, #tpu.memory_space<vmem>> -> memref<1x8x128xf32, #tpu.memory_space<vmem>>
      %dma_wait3A_1816 = tpu.memref_squeeze %dma_wait3A_1815 : memref<1x8x128xf32, #tpu.memory_space<vmem>> -> memref<8x128xf32, #tpu.memory_space<vmem>>
      %dma_wait3A_1817 = arith.constant 0 : i32
      %dma_wait3A_1818 = arith.constant 0 : i32
      %dma_wait3A_1819 = tpu.memref_slice %arg5[%dma_wait3A_1817, %dma_wait3A_1818] : memref<32x1000000xf32, #tpu.memory_space<hbm>> -> memref<8x128xf32, #tpu.memory_space<hbm>>
      tpu.wait_dma2 semaphore(%arg27 : memref<!tpu.dma_semaphore, #tpu.memory_space<semaphore_mem>>) src(%dma_wait3A_1819 : memref<8x128xf32, #tpu.memory_space<hbm>>) dst(%dma_wait3A_1816 : memref<8x128xf32, #tpu.memory_space<vmem>>)
      %slice3A_1820 = vector.extract_strided_slice %and3A_726 {offsets = [6], sizes = [1], strides = [1]} : vector<16xi32> to vector<1xi32>
      %squeeze3A_1821 = vector.extract %slice3A_1820[0] : i32 from vector<1xi32>
      %broadcast_in_dim3A_1822 = vector.broadcast %squeeze3A_1821 : i32 to vector<16xi32>
      %slice3A_1823 = vector.extract_strided_slice %and3A_729 {offsets = [6], sizes = [1], strides = [1]} : vector<16xi32> to vector<1xi32>
      %squeeze3A_1824 = vector.extract %slice3A_1823[0] : i32 from vector<1xi32>
      %broadcast_in_dim3A_1825 = vector.broadcast %squeeze3A_1824 : i32 to vector<16xi32>
      %gather3A_1826 = arith.constant 6 : i32
      %gather3A_1827 = arith.constant 0 : i32
      %gather3A_1828 = arith.constant 0 : i32
      %gather3A_1829 = tpu.memref_slice %arg9[%gather3A_1826, %gather3A_1827, %gather3A_1828] : memref<8x32x128xf32, #tpu.memory_space<vmem>> -> memref<1x32x128xf32, #tpu.memory_space<vmem>>
      %gather3A_1830 = tpu.memref_squeeze %gather3A_1829 : memref<1x32x128xf32, #tpu.memory_space<vmem>> -> memref<32x128xf32, #tpu.memory_space<vmem>>
      %gather3A_1831 = tpu.vector_load_idx %gather3A_1830[%iota3A, %broadcast_in_dim3A_1822] : memref<32x128xf32, #tpu.memory_space<vmem>>[vector<16xi32>, vector<16xi32>], vector<16xf32>,
      %gather3A_1832 = arith.constant 6 : i32
      %gather3A_1833 = arith.constant 0 : i32
      %gather3A_1834 = arith.constant 0 : i32
      %gather3A_1835 = tpu.memref_slice %arg9[%gather3A_1832, %gather3A_1833, %gather3A_1834] : memref<8x32x128xf32, #tpu.memory_space<vmem>> -> memref<1x32x128xf32, #tpu.memory_space<vmem>>
      %gather3A_1836 = tpu.memref_squeeze %gather3A_1835 : memref<1x32x128xf32, #tpu.memory_space<vmem>> -> memref<32x128xf32, #tpu.memory_space<vmem>>
      %gather3A_1837 = tpu.vector_load_idx %gather3A_1836[%add3A_5, %broadcast_in_dim3A_1822] : memref<32x128xf32, #tpu.memory_space<vmem>>[vector<16xi32>, vector<16xi32>], vector<16xf32>,
      %gather3A_1838 = arith.constant 6 : i32
      %gather3A_1839 = arith.constant 0 : i32
      %gather3A_1840 = arith.constant 0 : i32
      %gather3A_1841 = tpu.memref_slice %arg10[%gather3A_1838, %gather3A_1839, %gather3A_1840] : memref<8x32x128xf32, #tpu.memory_space<vmem>> -> memref<1x32x128xf32, #tpu.memory_space<vmem>>
      %gather3A_1842 = tpu.memref_squeeze %gather3A_1841 : memref<1x32x128xf32, #tpu.memory_space<vmem>> -> memref<32x128xf32, #tpu.memory_space<vmem>>
      %gather3A_1843 = tpu.vector_load_idx %gather3A_1842[%iota3A, %broadcast_in_dim3A_1825] : memref<32x128xf32, #tpu.memory_space<vmem>>[vector<16xi32>, vector<16xi32>], vector<16xf32>,
      %gather3A_1844 = arith.constant 6 : i32
      %gather3A_1845 = arith.constant 0 : i32
      %gather3A_1846 = arith.constant 0 : i32
      %gather3A_1847 = tpu.memref_slice %arg10[%gather3A_1844, %gather3A_1845, %gather3A_1846] : memref<8x32x128xf32, #tpu.memory_space<vmem>> -> memref<1x32x128xf32, #tpu.memory_space<vmem>>
      %gather3A_1848 = tpu.memref_squeeze %gather3A_1847 : memref<1x32x128xf32, #tpu.memory_space<vmem>> -> memref<32x128xf32, #tpu.memory_space<vmem>>
      %gather3A_1849 = tpu.vector_load_idx %gather3A_1848[%add3A_5, %broadcast_in_dim3A_1825] : memref<32x128xf32, #tpu.memory_space<vmem>>[vector<16xi32>, vector<16xi32>], vector<16xf32>,
      %mul3A_1850 = arith.mulf %gather3A_1831, %gather3A_1843 : vector<16xf32>
      %mul3A_1851 = arith.mulf %gather3A_1837, %gather3A_1849 : vector<16xf32>
      %add3A_1852 = arith.addf %mul3A_1850, %mul3A_1851 : vector<16xf32>
      %add3A_1853 = arith.constant 1 : i32
      %add3A_1854 = arith.addi %scan3A_717, %add3A_1853 : i32
      %lt3A_1855 = arith.constant 64 : i32
      %lt3A_1856 = arith.cmpi slt, %add3A_1854, %lt3A_1855 : i32
      %convert_element_type3A_1857 = arith.extui %lt3A_1856 : i1 to i32
      %cond3A_1858 = arith.constant 0 : i32
      %cond3A_1859 = arith.cmpi ne, %convert_element_type3A_1857, %cond3A_1858 : i32
      scf.if %cond3A_1859 {
        %slice3A_2024 = vector.extract_strided_slice %mul3A_744 {offsets = [6], sizes = [1], strides = [1]} : vector<16xi32> to vector<1xi32>
        %squeeze3A_2025 = vector.extract %slice3A_2024[0] : i32 from vector<1xi32>
        %multiple_of3A_2026 = tpu.assume_multiple %squeeze3A_2025, 128 : i32
        %slice3A_2027 = vector.extract_strided_slice %mul3A_750 {offsets = [6], sizes = [1], strides = [1]} : vector<16xi32> to vector<1xi32>
        %squeeze3A_2028 = vector.extract %slice3A_2027[0] : i32 from vector<1xi32>
        %multiple_of3A_2029 = tpu.assume_multiple %squeeze3A_2028, 128 : i32
        %multiple_of3A_2030 = arith.constant 0 : i32
        %multiple_of3A_2031 = tpu.assume_multiple %multiple_of3A_2030, 8 : i32
        %dma_start3A_2032 = arith.constant 6 : i32
        %dma_start3A_2033 = arith.constant 0 : i32
        %dma_start3A_2034 = tpu.memref_slice %arg9[%dma_start3A_2032, %multiple_of3A_2031, %dma_start3A_2033] : memref<8x32x128xf32, #tpu.memory_space<vmem>> -> memref<1x8x128xf32, #tpu.memory_space<vmem>>
        %dma_start3A_2035 = tpu.memref_squeeze %dma_start3A_2034 : memref<1x8x128xf32, #tpu.memory_space<vmem>> -> memref<8x128xf32, #tpu.memory_space<vmem>>
        %dma_start3A_2036 = tpu.memref_slice %arg4[%multiple_of3A_2031, %multiple_of3A_2026] : memref<32x1000000xf32, #tpu.memory_space<hbm>> -> memref<8x128xf32, #tpu.memory_space<hbm>>
        %dma_start3A_2037 = arith.constant 0 : i32
        %dma_start3A_2038 = tpu.memref_slice %arg9[%dma_start3A_2032, %multiple_of3A_2031, %dma_start3A_2037] : memref<8x32x128xf32, #tpu.memory_space<vmem>> -> memref<1x8x128xf32, #tpu.memory_space<vmem>>
        %dma_start3A_2039 = tpu.memref_squeeze %dma_start3A_2038 : memref<1x8x128xf32, #tpu.memory_space<vmem>> -> memref<8x128xf32, #tpu.memory_space<vmem>>
        %dma_start3A_2040 = tpu.memref_slice %arg4[%multiple_of3A_2031, %multiple_of3A_2026] : memref<32x1000000xf32, #tpu.memory_space<hbm>> -> memref<8x128xf32, #tpu.memory_space<hbm>>
        tpu.enqueue_dma source(%dma_start3A_2040 : memref<8x128xf32, #tpu.memory_space<hbm>>) target(%dma_start3A_2039 : memref<8x128xf32, #tpu.memory_space<vmem>>) target_semaphore(%arg19 : memref<!tpu.dma_semaphore, #tpu.memory_space<semaphore_mem>>)
        %dma_start3A_2041 = arith.constant 6 : i32
        %dma_start3A_2042 = arith.constant 0 : i32
        %dma_start3A_2043 = tpu.memref_slice %arg10[%dma_start3A_2041, %multiple_of3A_2031, %dma_start3A_2042] : memref<8x32x128xf32, #tpu.memory_space<vmem>> -> memref<1x8x128xf32, #tpu.memory_space<vmem>>
        %dma_start3A_2044 = tpu.memref_squeeze %dma_start3A_2043 : memref<1x8x128xf32, #tpu.memory_space<vmem>> -> memref<8x128xf32, #tpu.memory_space<vmem>>
        %dma_start3A_2045 = tpu.memref_slice %arg5[%multiple_of3A_2031, %multiple_of3A_2029] : memref<32x1000000xf32, #tpu.memory_space<hbm>> -> memref<8x128xf32, #tpu.memory_space<hbm>>
        %dma_start3A_2046 = arith.constant 0 : i32
        %dma_start3A_2047 = tpu.memref_slice %arg10[%dma_start3A_2041, %multiple_of3A_2031, %dma_start3A_2046] : memref<8x32x128xf32, #tpu.memory_space<vmem>> -> memref<1x8x128xf32, #tpu.memory_space<vmem>>
        %dma_start3A_2048 = tpu.memref_squeeze %dma_start3A_2047 : memref<1x8x128xf32, #tpu.memory_space<vmem>> -> memref<8x128xf32, #tpu.memory_space<vmem>>
        %dma_start3A_2049 = tpu.memref_slice %arg5[%multiple_of3A_2031, %multiple_of3A_2029] : memref<32x1000000xf32, #tpu.memory_space<hbm>> -> memref<8x128xf32, #tpu.memory_space<hbm>>
        tpu.enqueue_dma source(%dma_start3A_2049 : memref<8x128xf32, #tpu.memory_space<hbm>>) target(%dma_start3A_2048 : memref<8x128xf32, #tpu.memory_space<vmem>>) target_semaphore(%arg27 : memref<!tpu.dma_semaphore, #tpu.memory_space<semaphore_mem>>)
        %multiple_of3A_2050 = arith.constant 8 : i32
        %multiple_of3A_2051 = tpu.assume_multiple %multiple_of3A_2050, 8 : i32
        %dma_start3A_2052 = arith.constant 6 : i32
        %dma_start3A_2053 = arith.constant 0 : i32
        %dma_start3A_2054 = tpu.memref_slice %arg9[%dma_start3A_2052, %multiple_of3A_2051, %dma_start3A_2053] : memref<8x32x128xf32, #tpu.memory_space<vmem>> -> memref<1x8x128xf32, #tpu.memory_space<vmem>>
        %dma_start3A_2055 = tpu.memref_squeeze %dma_start3A_2054 : memref<1x8x128xf32, #tpu.memory_space<vmem>> -> memref<8x128xf32, #tpu.memory_space<vmem>>
        %dma_start3A_2056 = tpu.memref_slice %arg4[%multiple_of3A_2051, %multiple_of3A_2026] : memref<32x1000000xf32, #tpu.memory_space<hbm>> -> memref<8x128xf32, #tpu.memory_space<hbm>>
        %dma_start3A_2057 = arith.constant 0 : i32
        %dma_start3A_2058 = tpu.memref_slice %arg9[%dma_start3A_2052, %multiple_of3A_2051, %dma_start3A_2057] : memref<8x32x128xf32, #tpu.memory_space<vmem>> -> memref<1x8x128xf32, #tpu.memory_space<vmem>>
        %dma_start3A_2059 = tpu.memref_squeeze %dma_start3A_2058 : memref<1x8x128xf32, #tpu.memory_space<vmem>> -> memref<8x128xf32, #tpu.memory_space<vmem>>
        %dma_start3A_2060 = tpu.memref_slice %arg4[%multiple_of3A_2051, %multiple_of3A_2026] : memref<32x1000000xf32, #tpu.memory_space<hbm>> -> memref<8x128xf32, #tpu.memory_space<hbm>>
        tpu.enqueue_dma source(%dma_start3A_2060 : memref<8x128xf32, #tpu.memory_space<hbm>>) target(%dma_start3A_2059 : memref<8x128xf32, #tpu.memory_space<vmem>>) target_semaphore(%arg19 : memref<!tpu.dma_semaphore, #tpu.memory_space<semaphore_mem>>)
        %dma_start3A_2061 = arith.constant 6 : i32
        %dma_start3A_2062 = arith.constant 0 : i32
        %dma_start3A_2063 = tpu.memref_slice %arg10[%dma_start3A_2061, %multiple_of3A_2051, %dma_start3A_2062] : memref<8x32x128xf32, #tpu.memory_space<vmem>> -> memref<1x8x128xf32, #tpu.memory_space<vmem>>
        %dma_start3A_2064 = tpu.memref_squeeze %dma_start3A_2063 : memref<1x8x128xf32, #tpu.memory_space<vmem>> -> memref<8x128xf32, #tpu.memory_space<vmem>>
        %dma_start3A_2065 = tpu.memref_slice %arg5[%multiple_of3A_2051, %multiple_of3A_2029] : memref<32x1000000xf32, #tpu.memory_space<hbm>> -> memref<8x128xf32, #tpu.memory_space<hbm>>
        %dma_start3A_2066 = arith.constant 0 : i32
        %dma_start3A_2067 = tpu.memref_slice %arg10[%dma_start3A_2061, %multiple_of3A_2051, %dma_start3A_2066] : memref<8x32x128xf32, #tpu.memory_space<vmem>> -> memref<1x8x128xf32, #tpu.memory_space<vmem>>
        %dma_start3A_2068 = tpu.memref_squeeze %dma_start3A_2067 : memref<1x8x128xf32, #tpu.memory_space<vmem>> -> memref<8x128xf32, #tpu.memory_space<vmem>>
        %dma_start3A_2069 = tpu.memref_slice %arg5[%multiple_of3A_2051, %multiple_of3A_2029] : memref<32x1000000xf32, #tpu.memory_space<hbm>> -> memref<8x128xf32, #tpu.memory_space<hbm>>
        tpu.enqueue_dma source(%dma_start3A_2069 : memref<8x128xf32, #tpu.memory_space<hbm>>) target(%dma_start3A_2068 : memref<8x128xf32, #tpu.memory_space<vmem>>) target_semaphore(%arg27 : memref<!tpu.dma_semaphore, #tpu.memory_space<semaphore_mem>>)
        %multiple_of3A_2070 = arith.constant 16 : i32
        %multiple_of3A_2071 = tpu.assume_multiple %multiple_of3A_2070, 8 : i32
        %dma_start3A_2072 = arith.constant 6 : i32
        %dma_start3A_2073 = arith.constant 0 : i32
        %dma_start3A_2074 = tpu.memref_slice %arg9[%dma_start3A_2072, %multiple_of3A_2071, %dma_start3A_2073] : memref<8x32x128xf32, #tpu.memory_space<vmem>> -> memref<1x8x128xf32, #tpu.memory_space<vmem>>
        %dma_start3A_2075 = tpu.memref_squeeze %dma_start3A_2074 : memref<1x8x128xf32, #tpu.memory_space<vmem>> -> memref<8x128xf32, #tpu.memory_space<vmem>>
        %dma_start3A_2076 = tpu.memref_slice %arg4[%multiple_of3A_2071, %multiple_of3A_2026] : memref<32x1000000xf32, #tpu.memory_space<hbm>> -> memref<8x128xf32, #tpu.memory_space<hbm>>
        %dma_start3A_2077 = arith.constant 0 : i32
        %dma_start3A_2078 = tpu.memref_slice %arg9[%dma_start3A_2072, %multiple_of3A_2071, %dma_start3A_2077] : memref<8x32x128xf32, #tpu.memory_space<vmem>> -> memref<1x8x128xf32, #tpu.memory_space<vmem>>
        %dma_start3A_2079 = tpu.memref_squeeze %dma_start3A_2078 : memref<1x8x128xf32, #tpu.memory_space<vmem>> -> memref<8x128xf32, #tpu.memory_space<vmem>>
        %dma_start3A_2080 = tpu.memref_slice %arg4[%multiple_of3A_2071, %multiple_of3A_2026] : memref<32x1000000xf32, #tpu.memory_space<hbm>> -> memref<8x128xf32, #tpu.memory_space<hbm>>
        tpu.enqueue_dma source(%dma_start3A_2080 : memref<8x128xf32, #tpu.memory_space<hbm>>) target(%dma_start3A_2079 : memref<8x128xf32, #tpu.memory_space<vmem>>) target_semaphore(%arg19 : memref<!tpu.dma_semaphore, #tpu.memory_space<semaphore_mem>>)
        %dma_start3A_2081 = arith.constant 6 : i32
        %dma_start3A_2082 = arith.constant 0 : i32
        %dma_start3A_2083 = tpu.memref_slice %arg10[%dma_start3A_2081, %multiple_of3A_2071, %dma_start3A_2082] : memref<8x32x128xf32, #tpu.memory_space<vmem>> -> memref<1x8x128xf32, #tpu.memory_space<vmem>>
        %dma_start3A_2084 = tpu.memref_squeeze %dma_start3A_2083 : memref<1x8x128xf32, #tpu.memory_space<vmem>> -> memref<8x128xf32, #tpu.memory_space<vmem>>
        %dma_start3A_2085 = tpu.memref_slice %arg5[%multiple_of3A_2071, %multiple_of3A_2029] : memref<32x1000000xf32, #tpu.memory_space<hbm>> -> memref<8x128xf32, #tpu.memory_space<hbm>>
        %dma_start3A_2086 = arith.constant 0 : i32
        %dma_start3A_2087 = tpu.memref_slice %arg10[%dma_start3A_2081, %multiple_of3A_2071, %dma_start3A_2086] : memref<8x32x128xf32, #tpu.memory_space<vmem>> -> memref<1x8x128xf32, #tpu.memory_space<vmem>>
        %dma_start3A_2088 = tpu.memref_squeeze %dma_start3A_2087 : memref<1x8x128xf32, #tpu.memory_space<vmem>> -> memref<8x128xf32, #tpu.memory_space<vmem>>
        %dma_start3A_2089 = tpu.memref_slice %arg5[%multiple_of3A_2071, %multiple_of3A_2029] : memref<32x1000000xf32, #tpu.memory_space<hbm>> -> memref<8x128xf32, #tpu.memory_space<hbm>>
        tpu.enqueue_dma source(%dma_start3A_2089 : memref<8x128xf32, #tpu.memory_space<hbm>>) target(%dma_start3A_2088 : memref<8x128xf32, #tpu.memory_space<vmem>>) target_semaphore(%arg27 : memref<!tpu.dma_semaphore, #tpu.memory_space<semaphore_mem>>)
        %multiple_of3A_2090 = arith.constant 24 : i32
        %multiple_of3A_2091 = tpu.assume_multiple %multiple_of3A_2090, 8 : i32
        %dma_start3A_2092 = arith.constant 6 : i32
        %dma_start3A_2093 = arith.constant 0 : i32
        %dma_start3A_2094 = tpu.memref_slice %arg9[%dma_start3A_2092, %multiple_of3A_2091, %dma_start3A_2093] : memref<8x32x128xf32, #tpu.memory_space<vmem>> -> memref<1x8x128xf32, #tpu.memory_space<vmem>>
        %dma_start3A_2095 = tpu.memref_squeeze %dma_start3A_2094 : memref<1x8x128xf32, #tpu.memory_space<vmem>> -> memref<8x128xf32, #tpu.memory_space<vmem>>
        %dma_start3A_2096 = tpu.memref_slice %arg4[%multiple_of3A_2091, %multiple_of3A_2026] : memref<32x1000000xf32, #tpu.memory_space<hbm>> -> memref<8x128xf32, #tpu.memory_space<hbm>>
        %dma_start3A_2097 = arith.constant 0 : i32
        %dma_start3A_2098 = tpu.memref_slice %arg9[%dma_start3A_2092, %multiple_of3A_2091, %dma_start3A_2097] : memref<8x32x128xf32, #tpu.memory_space<vmem>> -> memref<1x8x128xf32, #tpu.memory_space<vmem>>
        %dma_start3A_2099 = tpu.memref_squeeze %dma_start3A_2098 : memref<1x8x128xf32, #tpu.memory_space<vmem>> -> memref<8x128xf32, #tpu.memory_space<vmem>>
        %dma_start3A_2100 = tpu.memref_slice %arg4[%multiple_of3A_2091, %multiple_of3A_2026] : memref<32x1000000xf32, #tpu.memory_space<hbm>> -> memref<8x128xf32, #tpu.memory_space<hbm>>
        tpu.enqueue_dma source(%dma_start3A_2100 : memref<8x128xf32, #tpu.memory_space<hbm>>) target(%dma_start3A_2099 : memref<8x128xf32, #tpu.memory_space<vmem>>) target_semaphore(%arg19 : memref<!tpu.dma_semaphore, #tpu.memory_space<semaphore_mem>>)
        %dma_start3A_2101 = arith.constant 6 : i32
        %dma_start3A_2102 = arith.constant 0 : i32
        %dma_start3A_2103 = tpu.memref_slice %arg10[%dma_start3A_2101, %multiple_of3A_2091, %dma_start3A_2102] : memref<8x32x128xf32, #tpu.memory_space<vmem>> -> memref<1x8x128xf32, #tpu.memory_space<vmem>>
        %dma_start3A_2104 = tpu.memref_squeeze %dma_start3A_2103 : memref<1x8x128xf32, #tpu.memory_space<vmem>> -> memref<8x128xf32, #tpu.memory_space<vmem>>
        %dma_start3A_2105 = tpu.memref_slice %arg5[%multiple_of3A_2091, %multiple_of3A_2029] : memref<32x1000000xf32, #tpu.memory_space<hbm>> -> memref<8x128xf32, #tpu.memory_space<hbm>>
        %dma_start3A_2106 = arith.constant 0 : i32
        %dma_start3A_2107 = tpu.memref_slice %arg10[%dma_start3A_2101, %multiple_of3A_2091, %dma_start3A_2106] : memref<8x32x128xf32, #tpu.memory_space<vmem>> -> memref<1x8x128xf32, #tpu.memory_space<vmem>>
        %dma_start3A_2108 = tpu.memref_squeeze %dma_start3A_2107 : memref<1x8x128xf32, #tpu.memory_space<vmem>> -> memref<8x128xf32, #tpu.memory_space<vmem>>
        %dma_start3A_2109 = tpu.memref_slice %arg5[%multiple_of3A_2091, %multiple_of3A_2029] : memref<32x1000000xf32, #tpu.memory_space<hbm>> -> memref<8x128xf32, #tpu.memory_space<hbm>>
        tpu.enqueue_dma source(%dma_start3A_2109 : memref<8x128xf32, #tpu.memory_space<hbm>>) target(%dma_start3A_2108 : memref<8x128xf32, #tpu.memory_space<vmem>>) target_semaphore(%arg27 : memref<!tpu.dma_semaphore, #tpu.memory_space<semaphore_mem>>)
      } else {
      }
      %mul3A_1860 = arith.constant 17 : i32
      %mul3A_1861 = arith.muli %add3A_1707, %mul3A_1860 : i32
      %swap3A_1862 = arith.index_cast %mul3A_1861 : i32 to index
      %swap3A_1863 = tpu.vector_load %arg11[%swap3A_1862] {strides = array<i32>} : memref<8704xf32, #tpu.memory_space<vmem>>, vector<16xf32>,
      tpu.vector_store %arg11[%swap3A_1862], %add3A_1852 {strides = array<i32>} : memref<8704xf32, #tpu.memory_space<vmem>>, vector<16xf32>,
      %mul3A_1864 = arith.constant 8 : i32
      %mul3A_1865 = arith.muli %scan3A_717, %mul3A_1864 : i32
      %add3A_1866 = arith.constant 7 : i32
      %add3A_1867 = arith.addi %mul3A_1865, %add3A_1866 : i32
      %multiple_of3A_1868 = arith.constant 0 : i32
      %multiple_of3A_1869 = tpu.assume_multiple %multiple_of3A_1868, 8 : i32
      %dma_wait3A_1870 = arith.constant 7 : i32
      %dma_wait3A_1871 = arith.constant 0 : i32
      %dma_wait3A_1872 = tpu.memref_slice %arg9[%dma_wait3A_1870, %multiple_of3A_1869, %dma_wait3A_1871] : memref<8x32x128xf32, #tpu.memory_space<vmem>> -> memref<1x8x128xf32, #tpu.memory_space<vmem>>
      %dma_wait3A_1873 = tpu.memref_squeeze %dma_wait3A_1872 : memref<1x8x128xf32, #tpu.memory_space<vmem>> -> memref<8x128xf32, #tpu.memory_space<vmem>>
      %dma_wait3A_1874 = arith.constant 0 : i32
      %dma_wait3A_1875 = arith.constant 0 : i32
      %dma_wait3A_1876 = tpu.memref_slice %arg4[%dma_wait3A_1874, %dma_wait3A_1875] : memref<32x1000000xf32, #tpu.memory_space<hbm>> -> memref<8x128xf32, #tpu.memory_space<hbm>>
      %dma_wait3A_1877 = arith.constant 0 : i32
      %dma_wait3A_1878 = tpu.memref_slice %arg9[%dma_wait3A_1870, %multiple_of3A_1869, %dma_wait3A_1877] : memref<8x32x128xf32, #tpu.memory_space<vmem>> -> memref<1x8x128xf32, #tpu.memory_space<vmem>>
      %dma_wait3A_1879 = tpu.memref_squeeze %dma_wait3A_1878 : memref<1x8x128xf32, #tpu.memory_space<vmem>> -> memref<8x128xf32, #tpu.memory_space<vmem>>
      %dma_wait3A_1880 = arith.constant 0 : i32
      %dma_wait3A_1881 = arith.constant 0 : i32
      %dma_wait3A_1882 = tpu.memref_slice %arg4[%dma_wait3A_1880, %dma_wait3A_1881] : memref<32x1000000xf32, #tpu.memory_space<hbm>> -> memref<8x128xf32, #tpu.memory_space<hbm>>
      tpu.wait_dma2 semaphore(%arg20 : memref<!tpu.dma_semaphore, #tpu.memory_space<semaphore_mem>>) src(%dma_wait3A_1882 : memref<8x128xf32, #tpu.memory_space<hbm>>) dst(%dma_wait3A_1879 : memref<8x128xf32, #tpu.memory_space<vmem>>)
      %dma_wait3A_1883 = arith.constant 7 : i32
      %dma_wait3A_1884 = arith.constant 0 : i32
      %dma_wait3A_1885 = tpu.memref_slice %arg10[%dma_wait3A_1883, %multiple_of3A_1869, %dma_wait3A_1884] : memref<8x32x128xf32, #tpu.memory_space<vmem>> -> memref<1x8x128xf32, #tpu.memory_space<vmem>>
      %dma_wait3A_1886 = tpu.memref_squeeze %dma_wait3A_1885 : memref<1x8x128xf32, #tpu.memory_space<vmem>> -> memref<8x128xf32, #tpu.memory_space<vmem>>
      %dma_wait3A_1887 = arith.constant 0 : i32
      %dma_wait3A_1888 = arith.constant 0 : i32
      %dma_wait3A_1889 = tpu.memref_slice %arg5[%dma_wait3A_1887, %dma_wait3A_1888] : memref<32x1000000xf32, #tpu.memory_space<hbm>> -> memref<8x128xf32, #tpu.memory_space<hbm>>
      %dma_wait3A_1890 = arith.constant 0 : i32
      %dma_wait3A_1891 = tpu.memref_slice %arg10[%dma_wait3A_1883, %multiple_of3A_1869, %dma_wait3A_1890] : memref<8x32x128xf32, #tpu.memory_space<vmem>> -> memref<1x8x128xf32, #tpu.memory_space<vmem>>
      %dma_wait3A_1892 = tpu.memref_squeeze %dma_wait3A_1891 : memref<1x8x128xf32, #tpu.memory_space<vmem>> -> memref<8x128xf32, #tpu.memory_space<vmem>>
      %dma_wait3A_1893 = arith.constant 0 : i32
      %dma_wait3A_1894 = arith.constant 0 : i32
      %dma_wait3A_1895 = tpu.memref_slice %arg5[%dma_wait3A_1893, %dma_wait3A_1894] : memref<32x1000000xf32, #tpu.memory_space<hbm>> -> memref<8x128xf32, #tpu.memory_space<hbm>>
      tpu.wait_dma2 semaphore(%arg28 : memref<!tpu.dma_semaphore, #tpu.memory_space<semaphore_mem>>) src(%dma_wait3A_1895 : memref<8x128xf32, #tpu.memory_space<hbm>>) dst(%dma_wait3A_1892 : memref<8x128xf32, #tpu.memory_space<vmem>>)
      %multiple_of3A_1896 = arith.constant 8 : i32
      %multiple_of3A_1897 = tpu.assume_multiple %multiple_of3A_1896, 8 : i32
      %dma_wait3A_1898 = arith.constant 7 : i32
      %dma_wait3A_1899 = arith.constant 0 : i32
      %dma_wait3A_1900 = tpu.memref_slice %arg9[%dma_wait3A_1898, %multiple_of3A_1897, %dma_wait3A_1899] : memref<8x32x128xf32, #tpu.memory_space<vmem>> -> memref<1x8x128xf32, #tpu.memory_space<vmem>>
      %dma_wait3A_1901 = tpu.memref_squeeze %dma_wait3A_1900 : memref<1x8x128xf32, #tpu.memory_space<vmem>> -> memref<8x128xf32, #tpu.memory_space<vmem>>
      %dma_wait3A_1902 = arith.constant 0 : i32
      %dma_wait3A_1903 = arith.constant 0 : i32
      %dma_wait3A_1904 = tpu.memref_slice %arg4[%dma_wait3A_1902, %dma_wait3A_1903] : memref<32x1000000xf32, #tpu.memory_space<hbm>> -> memref<8x128xf32, #tpu.memory_space<hbm>>
      %dma_wait3A_1905 = arith.constant 0 : i32
      %dma_wait3A_1906 = tpu.memref_slice %arg9[%dma_wait3A_1898, %multiple_of3A_1897, %dma_wait3A_1905] : memref<8x32x128xf32, #tpu.memory_space<vmem>> -> memref<1x8x128xf32, #tpu.memory_space<vmem>>
      %dma_wait3A_1907 = tpu.memref_squeeze %dma_wait3A_1906 : memref<1x8x128xf32, #tpu.memory_space<vmem>> -> memref<8x128xf32, #tpu.memory_space<vmem>>
      %dma_wait3A_1908 = arith.constant 0 : i32
      %dma_wait3A_1909 = arith.constant 0 : i32
      %dma_wait3A_1910 = tpu.memref_slice %arg4[%dma_wait3A_1908, %dma_wait3A_1909] : memref<32x1000000xf32, #tpu.memory_space<hbm>> -> memref<8x128xf32, #tpu.memory_space<hbm>>
      tpu.wait_dma2 semaphore(%arg20 : memref<!tpu.dma_semaphore, #tpu.memory_space<semaphore_mem>>) src(%dma_wait3A_1910 : memref<8x128xf32, #tpu.memory_space<hbm>>) dst(%dma_wait3A_1907 : memref<8x128xf32, #tpu.memory_space<vmem>>)
      %dma_wait3A_1911 = arith.constant 7 : i32
      %dma_wait3A_1912 = arith.constant 0 : i32
      %dma_wait3A_1913 = tpu.memref_slice %arg10[%dma_wait3A_1911, %multiple_of3A_1897, %dma_wait3A_1912] : memref<8x32x128xf32, #tpu.memory_space<vmem>> -> memref<1x8x128xf32, #tpu.memory_space<vmem>>
      %dma_wait3A_1914 = tpu.memref_squeeze %dma_wait3A_1913 : memref<1x8x128xf32, #tpu.memory_space<vmem>> -> memref<8x128xf32, #tpu.memory_space<vmem>>
      %dma_wait3A_1915 = arith.constant 0 : i32
      %dma_wait3A_1916 = arith.constant 0 : i32
      %dma_wait3A_1917 = tpu.memref_slice %arg5[%dma_wait3A_1915, %dma_wait3A_1916] : memref<32x1000000xf32, #tpu.memory_space<hbm>> -> memref<8x128xf32, #tpu.memory_space<hbm>>
      %dma_wait3A_1918 = arith.constant 0 : i32
      %dma_wait3A_1919 = tpu.memref_slice %arg10[%dma_wait3A_1911, %multiple_of3A_1897, %dma_wait3A_1918] : memref<8x32x128xf32, #tpu.memory_space<vmem>> -> memref<1x8x128xf32, #tpu.memory_space<vmem>>
      %dma_wait3A_1920 = tpu.memref_squeeze %dma_wait3A_1919 : memref<1x8x128xf32, #tpu.memory_space<vmem>> -> memref<8x128xf32, #tpu.memory_space<vmem>>
      %dma_wait3A_1921 = arith.constant 0 : i32
      %dma_wait3A_1922 = arith.constant 0 : i32
      %dma_wait3A_1923 = tpu.memref_slice %arg5[%dma_wait3A_1921, %dma_wait3A_1922] : memref<32x1000000xf32, #tpu.memory_space<hbm>> -> memref<8x128xf32, #tpu.memory_space<hbm>>
      tpu.wait_dma2 semaphore(%arg28 : memref<!tpu.dma_semaphore, #tpu.memory_space<semaphore_mem>>) src(%dma_wait3A_1923 : memref<8x128xf32, #tpu.memory_space<hbm>>) dst(%dma_wait3A_1920 : memref<8x128xf32, #tpu.memory_space<vmem>>)
      %multiple_of3A_1924 = arith.constant 16 : i32
      %multiple_of3A_1925 = tpu.assume_multiple %multiple_of3A_1924, 8 : i32
      %dma_wait3A_1926 = arith.constant 7 : i32
      %dma_wait3A_1927 = arith.constant 0 : i32
      %dma_wait3A_1928 = tpu.memref_slice %arg9[%dma_wait3A_1926, %multiple_of3A_1925, %dma_wait3A_1927] : memref<8x32x128xf32, #tpu.memory_space<vmem>> -> memref<1x8x128xf32, #tpu.memory_space<vmem>>
      %dma_wait3A_1929 = tpu.memref_squeeze %dma_wait3A_1928 : memref<1x8x128xf32, #tpu.memory_space<vmem>> -> memref<8x128xf32, #tpu.memory_space<vmem>>
      %dma_wait3A_1930 = arith.constant 0 : i32
      %dma_wait3A_1931 = arith.constant 0 : i32
      %dma_wait3A_1932 = tpu.memref_slice %arg4[%dma_wait3A_1930, %dma_wait3A_1931] : memref<32x1000000xf32, #tpu.memory_space<hbm>> -> memref<8x128xf32, #tpu.memory_space<hbm>>
      %dma_wait3A_1933 = arith.constant 0 : i32
      %dma_wait3A_1934 = tpu.memref_slice %arg9[%dma_wait3A_1926, %multiple_of3A_1925, %dma_wait3A_1933] : memref<8x32x128xf32, #tpu.memory_space<vmem>> -> memref<1x8x128xf32, #tpu.memory_space<vmem>>
      %dma_wait3A_1935 = tpu.memref_squeeze %dma_wait3A_1934 : memref<1x8x128xf32, #tpu.memory_space<vmem>> -> memref<8x128xf32, #tpu.memory_space<vmem>>
      %dma_wait3A_1936 = arith.constant 0 : i32
      %dma_wait3A_1937 = arith.constant 0 : i32
      %dma_wait3A_1938 = tpu.memref_slice %arg4[%dma_wait3A_1936, %dma_wait3A_1937] : memref<32x1000000xf32, #tpu.memory_space<hbm>> -> memref<8x128xf32, #tpu.memory_space<hbm>>
      tpu.wait_dma2 semaphore(%arg20 : memref<!tpu.dma_semaphore, #tpu.memory_space<semaphore_mem>>) src(%dma_wait3A_1938 : memref<8x128xf32, #tpu.memory_space<hbm>>) dst(%dma_wait3A_1935 : memref<8x128xf32, #tpu.memory_space<vmem>>)
      %dma_wait3A_1939 = arith.constant 7 : i32
      %dma_wait3A_1940 = arith.constant 0 : i32
      %dma_wait3A_1941 = tpu.memref_slice %arg10[%dma_wait3A_1939, %multiple_of3A_1925, %dma_wait3A_1940] : memref<8x32x128xf32, #tpu.memory_space<vmem>> -> memref<1x8x128xf32, #tpu.memory_space<vmem>>
      %dma_wait3A_1942 = tpu.memref_squeeze %dma_wait3A_1941 : memref<1x8x128xf32, #tpu.memory_space<vmem>> -> memref<8x128xf32, #tpu.memory_space<vmem>>
      %dma_wait3A_1943 = arith.constant 0 : i32
      %dma_wait3A_1944 = arith.constant 0 : i32
      %dma_wait3A_1945 = tpu.memref_slice %arg5[%dma_wait3A_1943, %dma_wait3A_1944] : memref<32x1000000xf32, #tpu.memory_space<hbm>> -> memref<8x128xf32, #tpu.memory_space<hbm>>
      %dma_wait3A_1946 = arith.constant 0 : i32
      %dma_wait3A_1947 = tpu.memref_slice %arg10[%dma_wait3A_1939, %multiple_of3A_1925, %dma_wait3A_1946] : memref<8x32x128xf32, #tpu.memory_space<vmem>> -> memref<1x8x128xf32, #tpu.memory_space<vmem>>
      %dma_wait3A_1948 = tpu.memref_squeeze %dma_wait3A_1947 : memref<1x8x128xf32, #tpu.memory_space<vmem>> -> memref<8x128xf32, #tpu.memory_space<vmem>>
      %dma_wait3A_1949 = arith.constant 0 : i32
      %dma_wait3A_1950 = arith.constant 0 : i32
      %dma_wait3A_1951 = tpu.memref_slice %arg5[%dma_wait3A_1949, %dma_wait3A_1950] : memref<32x1000000xf32, #tpu.memory_space<hbm>> -> memref<8x128xf32, #tpu.memory_space<hbm>>
      tpu.wait_dma2 semaphore(%arg28 : memref<!tpu.dma_semaphore, #tpu.memory_space<semaphore_mem>>) src(%dma_wait3A_1951 : memref<8x128xf32, #tpu.memory_space<hbm>>) dst(%dma_wait3A_1948 : memref<8x128xf32, #tpu.memory_space<vmem>>)
      %multiple_of3A_1952 = arith.constant 24 : i32
      %multiple_of3A_1953 = tpu.assume_multiple %multiple_of3A_1952, 8 : i32
      %dma_wait3A_1954 = arith.constant 7 : i32
      %dma_wait3A_1955 = arith.constant 0 : i32
      %dma_wait3A_1956 = tpu.memref_slice %arg9[%dma_wait3A_1954, %multiple_of3A_1953, %dma_wait3A_1955] : memref<8x32x128xf32, #tpu.memory_space<vmem>> -> memref<1x8x128xf32, #tpu.memory_space<vmem>>
      %dma_wait3A_1957 = tpu.memref_squeeze %dma_wait3A_1956 : memref<1x8x128xf32, #tpu.memory_space<vmem>> -> memref<8x128xf32, #tpu.memory_space<vmem>>
      %dma_wait3A_1958 = arith.constant 0 : i32
      %dma_wait3A_1959 = arith.constant 0 : i32
      %dma_wait3A_1960 = tpu.memref_slice %arg4[%dma_wait3A_1958, %dma_wait3A_1959] : memref<32x1000000xf32, #tpu.memory_space<hbm>> -> memref<8x128xf32, #tpu.memory_space<hbm>>
      %dma_wait3A_1961 = arith.constant 0 : i32
      %dma_wait3A_1962 = tpu.memref_slice %arg9[%dma_wait3A_1954, %multiple_of3A_1953, %dma_wait3A_1961] : memref<8x32x128xf32, #tpu.memory_space<vmem>> -> memref<1x8x128xf32, #tpu.memory_space<vmem>>
      %dma_wait3A_1963 = tpu.memref_squeeze %dma_wait3A_1962 : memref<1x8x128xf32, #tpu.memory_space<vmem>> -> memref<8x128xf32, #tpu.memory_space<vmem>>
      %dma_wait3A_1964 = arith.constant 0 : i32
      %dma_wait3A_1965 = arith.constant 0 : i32
      %dma_wait3A_1966 = tpu.memref_slice %arg4[%dma_wait3A_1964, %dma_wait3A_1965] : memref<32x1000000xf32, #tpu.memory_space<hbm>> -> memref<8x128xf32, #tpu.memory_space<hbm>>
      tpu.wait_dma2 semaphore(%arg20 : memref<!tpu.dma_semaphore, #tpu.memory_space<semaphore_mem>>) src(%dma_wait3A_1966 : memref<8x128xf32, #tpu.memory_space<hbm>>) dst(%dma_wait3A_1963 : memref<8x128xf32, #tpu.memory_space<vmem>>)
      %dma_wait3A_1967 = arith.constant 7 : i32
      %dma_wait3A_1968 = arith.constant 0 : i32
      %dma_wait3A_1969 = tpu.memref_slice %arg10[%dma_wait3A_1967, %multiple_of3A_1953, %dma_wait3A_1968] : memref<8x32x128xf32, #tpu.memory_space<vmem>> -> memref<1x8x128xf32, #tpu.memory_space<vmem>>
      %dma_wait3A_1970 = tpu.memref_squeeze %dma_wait3A_1969 : memref<1x8x128xf32, #tpu.memory_space<vmem>> -> memref<8x128xf32, #tpu.memory_space<vmem>>
      %dma_wait3A_1971 = arith.constant 0 : i32
      %dma_wait3A_1972 = arith.constant 0 : i32
      %dma_wait3A_1973 = tpu.memref_slice %arg5[%dma_wait3A_1971, %dma_wait3A_1972] : memref<32x1000000xf32, #tpu.memory_space<hbm>> -> memref<8x128xf32, #tpu.memory_space<hbm>>
      %dma_wait3A_1974 = arith.constant 0 : i32
      %dma_wait3A_1975 = tpu.memref_slice %arg10[%dma_wait3A_1967, %multiple_of3A_1953, %dma_wait3A_1974] : memref<8x32x128xf32, #tpu.memory_space<vmem>> -> memref<1x8x128xf32, #tpu.memory_space<vmem>>
      %dma_wait3A_1976 = tpu.memref_squeeze %dma_wait3A_1975 : memref<1x8x128xf32, #tpu.memory_space<vmem>> -> memref<8x128xf32, #tpu.memory_space<vmem>>
      %dma_wait3A_1977 = arith.constant 0 : i32
      %dma_wait3A_1978 = arith.constant 0 : i32
      %dma_wait3A_1979 = tpu.memref_slice %arg5[%dma_wait3A_1977, %dma_wait3A_1978] : memref<32x1000000xf32, #tpu.memory_space<hbm>> -> memref<8x128xf32, #tpu.memory_space<hbm>>
      tpu.wait_dma2 semaphore(%arg28 : memref<!tpu.dma_semaphore, #tpu.memory_space<semaphore_mem>>) src(%dma_wait3A_1979 : memref<8x128xf32, #tpu.memory_space<hbm>>) dst(%dma_wait3A_1976 : memref<8x128xf32, #tpu.memory_space<vmem>>)
      %slice3A_1980 = vector.extract_strided_slice %and3A_726 {offsets = [7], sizes = [1], strides = [1]} : vector<16xi32> to vector<1xi32>
      %squeeze3A_1981 = vector.extract %slice3A_1980[0] : i32 from vector<1xi32>
      %broadcast_in_dim3A_1982 = vector.broadcast %squeeze3A_1981 : i32 to vector<16xi32>
      %slice3A_1983 = vector.extract_strided_slice %and3A_729 {offsets = [7], sizes = [1], strides = [1]} : vector<16xi32> to vector<1xi32>
      %squeeze3A_1984 = vector.extract %slice3A_1983[0] : i32 from vector<1xi32>
      %broadcast_in_dim3A_1985 = vector.broadcast %squeeze3A_1984 : i32 to vector<16xi32>
      %gather3A_1986 = arith.constant 7 : i32
      %gather3A_1987 = arith.constant 0 : i32
      %gather3A_1988 = arith.constant 0 : i32
      %gather3A_1989 = tpu.memref_slice %arg9[%gather3A_1986, %gather3A_1987, %gather3A_1988] : memref<8x32x128xf32, #tpu.memory_space<vmem>> -> memref<1x32x128xf32, #tpu.memory_space<vmem>>
      %gather3A_1990 = tpu.memref_squeeze %gather3A_1989 : memref<1x32x128xf32, #tpu.memory_space<vmem>> -> memref<32x128xf32, #tpu.memory_space<vmem>>
      %gather3A_1991 = tpu.vector_load_idx %gather3A_1990[%iota3A, %broadcast_in_dim3A_1982] : memref<32x128xf32, #tpu.memory_space<vmem>>[vector<16xi32>, vector<16xi32>], vector<16xf32>,
      %gather3A_1992 = arith.constant 7 : i32
      %gather3A_1993 = arith.constant 0 : i32
      %gather3A_1994 = arith.constant 0 : i32
      %gather3A_1995 = tpu.memref_slice %arg9[%gather3A_1992, %gather3A_1993, %gather3A_1994] : memref<8x32x128xf32, #tpu.memory_space<vmem>> -> memref<1x32x128xf32, #tpu.memory_space<vmem>>
      %gather3A_1996 = tpu.memref_squeeze %gather3A_1995 : memref<1x32x128xf32, #tpu.memory_space<vmem>> -> memref<32x128xf32, #tpu.memory_space<vmem>>
      %gather3A_1997 = tpu.vector_load_idx %gather3A_1996[%add3A_5, %broadcast_in_dim3A_1982] : memref<32x128xf32, #tpu.memory_space<vmem>>[vector<16xi32>, vector<16xi32>], vector<16xf32>,
      %gather3A_1998 = arith.constant 7 : i32
      %gather3A_1999 = arith.constant 0 : i32
      %gather3A_2000 = arith.constant 0 : i32
      %gather3A_2001 = tpu.memref_slice %arg10[%gather3A_1998, %gather3A_1999, %gather3A_2000] : memref<8x32x128xf32, #tpu.memory_space<vmem>> -> memref<1x32x128xf32, #tpu.memory_space<vmem>>
      %gather3A_2002 = tpu.memref_squeeze %gather3A_2001 : memref<1x32x128xf32, #tpu.memory_space<vmem>> -> memref<32x128xf32, #tpu.memory_space<vmem>>
      %gather3A_2003 = tpu.vector_load_idx %gather3A_2002[%iota3A, %broadcast_in_dim3A_1985] : memref<32x128xf32, #tpu.memory_space<vmem>>[vector<16xi32>, vector<16xi32>], vector<16xf32>,
      %gather3A_2004 = arith.constant 7 : i32
      %gather3A_2005 = arith.constant 0 : i32
      %gather3A_2006 = arith.constant 0 : i32
      %gather3A_2007 = tpu.memref_slice %arg10[%gather3A_2004, %gather3A_2005, %gather3A_2006] : memref<8x32x128xf32, #tpu.memory_space<vmem>> -> memref<1x32x128xf32, #tpu.memory_space<vmem>>
      %gather3A_2008 = tpu.memref_squeeze %gather3A_2007 : memref<1x32x128xf32, #tpu.memory_space<vmem>> -> memref<32x128xf32, #tpu.memory_space<vmem>>
      %gather3A_2009 = tpu.vector_load_idx %gather3A_2008[%add3A_5, %broadcast_in_dim3A_1985] : memref<32x128xf32, #tpu.memory_space<vmem>>[vector<16xi32>, vector<16xi32>], vector<16xf32>,
      %mul3A_2010 = arith.mulf %gather3A_1991, %gather3A_2003 : vector<16xf32>
      %mul3A_2011 = arith.mulf %gather3A_1997, %gather3A_2009 : vector<16xf32>
      %add3A_2012 = arith.addf %mul3A_2010, %mul3A_2011 : vector<16xf32>
      %add3A_2013 = arith.constant 1 : i32
      %add3A_2014 = arith.addi %scan3A_717, %add3A_2013 : i32
      %lt3A_2015 = arith.constant 64 : i32
      %lt3A_2016 = arith.cmpi slt, %add3A_2014, %lt3A_2015 : i32
      %convert_element_type3A_2017 = arith.extui %lt3A_2016 : i1 to i32
      %cond3A_2018 = arith.constant 0 : i32
      %cond3A_2019 = arith.cmpi ne, %convert_element_type3A_2017, %cond3A_2018 : i32
      scf.if %cond3A_2019 {
        %slice3A_2024 = vector.extract_strided_slice %mul3A_744 {offsets = [7], sizes = [1], strides = [1]} : vector<16xi32> to vector<1xi32>
        %squeeze3A_2025 = vector.extract %slice3A_2024[0] : i32 from vector<1xi32>
        %multiple_of3A_2026 = tpu.assume_multiple %squeeze3A_2025, 128 : i32
        %slice3A_2027 = vector.extract_strided_slice %mul3A_750 {offsets = [7], sizes = [1], strides = [1]} : vector<16xi32> to vector<1xi32>
        %squeeze3A_2028 = vector.extract %slice3A_2027[0] : i32 from vector<1xi32>
        %multiple_of3A_2029 = tpu.assume_multiple %squeeze3A_2028, 128 : i32
        %multiple_of3A_2030 = arith.constant 0 : i32
        %multiple_of3A_2031 = tpu.assume_multiple %multiple_of3A_2030, 8 : i32
        %dma_start3A_2032 = arith.constant 7 : i32
        %dma_start3A_2033 = arith.constant 0 : i32
        %dma_start3A_2034 = tpu.memref_slice %arg9[%dma_start3A_2032, %multiple_of3A_2031, %dma_start3A_2033] : memref<8x32x128xf32, #tpu.memory_space<vmem>> -> memref<1x8x128xf32, #tpu.memory_space<vmem>>
        %dma_start3A_2035 = tpu.memref_squeeze %dma_start3A_2034 : memref<1x8x128xf32, #tpu.memory_space<vmem>> -> memref<8x128xf32, #tpu.memory_space<vmem>>
        %dma_start3A_2036 = tpu.memref_slice %arg4[%multiple_of3A_2031, %multiple_of3A_2026] : memref<32x1000000xf32, #tpu.memory_space<hbm>> -> memref<8x128xf32, #tpu.memory_space<hbm>>
        %dma_start3A_2037 = arith.constant 0 : i32
        %dma_start3A_2038 = tpu.memref_slice %arg9[%dma_start3A_2032, %multiple_of3A_2031, %dma_start3A_2037] : memref<8x32x128xf32, #tpu.memory_space<vmem>> -> memref<1x8x128xf32, #tpu.memory_space<vmem>>
        %dma_start3A_2039 = tpu.memref_squeeze %dma_start3A_2038 : memref<1x8x128xf32, #tpu.memory_space<vmem>> -> memref<8x128xf32, #tpu.memory_space<vmem>>
        %dma_start3A_2040 = tpu.memref_slice %arg4[%multiple_of3A_2031, %multiple_of3A_2026] : memref<32x1000000xf32, #tpu.memory_space<hbm>> -> memref<8x128xf32, #tpu.memory_space<hbm>>
        tpu.enqueue_dma source(%dma_start3A_2040 : memref<8x128xf32, #tpu.memory_space<hbm>>) target(%dma_start3A_2039 : memref<8x128xf32, #tpu.memory_space<vmem>>) target_semaphore(%arg20 : memref<!tpu.dma_semaphore, #tpu.memory_space<semaphore_mem>>)
        %dma_start3A_2041 = arith.constant 7 : i32
        %dma_start3A_2042 = arith.constant 0 : i32
        %dma_start3A_2043 = tpu.memref_slice %arg10[%dma_start3A_2041, %multiple_of3A_2031, %dma_start3A_2042] : memref<8x32x128xf32, #tpu.memory_space<vmem>> -> memref<1x8x128xf32, #tpu.memory_space<vmem>>
        %dma_start3A_2044 = tpu.memref_squeeze %dma_start3A_2043 : memref<1x8x128xf32, #tpu.memory_space<vmem>> -> memref<8x128xf32, #tpu.memory_space<vmem>>
        %dma_start3A_2045 = tpu.memref_slice %arg5[%multiple_of3A_2031, %multiple_of3A_2029] : memref<32x1000000xf32, #tpu.memory_space<hbm>> -> memref<8x128xf32, #tpu.memory_space<hbm>>
        %dma_start3A_2046 = arith.constant 0 : i32
        %dma_start3A_2047 = tpu.memref_slice %arg10[%dma_start3A_2041, %multiple_of3A_2031, %dma_start3A_2046] : memref<8x32x128xf32, #tpu.memory_space<vmem>> -> memref<1x8x128xf32, #tpu.memory_space<vmem>>
        %dma_start3A_2048 = tpu.memref_squeeze %dma_start3A_2047 : memref<1x8x128xf32, #tpu.memory_space<vmem>> -> memref<8x128xf32, #tpu.memory_space<vmem>>
        %dma_start3A_2049 = tpu.memref_slice %arg5[%multiple_of3A_2031, %multiple_of3A_2029] : memref<32x1000000xf32, #tpu.memory_space<hbm>> -> memref<8x128xf32, #tpu.memory_space<hbm>>
        tpu.enqueue_dma source(%dma_start3A_2049 : memref<8x128xf32, #tpu.memory_space<hbm>>) target(%dma_start3A_2048 : memref<8x128xf32, #tpu.memory_space<vmem>>) target_semaphore(%arg28 : memref<!tpu.dma_semaphore, #tpu.memory_space<semaphore_mem>>)
        %multiple_of3A_2050 = arith.constant 8 : i32
        %multiple_of3A_2051 = tpu.assume_multiple %multiple_of3A_2050, 8 : i32
        %dma_start3A_2052 = arith.constant 7 : i32
        %dma_start3A_2053 = arith.constant 0 : i32
        %dma_start3A_2054 = tpu.memref_slice %arg9[%dma_start3A_2052, %multiple_of3A_2051, %dma_start3A_2053] : memref<8x32x128xf32, #tpu.memory_space<vmem>> -> memref<1x8x128xf32, #tpu.memory_space<vmem>>
        %dma_start3A_2055 = tpu.memref_squeeze %dma_start3A_2054 : memref<1x8x128xf32, #tpu.memory_space<vmem>> -> memref<8x128xf32, #tpu.memory_space<vmem>>
        %dma_start3A_2056 = tpu.memref_slice %arg4[%multiple_of3A_2051, %multiple_of3A_2026] : memref<32x1000000xf32, #tpu.memory_space<hbm>> -> memref<8x128xf32, #tpu.memory_space<hbm>>
        %dma_start3A_2057 = arith.constant 0 : i32
        %dma_start3A_2058 = tpu.memref_slice %arg9[%dma_start3A_2052, %multiple_of3A_2051, %dma_start3A_2057] : memref<8x32x128xf32, #tpu.memory_space<vmem>> -> memref<1x8x128xf32, #tpu.memory_space<vmem>>
        %dma_start3A_2059 = tpu.memref_squeeze %dma_start3A_2058 : memref<1x8x128xf32, #tpu.memory_space<vmem>> -> memref<8x128xf32, #tpu.memory_space<vmem>>
        %dma_start3A_2060 = tpu.memref_slice %arg4[%multiple_of3A_2051, %multiple_of3A_2026] : memref<32x1000000xf32, #tpu.memory_space<hbm>> -> memref<8x128xf32, #tpu.memory_space<hbm>>
        tpu.enqueue_dma source(%dma_start3A_2060 : memref<8x128xf32, #tpu.memory_space<hbm>>) target(%dma_start3A_2059 : memref<8x128xf32, #tpu.memory_space<vmem>>) target_semaphore(%arg20 : memref<!tpu.dma_semaphore, #tpu.memory_space<semaphore_mem>>)
        %dma_start3A_2061 = arith.constant 7 : i32
        %dma_start3A_2062 = arith.constant 0 : i32
        %dma_start3A_2063 = tpu.memref_slice %arg10[%dma_start3A_2061, %multiple_of3A_2051, %dma_start3A_2062] : memref<8x32x128xf32, #tpu.memory_space<vmem>> -> memref<1x8x128xf32, #tpu.memory_space<vmem>>
        %dma_start3A_2064 = tpu.memref_squeeze %dma_start3A_2063 : memref<1x8x128xf32, #tpu.memory_space<vmem>> -> memref<8x128xf32, #tpu.memory_space<vmem>>
        %dma_start3A_2065 = tpu.memref_slice %arg5[%multiple_of3A_2051, %multiple_of3A_2029] : memref<32x1000000xf32, #tpu.memory_space<hbm>> -> memref<8x128xf32, #tpu.memory_space<hbm>>
        %dma_start3A_2066 = arith.constant 0 : i32
        %dma_start3A_2067 = tpu.memref_slice %arg10[%dma_start3A_2061, %multiple_of3A_2051, %dma_start3A_2066] : memref<8x32x128xf32, #tpu.memory_space<vmem>> -> memref<1x8x128xf32, #tpu.memory_space<vmem>>
        %dma_start3A_2068 = tpu.memref_squeeze %dma_start3A_2067 : memref<1x8x128xf32, #tpu.memory_space<vmem>> -> memref<8x128xf32, #tpu.memory_space<vmem>>
        %dma_start3A_2069 = tpu.memref_slice %arg5[%multiple_of3A_2051, %multiple_of3A_2029] : memref<32x1000000xf32, #tpu.memory_space<hbm>> -> memref<8x128xf32, #tpu.memory_space<hbm>>
        tpu.enqueue_dma source(%dma_start3A_2069 : memref<8x128xf32, #tpu.memory_space<hbm>>) target(%dma_start3A_2068 : memref<8x128xf32, #tpu.memory_space<vmem>>) target_semaphore(%arg28 : memref<!tpu.dma_semaphore, #tpu.memory_space<semaphore_mem>>)
        %multiple_of3A_2070 = arith.constant 16 : i32
        %multiple_of3A_2071 = tpu.assume_multiple %multiple_of3A_2070, 8 : i32
        %dma_start3A_2072 = arith.constant 7 : i32
        %dma_start3A_2073 = arith.constant 0 : i32
        %dma_start3A_2074 = tpu.memref_slice %arg9[%dma_start3A_2072, %multiple_of3A_2071, %dma_start3A_2073] : memref<8x32x128xf32, #tpu.memory_space<vmem>> -> memref<1x8x128xf32, #tpu.memory_space<vmem>>
        %dma_start3A_2075 = tpu.memref_squeeze %dma_start3A_2074 : memref<1x8x128xf32, #tpu.memory_space<vmem>> -> memref<8x128xf32, #tpu.memory_space<vmem>>
        %dma_start3A_2076 = tpu.memref_slice %arg4[%multiple_of3A_2071, %multiple_of3A_2026] : memref<32x1000000xf32, #tpu.memory_space<hbm>> -> memref<8x128xf32, #tpu.memory_space<hbm>>
        %dma_start3A_2077 = arith.constant 0 : i32
        %dma_start3A_2078 = tpu.memref_slice %arg9[%dma_start3A_2072, %multiple_of3A_2071, %dma_start3A_2077] : memref<8x32x128xf32, #tpu.memory_space<vmem>> -> memref<1x8x128xf32, #tpu.memory_space<vmem>>
        %dma_start3A_2079 = tpu.memref_squeeze %dma_start3A_2078 : memref<1x8x128xf32, #tpu.memory_space<vmem>> -> memref<8x128xf32, #tpu.memory_space<vmem>>
        %dma_start3A_2080 = tpu.memref_slice %arg4[%multiple_of3A_2071, %multiple_of3A_2026] : memref<32x1000000xf32, #tpu.memory_space<hbm>> -> memref<8x128xf32, #tpu.memory_space<hbm>>
        tpu.enqueue_dma source(%dma_start3A_2080 : memref<8x128xf32, #tpu.memory_space<hbm>>) target(%dma_start3A_2079 : memref<8x128xf32, #tpu.memory_space<vmem>>) target_semaphore(%arg20 : memref<!tpu.dma_semaphore, #tpu.memory_space<semaphore_mem>>)
        %dma_start3A_2081 = arith.constant 7 : i32
        %dma_start3A_2082 = arith.constant 0 : i32
        %dma_start3A_2083 = tpu.memref_slice %arg10[%dma_start3A_2081, %multiple_of3A_2071, %dma_start3A_2082] : memref<8x32x128xf32, #tpu.memory_space<vmem>> -> memref<1x8x128xf32, #tpu.memory_space<vmem>>
        %dma_start3A_2084 = tpu.memref_squeeze %dma_start3A_2083 : memref<1x8x128xf32, #tpu.memory_space<vmem>> -> memref<8x128xf32, #tpu.memory_space<vmem>>
        %dma_start3A_2085 = tpu.memref_slice %arg5[%multiple_of3A_2071, %multiple_of3A_2029] : memref<32x1000000xf32, #tpu.memory_space<hbm>> -> memref<8x128xf32, #tpu.memory_space<hbm>>
        %dma_start3A_2086 = arith.constant 0 : i32
        %dma_start3A_2087 = tpu.memref_slice %arg10[%dma_start3A_2081, %multiple_of3A_2071, %dma_start3A_2086] : memref<8x32x128xf32, #tpu.memory_space<vmem>> -> memref<1x8x128xf32, #tpu.memory_space<vmem>>
        %dma_start3A_2088 = tpu.memref_squeeze %dma_start3A_2087 : memref<1x8x128xf32, #tpu.memory_space<vmem>> -> memref<8x128xf32, #tpu.memory_space<vmem>>
        %dma_start3A_2089 = tpu.memref_slice %arg5[%multiple_of3A_2071, %multiple_of3A_2029] : memref<32x1000000xf32, #tpu.memory_space<hbm>> -> memref<8x128xf32, #tpu.memory_space<hbm>>
        tpu.enqueue_dma source(%dma_start3A_2089 : memref<8x128xf32, #tpu.memory_space<hbm>>) target(%dma_start3A_2088 : memref<8x128xf32, #tpu.memory_space<vmem>>) target_semaphore(%arg28 : memref<!tpu.dma_semaphore, #tpu.memory_space<semaphore_mem>>)
        %multiple_of3A_2090 = arith.constant 24 : i32
        %multiple_of3A_2091 = tpu.assume_multiple %multiple_of3A_2090, 8 : i32
        %dma_start3A_2092 = arith.constant 7 : i32
        %dma_start3A_2093 = arith.constant 0 : i32
        %dma_start3A_2094 = tpu.memref_slice %arg9[%dma_start3A_2092, %multiple_of3A_2091, %dma_start3A_2093] : memref<8x32x128xf32, #tpu.memory_space<vmem>> -> memref<1x8x128xf32, #tpu.memory_space<vmem>>
        %dma_start3A_2095 = tpu.memref_squeeze %dma_start3A_2094 : memref<1x8x128xf32, #tpu.memory_space<vmem>> -> memref<8x128xf32, #tpu.memory_space<vmem>>
        %dma_start3A_2096 = tpu.memref_slice %arg4[%multiple_of3A_2091, %multiple_of3A_2026] : memref<32x1000000xf32, #tpu.memory_space<hbm>> -> memref<8x128xf32, #tpu.memory_space<hbm>>
        %dma_start3A_2097 = arith.constant 0 : i32
        %dma_start3A_2098 = tpu.memref_slice %arg9[%dma_start3A_2092, %multiple_of3A_2091, %dma_start3A_2097] : memref<8x32x128xf32, #tpu.memory_space<vmem>> -> memref<1x8x128xf32, #tpu.memory_space<vmem>>
        %dma_start3A_2099 = tpu.memref_squeeze %dma_start3A_2098 : memref<1x8x128xf32, #tpu.memory_space<vmem>> -> memref<8x128xf32, #tpu.memory_space<vmem>>
        %dma_start3A_2100 = tpu.memref_slice %arg4[%multiple_of3A_2091, %multiple_of3A_2026] : memref<32x1000000xf32, #tpu.memory_space<hbm>> -> memref<8x128xf32, #tpu.memory_space<hbm>>
        tpu.enqueue_dma source(%dma_start3A_2100 : memref<8x128xf32, #tpu.memory_space<hbm>>) target(%dma_start3A_2099 : memref<8x128xf32, #tpu.memory_space<vmem>>) target_semaphore(%arg20 : memref<!tpu.dma_semaphore, #tpu.memory_space<semaphore_mem>>)
        %dma_start3A_2101 = arith.constant 7 : i32
        %dma_start3A_2102 = arith.constant 0 : i32
        %dma_start3A_2103 = tpu.memref_slice %arg10[%dma_start3A_2101, %multiple_of3A_2091, %dma_start3A_2102] : memref<8x32x128xf32, #tpu.memory_space<vmem>> -> memref<1x8x128xf32, #tpu.memory_space<vmem>>
        %dma_start3A_2104 = tpu.memref_squeeze %dma_start3A_2103 : memref<1x8x128xf32, #tpu.memory_space<vmem>> -> memref<8x128xf32, #tpu.memory_space<vmem>>
        %dma_start3A_2105 = tpu.memref_slice %arg5[%multiple_of3A_2091, %multiple_of3A_2029] : memref<32x1000000xf32, #tpu.memory_space<hbm>> -> memref<8x128xf32, #tpu.memory_space<hbm>>
        %dma_start3A_2106 = arith.constant 0 : i32
        %dma_start3A_2107 = tpu.memref_slice %arg10[%dma_start3A_2101, %multiple_of3A_2091, %dma_start3A_2106] : memref<8x32x128xf32, #tpu.memory_space<vmem>> -> memref<1x8x128xf32, #tpu.memory_space<vmem>>
        %dma_start3A_2108 = tpu.memref_squeeze %dma_start3A_2107 : memref<1x8x128xf32, #tpu.memory_space<vmem>> -> memref<8x128xf32, #tpu.memory_space<vmem>>
        %dma_start3A_2109 = tpu.memref_slice %arg5[%multiple_of3A_2091, %multiple_of3A_2029] : memref<32x1000000xf32, #tpu.memory_space<hbm>> -> memref<8x128xf32, #tpu.memory_space<hbm>>
        tpu.enqueue_dma source(%dma_start3A_2109 : memref<8x128xf32, #tpu.memory_space<hbm>>) target(%dma_start3A_2108 : memref<8x128xf32, #tpu.memory_space<vmem>>) target_semaphore(%arg28 : memref<!tpu.dma_semaphore, #tpu.memory_space<semaphore_mem>>)
      } else {
      }
      %mul3A_2020 = arith.constant 17 : i32
      %mul3A_2021 = arith.muli %add3A_1867, %mul3A_2020 : i32
      %swap3A_2022 = arith.index_cast %mul3A_2021 : i32 to index
      %swap3A_2023 = tpu.vector_load %arg11[%swap3A_2022] {strides = array<i32>} : memref<8704xf32, #tpu.memory_space<vmem>>, vector<16xf32>,
      tpu.vector_store %arg11[%swap3A_2022], %add3A_2012 {strides = array<i32>} : memref<8704xf32, #tpu.memory_space<vmem>>, vector<16xf32>,
    }
    %scan3A_710 = arith.constant 64 : i32
    %scan3A_711 = arith.constant 0 : i32
    %scan3A_712 = arith.constant 0 : i32
    %scan3A_713 = arith.constant 32 : i32
    %scan3A_714 = arith.addi %scan3A_712, %scan3A_713 : i32
    %scan3A_715 = arith.constant 1 : i32
    scf.for %scan3A_717 = %scan3A_712 to %scan3A_714 step %scan3A_715  : i32 {
      %mul3A_718 = arith.constant 16 : i32
      %mul3A_719 = arith.muli %scan3A_717, %mul3A_718 : i32
      %broadcast_in_dim3A = arith.constant 0.000000e+00 : f32
      %broadcast_in_dim3A_720 = vector.broadcast %broadcast_in_dim3A : f32 to vector<16xf32>
      %add3A_721 = vector.broadcast %mul3A_719 : i32 to vector<16xi32>
      %add3A_722 = arith.addi %add3A_721, %iota3A : vector<16xi32>
      %mul3A_723 = arith.constant 17 : i32
      %mul3A_724 = vector.broadcast %mul3A_723 : i32 to vector<16xi32>
      %mul3A_725 = arith.muli %add3A_722, %mul3A_724 : vector<16xi32>
      %add3A_726 = arith.constant 0 : i32
      %add3A_727 = vector.broadcast %add3A_726 : i32 to vector<16xi32>
      %add3A_728 = arith.addi %mul3A_725, %add3A_727 : vector<16xi32>
      %gather3A = tpu.vector_load_idx %arg11[%add3A_728] : memref<8704xf32, #tpu.memory_space<vmem>>[vector<16xi32>], vector<16xf32>,
      %add3A_729 = arith.addf %broadcast_in_dim3A_720, %gather3A : vector<16xf32>
      %add3A_730 = vector.broadcast %mul3A_719 : i32 to vector<16xi32>
      %add3A_731 = arith.addi %add3A_730, %iota3A : vector<16xi32>
      %mul3A_732 = arith.constant 17 : i32
      %mul3A_733 = vector.broadcast %mul3A_732 : i32 to vector<16xi32>
      %mul3A_734 = arith.muli %add3A_731, %mul3A_733 : vector<16xi32>
      %add3A_735 = arith.constant 1 : i32
      %add3A_736 = vector.broadcast %add3A_735 : i32 to vector<16xi32>
      %add3A_737 = arith.addi %mul3A_734, %add3A_736 : vector<16xi32>
      %gather3A_738 = tpu.vector_load_idx %arg11[%add3A_737] : memref<8704xf32, #tpu.memory_space<vmem>>[vector<16xi32>], vector<16xf32>,
      %add3A_739 = arith.addf %add3A_729, %gather3A_738 : vector<16xf32>
      %add3A_740 = vector.broadcast %mul3A_719 : i32 to vector<16xi32>
      %add3A_741 = arith.addi %add3A_740, %iota3A : vector<16xi32>
      %mul3A_742 = arith.constant 17 : i32
      %mul3A_743 = vector.broadcast %mul3A_742 : i32 to vector<16xi32>
      %mul3A_744 = arith.muli %add3A_741, %mul3A_743 : vector<16xi32>
      %add3A_745 = arith.constant 2 : i32
      %add3A_746 = vector.broadcast %add3A_745 : i32 to vector<16xi32>
      %add3A_747 = arith.addi %mul3A_744, %add3A_746 : vector<16xi32>
      %gather3A_748 = tpu.vector_load_idx %arg11[%add3A_747] : memref<8704xf32, #tpu.memory_space<vmem>>[vector<16xi32>], vector<16xf32>,
      %add3A_749 = arith.addf %add3A_739, %gather3A_748 : vector<16xf32>
      %add3A_750 = vector.broadcast %mul3A_719 : i32 to vector<16xi32>
      %add3A_751 = arith.addi %add3A_750, %iota3A : vector<16xi32>
      %mul3A_752 = arith.constant 17 : i32
      %mul3A_753 = vector.broadcast %mul3A_752 : i32 to vector<16xi32>
      %mul3A_754 = arith.muli %add3A_751, %mul3A_753 : vector<16xi32>
      %add3A_755 = arith.constant 3 : i32
      %add3A_756 = vector.broadcast %add3A_755 : i32 to vector<16xi32>
      %add3A_757 = arith.addi %mul3A_754, %add3A_756 : vector<16xi32>
      %gather3A_758 = tpu.vector_load_idx %arg11[%add3A_757] : memref<8704xf32, #tpu.memory_space<vmem>>[vector<16xi32>], vector<16xf32>,
      %add3A_759 = arith.addf %add3A_749, %gather3A_758 : vector<16xf32>
      %add3A_760 = vector.broadcast %mul3A_719 : i32 to vector<16xi32>
      %add3A_761 = arith.addi %add3A_760, %iota3A : vector<16xi32>
      %mul3A_762 = arith.constant 17 : i32
      %mul3A_763 = vector.broadcast %mul3A_762 : i32 to vector<16xi32>
      %mul3A_764 = arith.muli %add3A_761, %mul3A_763 : vector<16xi32>
      %add3A_765 = arith.constant 4 : i32
      %add3A_766 = vector.broadcast %add3A_765 : i32 to vector<16xi32>
      %add3A_767 = arith.addi %mul3A_764, %add3A_766 : vector<16xi32>
      %gather3A_768 = tpu.vector_load_idx %arg11[%add3A_767] : memref<8704xf32, #tpu.memory_space<vmem>>[vector<16xi32>], vector<16xf32>,
      %add3A_769 = arith.addf %add3A_759, %gather3A_768 : vector<16xf32>
      %add3A_770 = vector.broadcast %mul3A_719 : i32 to vector<16xi32>
      %add3A_771 = arith.addi %add3A_770, %iota3A : vector<16xi32>
      %mul3A_772 = arith.constant 17 : i32
      %mul3A_773 = vector.broadcast %mul3A_772 : i32 to vector<16xi32>
      %mul3A_774 = arith.muli %add3A_771, %mul3A_773 : vector<16xi32>
      %add3A_775 = arith.constant 5 : i32
      %add3A_776 = vector.broadcast %add3A_775 : i32 to vector<16xi32>
      %add3A_777 = arith.addi %mul3A_774, %add3A_776 : vector<16xi32>
      %gather3A_778 = tpu.vector_load_idx %arg11[%add3A_777] : memref<8704xf32, #tpu.memory_space<vmem>>[vector<16xi32>], vector<16xf32>,
      %add3A_779 = arith.addf %add3A_769, %gather3A_778 : vector<16xf32>
      %add3A_780 = vector.broadcast %mul3A_719 : i32 to vector<16xi32>
      %add3A_781 = arith.addi %add3A_780, %iota3A : vector<16xi32>
      %mul3A_782 = arith.constant 17 : i32
      %mul3A_783 = vector.broadcast %mul3A_782 : i32 to vector<16xi32>
      %mul3A_784 = arith.muli %add3A_781, %mul3A_783 : vector<16xi32>
      %add3A_785 = arith.constant 6 : i32
      %add3A_786 = vector.broadcast %add3A_785 : i32 to vector<16xi32>
      %add3A_787 = arith.addi %mul3A_784, %add3A_786 : vector<16xi32>
      %gather3A_788 = tpu.vector_load_idx %arg11[%add3A_787] : memref<8704xf32, #tpu.memory_space<vmem>>[vector<16xi32>], vector<16xf32>,
      %add3A_789 = arith.addf %add3A_779, %gather3A_788 : vector<16xf32>
      %add3A_790 = vector.broadcast %mul3A_719 : i32 to vector<16xi32>
      %add3A_791 = arith.addi %add3A_790, %iota3A : vector<16xi32>
      %mul3A_792 = arith.constant 17 : i32
      %mul3A_793 = vector.broadcast %mul3A_792 : i32 to vector<16xi32>
      %mul3A_794 = arith.muli %add3A_791, %mul3A_793 : vector<16xi32>
      %add3A_795 = arith.constant 7 : i32
      %add3A_796 = vector.broadcast %add3A_795 : i32 to vector<16xi32>
      %add3A_797 = arith.addi %mul3A_794, %add3A_796 : vector<16xi32>
      %gather3A_798 = tpu.vector_load_idx %arg11[%add3A_797] : memref<8704xf32, #tpu.memory_space<vmem>>[vector<16xi32>], vector<16xf32>,
      %add3A_799 = arith.addf %add3A_789, %gather3A_798 : vector<16xf32>
      %add3A_800 = vector.broadcast %mul3A_719 : i32 to vector<16xi32>
      %add3A_801 = arith.addi %add3A_800, %iota3A : vector<16xi32>
      %mul3A_802 = arith.constant 17 : i32
      %mul3A_803 = vector.broadcast %mul3A_802 : i32 to vector<16xi32>
      %mul3A_804 = arith.muli %add3A_801, %mul3A_803 : vector<16xi32>
      %add3A_805 = arith.constant 8 : i32
      %add3A_806 = vector.broadcast %add3A_805 : i32 to vector<16xi32>
      %add3A_807 = arith.addi %mul3A_804, %add3A_806 : vector<16xi32>
      %gather3A_808 = tpu.vector_load_idx %arg11[%add3A_807] : memref<8704xf32, #tpu.memory_space<vmem>>[vector<16xi32>], vector<16xf32>,
      %add3A_809 = arith.addf %add3A_799, %gather3A_808 : vector<16xf32>
      %add3A_810 = vector.broadcast %mul3A_719 : i32 to vector<16xi32>
      %add3A_811 = arith.addi %add3A_810, %iota3A : vector<16xi32>
      %mul3A_812 = arith.constant 17 : i32
      %mul3A_813 = vector.broadcast %mul3A_812 : i32 to vector<16xi32>
      %mul3A_814 = arith.muli %add3A_811, %mul3A_813 : vector<16xi32>
      %add3A_815 = arith.constant 9 : i32
      %add3A_816 = vector.broadcast %add3A_815 : i32 to vector<16xi32>
      %add3A_817 = arith.addi %mul3A_814, %add3A_816 : vector<16xi32>
      %gather3A_818 = tpu.vector_load_idx %arg11[%add3A_817] : memref<8704xf32, #tpu.memory_space<vmem>>[vector<16xi32>], vector<16xf32>,
      %add3A_819 = arith.addf %add3A_809, %gather3A_818 : vector<16xf32>
      %add3A_820 = vector.broadcast %mul3A_719 : i32 to vector<16xi32>
      %add3A_821 = arith.addi %add3A_820, %iota3A : vector<16xi32>
      %mul3A_822 = arith.constant 17 : i32
      %mul3A_823 = vector.broadcast %mul3A_822 : i32 to vector<16xi32>
      %mul3A_824 = arith.muli %add3A_821, %mul3A_823 : vector<16xi32>
      %add3A_825 = arith.constant 10 : i32
      %add3A_826 = vector.broadcast %add3A_825 : i32 to vector<16xi32>
      %add3A_827 = arith.addi %mul3A_824, %add3A_826 : vector<16xi32>
      %gather3A_828 = tpu.vector_load_idx %arg11[%add3A_827] : memref<8704xf32, #tpu.memory_space<vmem>>[vector<16xi32>], vector<16xf32>,
      %add3A_829 = arith.addf %add3A_819, %gather3A_828 : vector<16xf32>
      %add3A_830 = vector.broadcast %mul3A_719 : i32 to vector<16xi32>
      %add3A_831 = arith.addi %add3A_830, %iota3A : vector<16xi32>
      %mul3A_832 = arith.constant 17 : i32
      %mul3A_833 = vector.broadcast %mul3A_832 : i32 to vector<16xi32>
      %mul3A_834 = arith.muli %add3A_831, %mul3A_833 : vector<16xi32>
      %add3A_835 = arith.constant 11 : i32
      %add3A_836 = vector.broadcast %add3A_835 : i32 to vector<16xi32>
      %add3A_837 = arith.addi %mul3A_834, %add3A_836 : vector<16xi32>
      %gather3A_838 = tpu.vector_load_idx %arg11[%add3A_837] : memref<8704xf32, #tpu.memory_space<vmem>>[vector<16xi32>], vector<16xf32>,
      %add3A_839 = arith.addf %add3A_829, %gather3A_838 : vector<16xf32>
      %add3A_840 = vector.broadcast %mul3A_719 : i32 to vector<16xi32>
      %add3A_841 = arith.addi %add3A_840, %iota3A : vector<16xi32>
      %mul3A_842 = arith.constant 17 : i32
      %mul3A_843 = vector.broadcast %mul3A_842 : i32 to vector<16xi32>
      %mul3A_844 = arith.muli %add3A_841, %mul3A_843 : vector<16xi32>
      %add3A_845 = arith.constant 12 : i32
      %add3A_846 = vector.broadcast %add3A_845 : i32 to vector<16xi32>
      %add3A_847 = arith.addi %mul3A_844, %add3A_846 : vector<16xi32>
      %gather3A_848 = tpu.vector_load_idx %arg11[%add3A_847] : memref<8704xf32, #tpu.memory_space<vmem>>[vector<16xi32>], vector<16xf32>,
      %add3A_849 = arith.addf %add3A_839, %gather3A_848 : vector<16xf32>
      %add3A_850 = vector.broadcast %mul3A_719 : i32 to vector<16xi32>
      %add3A_851 = arith.addi %add3A_850, %iota3A : vector<16xi32>
      %mul3A_852 = arith.constant 17 : i32
      %mul3A_853 = vector.broadcast %mul3A_852 : i32 to vector<16xi32>
      %mul3A_854 = arith.muli %add3A_851, %mul3A_853 : vector<16xi32>
      %add3A_855 = arith.constant 13 : i32
      %add3A_856 = vector.broadcast %add3A_855 : i32 to vector<16xi32>
      %add3A_857 = arith.addi %mul3A_854, %add3A_856 : vector<16xi32>
      %gather3A_858 = tpu.vector_load_idx %arg11[%add3A_857] : memref<8704xf32, #tpu.memory_space<vmem>>[vector<16xi32>], vector<16xf32>,
      %add3A_859 = arith.addf %add3A_849, %gather3A_858 : vector<16xf32>
      %add3A_860 = vector.broadcast %mul3A_719 : i32 to vector<16xi32>
      %add3A_861 = arith.addi %add3A_860, %iota3A : vector<16xi32>
      %mul3A_862 = arith.constant 17 : i32
      %mul3A_863 = vector.broadcast %mul3A_862 : i32 to vector<16xi32>
      %mul3A_864 = arith.muli %add3A_861, %mul3A_863 : vector<16xi32>
      %add3A_865 = arith.constant 14 : i32
      %add3A_866 = vector.broadcast %add3A_865 : i32 to vector<16xi32>
      %add3A_867 = arith.addi %mul3A_864, %add3A_866 : vector<16xi32>
      %gather3A_868 = tpu.vector_load_idx %arg11[%add3A_867] : memref<8704xf32, #tpu.memory_space<vmem>>[vector<16xi32>], vector<16xf32>,
      %add3A_869 = arith.addf %add3A_859, %gather3A_868 : vector<16xf32>
      %add3A_870 = vector.broadcast %mul3A_719 : i32 to vector<16xi32>
      %add3A_871 = arith.addi %add3A_870, %iota3A : vector<16xi32>
      %mul3A_872 = arith.constant 17 : i32
      %mul3A_873 = vector.broadcast %mul3A_872 : i32 to vector<16xi32>
      %mul3A_874 = arith.muli %add3A_871, %mul3A_873 : vector<16xi32>
      %add3A_875 = arith.constant 15 : i32
      %add3A_876 = vector.broadcast %add3A_875 : i32 to vector<16xi32>
      %add3A_877 = arith.addi %mul3A_874, %add3A_876 : vector<16xi32>
      %gather3A_878 = tpu.vector_load_idx %arg11[%add3A_877] : memref<8704xf32, #tpu.memory_space<vmem>>[vector<16xi32>], vector<16xf32>,
      %add3A_879 = arith.addf %add3A_869, %gather3A_878 : vector<16xf32>
      %multiple_of3A_880 = tpu.assume_multiple %mul3A_719, 16 : i32
      %swap3A = arith.index_cast %multiple_of3A_880 : i32 to index
      %swap3A_881 = tpu.vector_load %arg12[%swap3A] {strides = array<i32>} : memref<512xf32, #tpu.memory_space<vmem>>, vector<16xf32>,
      tpu.vector_store %arg12[%swap3A], %add3A_879 {strides = array<i32>} : memref<512xf32, #tpu.memory_space<vmem>>, vector<16xf32>,
    }
    %scan3A_716 = arith.constant 32 : i32
    "tpu.region"() ({
      %run_scoped3A = tpu.sem_alloc : memref<!tpu.dma_semaphore, #tpu.memory_space<semaphore_mem>>
      %dma_start3A_717 = tpu.memref_slice %arg6[%mul3A_2] : memref<16384xf32, #tpu.memory_space<hbm>> -> memref<512xf32, #tpu.memory_space<hbm>>
      %dma_start3A_718 = tpu.memref_slice %arg6[%mul3A_2] : memref<16384xf32, #tpu.memory_space<hbm>> -> memref<512xf32, #tpu.memory_space<hbm>>
      tpu.enqueue_dma source(%arg12 : memref<512xf32, #tpu.memory_space<vmem>>) target(%dma_start3A_718 : memref<512xf32, #tpu.memory_space<hbm>>) target_semaphore(%run_scoped3A : memref<!tpu.dma_semaphore, #tpu.memory_space<semaphore_mem>>)
      %dma_wait3A = tpu.memref_slice %arg6[%mul3A_2] : memref<16384xf32, #tpu.memory_space<hbm>> -> memref<512xf32, #tpu.memory_space<hbm>>
      %dma_wait3A_719 = tpu.memref_slice %arg6[%mul3A_2] : memref<16384xf32, #tpu.memory_space<hbm>> -> memref<512xf32, #tpu.memory_space<hbm>>
      tpu.wait_dma2 semaphore(%run_scoped3A : memref<!tpu.dma_semaphore, #tpu.memory_space<semaphore_mem>>) src(%arg12 : memref<512xf32, #tpu.memory_space<vmem>>) dst(%dma_wait3A_719 : memref<512xf32, #tpu.memory_space<hbm>>)
      tpu.yield
    }) : () -> ()
    return
  }
}

</mosaic_0001>

<sc_bundles>
// kernel: _run.3.cloned.1.call-start
scs
__scs_entry_jumppad:
0x0: {  	(pc) =	sbr.rel $0x88, $3  }
0x1: {  	(tag) =	ssettag $0x0;
	lr =	simm.s32 $0x1  }
0x2: {  	[smem:$0x3F9D] =	sst lr;
	_ =	strace $0xD0000000  }
0x3: {  	_ = 	snop  }
0x4: {  	_ = 	snop  }
0x5: {  	_ = 	snop  }
0x6: {  	_ = 	snop  }
0x7: {  	_ = 	snop  }
__scs_overlays_trampoline_lowered:
0x8: {  	[smem:$0x3FAC] =	sst s0  }
0x9: {  	[smem:$0x3FAD] =	sst s1  }
0xa: {  	[smem:$0x3FAE] =	sst s2  }
0xb: {  	[smem:$0x3FAF] =	sst s3  }
0xc: {  	[smem:$0x3FB0] =	sst s4  }
0xd: {  	[smem:$0x3FB1] =	sst s5  }
0xe: {  	[smem:$0x3FB2] =	sst s6  }
0xf: {  	[smem:$0x3FB3] =	sst s7  }
0x10: {  	[smem:$0x3FB4] =	sst s8  }
0x11: {  	[smem:$0x3FB5] =	sst s9;
	s0 =	simm.s32 @!p0 $0x0  }
0x12: {  	s1 =	sld [smem:$0x3F9B];
	s0 =	simm.s32 @p0 $0x1  }
0x13: {  	[smem:$0x3FB6] =	sst s0;
	s0 =	simm.s32 @!p1 $0x0  }
0x14: {  	s2 =	sld [smem:$0x3F9A];
	s0 =	simm.s32 @p1 $0x1  }
0x15: {  	[smem:$0x3FB7] =	sst s0;
	s0 =	simm.s32 @!p2 $0x0  }
0x16: {  	s3 =	sld [smem:$0x3FDB];
	s0 =	simm.s32 @p2 $0x1  }
0x17: {  	s4 =	simm.s32 $0x1BF5;
	[smem:$0x3FB9] =	sst s0  }
0x18: {  	s0 =	sld [smem:$0x3F9C];
	_ =	swait.ge [sflag:s4], $0x0  }
0x19: {  	s7 =	sld [smem:$0x3F9D]  }
0x1a: {  	s8 =	sadd.s32 $0xFFFFE003, lr  }
0x1b: {  	s9 =	sadd.s32 $0xFFFFFEF7, lr;
	s5 =	simm.s32 $0xFFFFFFFF;
	p2 =	slt.u32 s8, $0xFFFFF086  }
0x1c: {  	p1 =	slt.u32 s9, $0xF7A;
	s5 =	simm.s32 @!p2 $0x0  }
0x1d: {  	s5 =	simm.s32 @p1 $0x1;
	p0 =	seq.s32 s7, s2  }
0x1e: {  	s7 =	smul.u32 @!p0 $0xF7A, s2;
	p2 =	seq.s32 @!p0 s5, $0x0  }
0x1f: {  	s9 =	smul.u32 $0xF7A, s1;
	s8 =	simm.s32 @!p0 $0x1BF5;
	p2 =	por !p2, p0  }
0x20: {  	[sflag:s8] =	ssyncset.s32 @!p0 $0xFFFFF086;
	s6 =	sadd.s32 @!p0 s3, s7;
	s7 =	simm.s32 @!p0 $0x108  }
0x21: {  	s3 =	sadd.s32 s3, s9;
	s6 =	sadd.s32 @!p0 $0x88, s6;
	s7 =	simm.s32 @p2 $0x1082  }
0x22: {  	[simem:s7], [sflag:s8] =	dma.local @!p0 [hbm:s6], $0xF7A  }
0x23: {  	s9 =	sor.u32 $0xD0000000, s2;
	s6 =	simm.s32 $0x108;
	_ =	swait.ge @!p0 [sflag:s8], $0x0  }
0x24: {  	s3 =	sadd.s32 $0x88, s3;
	s6 =	simm.s32 @!p1 $0x1082;
	[sflag:s4] =	ssyncset.s32 $0xFFFFF086  }
0x25: {  	[simem:s6], [sflag:s4] =	dma.local [hbm:s3], $0xF7A  }
0x26: {  	[smem:$0x3F9D] =	sst s1;
	(tag) =	ssettag s2;
	_ =	strace s9  }
0x27: {  	s1 =	sld [smem:$0x3FAD]  }
0x28: {  	s2 =	sld [smem:$0x3FAE]  }
0x29: {  	s4 =	sld [smem:$0x3FB0]  }
0x2a: {  	p0 =	seq.s32 s5, $0x0;
	s5 =	sld [smem:$0x3FB1]  }
0x2b: {  	s6 =	sld [smem:$0x3FB2]  }
0x2c: {  	s7 =	sld [smem:$0x3FB3]  }
0x2d: {  	s3 =	simm.s32 $0x108;
	s8 =	sld [smem:$0x3FB4]  }
0x2e: {  	s3 =	simm.s32 @!p0 $0x1082;
	s9 =	sld [smem:$0x3FB5]  }
0x2f: {  	lr =	sadd.s32 s0, s3;
	s0 =	sld [smem:$0x3FAC]  }
0x30: {  	s3 =	sld [smem:$0x3FAF]  }
0x31: {  	[smem:$0x3FB8] =	sst s10  }
0x32: {  	s10 =	sld [smem:$0x3FB6];
	_ =	sdelay $0x3  }
0x33: {  	p0 =	seq.s32 s10, $0x1;
	s10 =	sld [smem:$0x3FB8];
	_ =	sdelay $0x3  }
0x34: {  	[smem:$0x3FB8] =	sst s10  }
0x35: {  	s10 =	sld [smem:$0x3FB7];
	_ =	sdelay $0x3  }
0x36: {  	p1 =	seq.s32 s10, $0x1;
	s10 =	sld [smem:$0x3FB8];
	_ =	sdelay $0x3  }
0x37: {  	[smem:$0x3FB8] =	sst s10  }
0x38: {  	s10 =	sld [smem:$0x3FB9]  }
0x39: {  	_ = 	snop;
	(pc) =	sbr.ind lr, $3  }
0x3a: {  	_ = 	snop  }
0x3b: {  	_ = 	snop  }
0x3c: {  	p2 =	seq.s32 s10, $0x1;
	s10 =	sld [smem:$0x3FB8]  }
0x3d: {  	_ =	shalt  }
0x3e: {  	_ =	shalt  }
0x3f: {  	_ =	shalt  }
0x40: {  	_ =	shalt  }
0x41: {  	_ =	shalt  }
0x42: {  	_ =	shalt  }
0x43: {  	_ =	shalt  }
0x44: {  	_ =	shalt  }
0x45: {  	_ =	shalt  }
0x46: {  	_ =	shalt  }
0x47: {  	_ =	shalt  }
0x48: {  	_ =	shalt  }
0x49: {  	_ =	shalt  }
0x4a: {  	_ =	shalt  }
0x4b: {  	_ =	shalt  }
0x4c: {  	_ =	shalt  }
0x4d: {  	_ =	shalt  }
0x4e: {  	_ =	shalt  }
0x4f: {  	_ =	shalt  }
0x50: {  	_ =	shalt  }
0x51: {  	_ =	shalt  }
0x52: {  	_ =	shalt  }
0x53: {  	_ =	shalt  }
0x54: {  	_ =	shalt  }
0x55: {  	_ =	shalt  }
0x56: {  	_ =	shalt  }
0x57: {  	_ =	shalt  }
0x58: {  	_ =	shalt  }
0x59: {  	_ =	shalt  }
0x5a: {  	_ =	shalt  }
0x5b: {  	_ =	shalt  }
0x5c: {  	_ =	shalt  }
0x5d: {  	_ =	shalt  }
0x5e: {  	_ =	shalt  }
0x5f: {  	_ =	shalt  }
0x60: {  	_ =	shalt  }
0x61: {  	_ =	shalt  }
0x62: {  	_ =	shalt  }
0x63: {  	_ =	shalt  }
0x64: {  	_ =	shalt  }
0x65: {  	_ =	shalt  }
0x66: {  	_ =	shalt  }
0x67: {  	_ =	shalt  }
0x68: {  	_ =	shalt  }
0x69: {  	_ =	shalt  }
0x6a: {  	_ =	shalt  }
0x6b: {  	_ =	shalt  }
0x6c: {  	_ =	shalt  }
0x6d: {  	_ =	shalt  }
0x6e: {  	_ =	shalt  }
0x6f: {  	_ =	shalt  }
0x70: {  	_ =	shalt  }
0x71: {  	_ =	shalt  }
0x72: {  	_ =	shalt  }
0x73: {  	_ =	shalt  }
0x74: {  	_ =	shalt  }
0x75: {  	_ =	shalt  }
0x76: {  	_ =	shalt  }
0x77: {  	_ =	shalt  }
0x78: {  	_ =	shalt  }
0x79: {  	_ =	shalt  }
0x7a: {  	_ =	shalt  }
0x7b: {  	_ =	shalt  }
0x7c: {  	_ =	shalt  }
0x7d: {  	_ =	shalt  }
0x7e: {  	_ =	shalt  }
0x7f: {  	_ =	shalt  }
0x80: {  	_ =	shalt  }
0x81: {  	_ =	shalt  }
0x82: {  	_ =	shalt  }
0x83: {  	_ =	shalt  }
0x84: {  	_ =	shalt  }
0x85: {  	_ =	shalt  }
0x86: {  	_ =	shalt  }
0x87: {  	_ =	shalt  }
.Lfunc_end0:
.L_simem_size_0:
called_computation_lowered:
.L_overlay_start_0:
0x88: {  	s2 =	sld [smem:$0x3FD9]  }
0x89: {  	s3 =	sld [smem:$0x3FFE];
	_ =	sdelay $0x1  }
0x8a: {  	s1 =	srdreg.scid  }
0x8b: {  	s0 =	sand.u32 $0x1, s1  }
0x8c: {  	s18 =	sshll.u32 s0, $0xA;
	s2 =	sadd.s32 s3, s2  }
0x8d: {  	s2 =	sadd.s32 s2, s18  }
0x8e: {  	[smem:$0x3FC4] =	sst s2  }
0x8f: {  	_ = 	snop  }
0x90: {  	s2 =	sld [smem:$0x3FC9]  }
0x91: {  	s19 =	sld [smem:$0x3FC8]  }
0x92: {  	s4 =	sld [smem:$0x3FC7]  }
0x93: {  	s5 =	sld [smem:$0x3FC6]  }
0x94: {  	s6 =	sld [smem:$0x3FD0];
	(tm) =	ssettm $0x1  }
0x95: {  	s7 =	sld [smem:$0x3FFB];
	_ =	sdelay $0x3  }
0x96: {  	_ =	strace s7  }
0x97: {  	s7 =	sld [smem:$0x3FFC];
	_ =	sdelay $0x3  }
0x98: {  	_ =	strace s7  }
0x99: {  	s7 =	sld [smem:$0x3FFD];
	_ =	sdelay $0x3  }
0x9a: {  	_ =	strace s7  }
0x9b: {  	_ =	strace $0x8FFFFFFF  }
0x9c: {  	s20 =	sld [smem:$0x3FDB];
	_ =	sdelay $0x1  }
0x9d: {  	s8 =	simm.s32 $_scs_section_size  }
0x9e: {  	s9 =	simm.s32 $_size__tile_overlayer_lowered;
	s10 =	simm.s32 $_tile_overlayer_lowered  }
0x9f: {  	s23 =	simm.s32 $0x1BFF;
	s22 =	sshll.u32 s10, $0x1;
	s7 =	sadd.s32 s8, s20  }
0xa0: {  	s11 =	simm.s32 $0x0;
	s21 =	sshll.u32 s9, $0x1;
	s9 =	sadd.s32 s22, s7  }
0xa1: {  	[timem:s11], [sflag:s23] =	dma.local [hbm:s9], s21  }
0xa2: {  	_ =	swait.ge [sflag:s23], s21  }
0xa3: {  	s8 =	ssub.s32 $0x0, s21;
	[sflag:s23] =	ssyncset.done $0x0  }
0xa4: {  	[sflag:s23] =	ssyncadd.s32 s8;
	_ =	sdelay $0x1  }
0xa5: {  	s24 =	simm.s32 $0x1B8B  }
0xa6: {  	_ =	swait.ge [sflag:s24], $0x1  }
0xa7: {  	[sflag:s24] =	ssyncset.done $0x0  }
0xa8: {  	s25 =	simm.s32 $0x1B8E;
	[sflag:s24] =	ssyncadd.s32 $0xFFFFFFFF  }
0xa9: {  	s26 =	simm.s32 $execute0_lowered;
	[smem:$0x3FD2] =	sst s25  }
0xaa: {  	s8 =	sshll.u32 s26, $0x1;
	_ =	strace $0x80000046;
	[dreg:$0x1] =	wrdreg $0xFFFFFFFF  }
0xab: {  	s28 =	simm.s32 $_size_execute0_lowered;
	s7 =	sadd.s32 s7, s8;
	[dreg:$0x0] =	wrdreg $0x0  }
0xac: {  	s8 =	sshll.u32 s28, $0x1;
	[dreg:$0x2] =	wrdreg s7  }
0xad: {  	[dreg:$0x3] =	wrdreg s8  }
0xae: {  	[dreg:$0x4] =	wrdreg $0xC0  }
0xaf: {  	_ =	task [dreg:s11], $0x5FFFF  }
0xb0: {  	[dreg:$0x1] =	wrdreg $0xFFFFFFFF  }
0xb1: {  	[dreg:$0x0] =	wrdreg $0x60  }
0xb2: {  	[dreg:$0x2] =	wrdreg s2  }
0xb3: {  	[dreg:$0x3] =	wrdreg s19  }
0xb4: {  	[dreg:$0x4] =	wrdreg s4  }
0xb5: {  	[dreg:$0x5] =	wrdreg s5  }
0xb6: {  	[dreg:$0x6] =	wrdreg s6  }
0xb7: {  	[dreg:$0x7] =	wrdreg $0x9  }
0xb8: {  	_ =	task.clear_ibuf [dreg:s11], $0x8FFFF;
	_ =	strace $0x90000046  }
0xb9: {  	s29 =	simm.s32 $0x9;
	_ =	strace $0x80000048  }
0xba: {  	_ =	swait.ge [sflag:s29], $0x1  }
0xbb: {  	[sflag:s29] =	ssyncadd.s32 $0xFFFFFFFF  }
0xbc: {  	_ =	strace $0x90000048  }
0xbd: {  	_ =	sfence  }
0xbe: {  	s30 =	sld [smem:$0x0];
	_ =	sdelay $0x2  }
0xbf: {  	s31 =	sshll.u32 s1, $0xD;
	s1 =	sshrl.u32 s1, $0x2  }
0xc0: {  	s3 =	sand.u32 $0x4000, s31;
	s1 =	sadd.s32 s1, s30  }
0xc1: {  	s0 =	sor.u32 s3, s0;
	s1 =	sshll.u32 s1, $0x11  }
0xc2: {  	s0 =	sor.u32 s1, s0  }
0xc3: {  	s0 =	sadd.s32 $0x8F2B, s0  }
0xc4: {  	[sflag:s0] =	ssyncadd.remote.s32 $0x1  }
0xc5: {  	_ =	sfence.sel $0xFFFF  }
0xc6: {  	[dreg:$0x0] =	wrdreg $0xFFFFFFFF;
	(pc) =	sbr.abs _section_cstart, $3  }
0xc7: {  	[dreg:$0x1] =	wrdreg $0xFFFFFFFF  }
0xc8: {  	_ =	task.clear_ibuf [dreg:s11], $0x2FFFF;
	_ =	strace $0x9FFFFFFF  }
0xc9: {  	(tm) =	ssettm $0x7FFFFFFF  }
tec
execute0_lowered:
.L_overlay_start_1:
0x0: {  	(tag) =	ssettag $0x1  }
0x1: {  	s0 =	rddreg [dreg:$0x0]  }
0x2: {  	s3 =	rddreg [dreg:$0x1]  }
0x3: {  	s4 =	rddreg [dreg:$0x2]  }
0x4: {  	s31 =	rddreg [dreg:$0x3]  }
0x5: {  	s5 =	rddreg [dreg:$0x4]  }
0x6: {  	s21 =	simm.s32 $0x0;
	s6 =	srdreg.scid;
	s1 =	stileid.u32  }
0x7: {  	s14 =	simm.s32 $0x3;
	s15 =	simm.s32 $0xB;
	s17 =	simm.s32 $0x4  }
0x8: {  	s18 =	simm.s32 $0xC;
	s16 =	simm.s32 $0x6;
	s19 =	simm.s32 $0xE  }
0x9: {  	s29 =	simm.s32 $0x7;
	s30 =	simm.s32 $0xF;
	s23 =	simm.s32 $0x8  }
0xa: {  	s24 =	simm.s32 $0x10;
	s22 =	simm.s32 $0x10500;
	[smem:$0x7FF] =	sst s21  }
0xb: {  	v1 =	vlaneseq.u32;
	s6 =	sand.u32 $0x1, s6;
	s8 =	sshll.u32 s1, $0x7;
	s10 =	sadd.s32 $0x1E8500, s31  }
0xc: {  	s11 =	sadd.s32 $0x2DC780, s4;
	s12 =	sadd.s32 $0x2DC780, s31;
	s1 =	simm.s32 $0x11;
	v0 =	vmul.u32 $0x80, v1  }
0xd: {  	v1 =	vmul.u32 $0x11, v1;
	s7 =	ssub.s32 $0x2, s6;
	s6 =	sshll.u32 s6, $0x6;
	_ =	strace $0x80000047  }
0xe: {  	s9 =	sshrl.u32 s7, $0x1;
	s6 =	sor.u32 s6, s8;
	s8 =	sadd.s32 $0xF4280, s31;
	v2 =	vor.u32 $0x800, v0  }
0xf: {  	v3 =	vadd.s32 $0x1, v1;
	v4 =	vadd.s32 $0x2, v1;
	v5 =	vadd.s32 $0x3, v1;
	s13 =	ssub.s32 s7, s9;
	s0 =	sadd.s32 s0, s6;
	s25 =	sadd.s32 s3, s6  }
0x10: {  	v6 =	vadd.s32 $0x4, v1;
	v7 =	vadd.s32 $0x5, v1;
	v8 =	vadd.s32 $0x6, v1;
	s7 =	sadd.s32 $0xF4280, s4;
	s9 =	sadd.s32 $0x1E8500, s4;
	[dreg:$0x6] =	wrdreg s0  }
0x11: {  	v9 =	vadd.s32 $0x7, v1;
	v10 =	vadd.s32 $0x8, v1;
	v11 =	vadd.s32 $0x9, v1;
	s26 =	sadd.s32 s5, s6;
	s3 =	simm.s32 $0x0;
	[dreg:$0x7] =	wrdreg s25  }
0x12: {  	v12 =	vadd.s32 $0xA, v1;
	v13 =	vadd.s32 $0xB, v1;
	v14 =	vadd.s32 $0xC, v1;
	[dreg:$0x8] =	wrdreg s26;
	s28 =	smax.u32 s13, $0x1;
	s13 =	simm.s32 $0xA  }
0x13: {  	v15 =	vadd.s32 $0xD, v1;
	v16 =	vadd.s32 $0xE, v1;
	v17 =	vadd.s32 $0xF, v1;
	s25 =	simm.s32 $0x5;
	s26 =	simm.s32 $0xD;
	[dreg:$0x9] =	wrdreg s28  }
.LBB2_1:
0x14: {  	[dreg:$0xa] =	wrdreg s3  }
0x15: {  	s0 =	rddreg [dreg:$0x6]  }
0x16: {  	[tilespmem:s21], [sflag:$0x11] =	stream.linear.gather [hbm4b:s0+s21], $0x200, $0x38;
	[tilespmem:$0x12900] =	vst v63  }
0x17: {  	_ =	swait.ge [sflag:s1], $0x200  }
0x18: {  	[sflag:s1] =	ssyncset.done $0x0  }
0x19: {  	s5 =	simm.s32 $0x280;
	s3 =	rddreg [dreg:$0x7];
	[sflag:s1] =	ssyncadd.s32 $0xFFFFFE00  }
0x1a: {  	[tilespmem:s5], [sflag:$0x11] =	stream.linear.gather [hbm4b:s3+s21], $0x200, $0x38;
	[tilespmem:$0x12900] =	vst v63  }
0x1b: {  	_ =	swait.ge [sflag:s1], $0x200  }
0x1c: {  	[sflag:s1] =	ssyncset.done $0x0  }
0x1d: {  	[sflag:s1] =	ssyncadd.s32 $0xFFFFFE00  }
0x1e: {  	v18 =	vld [tilespmem:$0x0]  }
0x1f: {  	v19 =	vld [tilespmem:$0x280];
	_ =	sdelay $0x3  }
0x20: {  	v18 =	vand.u32 $0xFFFFFF80, v18  }
0x21: {  	v19 =	vand.u32 $0xFFFFFF80, v19;
	(v2sf) =	vpush v18, $0x0  }
0x22: {  	(v2sf) =	vpush v19, $0x0;
	_ =	sdelay $0xd  }
0x23: {  	s0 =	spop (v2sf);
	(v2sf) =	vpush v18, $0x1  }
0x24: {  	s6 =	simm.s32 $0x500;
	s3 =	spop (v2sf);
	s28 =	sadd.s32 s4, s0  }
0x25: {  	(v2sf) =	vpush v19, $0x1;
	[tilespmem:s6], [sflag:$0x1] =	stream.linear.gather [hbm4b:s28+s21], $0x400, $0x38;
	[tilespmem:$0x12900] =	vst v63  }
0x26: {  	s20 =	simm.s32 $0x8500;
	s28 =	sadd.s32 s31, s3  }
0x27: {  	[tilespmem:s20], [sflag:$0x9] =	stream.linear.gather [hbm4b:s28+s21], $0x400, $0x38;
	[tilespmem:$0x12900] =	vst v63  }
0x28: {  	s2 =	simm.s32 $0x900;
	s28 =	sadd.s32 s0, s7  }
0x29: {  	[tilespmem:s2], [sflag:$0x1] =	stream.linear.gather [hbm4b:s28+s21], $0x400, $0x38;
	[tilespmem:$0x12900] =	vst v63  }
0x2a: {  	s5 =	simm.s32 $0x8900;
	s28 =	sadd.s32 s3, s8  }
0x2b: {  	[tilespmem:s5], [sflag:$0x9] =	stream.linear.gather [hbm4b:s28+s21], $0x400, $0x38;
	[tilespmem:$0x12900] =	vst v63  }
0x2c: {  	s6 =	simm.s32 $0xD00;
	s28 =	sadd.s32 s0, s9  }
0x2d: {  	[tilespmem:s6], [sflag:$0x1] =	stream.linear.gather [hbm4b:s28+s21], $0x400, $0x38;
	[tilespmem:$0x12900] =	vst v63  }
0x2e: {  	s20 =	simm.s32 $0x8D00;
	s28 =	sadd.s32 s3, s10  }
0x2f: {  	[tilespmem:s20], [sflag:$0x9] =	stream.linear.gather [hbm4b:s28+s21], $0x400, $0x38;
	[tilespmem:$0x12900] =	vst v63  }
0x30: {  	s2 =	simm.s32 $0x1100;
	s0 =	sadd.s32 s0, s11  }
0x31: {  	[tilespmem:s2], [sflag:$0x1] =	stream.linear.gather [hbm4b:s0+s21], $0x400, $0x38;
	[tilespmem:$0x12900] =	vst v63  }
0x32: {  	s5 =	simm.s32 $0x9100;
	s3 =	sadd.s32 s3, s12;
	s0 =	spop (v2sf)  }
0x33: {  	(v2sf) =	vpush v18, $0x2;
	[tilespmem:s5], [sflag:$0x9] =	stream.linear.gather [hbm4b:s3+s21], $0x400, $0x38;
	[tilespmem:$0x12900] =	vst v63  }
0x34: {  	s6 =	simm.s32 $0x1500;
	s3 =	spop (v2sf);
	s28 =	sadd.s32 s4, s0  }
0x35: {  	(v2sf) =	vpush v19, $0x2;
	[tilespmem:s6], [sflag:$0x2] =	stream.linear.gather [hbm4b:s28+s21], $0x400, $0x38;
	[tilespmem:$0x12900] =	vst v63  }
0x36: {  	s20 =	simm.s32 $0x9500;
	s28 =	sadd.s32 s31, s3  }
0x37: {  	[tilespmem:s20], [sflag:$0xA] =	stream.linear.gather [hbm4b:s28+s21], $0x400, $0x38;
	[tilespmem:$0x12900] =	vst v63  }
0x38: {  	s2 =	simm.s32 $0x1900;
	s28 =	sadd.s32 s0, s7  }
0x39: {  	[tilespmem:s2], [sflag:$0x2] =	stream.linear.gather [hbm4b:s28+s21], $0x400, $0x38;
	[tilespmem:$0x12900] =	vst v63  }
0x3a: {  	s5 =	simm.s32 $0x9900;
	s28 =	sadd.s32 s3, s8  }
0x3b: {  	[tilespmem:s5], [sflag:$0xA] =	stream.linear.gather [hbm4b:s28+s21], $0x400, $0x38;
	[tilespmem:$0x12900] =	vst v63  }
0x3c: {  	s6 =	simm.s32 $0x1D00;
	s28 =	sadd.s32 s0, s9  }
0x3d: {  	[tilespmem:s6], [sflag:$0x2] =	stream.linear.gather [hbm4b:s28+s21], $0x400, $0x38;
	[tilespmem:$0x12900] =	vst v63  }
0x3e: {  	s20 =	simm.s32 $0x9D00;
	s28 =	sadd.s32 s3, s10  }
0x3f: {  	[tilespmem:s20], [sflag:$0xA] =	stream.linear.gather [hbm4b:s28+s21], $0x400, $0x38;
	[tilespmem:$0x12900] =	vst v63  }
0x40: {  	s2 =	simm.s32 $0x2100;
	s0 =	sadd.s32 s0, s11  }
0x41: {  	[tilespmem:s2], [sflag:$0x2] =	stream.linear.gather [hbm4b:s0+s21], $0x400, $0x38;
	[tilespmem:$0x12900] =	vst v63  }
0x42: {  	s5 =	simm.s32 $0xA100;
	s3 =	sadd.s32 s3, s12;
	s0 =	spop (v2sf)  }
0x43: {  	(v2sf) =	vpush v18, $0x3;
	[tilespmem:s5], [sflag:$0xA] =	stream.linear.gather [hbm4b:s3+s21], $0x400, $0x38;
	[tilespmem:$0x12900] =	vst v63  }
0x44: {  	s6 =	simm.s32 $0x2500;
	s28 =	sadd.s32 s4, s0;
	s3 =	spop (v2sf)  }
0x45: {  	(v2sf) =	vpush v19, $0x3;
	[tilespmem:s6], [sflag:$0x3] =	stream.linear.gather [hbm4b:s28+s21], $0x400, $0x38;
	[tilespmem:$0x12900] =	vst v63  }
0x46: {  	s20 =	simm.s32 $0xA500;
	s28 =	sadd.s32 s31, s3  }
0x47: {  	[tilespmem:s20], [sflag:$0xB] =	stream.linear.gather [hbm4b:s28+s21], $0x400, $0x38;
	[tilespmem:$0x12900] =	vst v63  }
0x48: {  	s2 =	simm.s32 $0x2900;
	s28 =	sadd.s32 s0, s7  }
0x49: {  	[tilespmem:s2], [sflag:$0x3] =	stream.linear.gather [hbm4b:s28+s21], $0x400, $0x38;
	[tilespmem:$0x12900] =	vst v63  }
0x4a: {  	s5 =	simm.s32 $0xA900;
	s28 =	sadd.s32 s3, s8  }
0x4b: {  	[tilespmem:s5], [sflag:$0xB] =	stream.linear.gather [hbm4b:s28+s21], $0x400, $0x38;
	[tilespmem:$0x12900] =	vst v63  }
0x4c: {  	s6 =	simm.s32 $0x2D00;
	s28 =	sadd.s32 s0, s9  }
0x4d: {  	[tilespmem:s6], [sflag:$0x3] =	stream.linear.gather [hbm4b:s28+s21], $0x400, $0x38;
	[tilespmem:$0x12900] =	vst v63  }
0x4e: {  	s20 =	simm.s32 $0xAD00;
	s28 =	sadd.s32 s3, s10  }
0x4f: {  	[tilespmem:s20], [sflag:$0xB] =	stream.linear.gather [hbm4b:s28+s21], $0x400, $0x38;
	[tilespmem:$0x12900] =	vst v63  }
0x50: {  	s2 =	simm.s32 $0x3100;
	s0 =	sadd.s32 s0, s11  }
0x51: {  	[tilespmem:s2], [sflag:$0x3] =	stream.linear.gather [hbm4b:s0+s21], $0x400, $0x38;
	[tilespmem:$0x12900] =	vst v63  }
0x52: {  	s5 =	simm.s32 $0xB100;
	s3 =	sadd.s32 s3, s12;
	s0 =	spop (v2sf)  }
0x53: {  	(v2sf) =	vpush v18, $0x4;
	[tilespmem:s5], [sflag:$0xB] =	stream.linear.gather [hbm4b:s3+s21], $0x400, $0x38;
	[tilespmem:$0x12900] =	vst v63  }
0x54: {  	s6 =	simm.s32 $0x3500;
	s28 =	sadd.s32 s4, s0;
	s3 =	spop (v2sf)  }
0x55: {  	(v2sf) =	vpush v19, $0x4;
	[tilespmem:s6], [sflag:$0x4] =	stream.linear.gather [hbm4b:s28+s21], $0x400, $0x38;
	[tilespmem:$0x12900] =	vst v63  }
0x56: {  	s20 =	simm.s32 $0xB500;
	s28 =	sadd.s32 s31, s3  }
0x57: {  	[tilespmem:s20], [sflag:$0xC] =	stream.linear.gather [hbm4b:s28+s21], $0x400, $0x38;
	[tilespmem:$0x12900] =	vst v63  }
0x58: {  	s2 =	simm.s32 $0x3900;
	s28 =	sadd.s32 s0, s7  }
0x59: {  	[tilespmem:s2], [sflag:$0x4] =	stream.linear.gather [hbm4b:s28+s21], $0x400, $0x38;
	[tilespmem:$0x12900] =	vst v63  }
0x5a: {  	s5 =	simm.s32 $0xB900;
	s28 =	sadd.s32 s3, s8  }
0x5b: {  	[tilespmem:s5], [sflag:$0xC] =	stream.linear.gather [hbm4b:s28+s21], $0x400, $0x38;
	[tilespmem:$0x12900] =	vst v63  }
0x5c: {  	s6 =	simm.s32 $0x3D00;
	s28 =	sadd.s32 s0, s9  }
0x5d: {  	[tilespmem:s6], [sflag:$0x4] =	stream.linear.gather [hbm4b:s28+s21], $0x400, $0x38;
	[tilespmem:$0x12900] =	vst v63  }
0x5e: {  	s20 =	simm.s32 $0xBD00;
	s28 =	sadd.s32 s3, s10  }
0x5f: {  	[tilespmem:s20], [sflag:$0xC] =	stream.linear.gather [hbm4b:s28+s21], $0x400, $0x38;
	[tilespmem:$0x12900] =	vst v63  }
0x60: {  	s2 =	simm.s32 $0x4100;
	s0 =	sadd.s32 s0, s11  }
0x61: {  	[tilespmem:s2], [sflag:$0x4] =	stream.linear.gather [hbm4b:s0+s21], $0x400, $0x38;
	[tilespmem:$0x12900] =	vst v63  }
0x62: {  	s5 =	simm.s32 $0xC100;
	s3 =	sadd.s32 s3, s12;
	s0 =	spop (v2sf)  }
0x63: {  	(v2sf) =	vpush v18, $0x5;
	[tilespmem:s5], [sflag:$0xC] =	stream.linear.gather [hbm4b:s3+s21], $0x400, $0x38;
	[tilespmem:$0x12900] =	vst v63  }
0x64: {  	s6 =	simm.s32 $0x4500;
	s28 =	sadd.s32 s4, s0;
	s3 =	spop (v2sf)  }
0x65: {  	(v2sf) =	vpush v19, $0x5;
	[tilespmem:s6], [sflag:$0x5] =	stream.linear.gather [hbm4b:s28+s21], $0x400, $0x38;
	[tilespmem:$0x12900] =	vst v63  }
0x66: {  	s20 =	simm.s32 $0xC500;
	s28 =	sadd.s32 s31, s3  }
0x67: {  	[tilespmem:s20], [sflag:$0xD] =	stream.linear.gather [hbm4b:s28+s21], $0x400, $0x38;
	[tilespmem:$0x12900] =	vst v63  }
0x68: {  	s2 =	simm.s32 $0x4900;
	s28 =	sadd.s32 s0, s7  }
0x69: {  	[tilespmem:s2], [sflag:$0x5] =	stream.linear.gather [hbm4b:s28+s21], $0x400, $0x38;
	[tilespmem:$0x12900] =	vst v63  }
0x6a: {  	s5 =	simm.s32 $0xC900;
	s28 =	sadd.s32 s3, s8  }
0x6b: {  	[tilespmem:s5], [sflag:$0xD] =	stream.linear.gather [hbm4b:s28+s21], $0x400, $0x38;
	[tilespmem:$0x12900] =	vst v63  }
0x6c: {  	s6 =	simm.s32 $0x4D00;
	s28 =	sadd.s32 s0, s9  }
0x6d: {  	[tilespmem:s6], [sflag:$0x5] =	stream.linear.gather [hbm4b:s28+s21], $0x400, $0x38;
	[tilespmem:$0x12900] =	vst v63  }
0x6e: {  	s20 =	simm.s32 $0xCD00;
	s28 =	sadd.s32 s3, s10  }
0x6f: {  	[tilespmem:s20], [sflag:$0xD] =	stream.linear.gather [hbm4b:s28+s21], $0x400, $0x38;
	[tilespmem:$0x12900] =	vst v63  }
0x70: {  	s2 =	simm.s32 $0x5100;
	s0 =	sadd.s32 s0, s11  }
0x71: {  	[tilespmem:s2], [sflag:$0x5] =	stream.linear.gather [hbm4b:s0+s21], $0x400, $0x38;
	[tilespmem:$0x12900] =	vst v63  }
0x72: {  	s5 =	sadd.s32 s3, s12;
	s6 =	simm.s32 $0xD100;
	s0 =	spop (v2sf)  }
0x73: {  	(v2sf) =	vpush v18, $0x6;
	[tilespmem:s6], [sflag:$0xD] =	stream.linear.gather [hbm4b:s5+s21], $0x400, $0x38;
	[tilespmem:$0x12900] =	vst v63  }
0x74: {  	s20 =	simm.s32 $0x5500;
	s3 =	spop (v2sf);
	s28 =	sadd.s32 s4, s0  }
0x75: {  	(v2sf) =	vpush v19, $0x6;
	[tilespmem:s20], [sflag:$0x6] =	stream.linear.gather [hbm4b:s28+s21], $0x400, $0x38;
	[tilespmem:$0x12900] =	vst v63  }
0x76: {  	s2 =	simm.s32 $0xD500;
	s28 =	sadd.s32 s31, s3  }
0x77: {  	[tilespmem:s2], [sflag:$0xE] =	stream.linear.gather [hbm4b:s28+s21], $0x400, $0x38;
	[tilespmem:$0x12900] =	vst v63  }
0x78: {  	s5 =	simm.s32 $0x5900;
	s28 =	sadd.s32 s0, s7  }
0x79: {  	[tilespmem:s5], [sflag:$0x6] =	stream.linear.gather [hbm4b:s28+s21], $0x400, $0x38;
	[tilespmem:$0x12900] =	vst v63  }
0x7a: {  	s6 =	simm.s32 $0xD900;
	s28 =	sadd.s32 s3, s8  }
0x7b: {  	[tilespmem:s6], [sflag:$0xE] =	stream.linear.gather [hbm4b:s28+s21], $0x400, $0x38;
	[tilespmem:$0x12900] =	vst v63  }
0x7c: {  	s20 =	simm.s32 $0x5D00;
	s28 =	sadd.s32 s0, s9  }
0x7d: {  	[tilespmem:s20], [sflag:$0x6] =	stream.linear.gather [hbm4b:s28+s21], $0x400, $0x38;
	[tilespmem:$0x12900] =	vst v63  }
0x7e: {  	s2 =	simm.s32 $0xDD00;
	s28 =	sadd.s32 s3, s10  }
0x7f: {  	[tilespmem:s2], [sflag:$0xE] =	stream.linear.gather [hbm4b:s28+s21], $0x400, $0x38;
	[tilespmem:$0x12900] =	vst v63  }
0x80: {  	s5 =	simm.s32 $0x6100;
	s0 =	sadd.s32 s0, s11  }
0x81: {  	[tilespmem:s5], [sflag:$0x6] =	stream.linear.gather [hbm4b:s0+s21], $0x400, $0x38;
	[tilespmem:$0x12900] =	vst v63  }
0x82: {  	s6 =	sadd.s32 s3, s12;
	s20 =	simm.s32 $0xE100;
	s0 =	spop (v2sf)  }
0x83: {  	(v2sf) =	vpush v18, $0x7;
	[tilespmem:s20], [sflag:$0xE] =	stream.linear.gather [hbm4b:s6+s21], $0x400, $0x38;
	[tilespmem:$0x12900] =	vst v63  }
0x84: {  	s2 =	simm.s32 $0x6500;
	s3 =	spop (v2sf);
	s28 =	sadd.s32 s4, s0  }
0x85: {  	(v2sf) =	vpush v19, $0x7;
	[tilespmem:s2], [sflag:$0x7] =	stream.linear.gather [hbm4b:s28+s21], $0x400, $0x38;
	[tilespmem:$0x12900] =	vst v63  }
0x86: {  	s5 =	simm.s32 $0xE500;
	s28 =	sadd.s32 s31, s3  }
0x87: {  	[tilespmem:s5], [sflag:$0xF] =	stream.linear.gather [hbm4b:s28+s21], $0x400, $0x38;
	[tilespmem:$0x12900] =	vst v63  }
0x88: {  	s6 =	simm.s32 $0x6900;
	s28 =	sadd.s32 s0, s7  }
0x89: {  	[tilespmem:s6], [sflag:$0x7] =	stream.linear.gather [hbm4b:s28+s21], $0x400, $0x38;
	[tilespmem:$0x12900] =	vst v63  }
0x8a: {  	s20 =	simm.s32 $0xE900;
	s28 =	sadd.s32 s3, s8  }
0x8b: {  	[tilespmem:s20], [sflag:$0xF] =	stream.linear.gather [hbm4b:s28+s21], $0x400, $0x38;
	[tilespmem:$0x12900] =	vst v63  }
0x8c: {  	s2 =	simm.s32 $0x6D00;
	s28 =	sadd.s32 s0, s9  }
0x8d: {  	[tilespmem:s2], [sflag:$0x7] =	stream.linear.gather [hbm4b:s28+s21], $0x400, $0x38;
	[tilespmem:$0x12900] =	vst v63  }
0x8e: {  	s5 =	simm.s32 $0xED00;
	s28 =	sadd.s32 s3, s10  }
0x8f: {  	[tilespmem:s5], [sflag:$0xF] =	stream.linear.gather [hbm4b:s28+s21], $0x400, $0x38;
	[tilespmem:$0x12900] =	vst v63  }
0x90: {  	s6 =	simm.s32 $0x7100;
	s0 =	sadd.s32 s0, s11  }
0x91: {  	[tilespmem:s6], [sflag:$0x7] =	stream.linear.gather [hbm4b:s0+s21], $0x400, $0x38;
	[tilespmem:$0x12900] =	vst v63  }
0x92: {  	s20 =	simm.s32 $0xF100;
	s3 =	sadd.s32 s3, s12;
	s0 =	spop (v2sf)  }
0x93: {  	[tilespmem:s20], [sflag:$0xF] =	stream.linear.gather [hbm4b:s3+s21], $0x400, $0x38;
	[tilespmem:$0x12900] =	vst v63  }
0x94: {  	s5 =	simm.s32 $0x7500;
	s28 =	sadd.s32 s4, s0;
	s3 =	spop (v2sf)  }
0x95: {  	[tilespmem:s5], [sflag:$0x8] =	stream.linear.gather [hbm4b:s28+s21], $0x400, $0x38;
	[tilespmem:$0x12900] =	vst v63  }
0x96: {  	s6 =	simm.s32 $0xF500;
	s28 =	sadd.s32 s31, s3  }
0x97: {  	[tilespmem:s6], [sflag:$0x10] =	stream.linear.gather [hbm4b:s28+s21], $0x400, $0x38;
	[tilespmem:$0x12900] =	vst v63  }
0x98: {  	s2 =	simm.s32 $0x7900;
	s28 =	sadd.s32 s0, s7  }
0x99: {  	[tilespmem:s2], [sflag:$0x8] =	stream.linear.gather [hbm4b:s28+s21], $0x400, $0x38;
	[tilespmem:$0x12900] =	vst v63  }
0x9a: {  	s20 =	simm.s32 $0xF900;
	s28 =	sadd.s32 s3, s8  }
0x9b: {  	[tilespmem:s20], [sflag:$0x10] =	stream.linear.gather [hbm4b:s28+s21], $0x400, $0x38;
	[tilespmem:$0x12900] =	vst v63  }
0x9c: {  	s2 =	simm.s32 $0x7D00;
	s28 =	sadd.s32 s0, s9  }
0x9d: {  	[tilespmem:s2], [sflag:$0x8] =	stream.linear.gather [hbm4b:s28+s21], $0x400, $0x38;
	[tilespmem:$0x12900] =	vst v63  }
0x9e: {  	s20 =	simm.s32 $0xFD00;
	s28 =	sadd.s32 s3, s10  }
0x9f: {  	[tilespmem:s20], [sflag:$0x10] =	stream.linear.gather [hbm4b:s28+s21], $0x400, $0x38;
	[tilespmem:$0x12900] =	vst v63  }
0xa0: {  	s0 =	sadd.s32 s0, s11;
	s2 =	simm.s32 $0x8100;
	s3 =	sadd.s32 s3, s12  }
0xa1: {  	[tilespmem:s2], [sflag:$0x8] =	stream.linear.gather [hbm4b:s0+s21], $0x400, $0x38;
	[tilespmem:$0x12900] =	vst v63  }
0xa2: {  	s20 =	simm.s32 $0x10100;
	s28 =	simm.s32 $0x10577;
	s0 =	simm.s32 $0x0  }
0xa3: {  	[tilespmem:s20], [sflag:$0x10] =	stream.linear.gather [hbm4b:s3+s21], $0x400, $0x38;
	[tilespmem:$0x12900] =	vst v63  }
.LBB2_2:
0xa4: {  	s3 =	sshra.s32 s0, $0x2  }
0xa5: {  	v20 =	vld [tilespmem:s3+$0x0]  }
0xa6: {  	v22 =	vld [tilespmem:s3+$0x280]  }
0xa7: {  	s1 =	simm.s32 $0x1;
	v18 =	vld [tilespmem:s3+$0x8]  }
0xa8: {  	v19 =	vld [tilespmem:s3+$0x288];
	_ =	swait.ge [sflag:s1], $0x400  }
0xa9: {  	[sflag:s1] =	ssyncset.done $0x0  }
0xaa: {  	s21 =	simm.s32 $0x9;
	[sflag:s1] =	ssyncadd.s32 $0xFFFFFC00  }
0xab: {  	_ =	swait.ge [sflag:s21], $0x400  }
0xac: {  	[sflag:s21] =	ssyncset.done $0x0  }
0xad: {  	[sflag:s21] =	ssyncadd.s32 $0xFFFFFC00  }
0xae: {  	_ =	swait.ge [sflag:s1], $0x400  }
0xaf: {  	[sflag:s1] =	ssyncset.done $0x0  }
0xb0: {  	[sflag:s1] =	ssyncadd.s32 $0xFFFFFC00  }
0xb1: {  	_ =	swait.ge [sflag:s21], $0x400  }
0xb2: {  	[sflag:s21] =	ssyncset.done $0x0  }
0xb3: {  	[sflag:s21] =	ssyncadd.s32 $0xFFFFFC00  }
0xb4: {  	_ =	swait.ge [sflag:s1], $0x400  }
0xb5: {  	[sflag:s1] =	ssyncset.done $0x0  }
0xb6: {  	[sflag:s1] =	ssyncadd.s32 $0xFFFFFC00  }
0xb7: {  	_ =	swait.ge [sflag:s21], $0x400  }
0xb8: {  	[sflag:s21] =	ssyncset.done $0x0  }
0xb9: {  	[sflag:s21] =	ssyncadd.s32 $0xFFFFFC00  }
0xba: {  	_ =	swait.ge [sflag:s1], $0x400  }
0xbb: {  	[sflag:s1] =	ssyncset.done $0x0  }
0xbc: {  	[sflag:s1] =	ssyncadd.s32 $0xFFFFFC00  }
0xbd: {  	p0 =	seq.s32 s0, $0x7E0;
	v18 =	vand.u32 $0xFFFFFF80, v18;
	_ =	swait.ge [sflag:s21], $0x400  }
0xbe: {  	v19 =	vand.u32 $0xFFFFFF80, v19;
	(v2sf) =	vpush @!p0 v18, $0x0  }
0xbf: {  	(v2sf) =	vpush @!p0 v19, $0x0;
	_ =	sdelay $0x3  }
0xc0: {  	v21 =	vand.u32 $0x7F, v20  }
0xc1: {  	v20 =	vand.u32 $0x7F, v22;
	v23 =	vbroadcast v21, $0x0  }
0xc2: {  	v22 =	vbroadcast v20, $0x0  }
0xc3: {  	v24 =	vor.u32 v0, v23  }
0xc4: {  	v25 =	vor.u32 v0, v22  }
0xc5: {  	v22 =	vor.u32 v2, v22  }
0xc6: {  	v23 =	vor.u32 v2, v23;
	[sflag:s21] =	ssyncset.done $0x0  }
0xc7: {  	s2 =	simm.s32 $0x500;
	[sflag:s21] =	ssyncadd.s32 $0xFFFFFC00  }
0xc8: {  	s3 =	simm.s32 $0x8500;
	v24 =	vld.idx.msk [tilespmem:v24+s2+$0x0], $0xffff  }
0xc9: {  	v25 =	vld.idx.msk [tilespmem:v25+s3+$0x0], $0xffff  }
0xca: {  	v22 =	vld.idx.msk [tilespmem:v22+s3+$0x0], $0xffff;
	s3 =	simm.s32 @!p0 $0x0;
	s20 =	spop @!p0 (v2sf)  }
0xcb: {  	v23 =	vld.idx.msk [tilespmem:v23+s2+$0x0], $0xffff;
	s2 =	simm.s32 @!p0 $0x500;
	s21 =	spop @!p0 (v2sf);
	s1 =	sadd.s32 @!p0 s4, s20  }
0xcc: {  	[tilespmem:s2], [sflag:$0x1] =	stream.linear.gather @!p0 [hbm4b:s1+s3], $0x400, $0x38;
	[tilespmem:$0x12900] =	vst v63  }
0xcd: {  	s1 =	sadd.s32 @!p0 s31, s21;
	s2 =	simm.s32 @!p0 $0x8500  }
0xce: {  	[tilespmem:s2], [sflag:$0x9] =	stream.linear.gather @!p0 [hbm4b:s1+s3], $0x400, $0x38;
	[tilespmem:$0x12900] =	vst v63  }
0xcf: {  	s1 =	sadd.s32 @!p0 s20, s7;
	s2 =	simm.s32 @!p0 $0x900  }
0xd0: {  	[tilespmem:s2], [sflag:$0x1] =	stream.linear.gather @!p0 [hbm4b:s1+s3], $0x400, $0x38;
	[tilespmem:$0x12900] =	vst v63  }
0xd1: {  	s1 =	sadd.s32 @!p0 s21, s8;
	s2 =	simm.s32 @!p0 $0x8900  }
0xd2: {  	[tilespmem:s2], [sflag:$0x9] =	stream.linear.gather @!p0 [hbm4b:s1+s3], $0x400, $0x38;
	[tilespmem:$0x12900] =	vst v63  }
0xd3: {  	s1 =	sadd.s32 @!p0 s20, s9;
	s2 =	simm.s32 @!p0 $0xD00  }
0xd4: {  	[tilespmem:s2], [sflag:$0x1] =	stream.linear.gather @!p0 [hbm4b:s1+s3], $0x400, $0x38;
	[tilespmem:$0x12900] =	vst v63  }
0xd5: {  	s1 =	sadd.s32 @!p0 s21, s10;
	s2 =	simm.s32 @!p0 $0x8D00  }
0xd6: {  	[tilespmem:s2], [sflag:$0x9] =	stream.linear.gather @!p0 [hbm4b:s1+s3], $0x400, $0x38;
	[tilespmem:$0x12900] =	vst v63  }
0xd7: {  	v24 =	vmul.f32 v25, v24;
	v22 =	vmul.f32 v22, v23;
	s1 =	sadd.s32 @!p0 s20, s11;
	s2 =	simm.s32 @!p0 $0x1100  }
0xd8: {  	[tilespmem:s2], [sflag:$0x1] =	stream.linear.gather @!p0 [hbm4b:s1+s3], $0x400, $0x38;
	[tilespmem:$0x12900] =	vst v63  }
0xd9: {  	v22 =	vadd.f32 v22, v24;
	s1 =	sadd.s32 @!p0 s21, s12;
	s2 =	simm.s32 @!p0 $0x9100  }
0xda: {  	[tilespmem:s2], [sflag:$0x9] =	stream.linear.gather @!p0 [hbm4b:s1+s3], $0x400, $0x38;
	[tilespmem:$0x12900] =	vst v63  }
0xdb: {  	s2 =	simm.s32 $0x2;
	[tilespmem:s28+$0xFFFFFF89] =	vst v22  }
0xdc: {  	_ =	swait.ge [sflag:s2], $0x400  }
0xdd: {  	[sflag:s2] =	ssyncset.done $0x0  }
0xde: {  	[sflag:s2] =	ssyncadd.s32 $0xFFFFFC00  }
0xdf: {  	_ =	swait.ge [sflag:s13], $0x400  }
0xe0: {  	[sflag:s13] =	ssyncset.done $0x0  }
0xe1: {  	[sflag:s13] =	ssyncadd.s32 $0xFFFFFC00  }
0xe2: {  	_ =	swait.ge [sflag:s2], $0x400  }
0xe3: {  	[sflag:s2] =	ssyncset.done $0x0  }
0xe4: {  	[sflag:s2] =	ssyncadd.s32 $0xFFFFFC00  }
0xe5: {  	_ =	swait.ge [sflag:s13], $0x400  }
0xe6: {  	[sflag:s13] =	ssyncset.done $0x0  }
0xe7: {  	[sflag:s13] =	ssyncadd.s32 $0xFFFFFC00  }
0xe8: {  	_ =	swait.ge [sflag:s2], $0x400  }
0xe9: {  	[sflag:s2] =	ssyncset.done $0x0  }
0xea: {  	[sflag:s2] =	ssyncadd.s32 $0xFFFFFC00  }
0xeb: {  	_ =	swait.ge [sflag:s13], $0x400  }
0xec: {  	[sflag:s13] =	ssyncset.done $0x0  }
0xed: {  	[sflag:s13] =	ssyncadd.s32 $0xFFFFFC00  }
0xee: {  	_ =	swait.ge [sflag:s2], $0x400  }
0xef: {  	[sflag:s2] =	ssyncset.done $0x0  }
0xf0: {  	[sflag:s2] =	ssyncadd.s32 $0xFFFFFC00  }
0xf1: {  	_ =	swait.ge [sflag:s13], $0x400  }
0xf2: {  	(v2sf) =	vpush @!p0 v18, $0x1  }
0xf3: {  	(v2sf) =	vpush @!p0 v19, $0x1;
	_ =	sdelay $0x4  }
0xf4: {  	v22 =	vbroadcast v21, $0x1;
	_ =	sdelay $0x1  }
0xf5: {  	v23 =	vbroadcast v20, $0x1;
	v52 =	vor.u32 v0, v22  }
0xf6: {  	v22 =	vor.u32 v2, v22  }
0xf7: {  	v53 =	vor.u32 v0, v23  }
0xf8: {  	v23 =	vor.u32 v2, v23;
	[sflag:s13] =	ssyncset.done $0x0  }
0xf9: {  	s20 =	simm.s32 $0x1500;
	[sflag:s13] =	ssyncadd.s32 $0xFFFFFC00  }
0xfa: {  	v24 =	vld.idx.msk [tilespmem:v52+s20+$0x0], $0xffff  }
0xfb: {  	s21 =	simm.s32 $0x9500;
	v22 =	vld.idx.msk [tilespmem:v22+s20+$0x0], $0xffff  }
0xfc: {  	v25 =	vld.idx.msk [tilespmem:v53+s21+$0x0], $0xffff;
	s1 =	spop @!p0 (v2sf)  }
0xfd: {  	v23 =	vld.idx.msk [tilespmem:v23+s21+$0x0], $0xffff;
	s21 =	simm.s32 @!p0 $0x1500;
	s2 =	spop @!p0 (v2sf);
	s20 =	sadd.s32 @!p0 s4, s1  }
0xfe: {  	[tilespmem:s21], [sflag:$0x2] =	stream.linear.gather @!p0 [hbm4b:s20+s3], $0x400, $0x38;
	[tilespmem:$0x12900] =	vst v63  }
0xff: {  	s20 =	sadd.s32 @!p0 s31, s2;
	s21 =	simm.s32 @!p0 $0x9500  }
0x100: {  	[tilespmem:s21], [sflag:$0xA] =	stream.linear.gather @!p0 [hbm4b:s20+s3], $0x400, $0x38;
	[tilespmem:$0x12900] =	vst v63  }
0x101: {  	s20 =	sadd.s32 @!p0 s1, s7;
	s21 =	simm.s32 @!p0 $0x1900  }
0x102: {  	[tilespmem:s21], [sflag:$0x2] =	stream.linear.gather @!p0 [hbm4b:s20+s3], $0x400, $0x38;
	[tilespmem:$0x12900] =	vst v63  }
0x103: {  	s20 =	sadd.s32 @!p0 s2, s8;
	s21 =	simm.s32 @!p0 $0x9900  }
0x104: {  	[tilespmem:s21], [sflag:$0xA] =	stream.linear.gather @!p0 [hbm4b:s20+s3], $0x400, $0x38;
	[tilespmem:$0x12900] =	vst v63  }
0x105: {  	s20 =	sadd.s32 @!p0 s1, s9;
	s21 =	simm.s32 @!p0 $0x1D00  }
0x106: {  	[tilespmem:s21], [sflag:$0x2] =	stream.linear.gather @!p0 [hbm4b:s20+s3], $0x400, $0x38;
	[tilespmem:$0x12900] =	vst v63  }
0x107: {  	s20 =	sadd.s32 @!p0 s2, s10;
	s21 =	simm.s32 @!p0 $0x9D00  }
0x108: {  	[tilespmem:s21], [sflag:$0xA] =	stream.linear.gather @!p0 [hbm4b:s20+s3], $0x400, $0x38;
	[tilespmem:$0x12900] =	vst v63  }
0x109: {  	v24 =	vmul.f32 v25, v24;
	v22 =	vmul.f32 v23, v22;
	s1 =	sadd.s32 @!p0 s1, s11;
	s20 =	simm.s32 @!p0 $0x2100  }
0x10a: {  	[tilespmem:s20], [sflag:$0x2] =	stream.linear.gather @!p0 [hbm4b:s1+s3], $0x400, $0x38;
	[tilespmem:$0x12900] =	vst v63  }
0x10b: {  	v22 =	vadd.f32 v22, v24;
	s1 =	sadd.s32 @!p0 s2, s12;
	s2 =	simm.s32 @!p0 $0xA100  }
0x10c: {  	[tilespmem:s2], [sflag:$0xA] =	stream.linear.gather @!p0 [hbm4b:s1+s3], $0x400, $0x38;
	[tilespmem:$0x12900] =	vst v63  }
0x10d: {  	[tilespmem:s28+$0xFFFFFF9A] =	vst v22  }
0x10e: {  	_ =	swait.ge [sflag:s14], $0x400  }
0x10f: {  	[sflag:s14] =	ssyncset.done $0x0  }
0x110: {  	[sflag:s14] =	ssyncadd.s32 $0xFFFFFC00  }
0x111: {  	_ =	swait.ge [sflag:s15], $0x400  }
0x112: {  	[sflag:s15] =	ssyncset.done $0x0  }
0x113: {  	[sflag:s15] =	ssyncadd.s32 $0xFFFFFC00  }
0x114: {  	_ =	swait.ge [sflag:s14], $0x400  }
0x115: {  	[sflag:s14] =	ssyncset.done $0x0  }
0x116: {  	[sflag:s14] =	ssyncadd.s32 $0xFFFFFC00  }
0x117: {  	_ =	swait.ge [sflag:s15], $0x400  }
0x118: {  	[sflag:s15] =	ssyncset.done $0x0  }
0x119: {  	[sflag:s15] =	ssyncadd.s32 $0xFFFFFC00  }
0x11a: {  	_ =	swait.ge [sflag:s14], $0x400  }
0x11b: {  	[sflag:s14] =	ssyncset.done $0x0  }
0x11c: {  	[sflag:s14] =	ssyncadd.s32 $0xFFFFFC00  }
0x11d: {  	_ =	swait.ge [sflag:s15], $0x400  }
0x11e: {  	[sflag:s15] =	ssyncset.done $0x0  }
0x11f: {  	[sflag:s15] =	ssyncadd.s32 $0xFFFFFC00  }
0x120: {  	_ =	swait.ge [sflag:s14], $0x400  }
0x121: {  	[sflag:s14] =	ssyncset.done $0x0  }
0x122: {  	[sflag:s14] =	ssyncadd.s32 $0xFFFFFC00  }
0x123: {  	_ =	swait.ge [sflag:s15], $0x400  }
0x124: {  	(v2sf) =	vpush @!p0 v18, $0x2  }
0x125: {  	(v2sf) =	vpush @!p0 v19, $0x2;
	_ =	sdelay $0x4  }
0x126: {  	v22 =	vbroadcast v21, $0x2;
	_ =	sdelay $0x1  }
0x127: {  	v23 =	vbroadcast v20, $0x2;
	v54 =	vor.u32 v0, v22  }
0x128: {  	v22 =	vor.u32 v2, v22  }
0x129: {  	v55 =	vor.u32 v0, v23  }
0x12a: {  	v23 =	vor.u32 v2, v23;
	[sflag:s15] =	ssyncset.done $0x0  }
0x12b: {  	s20 =	simm.s32 $0x2500;
	[sflag:s15] =	ssyncadd.s32 $0xFFFFFC00  }
0x12c: {  	v24 =	vld.idx.msk [tilespmem:v54+s20+$0x0], $0xffff  }
0x12d: {  	s21 =	simm.s32 $0xA500;
	v22 =	vld.idx.msk [tilespmem:v22+s20+$0x0], $0xffff  }
0x12e: {  	v25 =	vld.idx.msk [tilespmem:v55+s21+$0x0], $0xffff;
	s1 =	spop @!p0 (v2sf)  }
0x12f: {  	v23 =	vld.idx.msk [tilespmem:v23+s21+$0x0], $0xffff;
	s21 =	simm.s32 @!p0 $0x2500;
	s2 =	spop @!p0 (v2sf);
	s20 =	sadd.s32 @!p0 s4, s1  }
0x130: {  	[tilespmem:s21], [sflag:$0x3] =	stream.linear.gather @!p0 [hbm4b:s20+s3], $0x400, $0x38;
	[tilespmem:$0x12900] =	vst v63  }
0x131: {  	s20 =	sadd.s32 @!p0 s31, s2;
	s21 =	simm.s32 @!p0 $0xA500  }
0x132: {  	[tilespmem:s21], [sflag:$0xB] =	stream.linear.gather @!p0 [hbm4b:s20+s3], $0x400, $0x38;
	[tilespmem:$0x12900] =	vst v63  }
0x133: {  	s20 =	sadd.s32 @!p0 s1, s7;
	s21 =	simm.s32 @!p0 $0x2900  }
0x134: {  	[tilespmem:s21], [sflag:$0x3] =	stream.linear.gather @!p0 [hbm4b:s20+s3], $0x400, $0x38;
	[tilespmem:$0x12900] =	vst v63  }
0x135: {  	s20 =	sadd.s32 @!p0 s2, s8;
	s21 =	simm.s32 @!p0 $0xA900  }
0x136: {  	[tilespmem:s21], [sflag:$0xB] =	stream.linear.gather @!p0 [hbm4b:s20+s3], $0x400, $0x38;
	[tilespmem:$0x12900] =	vst v63  }
0x137: {  	s20 =	sadd.s32 @!p0 s1, s9;
	s21 =	simm.s32 @!p0 $0x2D00  }
0x138: {  	[tilespmem:s21], [sflag:$0x3] =	stream.linear.gather @!p0 [hbm4b:s20+s3], $0x400, $0x38;
	[tilespmem:$0x12900] =	vst v63  }
0x139: {  	s20 =	sadd.s32 @!p0 s2, s10;
	s21 =	simm.s32 @!p0 $0xAD00  }
0x13a: {  	[tilespmem:s21], [sflag:$0xB] =	stream.linear.gather @!p0 [hbm4b:s20+s3], $0x400, $0x38;
	[tilespmem:$0x12900] =	vst v63  }
0x13b: {  	v24 =	vmul.f32 v25, v24;
	v22 =	vmul.f32 v23, v22;
	s1 =	sadd.s32 @!p0 s1, s11;
	s20 =	simm.s32 @!p0 $0x3100  }
0x13c: {  	[tilespmem:s20], [sflag:$0x3] =	stream.linear.gather @!p0 [hbm4b:s1+s3], $0x400, $0x38;
	[tilespmem:$0x12900] =	vst v63  }
0x13d: {  	v22 =	vadd.f32 v22, v24;
	s1 =	sadd.s32 @!p0 s2, s12;
	s2 =	simm.s32 @!p0 $0xB100  }
0x13e: {  	[tilespmem:s2], [sflag:$0xB] =	stream.linear.gather @!p0 [hbm4b:s1+s3], $0x400, $0x38;
	[tilespmem:$0x12900] =	vst v63  }
0x13f: {  	[tilespmem:s28+$0xFFFFFFAB] =	vst v22  }
0x140: {  	_ =	swait.ge [sflag:s17], $0x400  }
0x141: {  	[sflag:s17] =	ssyncset.done $0x0  }
0x142: {  	[sflag:s17] =	ssyncadd.s32 $0xFFFFFC00  }
0x143: {  	_ =	swait.ge [sflag:s18], $0x400  }
0x144: {  	[sflag:s18] =	ssyncset.done $0x0  }
0x145: {  	[sflag:s18] =	ssyncadd.s32 $0xFFFFFC00  }
0x146: {  	_ =	swait.ge [sflag:s17], $0x400  }
0x147: {  	[sflag:s17] =	ssyncset.done $0x0  }
0x148: {  	[sflag:s17] =	ssyncadd.s32 $0xFFFFFC00  }
0x149: {  	_ =	swait.ge [sflag:s18], $0x400  }
0x14a: {  	[sflag:s18] =	ssyncset.done $0x0  }
0x14b: {  	[sflag:s18] =	ssyncadd.s32 $0xFFFFFC00  }
0x14c: {  	_ =	swait.ge [sflag:s17], $0x400  }
0x14d: {  	[sflag:s17] =	ssyncset.done $0x0  }
0x14e: {  	[sflag:s17] =	ssyncadd.s32 $0xFFFFFC00  }
0x14f: {  	_ =	swait.ge [sflag:s18], $0x400  }
0x150: {  	[sflag:s18] =	ssyncset.done $0x0  }
0x151: {  	[sflag:s18] =	ssyncadd.s32 $0xFFFFFC00  }
0x152: {  	_ =	swait.ge [sflag:s17], $0x400  }
0x153: {  	[sflag:s17] =	ssyncset.done $0x0  }
0x154: {  	[sflag:s17] =	ssyncadd.s32 $0xFFFFFC00  }
0x155: {  	_ =	swait.ge [sflag:s18], $0x400  }
0x156: {  	(v2sf) =	vpush @!p0 v18, $0x3  }
0x157: {  	(v2sf) =	vpush @!p0 v19, $0x3;
	_ =	sdelay $0x4  }
0x158: {  	v22 =	vbroadcast v21, $0x3;
	_ =	sdelay $0x1  }
0x159: {  	v23 =	vbroadcast v20, $0x3;
	v56 =	vor.u32 v0, v22  }
0x15a: {  	v22 =	vor.u32 v2, v22  }
0x15b: {  	v57 =	vor.u32 v0, v23  }
0x15c: {  	v23 =	vor.u32 v2, v23;
	[sflag:s18] =	ssyncset.done $0x0  }
0x15d: {  	s20 =	simm.s32 $0x3500;
	[sflag:s18] =	ssyncadd.s32 $0xFFFFFC00  }
0x15e: {  	v24 =	vld.idx.msk [tilespmem:v56+s20+$0x0], $0xffff  }
0x15f: {  	s21 =	simm.s32 $0xB500;
	v22 =	vld.idx.msk [tilespmem:v22+s20+$0x0], $0xffff  }
0x160: {  	v25 =	vld.idx.msk [tilespmem:v57+s21+$0x0], $0xffff;
	s1 =	spop @!p0 (v2sf)  }
0x161: {  	v23 =	vld.idx.msk [tilespmem:v23+s21+$0x0], $0xffff;
	s21 =	simm.s32 @!p0 $0x3500;
	s2 =	spop @!p0 (v2sf);
	s20 =	sadd.s32 @!p0 s4, s1  }
0x162: {  	[tilespmem:s21], [sflag:$0x4] =	stream.linear.gather @!p0 [hbm4b:s20+s3], $0x400, $0x38;
	[tilespmem:$0x12900] =	vst v63  }
0x163: {  	s20 =	sadd.s32 @!p0 s31, s2;
	s21 =	simm.s32 @!p0 $0xB500  }
0x164: {  	[tilespmem:s21], [sflag:$0xC] =	stream.linear.gather @!p0 [hbm4b:s20+s3], $0x400, $0x38;
	[tilespmem:$0x12900] =	vst v63  }
0x165: {  	s20 =	sadd.s32 @!p0 s1, s7;
	s21 =	simm.s32 @!p0 $0x3900  }
0x166: {  	[tilespmem:s21], [sflag:$0x4] =	stream.linear.gather @!p0 [hbm4b:s20+s3], $0x400, $0x38;
	[tilespmem:$0x12900] =	vst v63  }
0x167: {  	s20 =	sadd.s32 @!p0 s2, s8;
	s21 =	simm.s32 @!p0 $0xB900  }
0x168: {  	[tilespmem:s21], [sflag:$0xC] =	stream.linear.gather @!p0 [hbm4b:s20+s3], $0x400, $0x38;
	[tilespmem:$0x12900] =	vst v63  }
0x169: {  	s20 =	sadd.s32 @!p0 s1, s9;
	s21 =	simm.s32 @!p0 $0x3D00  }
0x16a: {  	[tilespmem:s21], [sflag:$0x4] =	stream.linear.gather @!p0 [hbm4b:s20+s3], $0x400, $0x38;
	[tilespmem:$0x12900] =	vst v63  }
0x16b: {  	s20 =	sadd.s32 @!p0 s2, s10;
	s21 =	simm.s32 @!p0 $0xBD00  }
0x16c: {  	[tilespmem:s21], [sflag:$0xC] =	stream.linear.gather @!p0 [hbm4b:s20+s3], $0x400, $0x38;
	[tilespmem:$0x12900] =	vst v63  }
0x16d: {  	v24 =	vmul.f32 v25, v24;
	v22 =	vmul.f32 v23, v22;
	s1 =	sadd.s32 @!p0 s1, s11;
	s20 =	simm.s32 @!p0 $0x4100  }
0x16e: {  	[tilespmem:s20], [sflag:$0x4] =	stream.linear.gather @!p0 [hbm4b:s1+s3], $0x400, $0x38;
	[tilespmem:$0x12900] =	vst v63  }
0x16f: {  	v22 =	vadd.f32 v22, v24;
	s1 =	sadd.s32 @!p0 s2, s12;
	s2 =	simm.s32 @!p0 $0xC100  }
0x170: {  	[tilespmem:s2], [sflag:$0xC] =	stream.linear.gather @!p0 [hbm4b:s1+s3], $0x400, $0x38;
	[tilespmem:$0x12900] =	vst v63  }
0x171: {  	[tilespmem:s28+$0xFFFFFFBC] =	vst v22  }
0x172: {  	_ =	swait.ge [sflag:s25], $0x400  }
0x173: {  	[sflag:s25] =	ssyncset.done $0x0  }
0x174: {  	[sflag:s25] =	ssyncadd.s32 $0xFFFFFC00  }
0x175: {  	_ =	swait.ge [sflag:s26], $0x400  }
0x176: {  	[sflag:s26] =	ssyncset.done $0x0  }
0x177: {  	[sflag:s26] =	ssyncadd.s32 $0xFFFFFC00  }
0x178: {  	_ =	swait.ge [sflag:s25], $0x400  }
0x179: {  	[sflag:s25] =	ssyncset.done $0x0  }
0x17a: {  	[sflag:s25] =	ssyncadd.s32 $0xFFFFFC00  }
0x17b: {  	_ =	swait.ge [sflag:s26], $0x400  }
0x17c: {  	[sflag:s26] =	ssyncset.done $0x0  }
0x17d: {  	[sflag:s26] =	ssyncadd.s32 $0xFFFFFC00  }
0x17e: {  	_ =	swait.ge [sflag:s25], $0x400  }
0x17f: {  	[sflag:s25] =	ssyncset.done $0x0  }
0x180: {  	[sflag:s25] =	ssyncadd.s32 $0xFFFFFC00  }
0x181: {  	_ =	swait.ge [sflag:s26], $0x400  }
0x182: {  	[sflag:s26] =	ssyncset.done $0x0  }
0x183: {  	[sflag:s26] =	ssyncadd.s32 $0xFFFFFC00  }
0x184: {  	_ =	swait.ge [sflag:s25], $0x400  }
0x185: {  	[sflag:s25] =	ssyncset.done $0x0  }
0x186: {  	[sflag:s25] =	ssyncadd.s32 $0xFFFFFC00  }
0x187: {  	_ =	swait.ge [sflag:s26], $0x400  }
0x188: {  	(v2sf) =	vpush @!p0 v18, $0x4  }
0x189: {  	(v2sf) =	vpush @!p0 v19, $0x4;
	_ =	sdelay $0x4  }
0x18a: {  	v22 =	vbroadcast v21, $0x4;
	_ =	sdelay $0x1  }
0x18b: {  	v23 =	vbroadcast v20, $0x4;
	v58 =	vor.u32 v0, v22  }
0x18c: {  	v22 =	vor.u32 v2, v22  }
0x18d: {  	v59 =	vor.u32 v0, v23  }
0x18e: {  	v23 =	vor.u32 v2, v23;
	[sflag:s26] =	ssyncset.done $0x0  }
0x18f: {  	s20 =	simm.s32 $0x4500;
	[sflag:s26] =	ssyncadd.s32 $0xFFFFFC00  }
0x190: {  	v24 =	vld.idx.msk [tilespmem:v58+s20+$0x0], $0xffff  }
0x191: {  	s21 =	simm.s32 $0xC500;
	v22 =	vld.idx.msk [tilespmem:v22+s20+$0x0], $0xffff  }
0x192: {  	v25 =	vld.idx.msk [tilespmem:v59+s21+$0x0], $0xffff;
	s1 =	spop @!p0 (v2sf)  }
0x193: {  	v23 =	vld.idx.msk [tilespmem:v23+s21+$0x0], $0xffff;
	s21 =	simm.s32 @!p0 $0x4500;
	s2 =	spop @!p0 (v2sf);
	s20 =	sadd.s32 @!p0 s4, s1  }
0x194: {  	[tilespmem:s21], [sflag:$0x5] =	stream.linear.gather @!p0 [hbm4b:s20+s3], $0x400, $0x38;
	[tilespmem:$0x12900] =	vst v63  }
0x195: {  	s20 =	sadd.s32 @!p0 s31, s2;
	s21 =	simm.s32 @!p0 $0xC500  }
0x196: {  	[tilespmem:s21], [sflag:$0xD] =	stream.linear.gather @!p0 [hbm4b:s20+s3], $0x400, $0x38;
	[tilespmem:$0x12900] =	vst v63  }
0x197: {  	s20 =	sadd.s32 @!p0 s1, s7;
	s21 =	simm.s32 @!p0 $0x4900  }
0x198: {  	[tilespmem:s21], [sflag:$0x5] =	stream.linear.gather @!p0 [hbm4b:s20+s3], $0x400, $0x38;
	[tilespmem:$0x12900] =	vst v63  }
0x199: {  	s20 =	sadd.s32 @!p0 s2, s8;
	s21 =	simm.s32 @!p0 $0xC900  }
0x19a: {  	[tilespmem:s21], [sflag:$0xD] =	stream.linear.gather @!p0 [hbm4b:s20+s3], $0x400, $0x38;
	[tilespmem:$0x12900] =	vst v63  }
0x19b: {  	s20 =	sadd.s32 @!p0 s1, s9;
	s21 =	simm.s32 @!p0 $0x4D00  }
0x19c: {  	[tilespmem:s21], [sflag:$0x5] =	stream.linear.gather @!p0 [hbm4b:s20+s3], $0x400, $0x38;
	[tilespmem:$0x12900] =	vst v63  }
0x19d: {  	s20 =	sadd.s32 @!p0 s2, s10;
	s21 =	simm.s32 @!p0 $0xCD00  }
0x19e: {  	[tilespmem:s21], [sflag:$0xD] =	stream.linear.gather @!p0 [hbm4b:s20+s3], $0x400, $0x38;
	[tilespmem:$0x12900] =	vst v63  }
0x19f: {  	v24 =	vmul.f32 v25, v24;
	v22 =	vmul.f32 v23, v22;
	s1 =	sadd.s32 @!p0 s1, s11;
	s20 =	simm.s32 @!p0 $0x5100  }
0x1a0: {  	[tilespmem:s20], [sflag:$0x5] =	stream.linear.gather @!p0 [hbm4b:s1+s3], $0x400, $0x38;
	[tilespmem:$0x12900] =	vst v63  }
0x1a1: {  	v22 =	vadd.f32 v22, v24;
	s1 =	sadd.s32 @!p0 s2, s12;
	s2 =	simm.s32 @!p0 $0xD100  }
0x1a2: {  	[tilespmem:s2], [sflag:$0xD] =	stream.linear.gather @!p0 [hbm4b:s1+s3], $0x400, $0x38;
	[tilespmem:$0x12900] =	vst v63  }
0x1a3: {  	[tilespmem:s28+$0xFFFFFFCD] =	vst v22  }
0x1a4: {  	_ =	swait.ge [sflag:s16], $0x400  }
0x1a5: {  	[sflag:s16] =	ssyncset.done $0x0  }
0x1a6: {  	[sflag:s16] =	ssyncadd.s32 $0xFFFFFC00  }
0x1a7: {  	_ =	swait.ge [sflag:s19], $0x400  }
0x1a8: {  	[sflag:s19] =	ssyncset.done $0x0  }
0x1a9: {  	[sflag:s19] =	ssyncadd.s32 $0xFFFFFC00  }
0x1aa: {  	_ =	swait.ge [sflag:s16], $0x400  }
0x1ab: {  	[sflag:s16] =	ssyncset.done $0x0  }
0x1ac: {  	[sflag:s16] =	ssyncadd.s32 $0xFFFFFC00  }
0x1ad: {  	_ =	swait.ge [sflag:s19], $0x400  }
0x1ae: {  	[sflag:s19] =	ssyncset.done $0x0  }
0x1af: {  	[sflag:s19] =	ssyncadd.s32 $0xFFFFFC00  }
0x1b0: {  	_ =	swait.ge [sflag:s16], $0x400  }
0x1b1: {  	[sflag:s16] =	ssyncset.done $0x0  }
0x1b2: {  	[sflag:s16] =	ssyncadd.s32 $0xFFFFFC00  }
0x1b3: {  	_ =	swait.ge [sflag:s19], $0x400  }
0x1b4: {  	[sflag:s19] =	ssyncset.done $0x0  }
0x1b5: {  	[sflag:s19] =	ssyncadd.s32 $0xFFFFFC00  }
0x1b6: {  	_ =	swait.ge [sflag:s16], $0x400  }
0x1b7: {  	[sflag:s16] =	ssyncset.done $0x0  }
0x1b8: {  	[sflag:s16] =	ssyncadd.s32 $0xFFFFFC00  }
0x1b9: {  	_ =	swait.ge [sflag:s19], $0x400  }
0x1ba: {  	(v2sf) =	vpush @!p0 v18, $0x5  }
0x1bb: {  	(v2sf) =	vpush @!p0 v19, $0x5;
	_ =	sdelay $0x4  }
0x1bc: {  	v22 =	vbroadcast v21, $0x5;
	_ =	sdelay $0x1  }
0x1bd: {  	v23 =	vbroadcast v20, $0x5;
	v60 =	vor.u32 v0, v22  }
0x1be: {  	v22 =	vor.u32 v2, v22  }
0x1bf: {  	v61 =	vor.u32 v0, v23  }
0x1c0: {  	v23 =	vor.u32 v2, v23;
	[sflag:s19] =	ssyncset.done $0x0  }
0x1c1: {  	s20 =	simm.s32 $0x5500;
	[sflag:s19] =	ssyncadd.s32 $0xFFFFFC00  }
0x1c2: {  	v24 =	vld.idx.msk [tilespmem:v60+s20+$0x0], $0xffff  }
0x1c3: {  	s21 =	simm.s32 $0xD500;
	v22 =	vld.idx.msk [tilespmem:v22+s20+$0x0], $0xffff  }
0x1c4: {  	v25 =	vld.idx.msk [tilespmem:v61+s21+$0x0], $0xffff;
	s1 =	spop @!p0 (v2sf)  }
0x1c5: {  	v23 =	vld.idx.msk [tilespmem:v23+s21+$0x0], $0xffff;
	s21 =	simm.s32 @!p0 $0x5500;
	s2 =	spop @!p0 (v2sf);
	s20 =	sadd.s32 @!p0 s4, s1  }
0x1c6: {  	[tilespmem:s21], [sflag:$0x6] =	stream.linear.gather @!p0 [hbm4b:s20+s3], $0x400, $0x38;
	[tilespmem:$0x12900] =	vst v63  }
0x1c7: {  	s20 =	sadd.s32 @!p0 s31, s2;
	s21 =	simm.s32 @!p0 $0xD500  }
0x1c8: {  	[tilespmem:s21], [sflag:$0xE] =	stream.linear.gather @!p0 [hbm4b:s20+s3], $0x400, $0x38;
	[tilespmem:$0x12900] =	vst v63  }
0x1c9: {  	s20 =	sadd.s32 @!p0 s1, s7;
	s21 =	simm.s32 @!p0 $0x5900  }
0x1ca: {  	[tilespmem:s21], [sflag:$0x6] =	stream.linear.gather @!p0 [hbm4b:s20+s3], $0x400, $0x38;
	[tilespmem:$0x12900] =	vst v63  }
0x1cb: {  	s20 =	sadd.s32 @!p0 s2, s8;
	s21 =	simm.s32 @!p0 $0xD900  }
0x1cc: {  	[tilespmem:s21], [sflag:$0xE] =	stream.linear.gather @!p0 [hbm4b:s20+s3], $0x400, $0x38;
	[tilespmem:$0x12900] =	vst v63  }
0x1cd: {  	s20 =	sadd.s32 @!p0 s1, s9;
	s21 =	simm.s32 @!p0 $0x5D00  }
0x1ce: {  	[tilespmem:s21], [sflag:$0x6] =	stream.linear.gather @!p0 [hbm4b:s20+s3], $0x400, $0x38;
	[tilespmem:$0x12900] =	vst v63  }
0x1cf: {  	s20 =	sadd.s32 @!p0 s2, s10;
	s21 =	simm.s32 @!p0 $0xDD00  }
0x1d0: {  	[tilespmem:s21], [sflag:$0xE] =	stream.linear.gather @!p0 [hbm4b:s20+s3], $0x400, $0x38;
	[tilespmem:$0x12900] =	vst v63  }
0x1d1: {  	v24 =	vmul.f32 v25, v24;
	v22 =	vmul.f32 v23, v22;
	s1 =	sadd.s32 @!p0 s1, s11;
	s20 =	simm.s32 @!p0 $0x6100  }
0x1d2: {  	[tilespmem:s20], [sflag:$0x6] =	stream.linear.gather @!p0 [hbm4b:s1+s3], $0x400, $0x38;
	[tilespmem:$0x12900] =	vst v63  }
0x1d3: {  	v22 =	vadd.f32 v22, v24;
	s1 =	sadd.s32 @!p0 s2, s12;
	s2 =	simm.s32 @!p0 $0xE100  }
0x1d4: {  	[tilespmem:s2], [sflag:$0xE] =	stream.linear.gather @!p0 [hbm4b:s1+s3], $0x400, $0x38;
	[tilespmem:$0x12900] =	vst v63  }
0x1d5: {  	[tilespmem:s28+$0xFFFFFFDE] =	vst v22  }
0x1d6: {  	_ =	swait.ge [sflag:s29], $0x400  }
0x1d7: {  	[sflag:s29] =	ssyncset.done $0x0  }
0x1d8: {  	[sflag:s29] =	ssyncadd.s32 $0xFFFFFC00  }
0x1d9: {  	_ =	swait.ge [sflag:s30], $0x400  }
0x1da: {  	[sflag:s30] =	ssyncset.done $0x0  }
0x1db: {  	[sflag:s30] =	ssyncadd.s32 $0xFFFFFC00  }
0x1dc: {  	_ =	swait.ge [sflag:s29], $0x400  }
0x1dd: {  	[sflag:s29] =	ssyncset.done $0x0  }
0x1de: {  	[sflag:s29] =	ssyncadd.s32 $0xFFFFFC00  }
0x1df: {  	_ =	swait.ge [sflag:s30], $0x400  }
0x1e0: {  	[sflag:s30] =	ssyncset.done $0x0  }
0x1e1: {  	[sflag:s30] =	ssyncadd.s32 $0xFFFFFC00  }
0x1e2: {  	_ =	swait.ge [sflag:s29], $0x400  }
0x1e3: {  	[sflag:s29] =	ssyncset.done $0x0  }
0x1e4: {  	[sflag:s29] =	ssyncadd.s32 $0xFFFFFC00  }
0x1e5: {  	_ =	swait.ge [sflag:s30], $0x400  }
0x1e6: {  	[sflag:s30] =	ssyncset.done $0x0  }
0x1e7: {  	[sflag:s30] =	ssyncadd.s32 $0xFFFFFC00  }
0x1e8: {  	_ =	swait.ge [sflag:s29], $0x400  }
0x1e9: {  	[sflag:s29] =	ssyncset.done $0x0  }
0x1ea: {  	[sflag:s29] =	ssyncadd.s32 $0xFFFFFC00  }
0x1eb: {  	_ =	swait.ge [sflag:s30], $0x400  }
0x1ec: {  	(v2sf) =	vpush @!p0 v18, $0x6  }
0x1ed: {  	(v2sf) =	vpush @!p0 v19, $0x6;
	_ =	sdelay $0x4  }
0x1ee: {  	v22 =	vbroadcast v21, $0x6;
	_ =	sdelay $0x1  }
0x1ef: {  	v23 =	vbroadcast v20, $0x6;
	v62 =	vor.u32 v0, v22  }
0x1f0: {  	v22 =	vor.u32 v2, v22  }
0x1f1: {  	v63 =	vor.u32 v0, v23  }
0x1f2: {  	v23 =	vor.u32 v2, v23;
	[sflag:s30] =	ssyncset.done $0x0  }
0x1f3: {  	s20 =	simm.s32 $0x6500;
	[sflag:s30] =	ssyncadd.s32 $0xFFFFFC00  }
0x1f4: {  	v24 =	vld.idx.msk [tilespmem:v62+s20+$0x0], $0xffff  }
0x1f5: {  	s21 =	simm.s32 $0xE500;
	v22 =	vld.idx.msk [tilespmem:v22+s20+$0x0], $0xffff  }
0x1f6: {  	v25 =	vld.idx.msk [tilespmem:v63+s21+$0x0], $0xffff;
	s1 =	spop @!p0 (v2sf)  }
0x1f7: {  	v23 =	vld.idx.msk [tilespmem:v23+s21+$0x0], $0xffff;
	s21 =	simm.s32 @!p0 $0x6500;
	s2 =	spop @!p0 (v2sf);
	s20 =	sadd.s32 @!p0 s4, s1  }
0x1f8: {  	[tilespmem:s21], [sflag:$0x7] =	stream.linear.gather @!p0 [hbm4b:s20+s3], $0x400, $0x38;
	[tilespmem:$0x12900] =	vst v63  }
0x1f9: {  	s20 =	sadd.s32 @!p0 s31, s2;
	s21 =	simm.s32 @!p0 $0xE500  }
0x1fa: {  	[tilespmem:s21], [sflag:$0xF] =	stream.linear.gather @!p0 [hbm4b:s20+s3], $0x400, $0x38;
	[tilespmem:$0x12900] =	vst v63  }
0x1fb: {  	s20 =	sadd.s32 @!p0 s1, s7;
	s21 =	simm.s32 @!p0 $0x6900  }
0x1fc: {  	[tilespmem:s21], [sflag:$0x7] =	stream.linear.gather @!p0 [hbm4b:s20+s3], $0x400, $0x38;
	[tilespmem:$0x12900] =	vst v63  }
0x1fd: {  	s20 =	sadd.s32 @!p0 s2, s8;
	s21 =	simm.s32 @!p0 $0xE900  }
0x1fe: {  	[tilespmem:s21], [sflag:$0xF] =	stream.linear.gather @!p0 [hbm4b:s20+s3], $0x400, $0x38;
	[tilespmem:$0x12900] =	vst v63  }
0x1ff: {  	s20 =	sadd.s32 @!p0 s1, s9;
	s21 =	simm.s32 @!p0 $0x6D00  }
0x200: {  	[tilespmem:s21], [sflag:$0x7] =	stream.linear.gather @!p0 [hbm4b:s20+s3], $0x400, $0x38;
	[tilespmem:$0x12900] =	vst v63  }
0x201: {  	s20 =	sadd.s32 @!p0 s2, s10;
	s21 =	simm.s32 @!p0 $0xED00  }
0x202: {  	[tilespmem:s21], [sflag:$0xF] =	stream.linear.gather @!p0 [hbm4b:s20+s3], $0x400, $0x38;
	[tilespmem:$0x12900] =	vst v63  }
0x203: {  	v24 =	vmul.f32 v25, v24;
	v22 =	vmul.f32 v23, v22;
	s1 =	sadd.s32 @!p0 s1, s11;
	s20 =	simm.s32 @!p0 $0x7100  }
0x204: {  	[tilespmem:s20], [sflag:$0x7] =	stream.linear.gather @!p0 [hbm4b:s1+s3], $0x400, $0x38;
	[tilespmem:$0x12900] =	vst v63  }
0x205: {  	v22 =	vadd.f32 v22, v24;
	s1 =	sadd.s32 @!p0 s2, s12;
	s2 =	simm.s32 @!p0 $0xF100  }
0x206: {  	[tilespmem:s2], [sflag:$0xF] =	stream.linear.gather @!p0 [hbm4b:s1+s3], $0x400, $0x38;
	[tilespmem:$0x12900] =	vst v63  }
0x207: {  	[tilespmem:s28+$0xFFFFFFEF] =	vst v22  }
0x208: {  	_ =	swait.ge [sflag:s23], $0x400  }
0x209: {  	[sflag:s23] =	ssyncset.done $0x0  }
0x20a: {  	[sflag:s23] =	ssyncadd.s32 $0xFFFFFC00  }
0x20b: {  	_ =	swait.ge [sflag:s24], $0x400  }
0x20c: {  	[sflag:s24] =	ssyncset.done $0x0  }
0x20d: {  	[sflag:s24] =	ssyncadd.s32 $0xFFFFFC00  }
0x20e: {  	_ =	swait.ge [sflag:s23], $0x400  }
0x20f: {  	[sflag:s23] =	ssyncset.done $0x0  }
0x210: {  	[sflag:s23] =	ssyncadd.s32 $0xFFFFFC00  }
0x211: {  	_ =	swait.ge [sflag:s24], $0x400  }
0x212: {  	[sflag:s24] =	ssyncset.done $0x0  }
0x213: {  	[sflag:s24] =	ssyncadd.s32 $0xFFFFFC00  }
0x214: {  	_ =	swait.ge [sflag:s23], $0x400  }
0x215: {  	[sflag:s23] =	ssyncset.done $0x0  }
0x216: {  	[sflag:s23] =	ssyncadd.s32 $0xFFFFFC00  }
0x217: {  	_ =	swait.ge [sflag:s24], $0x400  }
0x218: {  	[sflag:s24] =	ssyncset.done $0x0  }
0x219: {  	v21 =	vbroadcast v21, $0x7;
	[sflag:s24] =	ssyncadd.s32 $0xFFFFFC00  }
0x21a: {  	_ =	swait.ge [sflag:s23], $0x400  }
0x21b: {  	v20 =	vbroadcast v20, $0x7;
	v22 =	vor.u32 v0, v21;
	[sflag:s23] =	ssyncset.done $0x0  }
0x21c: {  	v21 =	vor.u32 v2, v21;
	[sflag:s23] =	ssyncadd.s32 $0xFFFFFC00  }
0x21d: {  	v23 =	vor.u32 v0, v20;
	_ =	swait.ge [sflag:s24], $0x400  }
0x21e: {  	v20 =	vor.u32 v2, v20;
	[sflag:s24] =	ssyncset.done $0x0  }
0x21f: {  	[sflag:s24] =	ssyncadd.s32 $0xFFFFFC00  }
0x220: {  	v22 =	vld.idx.msk [tilespmem:v22+s5+$0x0], $0xffff  }
0x221: {  	v21 =	vld.idx.msk [tilespmem:v21+s5+$0x0], $0xffff  }
0x222: {  	v23 =	vld.idx.msk [tilespmem:v23+s6+$0x0], $0xffff  }
0x223: {  	v20 =	vld.idx.msk [tilespmem:v20+s6+$0x0], $0xffff;
	_ =	sdelay $0x1  }
0x224: {  	p0 =	sne.s32 s0, $0x7E0  }
.Ltmp0:
0x225: {  	_ = 	snop;
	(pc) =	sbr.rel @!p0 .LBB2_3-.Ltmp0, $3  }
0x226: {  	_ = 	snop  }
0x227: {  	v22 =	vmul.f32 v23, v22;
	v20 =	vmul.f32 v20, v21;
	_ =	sdelay $0x1  }
0x228: {  	s5 =	simm.s32 $0x7500;
	s6 =	simm.s32 $0xF500;
	v20 =	vadd.f32 v20, v22  }
0x229: {  	(v2sf) =	vpush v18, $0x7  }
0x22a: {  	(v2sf) =	vpush v19, $0x7;
	_ =	sdelay $0xd  }
0x22b: {  	s1 =	spop (v2sf)  }
0x22c: {  	s21 =	simm.s32 $0x0;
	s2 =	spop (v2sf);
	s3 =	sadd.s32 s4, s1  }
0x22d: {  	[tilespmem:s5], [sflag:$0x8] =	stream.linear.gather [hbm4b:s3+s21], $0x400, $0x38;
	[tilespmem:$0x12900] =	vst v63  }
0x22e: {  	s5 =	sadd.s32 s31, s2  }
0x22f: {  	[tilespmem:s6], [sflag:$0x10] =	stream.linear.gather [hbm4b:s5+s21], $0x400, $0x38;
	[tilespmem:$0x12900] =	vst v63  }
0x230: {  	s20 =	simm.s32 $0x7900;
	s6 =	sadd.s32 s1, s7  }
0x231: {  	[tilespmem:s20], [sflag:$0x8] =	stream.linear.gather [hbm4b:s6+s21], $0x400, $0x38;
	[tilespmem:$0x12900] =	vst v63  }
0x232: {  	s6 =	sadd.s32 s2, s8;
	s20 =	simm.s32 $0xF900  }
0x233: {  	[tilespmem:s20], [sflag:$0x10] =	stream.linear.gather [hbm4b:s6+s21], $0x400, $0x38;
	[tilespmem:$0x12900] =	vst v63  }
0x234: {  	s6 =	sadd.s32 s1, s9;
	s20 =	simm.s32 $0x7D00  }
0x235: {  	[tilespmem:s20], [sflag:$0x8] =	stream.linear.gather [hbm4b:s6+s21], $0x400, $0x38;
	[tilespmem:$0x12900] =	vst v63  }
0x236: {  	s0 =	sadd.s32 $0x20, s0;
	s6 =	sadd.s32 s2, s10;
	s20 =	simm.s32 $0xFD00  }
0x237: {  	[tilespmem:s20], [sflag:$0x10] =	stream.linear.gather [hbm4b:s6+s21], $0x400, $0x38;
	[tilespmem:$0x12900] =	vst v63  }
0x238: {  	p0 =	sne.s32 s0, $0x800;
	s5 =	simm.s32 $0x8100;
	s1 =	sadd.s32 s1, s11  }
0x239: {  	[tilespmem:s5], [sflag:$0x8] =	stream.linear.gather [hbm4b:s1+s21], $0x400, $0x38;
	[tilespmem:$0x12900] =	vst v63  }
.Ltmp1:
0x23a: {  	_ = 	snop;
	(pc) =	sbr.rel @p0 .LBB2_2-.Ltmp1, $4  }
.Ltmp2:
0x23b: {  	_ = 	snop;
	(pc) =	sbr.rel @!p0 .LBB2_5-.Ltmp2, $4  }
0x23c: {  	s6 =	sadd.s32 s2, s12;
	s20 =	simm.s32 $0x10100  }
0x23d: {  	[tilespmem:s20], [sflag:$0x10] =	stream.linear.gather [hbm4b:s6+s21], $0x400, $0x38;
	[tilespmem:$0x12900] =	vst v63  }
0x23e: {  	s5 =	simm.s32 $0x7500;
	s6 =	simm.s32 $0xF500;
	[tilespmem:s28+$0x0] =	vst v20;
	s28 =	sadd.s32 $0x88, s28  }
0x23f: {  	_ = 	snop  }
.LBB2_3:
0x240: {  	_ = 	snop  }
0x241: {  	s21 =	simm.s32 $0x0;
	[tilespmem:s28+$0x0] =	vst v20  }
.LBB2_5:
0x242: {  	s0 =	simm.s32 $0x0  }
0x243: {  	v18 =	vmov s0  }
0x244: {  	v18 =	vmul.u32 $0x11, v18;
	_ =	sdelay $0x1  }
0x245: {  	v18 =	vbroadcast v18, $0x0;
	_ =	sdelay $0x1  }
0x246: {  	v19 =	vadd.s32 v1, v18;
	_ =	sdelay $0x1  }
0x247: {  	v20 =	vadd.s32 v3, v18;
	_ =	sdelay $0x1  }
0x248: {  	v21 =	vadd.s32 v4, v18  }
0x249: {  	v19 =	vld.idx.msk [tilespmem:v19+s22+$0x0], $0xffff  }
0x24a: {  	v22 =	vadd.s32 v5, v18  }
0x24b: {  	v20 =	vld.idx.msk [tilespmem:v20+s22+$0x0], $0xffff  }
0x24c: {  	v23 =	vadd.s32 v6, v18  }
0x24d: {  	v21 =	vld.idx.msk [tilespmem:v21+s22+$0x0], $0xffff  }
0x24e: {  	v24 =	vadd.s32 v7, v18;
	v19 =	vadd.f32 $0.0e+00, v19  }
0x24f: {  	v22 =	vld.idx.msk [tilespmem:v22+s22+$0x0], $0xffff  }
0x250: {  	v25 =	vadd.s32 v8, v18;
	v19 =	vadd.f32 v20, v19  }
0x251: {  	v20 =	vld.idx.msk [tilespmem:v23+s22+$0x0], $0xffff  }
0x252: {  	v23 =	vadd.s32 v9, v18;
	v19 =	vadd.f32 v21, v19  }
0x253: {  	v21 =	vld.idx.msk [tilespmem:v24+s22+$0x0], $0xffff  }
0x254: {  	v53 =	vadd.s32 v10, v18;
	v19 =	vadd.f32 v22, v19  }
0x255: {  	v22 =	vld.idx.msk [tilespmem:v25+s22+$0x0], $0xffff  }
0x256: {  	v54 =	vadd.s32 v11, v18;
	v19 =	vadd.f32 v20, v19  }
0x257: {  	v20 =	vld.idx.msk [tilespmem:v23+s22+$0x0], $0xffff  }
0x258: {  	v23 =	vadd.s32 v12, v18;
	v19 =	vadd.f32 v21, v19  }
0x259: {  	v21 =	vld.idx.msk [tilespmem:v53+s22+$0x0], $0xffff  }
0x25a: {  	v55 =	vadd.s32 v13, v18;
	v19 =	vadd.f32 v22, v19  }
0x25b: {  	v22 =	vld.idx.msk [tilespmem:v54+s22+$0x0], $0xffff  }
0x25c: {  	v56 =	vadd.s32 v14, v18;
	v19 =	vadd.f32 v20, v19  }
0x25d: {  	v20 =	vld.idx.msk [tilespmem:v23+s22+$0x0], $0xffff  }
0x25e: {  	v23 =	vadd.s32 v15, v18;
	v19 =	vadd.f32 v21, v19  }
0x25f: {  	v21 =	vld.idx.msk [tilespmem:v55+s22+$0x0], $0xffff  }
0x260: {  	v57 =	vadd.s32 v16, v18;
	v19 =	vadd.f32 v22, v19  }
0x261: {  	v22 =	vld.idx.msk [tilespmem:v56+s22+$0x0], $0xffff  }
0x262: {  	v18 =	vadd.s32 v17, v18;
	v19 =	vadd.f32 v20, v19  }
0x263: {  	v20 =	vld.idx.msk [tilespmem:v23+s22+$0x0], $0xffff  }
0x264: {  	s28 =	simm.s32 $0x10;
	v19 =	vadd.f32 v21, v19  }
0x265: {  	v23 =	vmov s28;
	v21 =	vld.idx.msk [tilespmem:v57+s22+$0x0], $0xffff  }
0x266: {  	v23 =	vmul.u32 $0x11, v23;
	v19 =	vadd.f32 v22, v19  }
0x267: {  	v18 =	vld.idx.msk [tilespmem:v18+s22+$0x0], $0xffff  }
0x268: {  	v22 =	vbroadcast v23, $0x0;
	v19 =	vadd.f32 v20, v19;
	_ =	sdelay $0x1  }
0x269: {  	v20 =	vadd.s32 v1, v22;
	v19 =	vadd.f32 v21, v19;
	_ =	sdelay $0x1  }
0x26a: {  	v21 =	vadd.s32 v3, v22;
	v18 =	vadd.f32 v18, v19  }
0x26b: {  	s0 =	simm.s32 $0x12700  }
0x26c: {  	v19 =	vadd.s32 v4, v22;
	[tilespmem:s0+$0x0] =	vst v18  }
0x26d: {  	v18 =	vld.idx.msk [tilespmem:v20+s22+$0x0], $0xffff  }
0x26e: {  	v20 =	vadd.s32 v5, v22  }
0x26f: {  	v21 =	vld.idx.msk [tilespmem:v21+s22+$0x0], $0xffff  }
0x270: {  	v23 =	vadd.s32 v6, v22  }
0x271: {  	v19 =	vld.idx.msk [tilespmem:v19+s22+$0x0], $0xffff  }
0x272: {  	v58 =	vadd.s32 v7, v22;
	v18 =	vadd.f32 $0.0e+00, v18  }
0x273: {  	v20 =	vld.idx.msk [tilespmem:v20+s22+$0x0], $0xffff  }
0x274: {  	v59 =	vadd.s32 v8, v22;
	v18 =	vadd.f32 v21, v18  }
0x275: {  	v21 =	vld.idx.msk [tilespmem:v23+s22+$0x0], $0xffff  }
0x276: {  	v23 =	vadd.s32 v9, v22;
	v18 =	vadd.f32 v19, v18  }
0x277: {  	v19 =	vld.idx.msk [tilespmem:v58+s22+$0x0], $0xffff  }
0x278: {  	v60 =	vadd.s32 v10, v22;
	v18 =	vadd.f32 v20, v18  }
0x279: {  	v20 =	vld.idx.msk [tilespmem:v59+s22+$0x0], $0xffff  }
0x27a: {  	v61 =	vadd.s32 v11, v22;
	v18 =	vadd.f32 v21, v18  }
0x27b: {  	v21 =	vld.idx.msk [tilespmem:v23+s22+$0x0], $0xffff  }
0x27c: {  	v23 =	vadd.s32 v12, v22;
	v18 =	vadd.f32 v19, v18  }
0x27d: {  	v19 =	vld.idx.msk [tilespmem:v60+s22+$0x0], $0xffff  }
0x27e: {  	v62 =	vadd.s32 v13, v22;
	v18 =	vadd.f32 v20, v18  }
0x27f: {  	v20 =	vld.idx.msk [tilespmem:v61+s22+$0x0], $0xffff  }
0x280: {  	v18 =	vadd.f32 v21, v18;
	v21 =	vadd.s32 v14, v22  }
0x281: {  	v23 =	vld.idx.msk [tilespmem:v23+s22+$0x0], $0xffff  }
0x282: {  	v63 =	vadd.s32 v15, v22;
	v18 =	vadd.f32 v19, v18  }
0x283: {  	v24 =	vld.idx.msk [tilespmem:v62+s22+$0x0], $0xffff  }
0x284: {  	v26 =	vadd.s32 v16, v22;
	v19 =	vadd.f32 v20, v18  }
0x285: {  	v18 =	vld.idx.msk [tilespmem:v21+s22+$0x0], $0xffff;
	v21 =	vadd.s32 v17, v22  }
0x286: {  	v20 =	vadd.f32 v23, v19  }
0x287: {  	v19 =	vld.idx.msk [tilespmem:v63+s22+$0x0], $0xffff  }
0x288: {  	s1 =	simm.s32 $0x20;
	v22 =	vadd.f32 v24, v20  }
0x289: {  	s3 =	simm.s32 $0x30;
	v23 =	vmov s1;
	v20 =	vld.idx.msk [tilespmem:v26+s22+$0x0], $0xffff  }
.LBB2_6:
0x28a: {  	p0 =	sne.s32 s3, $0x1F0;
	v23 =	vmul.u32 $0x11, v23;
	v18 =	vadd.f32 v18, v22;
	v21 =	vld.idx.msk [tilespmem:v21+s22+$0x0], $0xffff;
	_ =	sdelay $0x1  }
0x28b: {  	v22 =	vbroadcast v23, $0x0;
	v18 =	vadd.f32 v19, v18;
	_ =	sdelay $0x1  }
0x28c: {  	v19 =	vadd.s32 v1, v22;
	v18 =	vadd.f32 v20, v18;
	_ =	sdelay $0x1  }
0x28d: {  	v20 =	vadd.s32 v3, v22;
	v18 =	vadd.f32 v21, v18  }
0x28e: {  	s0 =	sadd.s32 $0x10, s0  }
0x28f: {  	v21 =	vadd.s32 v4, v22;
	[tilespmem:s0+$0x0] =	vst v18  }
0x290: {  	v18 =	vld.idx.msk [tilespmem:v19+s22+$0x0], $0xffff  }
0x291: {  	v19 =	vadd.s32 v5, v22  }
0x292: {  	v20 =	vld.idx.msk [tilespmem:v20+s22+$0x0], $0xffff  }
0x293: {  	v23 =	vadd.s32 v6, v22  }
0x294: {  	v21 =	vld.idx.msk [tilespmem:v21+s22+$0x0], $0xffff  }
0x295: {  	v24 =	vadd.s32 v7, v22  }
0x296: {  	v18 =	vadd.f32 $0.0e+00, v18;
	v19 =	vld.idx.msk [tilespmem:v19+s22+$0x0], $0xffff  }
0x297: {  	v25 =	vadd.s32 v8, v22  }
0x298: {  	v18 =	vadd.f32 v20, v18;
	v20 =	vld.idx.msk [tilespmem:v23+s22+$0x0], $0xffff  }
0x299: {  	v23 =	vadd.s32 v9, v22  }
0x29a: {  	v18 =	vadd.f32 v21, v18;
	v21 =	vld.idx.msk [tilespmem:v24+s22+$0x0], $0xffff  }
0x29b: {  	v24 =	vadd.s32 v10, v22  }
0x29c: {  	v18 =	vadd.f32 v19, v18;
	v19 =	vld.idx.msk [tilespmem:v25+s22+$0x0], $0xffff  }
0x29d: {  	v25 =	vadd.s32 v11, v22  }
0x29e: {  	v18 =	vadd.f32 v20, v18;
	v20 =	vld.idx.msk [tilespmem:v23+s22+$0x0], $0xffff  }
0x29f: {  	v23 =	vadd.s32 v12, v22  }
0x2a0: {  	v18 =	vadd.f32 v21, v18;
	v21 =	vld.idx.msk [tilespmem:v24+s22+$0x0], $0xffff  }
0x2a1: {  	v24 =	vadd.s32 v13, v22  }
0x2a2: {  	v18 =	vadd.f32 v19, v18;
	v19 =	vld.idx.msk [tilespmem:v25+s22+$0x0], $0xffff  }
0x2a3: {  	v25 =	vadd.s32 v14, v22  }
0x2a4: {  	v18 =	vadd.f32 v20, v18;
	v20 =	vld.idx.msk [tilespmem:v23+s22+$0x0], $0xffff  }
0x2a5: {  	v23 =	vadd.s32 v15, v22  }
0x2a6: {  	v18 =	vadd.f32 v21, v18;
	v24 =	vld.idx.msk [tilespmem:v24+s22+$0x0], $0xffff  }
0x2a7: {  	v26 =	vadd.s32 v16, v22  }
0x2a8: {  	v19 =	vadd.f32 v19, v18;
	v18 =	vld.idx.msk [tilespmem:v25+s22+$0x0], $0xffff  }
.Ltmp3:
0x2a9: {  	v21 =	vadd.s32 v17, v22;
	(pc) =	sbr.rel @p0 .LBB2_6-.Ltmp3, $3  }
0x2aa: {  	v20 =	vadd.f32 v20, v19;
	v19 =	vld.idx.msk [tilespmem:v23+s22+$0x0], $0xffff;
	_ =	sdelay $0x1  }
0x2ab: {  	v22 =	vadd.f32 v24, v20;
	v20 =	vld.idx.msk [tilespmem:v26+s22+$0x0], $0xffff  }
0x2ac: {  	v23 =	vmov s3;
	s3 =	sadd.s32 $0x10, s3  }
0x2ad: {  	_ =	sdelay $0x2  }
0x2ae: {  	v23 =	vmul.u32 $0x11, v23;
	v18 =	vadd.f32 v18, v22  }
0x2af: {  	v21 =	vld.idx.msk [tilespmem:v21+s22+$0x0], $0xffff  }
0x2b0: {  	v45 =	vbroadcast v23, $0x0;
	v18 =	vadd.f32 v19, v18;
	_ =	sdelay $0x1  }
0x2b1: {  	v19 =	vadd.s32 v1, v45;
	v18 =	vadd.f32 v20, v18;
	_ =	sdelay $0x1  }
0x2b2: {  	v46 =	vadd.s32 v3, v45;
	v18 =	vadd.f32 v21, v18  }
0x2b3: {  	s0 =	sadd.s32 $0x10, s0  }
0x2b4: {  	v47 =	vadd.s32 v4, v45;
	[tilespmem:s0+$0x0] =	vst v18  }
0x2b5: {  	v18 =	vld.idx.msk [tilespmem:v19+s22+$0x0], $0xffff  }
0x2b6: {  	v19 =	vadd.s32 v5, v45  }
0x2b7: {  	v20 =	vld.idx.msk [tilespmem:v46+s22+$0x0], $0xffff  }
0x2b8: {  	v23 =	vadd.s32 v6, v45  }
0x2b9: {  	v21 =	vld.idx.msk [tilespmem:v47+s22+$0x0], $0xffff  }
0x2ba: {  	v24 =	vadd.s32 v7, v45;
	v18 =	vadd.f32 $0.0e+00, v18  }
0x2bb: {  	v19 =	vld.idx.msk [tilespmem:v19+s22+$0x0], $0xffff  }
0x2bc: {  	v25 =	vadd.s32 v8, v45;
	v18 =	vadd.f32 v20, v18  }
0x2bd: {  	v48 =	vld.idx.msk [tilespmem:v23+s22+$0x0], $0xffff  }
0x2be: {  	v49 =	vadd.s32 v9, v45;
	v18 =	vadd.f32 v21, v18  }
0x2bf: {  	v50 =	vld.idx.msk [tilespmem:v24+s22+$0x0], $0xffff  }
0x2c0: {  	v51 =	vadd.s32 v10, v45;
	v18 =	vadd.f32 v19, v18  }
0x2c1: {  	v19 =	vld.idx.msk [tilespmem:v25+s22+$0x0], $0xffff  }
0x2c2: {  	v52 =	vadd.s32 v11, v45;
	v18 =	vadd.f32 v48, v18  }
0x2c3: {  	v53 =	vld.idx.msk [tilespmem:v49+s22+$0x0], $0xffff  }
0x2c4: {  	v54 =	vadd.s32 v12, v45;
	v18 =	vadd.f32 v50, v18  }
0x2c5: {  	v55 =	vld.idx.msk [tilespmem:v51+s22+$0x0], $0xffff  }
0x2c6: {  	v56 =	vadd.s32 v13, v45;
	v18 =	vadd.f32 v19, v18  }
0x2c7: {  	v19 =	vld.idx.msk [tilespmem:v52+s22+$0x0], $0xffff  }
0x2c8: {  	v57 =	vadd.s32 v14, v45;
	v18 =	vadd.f32 v53, v18  }
0x2c9: {  	v58 =	vld.idx.msk [tilespmem:v54+s22+$0x0], $0xffff  }
0x2ca: {  	v59 =	vadd.s32 v15, v45;
	v18 =	vadd.f32 v55, v18  }
0x2cb: {  	v60 =	vld.idx.msk [tilespmem:v56+s22+$0x0], $0xffff  }
0x2cc: {  	v61 =	vadd.s32 v16, v45;
	v18 =	vadd.f32 v19, v18  }
0x2cd: {  	v19 =	vld.idx.msk [tilespmem:v57+s22+$0x0], $0xffff  }
0x2ce: {  	v22 =	vadd.s32 v17, v45;
	v18 =	vadd.f32 v58, v18  }
0x2cf: {  	v62 =	vld.idx.msk [tilespmem:v59+s22+$0x0], $0xffff  }
0x2d0: {  	v18 =	vadd.f32 v60, v18  }
0x2d1: {  	v63 =	vld.idx.msk [tilespmem:v61+s22+$0x0], $0xffff  }
0x2d2: {  	v18 =	vadd.f32 v19, v18  }
0x2d3: {  	v19 =	vld.idx.msk [tilespmem:v22+s22+$0x0], $0xffff  }
0x2d4: {  	v18 =	vadd.f32 v62, v18;
	_ =	sdelay $0x1  }
0x2d5: {  	v18 =	vadd.f32 v63, v18;
	_ =	sdelay $0x1  }
0x2d6: {  	v18 =	vadd.f32 v19, v18  }
0x2d7: {  	s0 =	sadd.s32 $0x10, s0  }
0x2d8: {  	s20 =	rddreg [dreg:$0x8];
	s1 =	simm.s32 $0x12700;
	[tilespmem:s0+$0x0] =	vst v18  }
0x2d9: {  	[hbm4b:s20+s21] =	stream.linear.scatter [tilespmem:s1], [sflag:$0x11], $0x200, $0x38;
	[tilespmem:$0x12900] =	vst v63  }
0x2da: {  	s1 =	simm.s32 $0x11  }
0x2db: {  	_ =	swait.ge [sflag:s1], $0x200  }
0x2dc: {  	s3 =	rddreg [dreg:$0xa]  }
0x2dd: {  	s28 =	rddreg [dreg:$0x9];
	s3 =	sadd.s32 $0x1, s3  }
0x2de: {  	p0 =	sne.s32 s3, s28  }
.Ltmp4:
0x2df: {  	_ = 	snop;
	(pc) =	sbr.rel @p0 .LBB2_1-.Ltmp4, $3  }
0x2e0: {  	_ =	sdelay $0x1  }
0x2e1: {  	[sflag:s1] =	ssyncset.done $0x0  }
0x2e2: {  	[sflag:s1] =	ssyncadd.s32 $0xFFFFFE00  }
0x2e3: {  	_ =	sfence.sel $0x180000  }
0x2e4: {  	[bflag:$0x0] =	sbarrier.arrive $0xFFFF  }
0x2e5: {  	_ =	strace $0x90000047  }
0x2e6: {  	s0 =	stileid.u32;
	[bflag:$0x2] =	sbarrier.arrive $0xFFFF  }
0x2e7: {  	p0 =	sne.s32 s0, $0x0;
	s0 =	rddreg [dreg:$0x5]  }
0x2e8: {  	s0 =	sadd.s32 @!p0 $0x100000, s0  }
0x2e9: {  	[sflag:s0] =	ssyncadd.tile.s32 @!p0 $0x1;
	_ =	shalt  }
.Lfunc_end2:
_tile_overlayer_lowered:
.L_overlay_start_2:
0x2ea: {  	(tag) =	ssettag $0x2  }
0x2eb: {  	s0 =	rddreg [dreg:$0x0];
	s2 =	stileid.u32  }
0x2ec: {  	s1 =	rddreg [dreg:$0x1];
	p0 =	sne.s32 s2, $0x0  }
0x2ed: {  	s3 =	rddreg [dreg:$0x2];
	[bflag:$0x3] =	sbarrier.arrive $0xFFFF;
	s2 =	simm.s32 @!p0 $0x1C11  }
0x2ee: {  	[timem:s3], [sflag:s2] =	dma.local @!p0 [hbm:s0], s1  }
0x2ef: {  	s0 =	simm.s32 @!p0 $0x11  }
0x2f0: {  	_ =	swait.ge @!p0 [sflag:s0], s1  }
0x2f1: {  	s1 =	ssub.s32 @!p0 $0x0, s1;
	[sflag:s0] =	ssyncset.done @!p0 $0x0  }
0x2f2: {  	[sflag:s0] =	ssyncadd.s32 @!p0 s1  }
0x2f3: {  	[bflag:$0x3] =	sbarrier.arrive $0xFFFF  }
0x2f4: {  	_ =	shalt  }

</sc_bundles>
